<compile_context>
chip_gen: v7x
topology: tpu7x:2x2x1
jax: 0.10.2.dev20260603
libtpu: 0.0.44.dev20260713+nightly
codegen_flags: <defaults>
</compile_context>

<pallas_src>
import functools

import jax
import jax.numpy as jnp
import numpy as np
from jax import lax
from jax.experimental import pallas as pl
from jax.experimental.pallas import tpu as pltpu
from jax.experimental.pallas import tpu_sc as plsc

_BN_SCALE = 1.0 / np.sqrt(1.0 + 1e-5)

_SC_NC, _SC_NS = 2, 16
_SC_NW = _SC_NC * _SC_NS


def _sc_select_body(Np, Sp, Dg, d2col, K,
                    px_h, py_h, pz_h, qx_h, qy_h, qz_h, thr_h, table_h,
                    gath_h,
                    pxv, pyv, pzv, qxv, qyv, qzv, thrv,
                    idxbuf, d2buf, idx64, rows_v, sem):
    wid = lax.axis_index("s") * _SC_NC + lax.axis_index("c")
    gpw = Sp // 16 // _SC_NW
    pltpu.sync_copy(px_h, pxv)
    pltpu.sync_copy(py_h, pyv)
    pltpu.sync_copy(pz_h, pzv)
    lanes = lax.broadcasted_iota(jnp.int32, (16,), 0)
    zeros16 = jnp.zeros((16,), jnp.int32)
    inf16 = jnp.full((16,), jnp.inf, jnp.float32)

    def group_body(gi, _):
        base = (wid * gpw + gi) * 16
        pltpu.sync_copy(qx_h.at[pl.ds(base, 16)], qxv)
        pltpu.sync_copy(qy_h.at[pl.ds(base, 16)], qyv)
        pltpu.sync_copy(qz_h.at[pl.ds(base, 16)], qzv)
        pltpu.sync_copy(thr_h.at[pl.ds(base, 16)], thrv)
        qx16, qy16, qz16, th16 = qxv[...], qyv[...], qzv[...], thrv[...]

        def row_body(si, _):
            lmf = (lanes == si).astype(jnp.float32)
            qxs = jnp.sum(qx16 * lmf)
            qys = jnp.sum(qy16 * lmf)
            qzs = jnp.sum(qz16 * lmf)
            ths = jnp.sum(th16 * lmf)
            for kk in range(K // 16 + 1):
                idxbuf[pl.ds(16 * kk, 16)] = zeros16
                d2buf[pl.ds(16 * kk, 16)] = inf16

            U = 8

            def scan_body(i, cnt):
                b0 = i * (16 * U)
                d2s, msks, cs = [], [], []
                for u in range(U):
                    o = b0 + u * 16
                    vx = pxv[pl.ds(o, 16)]
                    vy = pyv[pl.ds(o, 16)]
                    vz = pzv[pl.ds(o, 16)]
                    dx = vx - qxs
                    dy = vy - qys
                    dz = vz - qzs
                    d2u = dx * dx + dy * dy + dz * dz
                    mu = d2u <= ths
                    d2s.append(d2u)
                    msks.append(mu)
                    cs.append(plsc.all_reduce_population_count(mu))
                ctot_v = cs[0]
                for u in range(1, U):
                    ctot_v = ctot_v + cs[u]
                ctot = ctot_v[0]
                hit = jnp.logical_and(ctot > 0, cnt < K)

                def do_insert(c):
                    cl = c
                    for u in range(U):
                        plsc.store_compressed(idxbuf.at[pl.ds(cl, 16)],
                                              b0 + u * 16 + lanes,
                                              mask=msks[u])
                        plsc.store_compressed(d2buf.at[pl.ds(cl, 16)],
                                              d2s[u], mask=msks[u])
                        cl = cl + cs[u][0]
                    return c + ctot

                return lax.cond(hit, do_insert, lambda c: c, cnt)

            lax.fori_loop(0, Np // (16 * U), scan_body, jnp.int32(0))
            s = base + si
            for kk in range(K // 16):
                idx64[pl.ds(16 * kk, 16)] = idxbuf[pl.ds(16 * kk, 16)]
            pltpu.async_copy(table_h.at[idx64], rows_v, sem).wait()
            colv = jnp.full((16,), d2col, jnp.int32)
            for kk in range(K // 16):
                plsc.store_scatter(rows_v, [16 * kk + lanes, colv],
                                   d2buf[pl.ds(16 * kk, 16)])
            pltpu.sync_copy(rows_v, gath_h.at[pl.ds(s * K, K)])
            return 0

        lax.fori_loop(0, 16, row_body, 0)
        return 0

    lax.fori_loop(0, gpw, group_body, 0)


def _sc_select(posp, pos_qp, thr, table, d2col, K=64):
    Np = posp.shape[0]
    Sp = pos_qp.shape[0]
    Dg = table.shape[1]
    mesh = plsc.VectorSubcoreMesh(core_axis_name="c", subcore_axis_name="s",
                                  num_cores=_SC_NC, num_subcores=_SC_NS)
    f = pl.kernel(
        functools.partial(_sc_select_body, Np, Sp, Dg, d2col, K),
        out_type=jax.ShapeDtypeStruct((Sp * K, Dg), jnp.float32),
        mesh=mesh,
        scratch_types=[
            pltpu.VMEM((Np,), jnp.float32),
            pltpu.VMEM((Np,), jnp.float32),
            pltpu.VMEM((Np,), jnp.float32),
            pltpu.VMEM((16,), jnp.float32),
            pltpu.VMEM((16,), jnp.float32),
            pltpu.VMEM((16,), jnp.float32),
            pltpu.VMEM((16,), jnp.float32),
            pltpu.VMEM((K + 128,), jnp.int32),
            pltpu.VMEM((K + 128,), jnp.float32),
            pltpu.VMEM((K,), jnp.int32),
            pltpu.VMEM((K, Dg), jnp.float32),
            pltpu.SemaphoreType.DMA,
        ],
        compiler_params=pltpu.CompilerParams(use_tc_tiling_on_sc=False,
                                             needs_layout_passes=False),
    )
    return f(posp[:, 0], posp[:, 1], posp[:, 2],
             pos_qp[:, 0], pos_qp[:, 1], pos_qp[:, 2], thr, table)


def _mlp_body(nlayers, nreal, h_ref, *refs):
    o_ref = refs[-1]
    params = refs[:-1]
    h = h_ref[...]
    for li in range(nlayers):
        W, b, g, be = params[4 * li: 4 * li + 4]
        h = jax.lax.dot_general(h, W[...], (((1,), (0,)), ((), ())),
                                preferred_element_type=jnp.float32)
        h = h + b[...]
        h = jnp.maximum(h, 0.0)
        h = g[...] * (h * _BN_SCALE) + be[...]
    ri = jax.lax.broadcasted_iota(jnp.int32, (h.shape[0], 1), 0)
    h = jnp.where(ri < nreal, h, -1e10)
    m = jnp.max(h, axis=0, keepdims=True)
    o_ref[...] = jnp.broadcast_to(m, o_ref.shape)


def _mlp_pallas(h, layers, nreal):
    rows, cin = h.shape
    nlayers = len(layers)
    cout = layers[-1][0].shape[1]
    flat = []
    in_specs = [pl.BlockSpec((rows, cin), lambda: (0, 0))]
    for (W, b, g, be) in layers:
        for arr2 in (W, b.reshape(1, -1), g.reshape(1, -1), be.reshape(1, -1)):
            flat.append(arr2)
            in_specs.append(pl.BlockSpec(arr2.shape, lambda: (0, 0)))
    return pl.pallas_call(
        functools.partial(_mlp_body, nlayers, nreal),
        in_specs=in_specs,
        out_specs=pl.BlockSpec((8, cout), lambda: (0, 0)),
        out_shape=jax.ShapeDtypeStruct((8, cout), jnp.float32),
    )(h, *flat)


def _sa_mlp_body(nlayers, cx, K, r2, g_ref, q_ref, *refs):
    o_ref = refs[-1]
    params = refs[:-1]
    Sb = q_ref.shape[0]
    xj = g_ref[:, :cx]
    pj = g_ref[:, cx:cx + 3]
    d2col = g_ref[:, cx + 3:cx + 4]
    rel = (pj.reshape(Sb, K, 3) - q_ref[...][:, None, :]).reshape(Sb * K, 3)
    h = jnp.concatenate([xj, rel], axis=-1)
    for li in range(nlayers):
        W, b, g, be = params[4 * li: 4 * li + 4]
        h = jax.lax.dot_general(h, W[...], (((1,), (0,)), ((), ())),
                                preferred_element_type=jnp.float32)
        h = h + b[...]
        h = jnp.maximum(h, 0.0)
        h = g[...] * (h * _BN_SCALE) + be[...]
    cout = h.shape[-1]
    h = jnp.where(d2col <= r2, h, -1e10)
    o_ref[...] = jnp.max(h.reshape(Sb, K, cout), axis=1)


def _sa_mlp(gath, pos_q, layers, r2, Sb, K=64):
    Sp = pos_q.shape[0]
    Dg = gath.shape[1]
    cx = layers[0][0].shape[0] - 3
    nlayers = len(layers)
    cout = layers[-1][0].shape[1]
    flat = []
    in_specs = [
        pl.BlockSpec((Sb * K, Dg), lambda i: (i, 0)),
        pl.BlockSpec((Sb, 3), lambda i: (i, 0)),
    ]
    for (W, b, g, be) in layers:
        for arr2 in (W, b.reshape(1, -1), g.reshape(1, -1), be.reshape(1, -1)):
            flat.append(arr2)
            in_specs.append(pl.BlockSpec(arr2.shape, lambda i: (0, 0)))
    return pl.pallas_call(
        functools.partial(_sa_mlp_body, nlayers, cx, K, r2),
        grid=(Sp // Sb,),
        in_specs=in_specs,
        out_specs=pl.BlockSpec((Sb, cout), lambda i: (i, 0)),
        out_shape=jax.ShapeDtypeStruct((Sp, cout), jnp.float32),
    )(gath, pos_q, *flat)


def _fps_body(num, n_real, px_ref, py_ref, pz_ref, psx, psy, psz,
              idx_ref, qx_ref, qy_ref, qz_ref, dists_ref):
    rows, cols = px_ref.shape
    flat = (jax.lax.broadcasted_iota(jnp.int32, (rows, cols), 0) * cols
            + jax.lax.broadcasted_iota(jnp.int32, (rows, cols), 1))
    real = flat < n_real
    px, py, pz = px_ref[...], py_ref[...], pz_ref[...]

    idx_ref[0] = jnp.int32(0)
    ax, ay, az = psx[0], psy[0], psz[0]
    qx_ref[0] = ax
    qy_ref[0] = ay
    qz_ref[0] = az
    dists_ref[...] = jnp.where(real, jnp.inf, -jnp.inf)

    def body(i, carry):
        ax, ay, az = carry
        d = (px - ax) ** 2 + (py - ay) ** 2 + (pz - az) ** 2
        dists = jnp.minimum(dists_ref[...], d)
        dists_ref[...] = dists
        m = jnp.max(dists)
        cand = jnp.where(dists == m, flat, jnp.int32(2 ** 30))
        nxt = jnp.min(cand)
        idx_ref[i] = nxt
        ax = psx[nxt]
        ay = psy[nxt]
        az = psz[nxt]
        qx_ref[i] = ax
        qy_ref[i] = ay
        qz_ref[i] = az
        return ax, ay, az

    jax.lax.fori_loop(1, num, body, (ax, ay, az), unroll=False)


def _thresh_body(K, q_ref, px_ref, py_ref, pz_ref, thr_ref):
    qx = q_ref[:, 0:1]
    qy = q_ref[:, 1:2]
    qz = q_ref[:, 2:3]
    dx = qx - px_ref[...]
    dy = qy - py_ref[...]
    dz = qz - pz_ref[...]
    d2 = dx * dx + dy * dy + dz * dz
    bits = jax.lax.bitcast_convert_type(d2, jnp.int32)
    prefix = jnp.zeros((q_ref.shape[0], 1), jnp.int32)
    for bit in range(30, -1, -1):
        trial = prefix | jnp.int32((1 << bit) - 1)
        cnt = jnp.sum((bits <= trial).astype(jnp.int32), axis=1, keepdims=True)
        prefix = jnp.where(cnt >= K, prefix, prefix | jnp.int32(1 << bit))
    thr = jax.lax.bitcast_convert_type(prefix, jnp.float32)
    thr_ref[...] = jnp.broadcast_to(thr, thr_ref.shape)


def _thresh(pos_q, px, py, pz, K=64):
    Sp = pos_q.shape[0]
    Np = px.shape[1]
    Sb = 128
    assert Sp % Sb == 0
    return pl.pallas_call(
        functools.partial(_thresh_body, K),
        grid=(Sp // Sb,),
        in_specs=[pl.BlockSpec((Sb, 3), lambda i: (i, 0))] + [
            pl.BlockSpec((1, Np), lambda i: (0, 0))] * 3,
        out_specs=pl.BlockSpec((Sb, 128), lambda i: (i, 0)),
        out_shape=jax.ShapeDtypeStruct((Sp, 128), jnp.float32),
    )(pos_q, px, py, pz)[:, 0]


def _fps(pos, num):
    N = pos.shape[0]
    cols = 128
    rows = (N + cols - 1) // cols
    rows = ((rows + 7) // 8) * 8
    npad = rows * cols - N
    p = jnp.pad(pos, ((0, npad), (0, 0)), constant_values=1e6)
    px = p[:, 0].reshape(rows, cols)
    py = p[:, 1].reshape(rows, cols)
    pz = p[:, 2].reshape(rows, cols)
    idx, qx, qy, qz = pl.pallas_call(
        functools.partial(_fps_body, num, N),
        in_specs=[pl.BlockSpec((rows, cols), lambda: (0, 0))] * 3
        + [pl.BlockSpec(memory_space=pltpu.SMEM)] * 3,
        out_specs=[pl.BlockSpec(memory_space=pltpu.SMEM)] * 4,
        out_shape=[jax.ShapeDtypeStruct((num,), jnp.int32)]
        + [jax.ShapeDtypeStruct((num,), jnp.float32)] * 3,
        scratch_shapes=[pltpu.VMEM((rows, cols), jnp.float32)],
    )(px, py, pz, p[:, 0], p[:, 1], p[:, 2])
    return idx, jnp.stack([qx, qy, qz], axis=1)


def _pad_rows(a, n, val=0.0):
    return jnp.pad(a, ((0, n - a.shape[0]), (0, 0)), constant_values=val)


def kernel(x, pos, batch, params):
    N = x.shape[0]
    s1 = int(N * 0.2)

    Np1, Sp1 = 10240, 2048
    posp1 = _pad_rows(pos, Np1, 1e6)
    px1 = posp1[:, 0].reshape(1, Np1)
    py1 = posp1[:, 1].reshape(1, Np1)
    pz1 = posp1[:, 2].reshape(1, Np1)
    idx1, q1 = _fps(pos, s1)
    q1p = _pad_rows(q1, Sp1)
    thr1 = _thresh(q1p, px1, py1, pz1) * np.float32(1.0 + 1e-6)
    table1 = jnp.pad(_pad_rows(jnp.concatenate([x, pos], axis=-1), Np1),
                     ((0, 0), (0, 10)))
    g1 = _sc_select(posp1, q1p, thr1, table1, 6)
    x1p = _sa_mlp(g1, q1p, params["mlp1"], np.float32(0.2 * 0.2), 128)
    x1 = x1p[:s1]
    pos1 = q1
    b1 = batch[idx1]

    s2 = int(s1 * 0.25)
    Np2, Sp2 = 2048, 512
    posp2 = _pad_rows(pos1, Np2, 1e6)
    px2 = posp2[:, 0].reshape(1, Np2)
    py2 = posp2[:, 1].reshape(1, Np2)
    pz2 = posp2[:, 2].reshape(1, Np2)
    idx2, q2 = _fps(pos1, s2)
    q2p = _pad_rows(q2, Sp2)
    thr2 = _thresh(q2p, px2, py2, pz2) * np.float32(1.0 + 1e-6)
    table2 = jnp.pad(_pad_rows(jnp.concatenate([x1, pos1], axis=-1), Np2),
                     ((0, 0), (0, 13)))
    g2 = _sc_select(posp2, q2p, thr2, table2, 131)
    x2p = _sa_mlp(g2, q2p, params["mlp2"], np.float32(0.4 * 0.4), 64)
    x2 = x2p[:s2]
    pos2 = q2
    b2 = b1[idx2]
    h = jnp.concatenate([x2, pos2], axis=-1)
    hp = jnp.pad(h, ((0, 12), (0, 0)))
    x3 = _mlp_pallas(hp, params["mlp3"], s2)[:1]
    pos3 = jnp.zeros((1, 3), x.dtype)
    b3 = jnp.arange(1, dtype=jnp.int32)
    return ((x, pos, batch), (x1, pos1, b1), (x2, pos2, b2), (x3, pos3, b3))

# --- scband reference (transcript-rebuilt; emitter-appended) ---
"""Pipeline reference for scband-encoder-8950711845589 (READ-ONLY COPY).

The authoritative reference and input builder live on the scoring server;
editing this copy changes nothing except your own understanding.
"""

import jax, jax.numpy as jnp
import numpy as np

BN_SCALE = 1.0 / np.sqrt(1.0 + 1e-5)


def mlp_apply(h, layers):
    # Each block: Linear -> ReLU -> BatchNorm (eval mode, running_mean=0, running_var=1)
    for (W, b, g, be) in layers:
        h = jnp.dot(h, W) + b
        h = jax.nn.relu(h)
        h = g * (h * BN_SCALE) + be
    return h


def fps(pos, num):
    # farthest point sampling, deterministic start at index 0 (indices carry no grad)
    p = jax.lax.stop_gradient(pos)
    N = p.shape[0]
    idxs = jnp.zeros((num,), jnp.int32)
    dists = jnp.full((N,), jnp.inf, jnp.float32)
    def body(i, carry):
        idxs, dists = carry
        last = p[idxs[i - 1]]
        d = jnp.sum((p - last[None, :]) ** 2, axis=1)
        dists = jnp.minimum(dists, d)
        nxt = jnp.argmax(dists).astype(jnp.int32)
        return idxs.at[i].set(nxt), dists
    idxs, _ = jax.lax.fori_loop(1, num, body, (idxs, dists))
    return idxs


def sa_module(x, pos, num_centroids, r, layers, K=64):
    fps_idx = fps(pos, num_centroids)
    pos_q = pos[fps_idx]                                   # [S, 3]
    d2 = jnp.sum((pos_q[:, None, :] - pos[None, :, :]) ** 2, axis=-1)  # [S, N]
    neg_d2, nbr = jax.lax.top_k(jax.lax.stop_gradient(-d2), K)         # nearest-K
    valid = (-neg_d2) <= r * r                             # within radius (self always valid)
    x_j = x[nbr]                                           # [S, K, C]
    rel = pos[nbr] - pos_q[:, None, :]                     # [S, K, 3]
    h = jnp.concatenate([x_j, rel], axis=-1)
    h = mlp_apply(h, layers)
    h = jnp.where(valid[:, :, None], h, -1e10)
    out = jnp.max(h, axis=1)                               # max aggregation (PointConv)
    return out, pos_q, fps_idx


def global_sa(x, pos, batch, layers):
    h = mlp_apply(jnp.concatenate([x, pos], axis=-1), layers)
    num_graphs = 1
    out = jax.ops.segment_max(h, batch.astype(jnp.int32), num_segments=num_graphs)
    pos_out = jnp.zeros((num_graphs, 3), x.dtype)
    batch_out = jnp.arange(num_graphs, dtype=jnp.int32)
    return out, pos_out, batch_out


def setup_inputs(seed: int = 0):
    key = jax.random.key(seed)
    k1, k2, key = jax.random.split(key, 3)
    N = 10000
    x = jax.random.normal(k1, (N, 3), jnp.float32)
    pos = jax.random.uniform(k2, (N, 3), jnp.float32)
    batch = jnp.zeros((N,), jnp.int32)
    def make_mlp(key, channels):
        layers = []
        for i in range(1, len(channels)):
            kw, kb, key = jax.random.split(key, 3)
            W = jax.random.normal(kw, (channels[i - 1], channels[i]), jnp.float32) / np.sqrt(channels[i - 1])
            b = jax.random.normal(kb, (channels[i],), jnp.float32) * 0.01
            g = jnp.ones((channels[i],), jnp.float32)
            be = jnp.zeros((channels[i],), jnp.float32)
            layers.append((W, b, g, be))
        return layers, key
    params = {}
    params["mlp1"], key = make_mlp(key, [3 + 3, 64, 64, 128])
    params["mlp2"], key = make_mlp(key, [128 + 3, 128, 128, 256])
    params["mlp3"], key = make_mlp(key, [256 + 3, 256, 512, 1024])
    return {"x": x, "pos": pos, "batch": batch, "params": params}


def reference(x, pos, batch, params):
    N = x.shape[0]
    s1 = int(N * 0.2)
    x1, pos1, idx1 = sa_module(x, pos, s1, 0.2, params["mlp1"])
    b1 = batch[idx1]
    s2 = int(s1 * 0.25)
    x2, pos2, idx2 = sa_module(x1, pos1, s2, 0.4, params["mlp2"])
    b2 = b1[idx2]
    x3, pos3, b3 = global_sa(x2, pos2, b2, params["mlp3"])
    return ((x, pos, batch), (x1, pos1, b1), (x2, pos2, b2), (x3, pos3, b3))

if __name__ == "__main__":
    import jax
    _d = setup_inputs()
    print(jax.jit(kernel)(*tuple(_d.values())))

</pallas_src>

<mosaic_0001>
#map = affine_map<(d0, d1) -> (0)>
#map1 = affine_map<(d0, d1) -> (0, 0)>
module attributes {stable_mosaic.version = 14 : i64} {
  func.func @_sc_select_body(%arg0: i32, %arg1: i32, %arg2: memref<10240xf32, #tpu.memory_space<hbm>>, %arg3: memref<10240xf32, #tpu.memory_space<hbm>>, %arg4: memref<10240xf32, #tpu.memory_space<hbm>>, %arg5: memref<2048xf32, #tpu.memory_space<hbm>>, %arg6: memref<2048xf32, #tpu.memory_space<hbm>>, %arg7: memref<2048xf32, #tpu.memory_space<hbm>>, %arg8: memref<2048xf32, #tpu.memory_space<hbm>>, %arg9: memref<10240x16xf32, #tpu.memory_space<hbm>>, %arg10: memref<131072x16xf32, #tpu.memory_space<hbm>>, %arg11: memref<10240xf32, #tpu.memory_space<vmem>>, %arg12: memref<10240xf32, #tpu.memory_space<vmem>>, %arg13: memref<10240xf32, #tpu.memory_space<vmem>>, %arg14: memref<16xf32, #tpu.memory_space<vmem>>, %arg15: memref<16xf32, #tpu.memory_space<vmem>>, %arg16: memref<16xf32, #tpu.memory_space<vmem>>, %arg17: memref<16xf32, #tpu.memory_space<vmem>>, %arg18: memref<192xi32, #tpu.memory_space<vmem>>, %arg19: memref<192xf32, #tpu.memory_space<vmem>>, %arg20: memref<64xi32, #tpu.memory_space<vmem>>, %arg21: memref<64x16xf32, #tpu.memory_space<vmem>>, %arg22: memref<!tpu.dma_semaphore, #tpu.memory_space<semaphore_mem>>) attributes {dimension_semantics = [#tpu.dimension_semantics<core_parallel>, #tpu.dimension_semantics<subcore_parallel>], iteration_bounds = array<i64: 2, 16>, scalar_prefetch = 0 : i64, scratch_operands = 12 : i64, tpu.core_type = #tpu.core_type<sc_vector_subcore>, window_params = [{transform_indices = #map}, {transform_indices = #map}, {transform_indices = #map}, {transform_indices = #map}, {transform_indices = #map}, {transform_indices = #map}, {transform_indices = #map}, {transform_indices = #map1}, {transform_indices = #map1}]} {
    %mul3A = arith.constant 2 : i32
    %mul3A_0 = arith.muli %arg1, %mul3A : i32
    %add3A = arith.addi %mul3A_0, %arg0 : i32
    "tpu.region"() ({
      %run_scoped3A = tpu.sem_alloc : memref<!tpu.dma_semaphore, #tpu.memory_space<semaphore_mem>>
      tpu.enqueue_dma source(%arg2 : memref<10240xf32, #tpu.memory_space<hbm>>) target(%arg11 : memref<10240xf32, #tpu.memory_space<vmem>>) target_semaphore(%run_scoped3A : memref<!tpu.dma_semaphore, #tpu.memory_space<semaphore_mem>>)
      tpu.wait_dma2 semaphore(%run_scoped3A : memref<!tpu.dma_semaphore, #tpu.memory_space<semaphore_mem>>) src(%arg2 : memref<10240xf32, #tpu.memory_space<hbm>>) dst(%arg11 : memref<10240xf32, #tpu.memory_space<vmem>>)
      tpu.yield
    }) : () -> ()
    "tpu.region"() ({
      %run_scoped3A = tpu.sem_alloc : memref<!tpu.dma_semaphore, #tpu.memory_space<semaphore_mem>>
      tpu.enqueue_dma source(%arg3 : memref<10240xf32, #tpu.memory_space<hbm>>) target(%arg12 : memref<10240xf32, #tpu.memory_space<vmem>>) target_semaphore(%run_scoped3A : memref<!tpu.dma_semaphore, #tpu.memory_space<semaphore_mem>>)
      tpu.wait_dma2 semaphore(%run_scoped3A : memref<!tpu.dma_semaphore, #tpu.memory_space<semaphore_mem>>) src(%arg3 : memref<10240xf32, #tpu.memory_space<hbm>>) dst(%arg12 : memref<10240xf32, #tpu.memory_space<vmem>>)
      tpu.yield
    }) : () -> ()
    "tpu.region"() ({
      %run_scoped3A = tpu.sem_alloc : memref<!tpu.dma_semaphore, #tpu.memory_space<semaphore_mem>>
      tpu.enqueue_dma source(%arg4 : memref<10240xf32, #tpu.memory_space<hbm>>) target(%arg13 : memref<10240xf32, #tpu.memory_space<vmem>>) target_semaphore(%run_scoped3A : memref<!tpu.dma_semaphore, #tpu.memory_space<semaphore_mem>>)
      tpu.wait_dma2 semaphore(%run_scoped3A : memref<!tpu.dma_semaphore, #tpu.memory_space<semaphore_mem>>) src(%arg4 : memref<10240xf32, #tpu.memory_space<hbm>>) dst(%arg13 : memref<10240xf32, #tpu.memory_space<vmem>>)
      tpu.yield
    }) : () -> ()
    %iota3A = tpu.iota {dimensions = array<i32: 0>} : vector<16xi32>
    %broadcast_in_dim3A = arith.constant 0 : i32
    %broadcast_in_dim3A_1 = vector.broadcast %broadcast_in_dim3A : i32 to vector<16xi32>
    %broadcast_in_dim3A_2 = arith.constant 0x7F800000 : f32
    %broadcast_in_dim3A_3 = vector.broadcast %broadcast_in_dim3A_2 : f32 to vector<16xf32>
    %scan3A = arith.constant 0 : i32
    %scan3A_4 = arith.constant 0 : i32
    %scan3A_5 = arith.constant 4 : i32
    %scan3A_6 = arith.addi %scan3A_4, %scan3A_5 : i32
    %scan3A_7 = arith.constant 1 : i32
    %scan3A_8 = scf.for %scan3A_10 = %scan3A_4 to %scan3A_6 step %scan3A_7 iter_args(%scan3A_11 = %scan3A) -> (i32)  : i32 {
      %mul3A_12 = arith.constant 4 : i32
      %mul3A_13 = arith.muli %add3A, %mul3A_12 : i32
      %add3A_14 = arith.addi %mul3A_13, %scan3A_10 : i32
      %mul3A_15 = arith.constant 16 : i32
      %mul3A_16 = arith.muli %add3A_14, %mul3A_15 : i32
      "tpu.region"() ({
        %run_scoped3A = tpu.sem_alloc : memref<!tpu.dma_semaphore, #tpu.memory_space<semaphore_mem>>
        %dma_start3A = tpu.memref_slice %arg5[%mul3A_16] : memref<2048xf32, #tpu.memory_space<hbm>> -> memref<16xf32, #tpu.memory_space<hbm>>
        %dma_start3A_32 = tpu.memref_slice %arg5[%mul3A_16] : memref<2048xf32, #tpu.memory_space<hbm>> -> memref<16xf32, #tpu.memory_space<hbm>>
        tpu.enqueue_dma source(%dma_start3A_32 : memref<16xf32, #tpu.memory_space<hbm>>) target(%arg14 : memref<16xf32, #tpu.memory_space<vmem>>) target_semaphore(%run_scoped3A : memref<!tpu.dma_semaphore, #tpu.memory_space<semaphore_mem>>)
        %dma_wait3A = tpu.memref_slice %arg5[%mul3A_16] : memref<2048xf32, #tpu.memory_space<hbm>> -> memref<16xf32, #tpu.memory_space<hbm>>
        %dma_wait3A_33 = tpu.memref_slice %arg5[%mul3A_16] : memref<2048xf32, #tpu.memory_space<hbm>> -> memref<16xf32, #tpu.memory_space<hbm>>
        tpu.wait_dma2 semaphore(%run_scoped3A : memref<!tpu.dma_semaphore, #tpu.memory_space<semaphore_mem>>) src(%dma_wait3A_33 : memref<16xf32, #tpu.memory_space<hbm>>) dst(%arg14 : memref<16xf32, #tpu.memory_space<vmem>>)
        tpu.yield
      }) : () -> ()
      "tpu.region"() ({
        %run_scoped3A = tpu.sem_alloc : memref<!tpu.dma_semaphore, #tpu.memory_space<semaphore_mem>>
        %dma_start3A = tpu.memref_slice %arg6[%mul3A_16] : memref<2048xf32, #tpu.memory_space<hbm>> -> memref<16xf32, #tpu.memory_space<hbm>>
        %dma_start3A_32 = tpu.memref_slice %arg6[%mul3A_16] : memref<2048xf32, #tpu.memory_space<hbm>> -> memref<16xf32, #tpu.memory_space<hbm>>
        tpu.enqueue_dma source(%dma_start3A_32 : memref<16xf32, #tpu.memory_space<hbm>>) target(%arg15 : memref<16xf32, #tpu.memory_space<vmem>>) target_semaphore(%run_scoped3A : memref<!tpu.dma_semaphore, #tpu.memory_space<semaphore_mem>>)
        %dma_wait3A = tpu.memref_slice %arg6[%mul3A_16] : memref<2048xf32, #tpu.memory_space<hbm>> -> memref<16xf32, #tpu.memory_space<hbm>>
        %dma_wait3A_33 = tpu.memref_slice %arg6[%mul3A_16] : memref<2048xf32, #tpu.memory_space<hbm>> -> memref<16xf32, #tpu.memory_space<hbm>>
        tpu.wait_dma2 semaphore(%run_scoped3A : memref<!tpu.dma_semaphore, #tpu.memory_space<semaphore_mem>>) src(%dma_wait3A_33 : memref<16xf32, #tpu.memory_space<hbm>>) dst(%arg15 : memref<16xf32, #tpu.memory_space<vmem>>)
        tpu.yield
      }) : () -> ()
      "tpu.region"() ({
        %run_scoped3A = tpu.sem_alloc : memref<!tpu.dma_semaphore, #tpu.memory_space<semaphore_mem>>
        %dma_start3A = tpu.memref_slice %arg7[%mul3A_16] : memref<2048xf32, #tpu.memory_space<hbm>> -> memref<16xf32, #tpu.memory_space<hbm>>
        %dma_start3A_32 = tpu.memref_slice %arg7[%mul3A_16] : memref<2048xf32, #tpu.memory_space<hbm>> -> memref<16xf32, #tpu.memory_space<hbm>>
        tpu.enqueue_dma source(%dma_start3A_32 : memref<16xf32, #tpu.memory_space<hbm>>) target(%arg16 : memref<16xf32, #tpu.memory_space<vmem>>) target_semaphore(%run_scoped3A : memref<!tpu.dma_semaphore, #tpu.memory_space<semaphore_mem>>)
        %dma_wait3A = tpu.memref_slice %arg7[%mul3A_16] : memref<2048xf32, #tpu.memory_space<hbm>> -> memref<16xf32, #tpu.memory_space<hbm>>
        %dma_wait3A_33 = tpu.memref_slice %arg7[%mul3A_16] : memref<2048xf32, #tpu.memory_space<hbm>> -> memref<16xf32, #tpu.memory_space<hbm>>
        tpu.wait_dma2 semaphore(%run_scoped3A : memref<!tpu.dma_semaphore, #tpu.memory_space<semaphore_mem>>) src(%dma_wait3A_33 : memref<16xf32, #tpu.memory_space<hbm>>) dst(%arg16 : memref<16xf32, #tpu.memory_space<vmem>>)
        tpu.yield
      }) : () -> ()
      "tpu.region"() ({
        %run_scoped3A = tpu.sem_alloc : memref<!tpu.dma_semaphore, #tpu.memory_space<semaphore_mem>>
        %dma_start3A = tpu.memref_slice %arg8[%mul3A_16] : memref<2048xf32, #tpu.memory_space<hbm>> -> memref<16xf32, #tpu.memory_space<hbm>>
        %dma_start3A_32 = tpu.memref_slice %arg8[%mul3A_16] : memref<2048xf32, #tpu.memory_space<hbm>> -> memref<16xf32, #tpu.memory_space<hbm>>
        tpu.enqueue_dma source(%dma_start3A_32 : memref<16xf32, #tpu.memory_space<hbm>>) target(%arg17 : memref<16xf32, #tpu.memory_space<vmem>>) target_semaphore(%run_scoped3A : memref<!tpu.dma_semaphore, #tpu.memory_space<semaphore_mem>>)
        %dma_wait3A = tpu.memref_slice %arg8[%mul3A_16] : memref<2048xf32, #tpu.memory_space<hbm>> -> memref<16xf32, #tpu.memory_space<hbm>>
        %dma_wait3A_33 = tpu.memref_slice %arg8[%mul3A_16] : memref<2048xf32, #tpu.memory_space<hbm>> -> memref<16xf32, #tpu.memory_space<hbm>>
        tpu.wait_dma2 semaphore(%run_scoped3A : memref<!tpu.dma_semaphore, #tpu.memory_space<semaphore_mem>>) src(%dma_wait3A_33 : memref<16xf32, #tpu.memory_space<hbm>>) dst(%arg17 : memref<16xf32, #tpu.memory_space<vmem>>)
        tpu.yield
      }) : () -> ()
      %get3A = arith.constant 0 : index
      %get3A_17 = tpu.vector_load %arg14[%get3A] {strides = array<i32>} : memref<16xf32, #tpu.memory_space<vmem>>, vector<16xf32>,
      %get3A_18 = arith.constant 0 : index
      %get3A_19 = tpu.vector_load %arg15[%get3A_18] {strides = array<i32>} : memref<16xf32, #tpu.memory_space<vmem>>, vector<16xf32>,
      %get3A_20 = arith.constant 0 : index
      %get3A_21 = tpu.vector_load %arg16[%get3A_20] {strides = array<i32>} : memref<16xf32, #tpu.memory_space<vmem>>, vector<16xf32>,
      %get3A_22 = arith.constant 0 : index
      %get3A_23 = tpu.vector_load %arg17[%get3A_22] {strides = array<i32>} : memref<16xf32, #tpu.memory_space<vmem>>, vector<16xf32>,
      %scan3A_24 = arith.constant 0 : i32
      %scan3A_25 = arith.constant 0 : i32
      %scan3A_26 = arith.constant 16 : i32
      %scan3A_27 = arith.addi %scan3A_25, %scan3A_26 : i32
      %scan3A_28 = arith.constant 1 : i32
      %scan3A_29 = scf.for %scan3A_32 = %scan3A_25 to %scan3A_27 step %scan3A_28 iter_args(%scan3A_33 = %scan3A_24) -> (i32)  : i32 {
        %eq3A = vector.broadcast %scan3A_32 : i32 to vector<16xi32>
        %eq3A_34 = arith.cmpi eq, %iota3A, %eq3A : vector<16xi32>
        %convert_element_type3A = arith.extui %eq3A_34 : vector<16xi1> to vector<16xi32>
        %convert_element_type3A_35 = arith.sitofp %convert_element_type3A : vector<16xi32> to vector<16xf32>
        %mul3A_36 = arith.mulf %get3A_17, %convert_element_type3A_35 : vector<16xf32>
        %reduce_sum3A = arith.constant true
        %reduce_sum3A_37 = vector.broadcast %reduce_sum3A : i1 to vector<16xi1>
        %reduce_sum3A_38 = tpu.scan <sum>, %mul3A_36 masked %reduce_sum3A_37 : vector<16xf32>, vector<16xi1> -> vector<16xf32>
        %reduce_sum3A_39 = vector.extract %reduce_sum3A_38[15] : f32 from vector<16xf32>
        %mul3A_40 = arith.mulf %get3A_19, %convert_element_type3A_35 : vector<16xf32>
        %reduce_sum3A_41 = arith.constant true
        %reduce_sum3A_42 = vector.broadcast %reduce_sum3A_41 : i1 to vector<16xi1>
        %reduce_sum3A_43 = tpu.scan <sum>, %mul3A_40 masked %reduce_sum3A_42 : vector<16xf32>, vector<16xi1> -> vector<16xf32>
        %reduce_sum3A_44 = vector.extract %reduce_sum3A_43[15] : f32 from vector<16xf32>
        %mul3A_45 = arith.mulf %get3A_21, %convert_element_type3A_35 : vector<16xf32>
        %reduce_sum3A_46 = arith.constant true
        %reduce_sum3A_47 = vector.broadcast %reduce_sum3A_46 : i1 to vector<16xi1>
        %reduce_sum3A_48 = tpu.scan <sum>, %mul3A_45 masked %reduce_sum3A_47 : vector<16xf32>, vector<16xi1> -> vector<16xf32>
        %reduce_sum3A_49 = vector.extract %reduce_sum3A_48[15] : f32 from vector<16xf32>
        %mul3A_50 = arith.mulf %get3A_23, %convert_element_type3A_35 : vector<16xf32>
        %reduce_sum3A_51 = arith.constant true
        %reduce_sum3A_52 = vector.broadcast %reduce_sum3A_51 : i1 to vector<16xi1>
        %reduce_sum3A_53 = tpu.scan <sum>, %mul3A_50 masked %reduce_sum3A_52 : vector<16xf32>, vector<16xi1> -> vector<16xf32>
        %reduce_sum3A_54 = vector.extract %reduce_sum3A_53[15] : f32 from vector<16xf32>
        %swap3A = arith.constant 0 : index
        %swap3A_55 = tpu.vector_load %arg18[%swap3A] {strides = array<i32>} : memref<192xi32, #tpu.memory_space<vmem>>, vector<16xi32>,
        tpu.vector_store %arg18[%swap3A], %broadcast_in_dim3A_1 {strides = array<i32>} : memref<192xi32, #tpu.memory_space<vmem>>, vector<16xi32>,
        %swap3A_56 = arith.constant 0 : index
        %swap3A_57 = tpu.vector_load %arg19[%swap3A_56] {strides = array<i32>} : memref<192xf32, #tpu.memory_space<vmem>>, vector<16xf32>,
        tpu.vector_store %arg19[%swap3A_56], %broadcast_in_dim3A_3 {strides = array<i32>} : memref<192xf32, #tpu.memory_space<vmem>>, vector<16xf32>,
        %swap3A_58 = arith.constant 16 : index
        %swap3A_59 = tpu.vector_load %arg18[%swap3A_58] {strides = array<i32>} : memref<192xi32, #tpu.memory_space<vmem>>, vector<16xi32>,
        tpu.vector_store %arg18[%swap3A_58], %broadcast_in_dim3A_1 {strides = array<i32>} : memref<192xi32, #tpu.memory_space<vmem>>, vector<16xi32>,
        %swap3A_60 = arith.constant 16 : index
        %swap3A_61 = tpu.vector_load %arg19[%swap3A_60] {strides = array<i32>} : memref<192xf32, #tpu.memory_space<vmem>>, vector<16xf32>,
        tpu.vector_store %arg19[%swap3A_60], %broadcast_in_dim3A_3 {strides = array<i32>} : memref<192xf32, #tpu.memory_space<vmem>>, vector<16xf32>,
        %swap3A_62 = arith.constant 32 : index
        %swap3A_63 = tpu.vector_load %arg18[%swap3A_62] {strides = array<i32>} : memref<192xi32, #tpu.memory_space<vmem>>, vector<16xi32>,
        tpu.vector_store %arg18[%swap3A_62], %broadcast_in_dim3A_1 {strides = array<i32>} : memref<192xi32, #tpu.memory_space<vmem>>, vector<16xi32>,
        %swap3A_64 = arith.constant 32 : index
        %swap3A_65 = tpu.vector_load %arg19[%swap3A_64] {strides = array<i32>} : memref<192xf32, #tpu.memory_space<vmem>>, vector<16xf32>,
        tpu.vector_store %arg19[%swap3A_64], %broadcast_in_dim3A_3 {strides = array<i32>} : memref<192xf32, #tpu.memory_space<vmem>>, vector<16xf32>,
        %swap3A_66 = arith.constant 48 : index
        %swap3A_67 = tpu.vector_load %arg18[%swap3A_66] {strides = array<i32>} : memref<192xi32, #tpu.memory_space<vmem>>, vector<16xi32>,
        tpu.vector_store %arg18[%swap3A_66], %broadcast_in_dim3A_1 {strides = array<i32>} : memref<192xi32, #tpu.memory_space<vmem>>, vector<16xi32>,
        %swap3A_68 = arith.constant 48 : index
        %swap3A_69 = tpu.vector_load %arg19[%swap3A_68] {strides = array<i32>} : memref<192xf32, #tpu.memory_space<vmem>>, vector<16xf32>,
        tpu.vector_store %arg19[%swap3A_68], %broadcast_in_dim3A_3 {strides = array<i32>} : memref<192xf32, #tpu.memory_space<vmem>>, vector<16xf32>,
        %swap3A_70 = arith.constant 64 : index
        %swap3A_71 = tpu.vector_load %arg18[%swap3A_70] {strides = array<i32>} : memref<192xi32, #tpu.memory_space<vmem>>, vector<16xi32>,
        tpu.vector_store %arg18[%swap3A_70], %broadcast_in_dim3A_1 {strides = array<i32>} : memref<192xi32, #tpu.memory_space<vmem>>, vector<16xi32>,
        %swap3A_72 = arith.constant 64 : index
        %swap3A_73 = tpu.vector_load %arg19[%swap3A_72] {strides = array<i32>} : memref<192xf32, #tpu.memory_space<vmem>>, vector<16xf32>,
        tpu.vector_store %arg19[%swap3A_72], %broadcast_in_dim3A_3 {strides = array<i32>} : memref<192xf32, #tpu.memory_space<vmem>>, vector<16xf32>,
        %scan3A_74 = arith.constant 0 : i32
        %scan3A_75 = arith.constant 0 : i32
        %scan3A_76 = arith.constant 80 : i32
        %scan3A_77 = arith.addi %scan3A_75, %scan3A_76 : i32
        %scan3A_78 = arith.constant 1 : i32
        %scan3A_79 = scf.for %scan3A_127 = %scan3A_75 to %scan3A_77 step %scan3A_78 iter_args(%scan3A_128 = %scan3A_74) -> (i32)  : i32 {
          %mul3A_129 = arith.constant 128 : i32
          %mul3A_130 = arith.muli %scan3A_127, %mul3A_129 : i32
          %add3A_131 = arith.constant 0 : i32
          %add3A_132 = arith.addi %mul3A_130, %add3A_131 : i32
          %get3A_133 = arith.index_cast %add3A_132 : i32 to index
          %get3A_134 = tpu.vector_load %arg11[%get3A_133] {strides = array<i32>} : memref<10240xf32, #tpu.memory_space<vmem>>, vector<16xf32>,
          %get3A_135 = arith.index_cast %add3A_132 : i32 to index
          %get3A_136 = tpu.vector_load %arg12[%get3A_135] {strides = array<i32>} : memref<10240xf32, #tpu.memory_space<vmem>>, vector<16xf32>,
          %get3A_137 = arith.index_cast %add3A_132 : i32 to index
          %get3A_138 = tpu.vector_load %arg13[%get3A_137] {strides = array<i32>} : memref<10240xf32, #tpu.memory_space<vmem>>, vector<16xf32>,
          %sub3A = vector.broadcast %reduce_sum3A_39 : f32 to vector<16xf32>
          %sub3A_139 = arith.subf %get3A_134, %sub3A : vector<16xf32>
          %sub3A_140 = vector.broadcast %reduce_sum3A_44 : f32 to vector<16xf32>
          %sub3A_141 = arith.subf %get3A_136, %sub3A_140 : vector<16xf32>
          %sub3A_142 = vector.broadcast %reduce_sum3A_49 : f32 to vector<16xf32>
          %sub3A_143 = arith.subf %get3A_138, %sub3A_142 : vector<16xf32>
          %mul3A_144 = arith.mulf %sub3A_139, %sub3A_139 : vector<16xf32>
          %mul3A_145 = arith.mulf %sub3A_141, %sub3A_141 : vector<16xf32>
          %add3A_146 = arith.addf %mul3A_144, %mul3A_145 : vector<16xf32>
          %mul3A_147 = arith.mulf %sub3A_143, %sub3A_143 : vector<16xf32>
          %add3A_148 = arith.addf %add3A_146, %mul3A_147 : vector<16xf32>
          %le3A = vector.broadcast %reduce_sum3A_54 : f32 to vector<16xf32>
          %le3A_149 = arith.cmpf ole, %add3A_148, %le3A : vector<16xf32>
          %all_reduce_population_count3A = tpu.all_reduce %le3A_149 {dim = 0 : i64, kind = #tpu.reduction_kind<sum>} : vector<16xi1> -> vector<16xi32>
          %add3A_150 = arith.constant 16 : i32
          %add3A_151 = arith.addi %mul3A_130, %add3A_150 : i32
          %get3A_152 = arith.index_cast %add3A_151 : i32 to index
          %get3A_153 = tpu.vector_load %arg11[%get3A_152] {strides = array<i32>} : memref<10240xf32, #tpu.memory_space<vmem>>, vector<16xf32>,
          %get3A_154 = arith.index_cast %add3A_151 : i32 to index
          %get3A_155 = tpu.vector_load %arg12[%get3A_154] {strides = array<i32>} : memref<10240xf32, #tpu.memory_space<vmem>>, vector<16xf32>,
          %get3A_156 = arith.index_cast %add3A_151 : i32 to index
          %get3A_157 = tpu.vector_load %arg13[%get3A_156] {strides = array<i32>} : memref<10240xf32, #tpu.memory_space<vmem>>, vector<16xf32>,
          %sub3A_158 = vector.broadcast %reduce_sum3A_39 : f32 to vector<16xf32>
          %sub3A_159 = arith.subf %get3A_153, %sub3A_158 : vector<16xf32>
          %sub3A_160 = vector.broadcast %reduce_sum3A_44 : f32 to vector<16xf32>
          %sub3A_161 = arith.subf %get3A_155, %sub3A_160 : vector<16xf32>
          %sub3A_162 = vector.broadcast %reduce_sum3A_49 : f32 to vector<16xf32>
          %sub3A_163 = arith.subf %get3A_157, %sub3A_162 : vector<16xf32>
          %mul3A_164 = arith.mulf %sub3A_159, %sub3A_159 : vector<16xf32>
          %mul3A_165 = arith.mulf %sub3A_161, %sub3A_161 : vector<16xf32>
          %add3A_166 = arith.addf %mul3A_164, %mul3A_165 : vector<16xf32>
          %mul3A_167 = arith.mulf %sub3A_163, %sub3A_163 : vector<16xf32>
          %add3A_168 = arith.addf %add3A_166, %mul3A_167 : vector<16xf32>
          %le3A_169 = vector.broadcast %reduce_sum3A_54 : f32 to vector<16xf32>
          %le3A_170 = arith.cmpf ole, %add3A_168, %le3A_169 : vector<16xf32>
          %all_reduce_population_count3A_171 = tpu.all_reduce %le3A_170 {dim = 0 : i64, kind = #tpu.reduction_kind<sum>} : vector<16xi1> -> vector<16xi32>
          %add3A_172 = arith.constant 32 : i32
          %add3A_173 = arith.addi %mul3A_130, %add3A_172 : i32
          %get3A_174 = arith.index_cast %add3A_173 : i32 to index
          %get3A_175 = tpu.vector_load %arg11[%get3A_174] {strides = array<i32>} : memref<10240xf32, #tpu.memory_space<vmem>>, vector<16xf32>,
          %get3A_176 = arith.index_cast %add3A_173 : i32 to index
          %get3A_177 = tpu.vector_load %arg12[%get3A_176] {strides = array<i32>} : memref<10240xf32, #tpu.memory_space<vmem>>, vector<16xf32>,
          %get3A_178 = arith.index_cast %add3A_173 : i32 to index
          %get3A_179 = tpu.vector_load %arg13[%get3A_178] {strides = array<i32>} : memref<10240xf32, #tpu.memory_space<vmem>>, vector<16xf32>,
          %sub3A_180 = vector.broadcast %reduce_sum3A_39 : f32 to vector<16xf32>
          %sub3A_181 = arith.subf %get3A_175, %sub3A_180 : vector<16xf32>
          %sub3A_182 = vector.broadcast %reduce_sum3A_44 : f32 to vector<16xf32>
          %sub3A_183 = arith.subf %get3A_177, %sub3A_182 : vector<16xf32>
          %sub3A_184 = vector.broadcast %reduce_sum3A_49 : f32 to vector<16xf32>
          %sub3A_185 = arith.subf %get3A_179, %sub3A_184 : vector<16xf32>
          %mul3A_186 = arith.mulf %sub3A_181, %sub3A_181 : vector<16xf32>
          %mul3A_187 = arith.mulf %sub3A_183, %sub3A_183 : vector<16xf32>
          %add3A_188 = arith.addf %mul3A_186, %mul3A_187 : vector<16xf32>
          %mul3A_189 = arith.mulf %sub3A_185, %sub3A_185 : vector<16xf32>
          %add3A_190 = arith.addf %add3A_188, %mul3A_189 : vector<16xf32>
          %le3A_191 = vector.broadcast %reduce_sum3A_54 : f32 to vector<16xf32>
          %le3A_192 = arith.cmpf ole, %add3A_190, %le3A_191 : vector<16xf32>
          %all_reduce_population_count3A_193 = tpu.all_reduce %le3A_192 {dim = 0 : i64, kind = #tpu.reduction_kind<sum>} : vector<16xi1> -> vector<16xi32>
          %add3A_194 = arith.constant 48 : i32
          %add3A_195 = arith.addi %mul3A_130, %add3A_194 : i32
          %get3A_196 = arith.index_cast %add3A_195 : i32 to index
          %get3A_197 = tpu.vector_load %arg11[%get3A_196] {strides = array<i32>} : memref<10240xf32, #tpu.memory_space<vmem>>, vector<16xf32>,
          %get3A_198 = arith.index_cast %add3A_195 : i32 to index
          %get3A_199 = tpu.vector_load %arg12[%get3A_198] {strides = array<i32>} : memref<10240xf32, #tpu.memory_space<vmem>>, vector<16xf32>,
          %get3A_200 = arith.index_cast %add3A_195 : i32 to index
          %get3A_201 = tpu.vector_load %arg13[%get3A_200] {strides = array<i32>} : memref<10240xf32, #tpu.memory_space<vmem>>, vector<16xf32>,
          %sub3A_202 = vector.broadcast %reduce_sum3A_39 : f32 to vector<16xf32>
          %sub3A_203 = arith.subf %get3A_197, %sub3A_202 : vector<16xf32>
          %sub3A_204 = vector.broadcast %reduce_sum3A_44 : f32 to vector<16xf32>
          %sub3A_205 = arith.subf %get3A_199, %sub3A_204 : vector<16xf32>
          %sub3A_206 = vector.broadcast %reduce_sum3A_49 : f32 to vector<16xf32>
          %sub3A_207 = arith.subf %get3A_201, %sub3A_206 : vector<16xf32>
          %mul3A_208 = arith.mulf %sub3A_203, %sub3A_203 : vector<16xf32>
          %mul3A_209 = arith.mulf %sub3A_205, %sub3A_205 : vector<16xf32>
          %add3A_210 = arith.addf %mul3A_208, %mul3A_209 : vector<16xf32>
          %mul3A_211 = arith.mulf %sub3A_207, %sub3A_207 : vector<16xf32>
          %add3A_212 = arith.addf %add3A_210, %mul3A_211 : vector<16xf32>
          %le3A_213 = vector.broadcast %reduce_sum3A_54 : f32 to vector<16xf32>
          %le3A_214 = arith.cmpf ole, %add3A_212, %le3A_213 : vector<16xf32>
          %all_reduce_population_count3A_215 = tpu.all_reduce %le3A_214 {dim = 0 : i64, kind = #tpu.reduction_kind<sum>} : vector<16xi1> -> vector<16xi32>
          %add3A_216 = arith.constant 64 : i32
          %add3A_217 = arith.addi %mul3A_130, %add3A_216 : i32
          %get3A_218 = arith.index_cast %add3A_217 : i32 to index
          %get3A_219 = tpu.vector_load %arg11[%get3A_218] {strides = array<i32>} : memref<10240xf32, #tpu.memory_space<vmem>>, vector<16xf32>,
          %get3A_220 = arith.index_cast %add3A_217 : i32 to index
          %get3A_221 = tpu.vector_load %arg12[%get3A_220] {strides = array<i32>} : memref<10240xf32, #tpu.memory_space<vmem>>, vector<16xf32>,
          %get3A_222 = arith.index_cast %add3A_217 : i32 to index
          %get3A_223 = tpu.vector_load %arg13[%get3A_222] {strides = array<i32>} : memref<10240xf32, #tpu.memory_space<vmem>>, vector<16xf32>,
          %sub3A_224 = vector.broadcast %reduce_sum3A_39 : f32 to vector<16xf32>
          %sub3A_225 = arith.subf %get3A_219, %sub3A_224 : vector<16xf32>
          %sub3A_226 = vector.broadcast %reduce_sum3A_44 : f32 to vector<16xf32>
          %sub3A_227 = arith.subf %get3A_221, %sub3A_226 : vector<16xf32>
          %sub3A_228 = vector.broadcast %reduce_sum3A_49 : f32 to vector<16xf32>
          %sub3A_229 = arith.subf %get3A_223, %sub3A_228 : vector<16xf32>
          %mul3A_230 = arith.mulf %sub3A_225, %sub3A_225 : vector<16xf32>
          %mul3A_231 = arith.mulf %sub3A_227, %sub3A_227 : vector<16xf32>
          %add3A_232 = arith.addf %mul3A_230, %mul3A_231 : vector<16xf32>
          %mul3A_233 = arith.mulf %sub3A_229, %sub3A_229 : vector<16xf32>
          %add3A_234 = arith.addf %add3A_232, %mul3A_233 : vector<16xf32>
          %le3A_235 = vector.broadcast %reduce_sum3A_54 : f32 to vector<16xf32>
          %le3A_236 = arith.cmpf ole, %add3A_234, %le3A_235 : vector<16xf32>
          %all_reduce_population_count3A_237 = tpu.all_reduce %le3A_236 {dim = 0 : i64, kind = #tpu.reduction_kind<sum>} : vector<16xi1> -> vector<16xi32>
          %add3A_238 = arith.constant 80 : i32
          %add3A_239 = arith.addi %mul3A_130, %add3A_238 : i32
          %get3A_240 = arith.index_cast %add3A_239 : i32 to index
          %get3A_241 = tpu.vector_load %arg11[%get3A_240] {strides = array<i32>} : memref<10240xf32, #tpu.memory_space<vmem>>, vector<16xf32>,
          %get3A_242 = arith.index_cast %add3A_239 : i32 to index
          %get3A_243 = tpu.vector_load %arg12[%get3A_242] {strides = array<i32>} : memref<10240xf32, #tpu.memory_space<vmem>>, vector<16xf32>,
          %get3A_244 = arith.index_cast %add3A_239 : i32 to index
          %get3A_245 = tpu.vector_load %arg13[%get3A_244] {strides = array<i32>} : memref<10240xf32, #tpu.memory_space<vmem>>, vector<16xf32>,
          %sub3A_246 = vector.broadcast %reduce_sum3A_39 : f32 to vector<16xf32>
          %sub3A_247 = arith.subf %get3A_241, %sub3A_246 : vector<16xf32>
          %sub3A_248 = vector.broadcast %reduce_sum3A_44 : f32 to vector<16xf32>
          %sub3A_249 = arith.subf %get3A_243, %sub3A_248 : vector<16xf32>
          %sub3A_250 = vector.broadcast %reduce_sum3A_49 : f32 to vector<16xf32>
          %sub3A_251 = arith.subf %get3A_245, %sub3A_250 : vector<16xf32>
          %mul3A_252 = arith.mulf %sub3A_247, %sub3A_247 : vector<16xf32>
          %mul3A_253 = arith.mulf %sub3A_249, %sub3A_249 : vector<16xf32>
          %add3A_254 = arith.addf %mul3A_252, %mul3A_253 : vector<16xf32>
          %mul3A_255 = arith.mulf %sub3A_251, %sub3A_251 : vector<16xf32>
          %add3A_256 = arith.addf %add3A_254, %mul3A_255 : vector<16xf32>
          %le3A_257 = vector.broadcast %reduce_sum3A_54 : f32 to vector<16xf32>
          %le3A_258 = arith.cmpf ole, %add3A_256, %le3A_257 : vector<16xf32>
          %all_reduce_population_count3A_259 = tpu.all_reduce %le3A_258 {dim = 0 : i64, kind = #tpu.reduction_kind<sum>} : vector<16xi1> -> vector<16xi32>
          %add3A_260 = arith.constant 96 : i32
          %add3A_261 = arith.addi %mul3A_130, %add3A_260 : i32
          %get3A_262 = arith.index_cast %add3A_261 : i32 to index
          %get3A_263 = tpu.vector_load %arg11[%get3A_262] {strides = array<i32>} : memref<10240xf32, #tpu.memory_space<vmem>>, vector<16xf32>,
          %get3A_264 = arith.index_cast %add3A_261 : i32 to index
          %get3A_265 = tpu.vector_load %arg12[%get3A_264] {strides = array<i32>} : memref<10240xf32, #tpu.memory_space<vmem>>, vector<16xf32>,
          %get3A_266 = arith.index_cast %add3A_261 : i32 to index
          %get3A_267 = tpu.vector_load %arg13[%get3A_266] {strides = array<i32>} : memref<10240xf32, #tpu.memory_space<vmem>>, vector<16xf32>,
          %sub3A_268 = vector.broadcast %reduce_sum3A_39 : f32 to vector<16xf32>
          %sub3A_269 = arith.subf %get3A_263, %sub3A_268 : vector<16xf32>
          %sub3A_270 = vector.broadcast %reduce_sum3A_44 : f32 to vector<16xf32>
          %sub3A_271 = arith.subf %get3A_265, %sub3A_270 : vector<16xf32>
          %sub3A_272 = vector.broadcast %reduce_sum3A_49 : f32 to vector<16xf32>
          %sub3A_273 = arith.subf %get3A_267, %sub3A_272 : vector<16xf32>
          %mul3A_274 = arith.mulf %sub3A_269, %sub3A_269 : vector<16xf32>
          %mul3A_275 = arith.mulf %sub3A_271, %sub3A_271 : vector<16xf32>
          %add3A_276 = arith.addf %mul3A_274, %mul3A_275 : vector<16xf32>
          %mul3A_277 = arith.mulf %sub3A_273, %sub3A_273 : vector<16xf32>
          %add3A_278 = arith.addf %add3A_276, %mul3A_277 : vector<16xf32>
          %le3A_279 = vector.broadcast %reduce_sum3A_54 : f32 to vector<16xf32>
          %le3A_280 = arith.cmpf ole, %add3A_278, %le3A_279 : vector<16xf32>
          %all_reduce_population_count3A_281 = tpu.all_reduce %le3A_280 {dim = 0 : i64, kind = #tpu.reduction_kind<sum>} : vector<16xi1> -> vector<16xi32>
          %add3A_282 = arith.constant 112 : i32
          %add3A_283 = arith.addi %mul3A_130, %add3A_282 : i32
          %get3A_284 = arith.index_cast %add3A_283 : i32 to index
          %get3A_285 = tpu.vector_load %arg11[%get3A_284] {strides = array<i32>} : memref<10240xf32, #tpu.memory_space<vmem>>, vector<16xf32>,
          %get3A_286 = arith.index_cast %add3A_283 : i32 to index
          %get3A_287 = tpu.vector_load %arg12[%get3A_286] {strides = array<i32>} : memref<10240xf32, #tpu.memory_space<vmem>>, vector<16xf32>,
          %get3A_288 = arith.index_cast %add3A_283 : i32 to index
          %get3A_289 = tpu.vector_load %arg13[%get3A_288] {strides = array<i32>} : memref<10240xf32, #tpu.memory_space<vmem>>, vector<16xf32>,
          %sub3A_290 = vector.broadcast %reduce_sum3A_39 : f32 to vector<16xf32>
          %sub3A_291 = arith.subf %get3A_285, %sub3A_290 : vector<16xf32>
          %sub3A_292 = vector.broadcast %reduce_sum3A_44 : f32 to vector<16xf32>
          %sub3A_293 = arith.subf %get3A_287, %sub3A_292 : vector<16xf32>
          %sub3A_294 = vector.broadcast %reduce_sum3A_49 : f32 to vector<16xf32>
          %sub3A_295 = arith.subf %get3A_289, %sub3A_294 : vector<16xf32>
          %mul3A_296 = arith.mulf %sub3A_291, %sub3A_291 : vector<16xf32>
          %mul3A_297 = arith.mulf %sub3A_293, %sub3A_293 : vector<16xf32>
          %add3A_298 = arith.addf %mul3A_296, %mul3A_297 : vector<16xf32>
          %mul3A_299 = arith.mulf %sub3A_295, %sub3A_295 : vector<16xf32>
          %add3A_300 = arith.addf %add3A_298, %mul3A_299 : vector<16xf32>
          %le3A_301 = vector.broadcast %reduce_sum3A_54 : f32 to vector<16xf32>
          %le3A_302 = arith.cmpf ole, %add3A_300, %le3A_301 : vector<16xf32>
          %all_reduce_population_count3A_303 = tpu.all_reduce %le3A_302 {dim = 0 : i64, kind = #tpu.reduction_kind<sum>} : vector<16xi1> -> vector<16xi32>
          %add3A_304 = arith.addi %all_reduce_population_count3A, %all_reduce_population_count3A_171 : vector<16xi32>
          %add3A_305 = arith.addi %add3A_304, %all_reduce_population_count3A_193 : vector<16xi32>
          %add3A_306 = arith.addi %add3A_305, %all_reduce_population_count3A_215 : vector<16xi32>
          %add3A_307 = arith.addi %add3A_306, %all_reduce_population_count3A_237 : vector<16xi32>
          %add3A_308 = arith.addi %add3A_307, %all_reduce_population_count3A_259 : vector<16xi32>
          %add3A_309 = arith.addi %add3A_308, %all_reduce_population_count3A_281 : vector<16xi32>
          %add3A_310 = arith.addi %add3A_309, %all_reduce_population_count3A_303 : vector<16xi32>
          %slice3A = vector.extract_strided_slice %add3A_310 {offsets = [0], sizes = [1], strides = [1]} : vector<16xi32> to vector<1xi32>
          %squeeze3A = vector.extract %slice3A[0] : i32 from vector<1xi32>
          %gt3A = arith.constant 0 : i32
          %gt3A_311 = arith.cmpi sgt, %squeeze3A, %gt3A : i32
          %lt3A = arith.constant 64 : i32
          %lt3A_312 = arith.cmpi slt, %scan3A_128, %lt3A : i32
          %and3A = arith.andi %gt3A_311, %lt3A_312 : i1
          %convert_element_type3A_313 = arith.extui %and3A : i1 to i32
          %cond3A = arith.constant 0 : i32
          %cond3A_314 = arith.cmpi ne, %convert_element_type3A_313, %cond3A : i32
          %cond3A_315 = scf.if %cond3A_314 -> (i32) {
            %add3A_316 = arith.constant 0 : i32
            %add3A_317 = arith.addi %mul3A_130, %add3A_316 : i32
            %add3A_318 = vector.broadcast %add3A_317 : i32 to vector<16xi32>
            %add3A_319 = arith.addi %add3A_318, %iota3A : vector<16xi32>
            %swap3A_320 = arith.index_cast %scan3A_128 : i32 to index
            %swap3A_321 = tpu.vector_load %arg18[%swap3A_320] masked %le3A_149 {strides = array<i32>} : memref<192xi32, #tpu.memory_space<vmem>>, vector<16xi32>, vector<16xi1>
            tpu.vector_store %arg18[%swap3A_320], %add3A_319 masked %le3A_149 {strides = array<i32>} : memref<192xi32, #tpu.memory_space<vmem>>, vector<16xi32>, vector<16xi1>
            %swap3A_322 = arith.index_cast %scan3A_128 : i32 to index
            %swap3A_323 = tpu.vector_load %arg19[%swap3A_322] masked %le3A_149 {strides = array<i32>} : memref<192xf32, #tpu.memory_space<vmem>>, vector<16xf32>, vector<16xi1>
            tpu.vector_store %arg19[%swap3A_322], %add3A_148 masked %le3A_149 {strides = array<i32>} : memref<192xf32, #tpu.memory_space<vmem>>, vector<16xf32>, vector<16xi1>
            %slice3A_324 = vector.extract_strided_slice %all_reduce_population_count3A {offsets = [0], sizes = [1], strides = [1]} : vector<16xi32> to vector<1xi32>
            %squeeze3A_325 = vector.extract %slice3A_324[0] : i32 from vector<1xi32>
            %add3A_326 = arith.addi %scan3A_128, %squeeze3A_325 : i32
            %add3A_327 = arith.constant 16 : i32
            %add3A_328 = arith.addi %mul3A_130, %add3A_327 : i32
            %add3A_329 = vector.broadcast %add3A_328 : i32 to vector<16xi32>
            %add3A_330 = arith.addi %add3A_329, %iota3A : vector<16xi32>
            %swap3A_331 = arith.index_cast %add3A_326 : i32 to index
            %swap3A_332 = tpu.vector_load %arg18[%swap3A_331] masked %le3A_170 {strides = array<i32>} : memref<192xi32, #tpu.memory_space<vmem>>, vector<16xi32>, vector<16xi1>
            tpu.vector_store %arg18[%swap3A_331], %add3A_330 masked %le3A_170 {strides = array<i32>} : memref<192xi32, #tpu.memory_space<vmem>>, vector<16xi32>, vector<16xi1>
            %swap3A_333 = arith.index_cast %add3A_326 : i32 to index
            %swap3A_334 = tpu.vector_load %arg19[%swap3A_333] masked %le3A_170 {strides = array<i32>} : memref<192xf32, #tpu.memory_space<vmem>>, vector<16xf32>, vector<16xi1>
            tpu.vector_store %arg19[%swap3A_333], %add3A_168 masked %le3A_170 {strides = array<i32>} : memref<192xf32, #tpu.memory_space<vmem>>, vector<16xf32>, vector<16xi1>
            %slice3A_335 = vector.extract_strided_slice %all_reduce_population_count3A_171 {offsets = [0], sizes = [1], strides = [1]} : vector<16xi32> to vector<1xi32>
            %squeeze3A_336 = vector.extract %slice3A_335[0] : i32 from vector<1xi32>
            %add3A_337 = arith.addi %add3A_326, %squeeze3A_336 : i32
            %add3A_338 = arith.constant 32 : i32
            %add3A_339 = arith.addi %mul3A_130, %add3A_338 : i32
            %add3A_340 = vector.broadcast %add3A_339 : i32 to vector<16xi32>
            %add3A_341 = arith.addi %add3A_340, %iota3A : vector<16xi32>
            %swap3A_342 = arith.index_cast %add3A_337 : i32 to index
            %swap3A_343 = tpu.vector_load %arg18[%swap3A_342] masked %le3A_192 {strides = array<i32>} : memref<192xi32, #tpu.memory_space<vmem>>, vector<16xi32>, vector<16xi1>
            tpu.vector_store %arg18[%swap3A_342], %add3A_341 masked %le3A_192 {strides = array<i32>} : memref<192xi32, #tpu.memory_space<vmem>>, vector<16xi32>, vector<16xi1>
            %swap3A_344 = arith.index_cast %add3A_337 : i32 to index
            %swap3A_345 = tpu.vector_load %arg19[%swap3A_344] masked %le3A_192 {strides = array<i32>} : memref<192xf32, #tpu.memory_space<vmem>>, vector<16xf32>, vector<16xi1>
            tpu.vector_store %arg19[%swap3A_344], %add3A_190 masked %le3A_192 {strides = array<i32>} : memref<192xf32, #tpu.memory_space<vmem>>, vector<16xf32>, vector<16xi1>
            %slice3A_346 = vector.extract_strided_slice %all_reduce_population_count3A_193 {offsets = [0], sizes = [1], strides = [1]} : vector<16xi32> to vector<1xi32>
            %squeeze3A_347 = vector.extract %slice3A_346[0] : i32 from vector<1xi32>
            %add3A_348 = arith.addi %add3A_337, %squeeze3A_347 : i32
            %add3A_349 = arith.constant 48 : i32
            %add3A_350 = arith.addi %mul3A_130, %add3A_349 : i32
            %add3A_351 = vector.broadcast %add3A_350 : i32 to vector<16xi32>
            %add3A_352 = arith.addi %add3A_351, %iota3A : vector<16xi32>
            %swap3A_353 = arith.index_cast %add3A_348 : i32 to index
            %swap3A_354 = tpu.vector_load %arg18[%swap3A_353] masked %le3A_214 {strides = array<i32>} : memref<192xi32, #tpu.memory_space<vmem>>, vector<16xi32>, vector<16xi1>
            tpu.vector_store %arg18[%swap3A_353], %add3A_352 masked %le3A_214 {strides = array<i32>} : memref<192xi32, #tpu.memory_space<vmem>>, vector<16xi32>, vector<16xi1>
            %swap3A_355 = arith.index_cast %add3A_348 : i32 to index
            %swap3A_356 = tpu.vector_load %arg19[%swap3A_355] masked %le3A_214 {strides = array<i32>} : memref<192xf32, #tpu.memory_space<vmem>>, vector<16xf32>, vector<16xi1>
            tpu.vector_store %arg19[%swap3A_355], %add3A_212 masked %le3A_214 {strides = array<i32>} : memref<192xf32, #tpu.memory_space<vmem>>, vector<16xf32>, vector<16xi1>
            %slice3A_357 = vector.extract_strided_slice %all_reduce_population_count3A_215 {offsets = [0], sizes = [1], strides = [1]} : vector<16xi32> to vector<1xi32>
            %squeeze3A_358 = vector.extract %slice3A_357[0] : i32 from vector<1xi32>
            %add3A_359 = arith.addi %add3A_348, %squeeze3A_358 : i32
            %add3A_360 = arith.constant 64 : i32
            %add3A_361 = arith.addi %mul3A_130, %add3A_360 : i32
            %add3A_362 = vector.broadcast %add3A_361 : i32 to vector<16xi32>
            %add3A_363 = arith.addi %add3A_362, %iota3A : vector<16xi32>
            %swap3A_364 = arith.index_cast %add3A_359 : i32 to index
            %swap3A_365 = tpu.vector_load %arg18[%swap3A_364] masked %le3A_236 {strides = array<i32>} : memref<192xi32, #tpu.memory_space<vmem>>, vector<16xi32>, vector<16xi1>
            tpu.vector_store %arg18[%swap3A_364], %add3A_363 masked %le3A_236 {strides = array<i32>} : memref<192xi32, #tpu.memory_space<vmem>>, vector<16xi32>, vector<16xi1>
            %swap3A_366 = arith.index_cast %add3A_359 : i32 to index
            %swap3A_367 = tpu.vector_load %arg19[%swap3A_366] masked %le3A_236 {strides = array<i32>} : memref<192xf32, #tpu.memory_space<vmem>>, vector<16xf32>, vector<16xi1>
            tpu.vector_store %arg19[%swap3A_366], %add3A_234 masked %le3A_236 {strides = array<i32>} : memref<192xf32, #tpu.memory_space<vmem>>, vector<16xf32>, vector<16xi1>
            %slice3A_368 = vector.extract_strided_slice %all_reduce_population_count3A_237 {offsets = [0], sizes = [1], strides = [1]} : vector<16xi32> to vector<1xi32>
            %squeeze3A_369 = vector.extract %slice3A_368[0] : i32 from vector<1xi32>
            %add3A_370 = arith.addi %add3A_359, %squeeze3A_369 : i32
            %add3A_371 = arith.constant 80 : i32
            %add3A_372 = arith.addi %mul3A_130, %add3A_371 : i32
            %add3A_373 = vector.broadcast %add3A_372 : i32 to vector<16xi32>
            %add3A_374 = arith.addi %add3A_373, %iota3A : vector<16xi32>
            %swap3A_375 = arith.index_cast %add3A_370 : i32 to index
            %swap3A_376 = tpu.vector_load %arg18[%swap3A_375] masked %le3A_258 {strides = array<i32>} : memref<192xi32, #tpu.memory_space<vmem>>, vector<16xi32>, vector<16xi1>
            tpu.vector_store %arg18[%swap3A_375], %add3A_374 masked %le3A_258 {strides = array<i32>} : memref<192xi32, #tpu.memory_space<vmem>>, vector<16xi32>, vector<16xi1>
            %swap3A_377 = arith.index_cast %add3A_370 : i32 to index
            %swap3A_378 = tpu.vector_load %arg19[%swap3A_377] masked %le3A_258 {strides = array<i32>} : memref<192xf32, #tpu.memory_space<vmem>>, vector<16xf32>, vector<16xi1>
            tpu.vector_store %arg19[%swap3A_377], %add3A_256 masked %le3A_258 {strides = array<i32>} : memref<192xf32, #tpu.memory_space<vmem>>, vector<16xf32>, vector<16xi1>
            %slice3A_379 = vector.extract_strided_slice %all_reduce_population_count3A_259 {offsets = [0], sizes = [1], strides = [1]} : vector<16xi32> to vector<1xi32>
            %squeeze3A_380 = vector.extract %slice3A_379[0] : i32 from vector<1xi32>
            %add3A_381 = arith.addi %add3A_370, %squeeze3A_380 : i32
            %add3A_382 = arith.constant 96 : i32
            %add3A_383 = arith.addi %mul3A_130, %add3A_382 : i32
            %add3A_384 = vector.broadcast %add3A_383 : i32 to vector<16xi32>
            %add3A_385 = arith.addi %add3A_384, %iota3A : vector<16xi32>
            %swap3A_386 = arith.index_cast %add3A_381 : i32 to index
            %swap3A_387 = tpu.vector_load %arg18[%swap3A_386] masked %le3A_280 {strides = array<i32>} : memref<192xi32, #tpu.memory_space<vmem>>, vector<16xi32>, vector<16xi1>
            tpu.vector_store %arg18[%swap3A_386], %add3A_385 masked %le3A_280 {strides = array<i32>} : memref<192xi32, #tpu.memory_space<vmem>>, vector<16xi32>, vector<16xi1>
            %swap3A_388 = arith.index_cast %add3A_381 : i32 to index
            %swap3A_389 = tpu.vector_load %arg19[%swap3A_388] masked %le3A_280 {strides = array<i32>} : memref<192xf32, #tpu.memory_space<vmem>>, vector<16xf32>, vector<16xi1>
            tpu.vector_store %arg19[%swap3A_388], %add3A_278 masked %le3A_280 {strides = array<i32>} : memref<192xf32, #tpu.memory_space<vmem>>, vector<16xf32>, vector<16xi1>
            %slice3A_390 = vector.extract_strided_slice %all_reduce_population_count3A_281 {offsets = [0], sizes = [1], strides = [1]} : vector<16xi32> to vector<1xi32>
            %squeeze3A_391 = vector.extract %slice3A_390[0] : i32 from vector<1xi32>
            %add3A_392 = arith.addi %add3A_381, %squeeze3A_391 : i32
            %add3A_393 = arith.constant 112 : i32
            %add3A_394 = arith.addi %mul3A_130, %add3A_393 : i32
            %add3A_395 = vector.broadcast %add3A_394 : i32 to vector<16xi32>
            %add3A_396 = arith.addi %add3A_395, %iota3A : vector<16xi32>
            %swap3A_397 = arith.index_cast %add3A_392 : i32 to index
            %swap3A_398 = tpu.vector_load %arg18[%swap3A_397] masked %le3A_302 {strides = array<i32>} : memref<192xi32, #tpu.memory_space<vmem>>, vector<16xi32>, vector<16xi1>
            tpu.vector_store %arg18[%swap3A_397], %add3A_396 masked %le3A_302 {strides = array<i32>} : memref<192xi32, #tpu.memory_space<vmem>>, vector<16xi32>, vector<16xi1>
            %swap3A_399 = arith.index_cast %add3A_392 : i32 to index
            %swap3A_400 = tpu.vector_load %arg19[%swap3A_399] masked %le3A_302 {strides = array<i32>} : memref<192xf32, #tpu.memory_space<vmem>>, vector<16xf32>, vector<16xi1>
            tpu.vector_store %arg19[%swap3A_399], %add3A_300 masked %le3A_302 {strides = array<i32>} : memref<192xf32, #tpu.memory_space<vmem>>, vector<16xf32>, vector<16xi1>
            %slice3A_401 = vector.extract_strided_slice %all_reduce_population_count3A_303 {offsets = [0], sizes = [1], strides = [1]} : vector<16xi32> to vector<1xi32>
            %squeeze3A_402 = vector.extract %slice3A_401[0] : i32 from vector<1xi32>
            %add3A_403 = arith.addi %add3A_392, %squeeze3A_402 : i32
            %add3A_404 = arith.addi %scan3A_128, %squeeze3A : i32
            scf.yield %add3A_404 : i32
          } else {
            scf.yield %scan3A_128 : i32
          }
          scf.yield %cond3A_315 : i32
        }
        %scan3A_80 = arith.constant 80 : i32
        %add3A_81 = arith.addi %mul3A_16, %scan3A_32 : i32
        %get3A_82 = arith.constant 0 : index
        %get3A_83 = tpu.vector_load %arg18[%get3A_82] {strides = array<i32>} : memref<192xi32, #tpu.memory_space<vmem>>, vector<16xi32>,
        %swap3A_84 = arith.constant 0 : index
        %swap3A_85 = tpu.vector_load %arg20[%swap3A_84] {strides = array<i32>} : memref<64xi32, #tpu.memory_space<vmem>>, vector<16xi32>,
        tpu.vector_store %arg20[%swap3A_84], %get3A_83 {strides = array<i32>} : memref<64xi32, #tpu.memory_space<vmem>>, vector<16xi32>,
        %get3A_86 = arith.constant 16 : index
        %get3A_87 = tpu.vector_load %arg18[%get3A_86] {strides = array<i32>} : memref<192xi32, #tpu.memory_space<vmem>>, vector<16xi32>,
        %swap3A_88 = arith.constant 16 : index
        %swap3A_89 = tpu.vector_load %arg20[%swap3A_88] {strides = array<i32>} : memref<64xi32, #tpu.memory_space<vmem>>, vector<16xi32>,
        tpu.vector_store %arg20[%swap3A_88], %get3A_87 {strides = array<i32>} : memref<64xi32, #tpu.memory_space<vmem>>, vector<16xi32>,
        %get3A_90 = arith.constant 32 : index
        %get3A_91 = tpu.vector_load %arg18[%get3A_90] {strides = array<i32>} : memref<192xi32, #tpu.memory_space<vmem>>, vector<16xi32>,
        %swap3A_92 = arith.constant 32 : index
        %swap3A_93 = tpu.vector_load %arg20[%swap3A_92] {strides = array<i32>} : memref<64xi32, #tpu.memory_space<vmem>>, vector<16xi32>,
        tpu.vector_store %arg20[%swap3A_92], %get3A_91 {strides = array<i32>} : memref<64xi32, #tpu.memory_space<vmem>>, vector<16xi32>,
        %get3A_94 = arith.constant 48 : index
        %get3A_95 = tpu.vector_load %arg18[%get3A_94] {strides = array<i32>} : memref<192xi32, #tpu.memory_space<vmem>>, vector<16xi32>,
        %swap3A_96 = arith.constant 48 : index
        %swap3A_97 = tpu.vector_load %arg20[%swap3A_96] {strides = array<i32>} : memref<64xi32, #tpu.memory_space<vmem>>, vector<16xi32>,
        tpu.vector_store %arg20[%swap3A_96], %get3A_95 {strides = array<i32>} : memref<64xi32, #tpu.memory_space<vmem>>, vector<16xi32>,
        %dma_start3A = arith.constant 0 : i32
        %dma_start3A_98 = arith.constant 0 : i32
        %dma_start3A_99 = tpu.memref_slice %arg9[%dma_start3A, %dma_start3A_98] : memref<10240x16xf32, #tpu.memory_space<hbm>> -> memref<10240x16xf32, #tpu.memory_space<hbm>>
        tpu.enqueue_indirect_dma source(%dma_start3A_99 : memref<10240x16xf32, #tpu.memory_space<hbm>>) target(%arg21 : memref<64x16xf32, #tpu.memory_space<vmem>>) offsets(%arg20 : memref<64xi32, #tpu.memory_space<vmem>>) semaphore(%arg22 : memref<!tpu.dma_semaphore, #tpu.memory_space<semaphore_mem>>)
        %dma_wait3A = arith.constant 0 : i32
        %dma_wait3A_100 = arith.constant 0 : i32
        %dma_wait3A_101 = tpu.memref_slice %arg9[%dma_wait3A, %dma_wait3A_100] : memref<10240x16xf32, #tpu.memory_space<hbm>> -> memref<10240x16xf32, #tpu.memory_space<hbm>>
        tpu.wait_indirect_dma semaphore(%arg22 : memref<!tpu.dma_semaphore, #tpu.memory_space<semaphore_mem>>) src(%dma_wait3A_101 : memref<10240x16xf32, #tpu.memory_space<hbm>>) dst(%arg21 : memref<64x16xf32, #tpu.memory_space<vmem>>)
        %broadcast_in_dim3A_102 = arith.constant 6 : i32
        %broadcast_in_dim3A_103 = vector.broadcast %broadcast_in_dim3A_102 : i32 to vector<16xi32>
        %add3A_104 = arith.constant 0 : i32
        %add3A_105 = vector.broadcast %add3A_104 : i32 to vector<16xi32>
        %add3A_106 = arith.addi %add3A_105, %iota3A : vector<16xi32>
        %get3A_107 = arith.constant 0 : index
        %get3A_108 = tpu.vector_load %arg19[%get3A_107] {strides = array<i32>} : memref<192xf32, #tpu.memory_space<vmem>>, vector<16xf32>,
        tpu.vector_store_idx %arg21[%add3A_106, %broadcast_in_dim3A_103], %get3A_108 : memref<64x16xf32, #tpu.memory_space<vmem>>[vector<16xi32>, vector<16xi32>], vector<16xf32>,
        %add3A_109 = arith.constant 16 : i32
        %add3A_110 = vector.broadcast %add3A_109 : i32 to vector<16xi32>
        %add3A_111 = arith.addi %add3A_110, %iota3A : vector<16xi32>
        %get3A_112 = arith.constant 16 : index
        %get3A_113 = tpu.vector_load %arg19[%get3A_112] {strides = array<i32>} : memref<192xf32, #tpu.memory_space<vmem>>, vector<16xf32>,
        tpu.vector_store_idx %arg21[%add3A_111, %broadcast_in_dim3A_103], %get3A_113 : memref<64x16xf32, #tpu.memory_space<vmem>>[vector<16xi32>, vector<16xi32>], vector<16xf32>,
        %add3A_114 = arith.constant 32 : i32
        %add3A_115 = vector.broadcast %add3A_114 : i32 to vector<16xi32>
        %add3A_116 = arith.addi %add3A_115, %iota3A : vector<16xi32>
        %get3A_117 = arith.constant 32 : index
        %get3A_118 = tpu.vector_load %arg19[%get3A_117] {strides = array<i32>} : memref<192xf32, #tpu.memory_space<vmem>>, vector<16xf32>,
        tpu.vector_store_idx %arg21[%add3A_116, %broadcast_in_dim3A_103], %get3A_118 : memref<64x16xf32, #tpu.memory_space<vmem>>[vector<16xi32>, vector<16xi32>], vector<16xf32>,
        %add3A_119 = arith.constant 48 : i32
        %add3A_120 = vector.broadcast %add3A_119 : i32 to vector<16xi32>
        %add3A_121 = arith.addi %add3A_120, %iota3A : vector<16xi32>
        %get3A_122 = arith.constant 48 : index
        %get3A_123 = tpu.vector_load %arg19[%get3A_122] {strides = array<i32>} : memref<192xf32, #tpu.memory_space<vmem>>, vector<16xf32>,
        tpu.vector_store_idx %arg21[%add3A_121, %broadcast_in_dim3A_103], %get3A_123 : memref<64x16xf32, #tpu.memory_space<vmem>>[vector<16xi32>, vector<16xi32>], vector<16xf32>,
        %mul3A_124 = arith.constant 64 : i32
        %mul3A_125 = arith.muli %add3A_81, %mul3A_124 : i32
        "tpu.region"() ({
          %run_scoped3A = tpu.sem_alloc : memref<!tpu.dma_semaphore, #tpu.memory_space<semaphore_mem>>
          %dma_start3A_127 = arith.constant 0 : i32
          %dma_start3A_128 = tpu.memref_slice %arg10[%mul3A_125, %dma_start3A_127] : memref<131072x16xf32, #tpu.memory_space<hbm>> -> memref<64x16xf32, #tpu.memory_space<hbm>>
          %dma_start3A_129 = arith.constant 0 : i32
          %dma_start3A_130 = tpu.memref_slice %arg10[%mul3A_125, %dma_start3A_129] : memref<131072x16xf32, #tpu.memory_space<hbm>> -> memref<64x16xf32, #tpu.memory_space<hbm>>
          tpu.enqueue_dma source(%arg21 : memref<64x16xf32, #tpu.memory_space<vmem>>) target(%dma_start3A_130 : memref<64x16xf32, #tpu.memory_space<hbm>>) target_semaphore(%run_scoped3A : memref<!tpu.dma_semaphore, #tpu.memory_space<semaphore_mem>>)
          %dma_wait3A_131 = arith.constant 0 : i32
          %dma_wait3A_132 = tpu.memref_slice %arg10[%mul3A_125, %dma_wait3A_131] : memref<131072x16xf32, #tpu.memory_space<hbm>> -> memref<64x16xf32, #tpu.memory_space<hbm>>
          %dma_wait3A_133 = arith.constant 0 : i32
          %dma_wait3A_134 = tpu.memref_slice %arg10[%mul3A_125, %dma_wait3A_133] : memref<131072x16xf32, #tpu.memory_space<hbm>> -> memref<64x16xf32, #tpu.memory_space<hbm>>
          tpu.wait_dma2 semaphore(%run_scoped3A : memref<!tpu.dma_semaphore, #tpu.memory_space<semaphore_mem>>) src(%arg21 : memref<64x16xf32, #tpu.memory_space<vmem>>) dst(%dma_wait3A_134 : memref<64x16xf32, #tpu.memory_space<hbm>>)
          tpu.yield
        }) : () -> ()
        %scan3A_126 = arith.constant 0 : i32
        scf.yield %scan3A_126 : i32
      }
      %scan3A_30 = arith.constant 16 : i32
      %scan3A_31 = arith.constant 0 : i32
      scf.yield %scan3A_31 : i32
    }
    %scan3A_9 = arith.constant 4 : i32
    return
  }
}

#map = affine_map<(d0, d1) -> (0)>
#map1 = affine_map<(d0, d1) -> (0, 0)>
module attributes {stable_mosaic.version = 14 : i64} {
  func.func @_sc_select_body(%arg0: i32, %arg1: i32, %arg2: memref<2048xf32, #tpu.memory_space<hbm>>, %arg3: memref<2048xf32, #tpu.memory_space<hbm>>, %arg4: memref<2048xf32, #tpu.memory_space<hbm>>, %arg5: memref<512xf32, #tpu.memory_space<hbm>>, %arg6: memref<512xf32, #tpu.memory_space<hbm>>, %arg7: memref<512xf32, #tpu.memory_space<hbm>>, %arg8: memref<512xf32, #tpu.memory_space<hbm>>, %arg9: memref<2048x144xf32, #tpu.memory_space<hbm>>, %arg10: memref<32768x144xf32, #tpu.memory_space<hbm>>, %arg11: memref<2048xf32, #tpu.memory_space<vmem>>, %arg12: memref<2048xf32, #tpu.memory_space<vmem>>, %arg13: memref<2048xf32, #tpu.memory_space<vmem>>, %arg14: memref<16xf32, #tpu.memory_space<vmem>>, %arg15: memref<16xf32, #tpu.memory_space<vmem>>, %arg16: memref<16xf32, #tpu.memory_space<vmem>>, %arg17: memref<16xf32, #tpu.memory_space<vmem>>, %arg18: memref<192xi32, #tpu.memory_space<vmem>>, %arg19: memref<192xf32, #tpu.memory_space<vmem>>, %arg20: memref<64xi32, #tpu.memory_space<vmem>>, %arg21: memref<64x144xf32, #tpu.memory_space<vmem>>, %arg22: memref<!tpu.dma_semaphore, #tpu.memory_space<semaphore_mem>>) attributes {dimension_semantics = [#tpu.dimension_semantics<core_parallel>, #tpu.dimension_semantics<subcore_parallel>], iteration_bounds = array<i64: 2, 16>, scalar_prefetch = 0 : i64, scratch_operands = 12 : i64, tpu.core_type = #tpu.core_type<sc_vector_subcore>, window_params = [{transform_indices = #map}, {transform_indices = #map}, {transform_indices = #map}, {transform_indices = #map}, {transform_indices = #map}, {transform_indices = #map}, {transform_indices = #map}, {transform_indices = #map1}, {transform_indices = #map1}]} {
    %mul3A = arith.constant 2 : i32
    %mul3A_0 = arith.muli %arg1, %mul3A : i32
    %add3A = arith.addi %mul3A_0, %arg0 : i32
    "tpu.region"() ({
      %run_scoped3A = tpu.sem_alloc : memref<!tpu.dma_semaphore, #tpu.memory_space<semaphore_mem>>
      tpu.enqueue_dma source(%arg2 : memref<2048xf32, #tpu.memory_space<hbm>>) target(%arg11 : memref<2048xf32, #tpu.memory_space<vmem>>) target_semaphore(%run_scoped3A : memref<!tpu.dma_semaphore, #tpu.memory_space<semaphore_mem>>)
      tpu.wait_dma2 semaphore(%run_scoped3A : memref<!tpu.dma_semaphore, #tpu.memory_space<semaphore_mem>>) src(%arg2 : memref<2048xf32, #tpu.memory_space<hbm>>) dst(%arg11 : memref<2048xf32, #tpu.memory_space<vmem>>)
      tpu.yield
    }) : () -> ()
    "tpu.region"() ({
      %run_scoped3A = tpu.sem_alloc : memref<!tpu.dma_semaphore, #tpu.memory_space<semaphore_mem>>
      tpu.enqueue_dma source(%arg3 : memref<2048xf32, #tpu.memory_space<hbm>>) target(%arg12 : memref<2048xf32, #tpu.memory_space<vmem>>) target_semaphore(%run_scoped3A : memref<!tpu.dma_semaphore, #tpu.memory_space<semaphore_mem>>)
      tpu.wait_dma2 semaphore(%run_scoped3A : memref<!tpu.dma_semaphore, #tpu.memory_space<semaphore_mem>>) src(%arg3 : memref<2048xf32, #tpu.memory_space<hbm>>) dst(%arg12 : memref<2048xf32, #tpu.memory_space<vmem>>)
      tpu.yield
    }) : () -> ()
    "tpu.region"() ({
      %run_scoped3A = tpu.sem_alloc : memref<!tpu.dma_semaphore, #tpu.memory_space<semaphore_mem>>
      tpu.enqueue_dma source(%arg4 : memref<2048xf32, #tpu.memory_space<hbm>>) target(%arg13 : memref<2048xf32, #tpu.memory_space<vmem>>) target_semaphore(%run_scoped3A : memref<!tpu.dma_semaphore, #tpu.memory_space<semaphore_mem>>)
      tpu.wait_dma2 semaphore(%run_scoped3A : memref<!tpu.dma_semaphore, #tpu.memory_space<semaphore_mem>>) src(%arg4 : memref<2048xf32, #tpu.memory_space<hbm>>) dst(%arg13 : memref<2048xf32, #tpu.memory_space<vmem>>)
      tpu.yield
    }) : () -> ()
    %iota3A = tpu.iota {dimensions = array<i32: 0>} : vector<16xi32>
    %broadcast_in_dim3A = arith.constant 0 : i32
    %broadcast_in_dim3A_1 = vector.broadcast %broadcast_in_dim3A : i32 to vector<16xi32>
    %broadcast_in_dim3A_2 = arith.constant 0x7F800000 : f32
    %broadcast_in_dim3A_3 = vector.broadcast %broadcast_in_dim3A_2 : f32 to vector<16xf32>
    %scan3A = arith.constant 0 : i32
    %scan3A_4 = arith.constant 0 : i32
    %mul3A_5 = arith.constant 1 : i32
    %mul3A_6 = arith.muli %add3A, %mul3A_5 : i32
    %add3A_7 = arith.addi %mul3A_6, %scan3A_4 : i32
    %mul3A_8 = arith.constant 16 : i32
    %mul3A_9 = arith.muli %add3A_7, %mul3A_8 : i32
    "tpu.region"() ({
      %run_scoped3A = tpu.sem_alloc : memref<!tpu.dma_semaphore, #tpu.memory_space<semaphore_mem>>
      %dma_start3A = tpu.memref_slice %arg5[%mul3A_9] : memref<512xf32, #tpu.memory_space<hbm>> -> memref<16xf32, #tpu.memory_space<hbm>>
      %dma_start3A_26 = tpu.memref_slice %arg5[%mul3A_9] : memref<512xf32, #tpu.memory_space<hbm>> -> memref<16xf32, #tpu.memory_space<hbm>>
      tpu.enqueue_dma source(%dma_start3A_26 : memref<16xf32, #tpu.memory_space<hbm>>) target(%arg14 : memref<16xf32, #tpu.memory_space<vmem>>) target_semaphore(%run_scoped3A : memref<!tpu.dma_semaphore, #tpu.memory_space<semaphore_mem>>)
      %dma_wait3A = tpu.memref_slice %arg5[%mul3A_9] : memref<512xf32, #tpu.memory_space<hbm>> -> memref<16xf32, #tpu.memory_space<hbm>>
      %dma_wait3A_27 = tpu.memref_slice %arg5[%mul3A_9] : memref<512xf32, #tpu.memory_space<hbm>> -> memref<16xf32, #tpu.memory_space<hbm>>
      tpu.wait_dma2 semaphore(%run_scoped3A : memref<!tpu.dma_semaphore, #tpu.memory_space<semaphore_mem>>) src(%dma_wait3A_27 : memref<16xf32, #tpu.memory_space<hbm>>) dst(%arg14 : memref<16xf32, #tpu.memory_space<vmem>>)
      tpu.yield
    }) : () -> ()
    "tpu.region"() ({
      %run_scoped3A = tpu.sem_alloc : memref<!tpu.dma_semaphore, #tpu.memory_space<semaphore_mem>>
      %dma_start3A = tpu.memref_slice %arg6[%mul3A_9] : memref<512xf32, #tpu.memory_space<hbm>> -> memref<16xf32, #tpu.memory_space<hbm>>
      %dma_start3A_26 = tpu.memref_slice %arg6[%mul3A_9] : memref<512xf32, #tpu.memory_space<hbm>> -> memref<16xf32, #tpu.memory_space<hbm>>
      tpu.enqueue_dma source(%dma_start3A_26 : memref<16xf32, #tpu.memory_space<hbm>>) target(%arg15 : memref<16xf32, #tpu.memory_space<vmem>>) target_semaphore(%run_scoped3A : memref<!tpu.dma_semaphore, #tpu.memory_space<semaphore_mem>>)
      %dma_wait3A = tpu.memref_slice %arg6[%mul3A_9] : memref<512xf32, #tpu.memory_space<hbm>> -> memref<16xf32, #tpu.memory_space<hbm>>
      %dma_wait3A_27 = tpu.memref_slice %arg6[%mul3A_9] : memref<512xf32, #tpu.memory_space<hbm>> -> memref<16xf32, #tpu.memory_space<hbm>>
      tpu.wait_dma2 semaphore(%run_scoped3A : memref<!tpu.dma_semaphore, #tpu.memory_space<semaphore_mem>>) src(%dma_wait3A_27 : memref<16xf32, #tpu.memory_space<hbm>>) dst(%arg15 : memref<16xf32, #tpu.memory_space<vmem>>)
      tpu.yield
    }) : () -> ()
    "tpu.region"() ({
      %run_scoped3A = tpu.sem_alloc : memref<!tpu.dma_semaphore, #tpu.memory_space<semaphore_mem>>
      %dma_start3A = tpu.memref_slice %arg7[%mul3A_9] : memref<512xf32, #tpu.memory_space<hbm>> -> memref<16xf32, #tpu.memory_space<hbm>>
      %dma_start3A_26 = tpu.memref_slice %arg7[%mul3A_9] : memref<512xf32, #tpu.memory_space<hbm>> -> memref<16xf32, #tpu.memory_space<hbm>>
      tpu.enqueue_dma source(%dma_start3A_26 : memref<16xf32, #tpu.memory_space<hbm>>) target(%arg16 : memref<16xf32, #tpu.memory_space<vmem>>) target_semaphore(%run_scoped3A : memref<!tpu.dma_semaphore, #tpu.memory_space<semaphore_mem>>)
      %dma_wait3A = tpu.memref_slice %arg7[%mul3A_9] : memref<512xf32, #tpu.memory_space<hbm>> -> memref<16xf32, #tpu.memory_space<hbm>>
      %dma_wait3A_27 = tpu.memref_slice %arg7[%mul3A_9] : memref<512xf32, #tpu.memory_space<hbm>> -> memref<16xf32, #tpu.memory_space<hbm>>
      tpu.wait_dma2 semaphore(%run_scoped3A : memref<!tpu.dma_semaphore, #tpu.memory_space<semaphore_mem>>) src(%dma_wait3A_27 : memref<16xf32, #tpu.memory_space<hbm>>) dst(%arg16 : memref<16xf32, #tpu.memory_space<vmem>>)
      tpu.yield
    }) : () -> ()
    "tpu.region"() ({
      %run_scoped3A = tpu.sem_alloc : memref<!tpu.dma_semaphore, #tpu.memory_space<semaphore_mem>>
      %dma_start3A = tpu.memref_slice %arg8[%mul3A_9] : memref<512xf32, #tpu.memory_space<hbm>> -> memref<16xf32, #tpu.memory_space<hbm>>
      %dma_start3A_26 = tpu.memref_slice %arg8[%mul3A_9] : memref<512xf32, #tpu.memory_space<hbm>> -> memref<16xf32, #tpu.memory_space<hbm>>
      tpu.enqueue_dma source(%dma_start3A_26 : memref<16xf32, #tpu.memory_space<hbm>>) target(%arg17 : memref<16xf32, #tpu.memory_space<vmem>>) target_semaphore(%run_scoped3A : memref<!tpu.dma_semaphore, #tpu.memory_space<semaphore_mem>>)
      %dma_wait3A = tpu.memref_slice %arg8[%mul3A_9] : memref<512xf32, #tpu.memory_space<hbm>> -> memref<16xf32, #tpu.memory_space<hbm>>
      %dma_wait3A_27 = tpu.memref_slice %arg8[%mul3A_9] : memref<512xf32, #tpu.memory_space<hbm>> -> memref<16xf32, #tpu.memory_space<hbm>>
      tpu.wait_dma2 semaphore(%run_scoped3A : memref<!tpu.dma_semaphore, #tpu.memory_space<semaphore_mem>>) src(%dma_wait3A_27 : memref<16xf32, #tpu.memory_space<hbm>>) dst(%arg17 : memref<16xf32, #tpu.memory_space<vmem>>)
      tpu.yield
    }) : () -> ()
    %get3A = arith.constant 0 : index
    %get3A_10 = tpu.vector_load %arg14[%get3A] {strides = array<i32>} : memref<16xf32, #tpu.memory_space<vmem>>, vector<16xf32>,
    %get3A_11 = arith.constant 0 : index
    %get3A_12 = tpu.vector_load %arg15[%get3A_11] {strides = array<i32>} : memref<16xf32, #tpu.memory_space<vmem>>, vector<16xf32>,
    %get3A_13 = arith.constant 0 : index
    %get3A_14 = tpu.vector_load %arg16[%get3A_13] {strides = array<i32>} : memref<16xf32, #tpu.memory_space<vmem>>, vector<16xf32>,
    %get3A_15 = arith.constant 0 : index
    %get3A_16 = tpu.vector_load %arg17[%get3A_15] {strides = array<i32>} : memref<16xf32, #tpu.memory_space<vmem>>, vector<16xf32>,
    %scan3A_17 = arith.constant 0 : i32
    %scan3A_18 = arith.constant 0 : i32
    %scan3A_19 = arith.constant 16 : i32
    %scan3A_20 = arith.addi %scan3A_18, %scan3A_19 : i32
    %scan3A_21 = arith.constant 1 : i32
    %scan3A_22 = scf.for %scan3A_26 = %scan3A_18 to %scan3A_20 step %scan3A_21 iter_args(%scan3A_27 = %scan3A_17) -> (i32)  : i32 {
      %eq3A = vector.broadcast %scan3A_26 : i32 to vector<16xi32>
      %eq3A_28 = arith.cmpi eq, %iota3A, %eq3A : vector<16xi32>
      %convert_element_type3A = arith.extui %eq3A_28 : vector<16xi1> to vector<16xi32>
      %convert_element_type3A_29 = arith.sitofp %convert_element_type3A : vector<16xi32> to vector<16xf32>
      %mul3A_30 = arith.mulf %get3A_10, %convert_element_type3A_29 : vector<16xf32>
      %reduce_sum3A = arith.constant true
      %reduce_sum3A_31 = vector.broadcast %reduce_sum3A : i1 to vector<16xi1>
      %reduce_sum3A_32 = tpu.scan <sum>, %mul3A_30 masked %reduce_sum3A_31 : vector<16xf32>, vector<16xi1> -> vector<16xf32>
      %reduce_sum3A_33 = vector.extract %reduce_sum3A_32[15] : f32 from vector<16xf32>
      %mul3A_34 = arith.mulf %get3A_12, %convert_element_type3A_29 : vector<16xf32>
      %reduce_sum3A_35 = arith.constant true
      %reduce_sum3A_36 = vector.broadcast %reduce_sum3A_35 : i1 to vector<16xi1>
      %reduce_sum3A_37 = tpu.scan <sum>, %mul3A_34 masked %reduce_sum3A_36 : vector<16xf32>, vector<16xi1> -> vector<16xf32>
      %reduce_sum3A_38 = vector.extract %reduce_sum3A_37[15] : f32 from vector<16xf32>
      %mul3A_39 = arith.mulf %get3A_14, %convert_element_type3A_29 : vector<16xf32>
      %reduce_sum3A_40 = arith.constant true
      %reduce_sum3A_41 = vector.broadcast %reduce_sum3A_40 : i1 to vector<16xi1>
      %reduce_sum3A_42 = tpu.scan <sum>, %mul3A_39 masked %reduce_sum3A_41 : vector<16xf32>, vector<16xi1> -> vector<16xf32>
      %reduce_sum3A_43 = vector.extract %reduce_sum3A_42[15] : f32 from vector<16xf32>
      %mul3A_44 = arith.mulf %get3A_16, %convert_element_type3A_29 : vector<16xf32>
      %reduce_sum3A_45 = arith.constant true
      %reduce_sum3A_46 = vector.broadcast %reduce_sum3A_45 : i1 to vector<16xi1>
      %reduce_sum3A_47 = tpu.scan <sum>, %mul3A_44 masked %reduce_sum3A_46 : vector<16xf32>, vector<16xi1> -> vector<16xf32>
      %reduce_sum3A_48 = vector.extract %reduce_sum3A_47[15] : f32 from vector<16xf32>
      %swap3A = arith.constant 0 : index
      %swap3A_49 = tpu.vector_load %arg18[%swap3A] {strides = array<i32>} : memref<192xi32, #tpu.memory_space<vmem>>, vector<16xi32>,
      tpu.vector_store %arg18[%swap3A], %broadcast_in_dim3A_1 {strides = array<i32>} : memref<192xi32, #tpu.memory_space<vmem>>, vector<16xi32>,
      %swap3A_50 = arith.constant 0 : index
      %swap3A_51 = tpu.vector_load %arg19[%swap3A_50] {strides = array<i32>} : memref<192xf32, #tpu.memory_space<vmem>>, vector<16xf32>,
      tpu.vector_store %arg19[%swap3A_50], %broadcast_in_dim3A_3 {strides = array<i32>} : memref<192xf32, #tpu.memory_space<vmem>>, vector<16xf32>,
      %swap3A_52 = arith.constant 16 : index
      %swap3A_53 = tpu.vector_load %arg18[%swap3A_52] {strides = array<i32>} : memref<192xi32, #tpu.memory_space<vmem>>, vector<16xi32>,
      tpu.vector_store %arg18[%swap3A_52], %broadcast_in_dim3A_1 {strides = array<i32>} : memref<192xi32, #tpu.memory_space<vmem>>, vector<16xi32>,
      %swap3A_54 = arith.constant 16 : index
      %swap3A_55 = tpu.vector_load %arg19[%swap3A_54] {strides = array<i32>} : memref<192xf32, #tpu.memory_space<vmem>>, vector<16xf32>,
      tpu.vector_store %arg19[%swap3A_54], %broadcast_in_dim3A_3 {strides = array<i32>} : memref<192xf32, #tpu.memory_space<vmem>>, vector<16xf32>,
      %swap3A_56 = arith.constant 32 : index
      %swap3A_57 = tpu.vector_load %arg18[%swap3A_56] {strides = array<i32>} : memref<192xi32, #tpu.memory_space<vmem>>, vector<16xi32>,
      tpu.vector_store %arg18[%swap3A_56], %broadcast_in_dim3A_1 {strides = array<i32>} : memref<192xi32, #tpu.memory_space<vmem>>, vector<16xi32>,
      %swap3A_58 = arith.constant 32 : index
      %swap3A_59 = tpu.vector_load %arg19[%swap3A_58] {strides = array<i32>} : memref<192xf32, #tpu.memory_space<vmem>>, vector<16xf32>,
      tpu.vector_store %arg19[%swap3A_58], %broadcast_in_dim3A_3 {strides = array<i32>} : memref<192xf32, #tpu.memory_space<vmem>>, vector<16xf32>,
      %swap3A_60 = arith.constant 48 : index
      %swap3A_61 = tpu.vector_load %arg18[%swap3A_60] {strides = array<i32>} : memref<192xi32, #tpu.memory_space<vmem>>, vector<16xi32>,
      tpu.vector_store %arg18[%swap3A_60], %broadcast_in_dim3A_1 {strides = array<i32>} : memref<192xi32, #tpu.memory_space<vmem>>, vector<16xi32>,
      %swap3A_62 = arith.constant 48 : index
      %swap3A_63 = tpu.vector_load %arg19[%swap3A_62] {strides = array<i32>} : memref<192xf32, #tpu.memory_space<vmem>>, vector<16xf32>,
      tpu.vector_store %arg19[%swap3A_62], %broadcast_in_dim3A_3 {strides = array<i32>} : memref<192xf32, #tpu.memory_space<vmem>>, vector<16xf32>,
      %swap3A_64 = arith.constant 64 : index
      %swap3A_65 = tpu.vector_load %arg18[%swap3A_64] {strides = array<i32>} : memref<192xi32, #tpu.memory_space<vmem>>, vector<16xi32>,
      tpu.vector_store %arg18[%swap3A_64], %broadcast_in_dim3A_1 {strides = array<i32>} : memref<192xi32, #tpu.memory_space<vmem>>, vector<16xi32>,
      %swap3A_66 = arith.constant 64 : index
      %swap3A_67 = tpu.vector_load %arg19[%swap3A_66] {strides = array<i32>} : memref<192xf32, #tpu.memory_space<vmem>>, vector<16xf32>,
      tpu.vector_store %arg19[%swap3A_66], %broadcast_in_dim3A_3 {strides = array<i32>} : memref<192xf32, #tpu.memory_space<vmem>>, vector<16xf32>,
      %scan3A_68 = arith.constant 0 : i32
      %scan3A_69 = arith.constant 0 : i32
      %scan3A_70 = arith.constant 16 : i32
      %scan3A_71 = arith.addi %scan3A_69, %scan3A_70 : i32
      %scan3A_72 = arith.constant 1 : i32
      %scan3A_73 = scf.for %scan3A_121 = %scan3A_69 to %scan3A_71 step %scan3A_72 iter_args(%scan3A_122 = %scan3A_68) -> (i32)  : i32 {
        %mul3A_123 = arith.constant 128 : i32
        %mul3A_124 = arith.muli %scan3A_121, %mul3A_123 : i32
        %add3A_125 = arith.constant 0 : i32
        %add3A_126 = arith.addi %mul3A_124, %add3A_125 : i32
        %get3A_127 = arith.index_cast %add3A_126 : i32 to index
        %get3A_128 = tpu.vector_load %arg11[%get3A_127] {strides = array<i32>} : memref<2048xf32, #tpu.memory_space<vmem>>, vector<16xf32>,
        %get3A_129 = arith.index_cast %add3A_126 : i32 to index
        %get3A_130 = tpu.vector_load %arg12[%get3A_129] {strides = array<i32>} : memref<2048xf32, #tpu.memory_space<vmem>>, vector<16xf32>,
        %get3A_131 = arith.index_cast %add3A_126 : i32 to index
        %get3A_132 = tpu.vector_load %arg13[%get3A_131] {strides = array<i32>} : memref<2048xf32, #tpu.memory_space<vmem>>, vector<16xf32>,
        %sub3A = vector.broadcast %reduce_sum3A_33 : f32 to vector<16xf32>
        %sub3A_133 = arith.subf %get3A_128, %sub3A : vector<16xf32>
        %sub3A_134 = vector.broadcast %reduce_sum3A_38 : f32 to vector<16xf32>
        %sub3A_135 = arith.subf %get3A_130, %sub3A_134 : vector<16xf32>
        %sub3A_136 = vector.broadcast %reduce_sum3A_43 : f32 to vector<16xf32>
        %sub3A_137 = arith.subf %get3A_132, %sub3A_136 : vector<16xf32>
        %mul3A_138 = arith.mulf %sub3A_133, %sub3A_133 : vector<16xf32>
        %mul3A_139 = arith.mulf %sub3A_135, %sub3A_135 : vector<16xf32>
        %add3A_140 = arith.addf %mul3A_138, %mul3A_139 : vector<16xf32>
        %mul3A_141 = arith.mulf %sub3A_137, %sub3A_137 : vector<16xf32>
        %add3A_142 = arith.addf %add3A_140, %mul3A_141 : vector<16xf32>
        %le3A = vector.broadcast %reduce_sum3A_48 : f32 to vector<16xf32>
        %le3A_143 = arith.cmpf ole, %add3A_142, %le3A : vector<16xf32>
        %all_reduce_population_count3A = tpu.all_reduce %le3A_143 {dim = 0 : i64, kind = #tpu.reduction_kind<sum>} : vector<16xi1> -> vector<16xi32>
        %add3A_144 = arith.constant 16 : i32
        %add3A_145 = arith.addi %mul3A_124, %add3A_144 : i32
        %get3A_146 = arith.index_cast %add3A_145 : i32 to index
        %get3A_147 = tpu.vector_load %arg11[%get3A_146] {strides = array<i32>} : memref<2048xf32, #tpu.memory_space<vmem>>, vector<16xf32>,
        %get3A_148 = arith.index_cast %add3A_145 : i32 to index
        %get3A_149 = tpu.vector_load %arg12[%get3A_148] {strides = array<i32>} : memref<2048xf32, #tpu.memory_space<vmem>>, vector<16xf32>,
        %get3A_150 = arith.index_cast %add3A_145 : i32 to index
        %get3A_151 = tpu.vector_load %arg13[%get3A_150] {strides = array<i32>} : memref<2048xf32, #tpu.memory_space<vmem>>, vector<16xf32>,
        %sub3A_152 = vector.broadcast %reduce_sum3A_33 : f32 to vector<16xf32>
        %sub3A_153 = arith.subf %get3A_147, %sub3A_152 : vector<16xf32>
        %sub3A_154 = vector.broadcast %reduce_sum3A_38 : f32 to vector<16xf32>
        %sub3A_155 = arith.subf %get3A_149, %sub3A_154 : vector<16xf32>
        %sub3A_156 = vector.broadcast %reduce_sum3A_43 : f32 to vector<16xf32>
        %sub3A_157 = arith.subf %get3A_151, %sub3A_156 : vector<16xf32>
        %mul3A_158 = arith.mulf %sub3A_153, %sub3A_153 : vector<16xf32>
        %mul3A_159 = arith.mulf %sub3A_155, %sub3A_155 : vector<16xf32>
        %add3A_160 = arith.addf %mul3A_158, %mul3A_159 : vector<16xf32>
        %mul3A_161 = arith.mulf %sub3A_157, %sub3A_157 : vector<16xf32>
        %add3A_162 = arith.addf %add3A_160, %mul3A_161 : vector<16xf32>
        %le3A_163 = vector.broadcast %reduce_sum3A_48 : f32 to vector<16xf32>
        %le3A_164 = arith.cmpf ole, %add3A_162, %le3A_163 : vector<16xf32>
        %all_reduce_population_count3A_165 = tpu.all_reduce %le3A_164 {dim = 0 : i64, kind = #tpu.reduction_kind<sum>} : vector<16xi1> -> vector<16xi32>
        %add3A_166 = arith.constant 32 : i32
        %add3A_167 = arith.addi %mul3A_124, %add3A_166 : i32
        %get3A_168 = arith.index_cast %add3A_167 : i32 to index
        %get3A_169 = tpu.vector_load %arg11[%get3A_168] {strides = array<i32>} : memref<2048xf32, #tpu.memory_space<vmem>>, vector<16xf32>,
        %get3A_170 = arith.index_cast %add3A_167 : i32 to index
        %get3A_171 = tpu.vector_load %arg12[%get3A_170] {strides = array<i32>} : memref<2048xf32, #tpu.memory_space<vmem>>, vector<16xf32>,
        %get3A_172 = arith.index_cast %add3A_167 : i32 to index
        %get3A_173 = tpu.vector_load %arg13[%get3A_172] {strides = array<i32>} : memref<2048xf32, #tpu.memory_space<vmem>>, vector<16xf32>,
        %sub3A_174 = vector.broadcast %reduce_sum3A_33 : f32 to vector<16xf32>
        %sub3A_175 = arith.subf %get3A_169, %sub3A_174 : vector<16xf32>
        %sub3A_176 = vector.broadcast %reduce_sum3A_38 : f32 to vector<16xf32>
        %sub3A_177 = arith.subf %get3A_171, %sub3A_176 : vector<16xf32>
        %sub3A_178 = vector.broadcast %reduce_sum3A_43 : f32 to vector<16xf32>
        %sub3A_179 = arith.subf %get3A_173, %sub3A_178 : vector<16xf32>
        %mul3A_180 = arith.mulf %sub3A_175, %sub3A_175 : vector<16xf32>
        %mul3A_181 = arith.mulf %sub3A_177, %sub3A_177 : vector<16xf32>
        %add3A_182 = arith.addf %mul3A_180, %mul3A_181 : vector<16xf32>
        %mul3A_183 = arith.mulf %sub3A_179, %sub3A_179 : vector<16xf32>
        %add3A_184 = arith.addf %add3A_182, %mul3A_183 : vector<16xf32>
        %le3A_185 = vector.broadcast %reduce_sum3A_48 : f32 to vector<16xf32>
        %le3A_186 = arith.cmpf ole, %add3A_184, %le3A_185 : vector<16xf32>
        %all_reduce_population_count3A_187 = tpu.all_reduce %le3A_186 {dim = 0 : i64, kind = #tpu.reduction_kind<sum>} : vector<16xi1> -> vector<16xi32>
        %add3A_188 = arith.constant 48 : i32
        %add3A_189 = arith.addi %mul3A_124, %add3A_188 : i32
        %get3A_190 = arith.index_cast %add3A_189 : i32 to index
        %get3A_191 = tpu.vector_load %arg11[%get3A_190] {strides = array<i32>} : memref<2048xf32, #tpu.memory_space<vmem>>, vector<16xf32>,
        %get3A_192 = arith.index_cast %add3A_189 : i32 to index
        %get3A_193 = tpu.vector_load %arg12[%get3A_192] {strides = array<i32>} : memref<2048xf32, #tpu.memory_space<vmem>>, vector<16xf32>,
        %get3A_194 = arith.index_cast %add3A_189 : i32 to index
        %get3A_195 = tpu.vector_load %arg13[%get3A_194] {strides = array<i32>} : memref<2048xf32, #tpu.memory_space<vmem>>, vector<16xf32>,
        %sub3A_196 = vector.broadcast %reduce_sum3A_33 : f32 to vector<16xf32>
        %sub3A_197 = arith.subf %get3A_191, %sub3A_196 : vector<16xf32>
        %sub3A_198 = vector.broadcast %reduce_sum3A_38 : f32 to vector<16xf32>
        %sub3A_199 = arith.subf %get3A_193, %sub3A_198 : vector<16xf32>
        %sub3A_200 = vector.broadcast %reduce_sum3A_43 : f32 to vector<16xf32>
        %sub3A_201 = arith.subf %get3A_195, %sub3A_200 : vector<16xf32>
        %mul3A_202 = arith.mulf %sub3A_197, %sub3A_197 : vector<16xf32>
        %mul3A_203 = arith.mulf %sub3A_199, %sub3A_199 : vector<16xf32>
        %add3A_204 = arith.addf %mul3A_202, %mul3A_203 : vector<16xf32>
        %mul3A_205 = arith.mulf %sub3A_201, %sub3A_201 : vector<16xf32>
        %add3A_206 = arith.addf %add3A_204, %mul3A_205 : vector<16xf32>
        %le3A_207 = vector.broadcast %reduce_sum3A_48 : f32 to vector<16xf32>
        %le3A_208 = arith.cmpf ole, %add3A_206, %le3A_207 : vector<16xf32>
        %all_reduce_population_count3A_209 = tpu.all_reduce %le3A_208 {dim = 0 : i64, kind = #tpu.reduction_kind<sum>} : vector<16xi1> -> vector<16xi32>
        %add3A_210 = arith.constant 64 : i32
        %add3A_211 = arith.addi %mul3A_124, %add3A_210 : i32
        %get3A_212 = arith.index_cast %add3A_211 : i32 to index
        %get3A_213 = tpu.vector_load %arg11[%get3A_212] {strides = array<i32>} : memref<2048xf32, #tpu.memory_space<vmem>>, vector<16xf32>,
        %get3A_214 = arith.index_cast %add3A_211 : i32 to index
        %get3A_215 = tpu.vector_load %arg12[%get3A_214] {strides = array<i32>} : memref<2048xf32, #tpu.memory_space<vmem>>, vector<16xf32>,
        %get3A_216 = arith.index_cast %add3A_211 : i32 to index
        %get3A_217 = tpu.vector_load %arg13[%get3A_216] {strides = array<i32>} : memref<2048xf32, #tpu.memory_space<vmem>>, vector<16xf32>,
        %sub3A_218 = vector.broadcast %reduce_sum3A_33 : f32 to vector<16xf32>
        %sub3A_219 = arith.subf %get3A_213, %sub3A_218 : vector<16xf32>
        %sub3A_220 = vector.broadcast %reduce_sum3A_38 : f32 to vector<16xf32>
        %sub3A_221 = arith.subf %get3A_215, %sub3A_220 : vector<16xf32>
        %sub3A_222 = vector.broadcast %reduce_sum3A_43 : f32 to vector<16xf32>
        %sub3A_223 = arith.subf %get3A_217, %sub3A_222 : vector<16xf32>
        %mul3A_224 = arith.mulf %sub3A_219, %sub3A_219 : vector<16xf32>
        %mul3A_225 = arith.mulf %sub3A_221, %sub3A_221 : vector<16xf32>
        %add3A_226 = arith.addf %mul3A_224, %mul3A_225 : vector<16xf32>
        %mul3A_227 = arith.mulf %sub3A_223, %sub3A_223 : vector<16xf32>
        %add3A_228 = arith.addf %add3A_226, %mul3A_227 : vector<16xf32>
        %le3A_229 = vector.broadcast %reduce_sum3A_48 : f32 to vector<16xf32>
        %le3A_230 = arith.cmpf ole, %add3A_228, %le3A_229 : vector<16xf32>
        %all_reduce_population_count3A_231 = tpu.all_reduce %le3A_230 {dim = 0 : i64, kind = #tpu.reduction_kind<sum>} : vector<16xi1> -> vector<16xi32>
        %add3A_232 = arith.constant 80 : i32
        %add3A_233 = arith.addi %mul3A_124, %add3A_232 : i32
        %get3A_234 = arith.index_cast %add3A_233 : i32 to index
        %get3A_235 = tpu.vector_load %arg11[%get3A_234] {strides = array<i32>} : memref<2048xf32, #tpu.memory_space<vmem>>, vector<16xf32>,
        %get3A_236 = arith.index_cast %add3A_233 : i32 to index
        %get3A_237 = tpu.vector_load %arg12[%get3A_236] {strides = array<i32>} : memref<2048xf32, #tpu.memory_space<vmem>>, vector<16xf32>,
        %get3A_238 = arith.index_cast %add3A_233 : i32 to index
        %get3A_239 = tpu.vector_load %arg13[%get3A_238] {strides = array<i32>} : memref<2048xf32, #tpu.memory_space<vmem>>, vector<16xf32>,
        %sub3A_240 = vector.broadcast %reduce_sum3A_33 : f32 to vector<16xf32>
        %sub3A_241 = arith.subf %get3A_235, %sub3A_240 : vector<16xf32>
        %sub3A_242 = vector.broadcast %reduce_sum3A_38 : f32 to vector<16xf32>
        %sub3A_243 = arith.subf %get3A_237, %sub3A_242 : vector<16xf32>
        %sub3A_244 = vector.broadcast %reduce_sum3A_43 : f32 to vector<16xf32>
        %sub3A_245 = arith.subf %get3A_239, %sub3A_244 : vector<16xf32>
        %mul3A_246 = arith.mulf %sub3A_241, %sub3A_241 : vector<16xf32>
        %mul3A_247 = arith.mulf %sub3A_243, %sub3A_243 : vector<16xf32>
        %add3A_248 = arith.addf %mul3A_246, %mul3A_247 : vector<16xf32>
        %mul3A_249 = arith.mulf %sub3A_245, %sub3A_245 : vector<16xf32>
        %add3A_250 = arith.addf %add3A_248, %mul3A_249 : vector<16xf32>
        %le3A_251 = vector.broadcast %reduce_sum3A_48 : f32 to vector<16xf32>
        %le3A_252 = arith.cmpf ole, %add3A_250, %le3A_251 : vector<16xf32>
        %all_reduce_population_count3A_253 = tpu.all_reduce %le3A_252 {dim = 0 : i64, kind = #tpu.reduction_kind<sum>} : vector<16xi1> -> vector<16xi32>
        %add3A_254 = arith.constant 96 : i32
        %add3A_255 = arith.addi %mul3A_124, %add3A_254 : i32
        %get3A_256 = arith.index_cast %add3A_255 : i32 to index
        %get3A_257 = tpu.vector_load %arg11[%get3A_256] {strides = array<i32>} : memref<2048xf32, #tpu.memory_space<vmem>>, vector<16xf32>,
        %get3A_258 = arith.index_cast %add3A_255 : i32 to index
        %get3A_259 = tpu.vector_load %arg12[%get3A_258] {strides = array<i32>} : memref<2048xf32, #tpu.memory_space<vmem>>, vector<16xf32>,
        %get3A_260 = arith.index_cast %add3A_255 : i32 to index
        %get3A_261 = tpu.vector_load %arg13[%get3A_260] {strides = array<i32>} : memref<2048xf32, #tpu.memory_space<vmem>>, vector<16xf32>,
        %sub3A_262 = vector.broadcast %reduce_sum3A_33 : f32 to vector<16xf32>
        %sub3A_263 = arith.subf %get3A_257, %sub3A_262 : vector<16xf32>
        %sub3A_264 = vector.broadcast %reduce_sum3A_38 : f32 to vector<16xf32>
        %sub3A_265 = arith.subf %get3A_259, %sub3A_264 : vector<16xf32>
        %sub3A_266 = vector.broadcast %reduce_sum3A_43 : f32 to vector<16xf32>
        %sub3A_267 = arith.subf %get3A_261, %sub3A_266 : vector<16xf32>
        %mul3A_268 = arith.mulf %sub3A_263, %sub3A_263 : vector<16xf32>
        %mul3A_269 = arith.mulf %sub3A_265, %sub3A_265 : vector<16xf32>
        %add3A_270 = arith.addf %mul3A_268, %mul3A_269 : vector<16xf32>
        %mul3A_271 = arith.mulf %sub3A_267, %sub3A_267 : vector<16xf32>
        %add3A_272 = arith.addf %add3A_270, %mul3A_271 : vector<16xf32>
        %le3A_273 = vector.broadcast %reduce_sum3A_48 : f32 to vector<16xf32>
        %le3A_274 = arith.cmpf ole, %add3A_272, %le3A_273 : vector<16xf32>
        %all_reduce_population_count3A_275 = tpu.all_reduce %le3A_274 {dim = 0 : i64, kind = #tpu.reduction_kind<sum>} : vector<16xi1> -> vector<16xi32>
        %add3A_276 = arith.constant 112 : i32
        %add3A_277 = arith.addi %mul3A_124, %add3A_276 : i32
        %get3A_278 = arith.index_cast %add3A_277 : i32 to index
        %get3A_279 = tpu.vector_load %arg11[%get3A_278] {strides = array<i32>} : memref<2048xf32, #tpu.memory_space<vmem>>, vector<16xf32>,
        %get3A_280 = arith.index_cast %add3A_277 : i32 to index
        %get3A_281 = tpu.vector_load %arg12[%get3A_280] {strides = array<i32>} : memref<2048xf32, #tpu.memory_space<vmem>>, vector<16xf32>,
        %get3A_282 = arith.index_cast %add3A_277 : i32 to index
        %get3A_283 = tpu.vector_load %arg13[%get3A_282] {strides = array<i32>} : memref<2048xf32, #tpu.memory_space<vmem>>, vector<16xf32>,
        %sub3A_284 = vector.broadcast %reduce_sum3A_33 : f32 to vector<16xf32>
        %sub3A_285 = arith.subf %get3A_279, %sub3A_284 : vector<16xf32>
        %sub3A_286 = vector.broadcast %reduce_sum3A_38 : f32 to vector<16xf32>
        %sub3A_287 = arith.subf %get3A_281, %sub3A_286 : vector<16xf32>
        %sub3A_288 = vector.broadcast %reduce_sum3A_43 : f32 to vector<16xf32>
        %sub3A_289 = arith.subf %get3A_283, %sub3A_288 : vector<16xf32>
        %mul3A_290 = arith.mulf %sub3A_285, %sub3A_285 : vector<16xf32>
        %mul3A_291 = arith.mulf %sub3A_287, %sub3A_287 : vector<16xf32>
        %add3A_292 = arith.addf %mul3A_290, %mul3A_291 : vector<16xf32>
        %mul3A_293 = arith.mulf %sub3A_289, %sub3A_289 : vector<16xf32>
        %add3A_294 = arith.addf %add3A_292, %mul3A_293 : vector<16xf32>
        %le3A_295 = vector.broadcast %reduce_sum3A_48 : f32 to vector<16xf32>
        %le3A_296 = arith.cmpf ole, %add3A_294, %le3A_295 : vector<16xf32>
        %all_reduce_population_count3A_297 = tpu.all_reduce %le3A_296 {dim = 0 : i64, kind = #tpu.reduction_kind<sum>} : vector<16xi1> -> vector<16xi32>
        %add3A_298 = arith.addi %all_reduce_population_count3A, %all_reduce_population_count3A_165 : vector<16xi32>
        %add3A_299 = arith.addi %add3A_298, %all_reduce_population_count3A_187 : vector<16xi32>
        %add3A_300 = arith.addi %add3A_299, %all_reduce_population_count3A_209 : vector<16xi32>
        %add3A_301 = arith.addi %add3A_300, %all_reduce_population_count3A_231 : vector<16xi32>
        %add3A_302 = arith.addi %add3A_301, %all_reduce_population_count3A_253 : vector<16xi32>
        %add3A_303 = arith.addi %add3A_302, %all_reduce_population_count3A_275 : vector<16xi32>
        %add3A_304 = arith.addi %add3A_303, %all_reduce_population_count3A_297 : vector<16xi32>
        %slice3A = vector.extract_strided_slice %add3A_304 {offsets = [0], sizes = [1], strides = [1]} : vector<16xi32> to vector<1xi32>
        %squeeze3A = vector.extract %slice3A[0] : i32 from vector<1xi32>
        %gt3A = arith.constant 0 : i32
        %gt3A_305 = arith.cmpi sgt, %squeeze3A, %gt3A : i32
        %lt3A = arith.constant 64 : i32
        %lt3A_306 = arith.cmpi slt, %scan3A_122, %lt3A : i32
        %and3A = arith.andi %gt3A_305, %lt3A_306 : i1
        %convert_element_type3A_307 = arith.extui %and3A : i1 to i32
        %cond3A = arith.constant 0 : i32
        %cond3A_308 = arith.cmpi ne, %convert_element_type3A_307, %cond3A : i32
        %cond3A_309 = scf.if %cond3A_308 -> (i32) {
          %add3A_310 = arith.constant 0 : i32
          %add3A_311 = arith.addi %mul3A_124, %add3A_310 : i32
          %add3A_312 = vector.broadcast %add3A_311 : i32 to vector<16xi32>
          %add3A_313 = arith.addi %add3A_312, %iota3A : vector<16xi32>
          %swap3A_314 = arith.index_cast %scan3A_122 : i32 to index
          %swap3A_315 = tpu.vector_load %arg18[%swap3A_314] masked %le3A_143 {strides = array<i32>} : memref<192xi32, #tpu.memory_space<vmem>>, vector<16xi32>, vector<16xi1>
          tpu.vector_store %arg18[%swap3A_314], %add3A_313 masked %le3A_143 {strides = array<i32>} : memref<192xi32, #tpu.memory_space<vmem>>, vector<16xi32>, vector<16xi1>
          %swap3A_316 = arith.index_cast %scan3A_122 : i32 to index
          %swap3A_317 = tpu.vector_load %arg19[%swap3A_316] masked %le3A_143 {strides = array<i32>} : memref<192xf32, #tpu.memory_space<vmem>>, vector<16xf32>, vector<16xi1>
          tpu.vector_store %arg19[%swap3A_316], %add3A_142 masked %le3A_143 {strides = array<i32>} : memref<192xf32, #tpu.memory_space<vmem>>, vector<16xf32>, vector<16xi1>
          %slice3A_318 = vector.extract_strided_slice %all_reduce_population_count3A {offsets = [0], sizes = [1], strides = [1]} : vector<16xi32> to vector<1xi32>
          %squeeze3A_319 = vector.extract %slice3A_318[0] : i32 from vector<1xi32>
          %add3A_320 = arith.addi %scan3A_122, %squeeze3A_319 : i32
          %add3A_321 = arith.constant 16 : i32
          %add3A_322 = arith.addi %mul3A_124, %add3A_321 : i32
          %add3A_323 = vector.broadcast %add3A_322 : i32 to vector<16xi32>
          %add3A_324 = arith.addi %add3A_323, %iota3A : vector<16xi32>
          %swap3A_325 = arith.index_cast %add3A_320 : i32 to index
          %swap3A_326 = tpu.vector_load %arg18[%swap3A_325] masked %le3A_164 {strides = array<i32>} : memref<192xi32, #tpu.memory_space<vmem>>, vector<16xi32>, vector<16xi1>
          tpu.vector_store %arg18[%swap3A_325], %add3A_324 masked %le3A_164 {strides = array<i32>} : memref<192xi32, #tpu.memory_space<vmem>>, vector<16xi32>, vector<16xi1>
          %swap3A_327 = arith.index_cast %add3A_320 : i32 to index
          %swap3A_328 = tpu.vector_load %arg19[%swap3A_327] masked %le3A_164 {strides = array<i32>} : memref<192xf32, #tpu.memory_space<vmem>>, vector<16xf32>, vector<16xi1>
          tpu.vector_store %arg19[%swap3A_327], %add3A_162 masked %le3A_164 {strides = array<i32>} : memref<192xf32, #tpu.memory_space<vmem>>, vector<16xf32>, vector<16xi1>
          %slice3A_329 = vector.extract_strided_slice %all_reduce_population_count3A_165 {offsets = [0], sizes = [1], strides = [1]} : vector<16xi32> to vector<1xi32>
          %squeeze3A_330 = vector.extract %slice3A_329[0] : i32 from vector<1xi32>
          %add3A_331 = arith.addi %add3A_320, %squeeze3A_330 : i32
          %add3A_332 = arith.constant 32 : i32
          %add3A_333 = arith.addi %mul3A_124, %add3A_332 : i32
          %add3A_334 = vector.broadcast %add3A_333 : i32 to vector<16xi32>
          %add3A_335 = arith.addi %add3A_334, %iota3A : vector<16xi32>
          %swap3A_336 = arith.index_cast %add3A_331 : i32 to index
          %swap3A_337 = tpu.vector_load %arg18[%swap3A_336] masked %le3A_186 {strides = array<i32>} : memref<192xi32, #tpu.memory_space<vmem>>, vector<16xi32>, vector<16xi1>
          tpu.vector_store %arg18[%swap3A_336], %add3A_335 masked %le3A_186 {strides = array<i32>} : memref<192xi32, #tpu.memory_space<vmem>>, vector<16xi32>, vector<16xi1>
          %swap3A_338 = arith.index_cast %add3A_331 : i32 to index
          %swap3A_339 = tpu.vector_load %arg19[%swap3A_338] masked %le3A_186 {strides = array<i32>} : memref<192xf32, #tpu.memory_space<vmem>>, vector<16xf32>, vector<16xi1>
          tpu.vector_store %arg19[%swap3A_338], %add3A_184 masked %le3A_186 {strides = array<i32>} : memref<192xf32, #tpu.memory_space<vmem>>, vector<16xf32>, vector<16xi1>
          %slice3A_340 = vector.extract_strided_slice %all_reduce_population_count3A_187 {offsets = [0], sizes = [1], strides = [1]} : vector<16xi32> to vector<1xi32>
          %squeeze3A_341 = vector.extract %slice3A_340[0] : i32 from vector<1xi32>
          %add3A_342 = arith.addi %add3A_331, %squeeze3A_341 : i32
          %add3A_343 = arith.constant 48 : i32
          %add3A_344 = arith.addi %mul3A_124, %add3A_343 : i32
          %add3A_345 = vector.broadcast %add3A_344 : i32 to vector<16xi32>
          %add3A_346 = arith.addi %add3A_345, %iota3A : vector<16xi32>
          %swap3A_347 = arith.index_cast %add3A_342 : i32 to index
          %swap3A_348 = tpu.vector_load %arg18[%swap3A_347] masked %le3A_208 {strides = array<i32>} : memref<192xi32, #tpu.memory_space<vmem>>, vector<16xi32>, vector<16xi1>
          tpu.vector_store %arg18[%swap3A_347], %add3A_346 masked %le3A_208 {strides = array<i32>} : memref<192xi32, #tpu.memory_space<vmem>>, vector<16xi32>, vector<16xi1>
          %swap3A_349 = arith.index_cast %add3A_342 : i32 to index
          %swap3A_350 = tpu.vector_load %arg19[%swap3A_349] masked %le3A_208 {strides = array<i32>} : memref<192xf32, #tpu.memory_space<vmem>>, vector<16xf32>, vector<16xi1>
          tpu.vector_store %arg19[%swap3A_349], %add3A_206 masked %le3A_208 {strides = array<i32>} : memref<192xf32, #tpu.memory_space<vmem>>, vector<16xf32>, vector<16xi1>
          %slice3A_351 = vector.extract_strided_slice %all_reduce_population_count3A_209 {offsets = [0], sizes = [1], strides = [1]} : vector<16xi32> to vector<1xi32>
          %squeeze3A_352 = vector.extract %slice3A_351[0] : i32 from vector<1xi32>
          %add3A_353 = arith.addi %add3A_342, %squeeze3A_352 : i32
          %add3A_354 = arith.constant 64 : i32
          %add3A_355 = arith.addi %mul3A_124, %add3A_354 : i32
          %add3A_356 = vector.broadcast %add3A_355 : i32 to vector<16xi32>
          %add3A_357 = arith.addi %add3A_356, %iota3A : vector<16xi32>
          %swap3A_358 = arith.index_cast %add3A_353 : i32 to index
          %swap3A_359 = tpu.vector_load %arg18[%swap3A_358] masked %le3A_230 {strides = array<i32>} : memref<192xi32, #tpu.memory_space<vmem>>, vector<16xi32>, vector<16xi1>
          tpu.vector_store %arg18[%swap3A_358], %add3A_357 masked %le3A_230 {strides = array<i32>} : memref<192xi32, #tpu.memory_space<vmem>>, vector<16xi32>, vector<16xi1>
          %swap3A_360 = arith.index_cast %add3A_353 : i32 to index
          %swap3A_361 = tpu.vector_load %arg19[%swap3A_360] masked %le3A_230 {strides = array<i32>} : memref<192xf32, #tpu.memory_space<vmem>>, vector<16xf32>, vector<16xi1>
          tpu.vector_store %arg19[%swap3A_360], %add3A_228 masked %le3A_230 {strides = array<i32>} : memref<192xf32, #tpu.memory_space<vmem>>, vector<16xf32>, vector<16xi1>
          %slice3A_362 = vector.extract_strided_slice %all_reduce_population_count3A_231 {offsets = [0], sizes = [1], strides = [1]} : vector<16xi32> to vector<1xi32>
          %squeeze3A_363 = vector.extract %slice3A_362[0] : i32 from vector<1xi32>
          %add3A_364 = arith.addi %add3A_353, %squeeze3A_363 : i32
          %add3A_365 = arith.constant 80 : i32
          %add3A_366 = arith.addi %mul3A_124, %add3A_365 : i32
          %add3A_367 = vector.broadcast %add3A_366 : i32 to vector<16xi32>
          %add3A_368 = arith.addi %add3A_367, %iota3A : vector<16xi32>
          %swap3A_369 = arith.index_cast %add3A_364 : i32 to index
          %swap3A_370 = tpu.vector_load %arg18[%swap3A_369] masked %le3A_252 {strides = array<i32>} : memref<192xi32, #tpu.memory_space<vmem>>, vector<16xi32>, vector<16xi1>
          tpu.vector_store %arg18[%swap3A_369], %add3A_368 masked %le3A_252 {strides = array<i32>} : memref<192xi32, #tpu.memory_space<vmem>>, vector<16xi32>, vector<16xi1>
          %swap3A_371 = arith.index_cast %add3A_364 : i32 to index
          %swap3A_372 = tpu.vector_load %arg19[%swap3A_371] masked %le3A_252 {strides = array<i32>} : memref<192xf32, #tpu.memory_space<vmem>>, vector<16xf32>, vector<16xi1>
          tpu.vector_store %arg19[%swap3A_371], %add3A_250 masked %le3A_252 {strides = array<i32>} : memref<192xf32, #tpu.memory_space<vmem>>, vector<16xf32>, vector<16xi1>
          %slice3A_373 = vector.extract_strided_slice %all_reduce_population_count3A_253 {offsets = [0], sizes = [1], strides = [1]} : vector<16xi32> to vector<1xi32>
          %squeeze3A_374 = vector.extract %slice3A_373[0] : i32 from vector<1xi32>
          %add3A_375 = arith.addi %add3A_364, %squeeze3A_374 : i32
          %add3A_376 = arith.constant 96 : i32
          %add3A_377 = arith.addi %mul3A_124, %add3A_376 : i32
          %add3A_378 = vector.broadcast %add3A_377 : i32 to vector<16xi32>
          %add3A_379 = arith.addi %add3A_378, %iota3A : vector<16xi32>
          %swap3A_380 = arith.index_cast %add3A_375 : i32 to index
          %swap3A_381 = tpu.vector_load %arg18[%swap3A_380] masked %le3A_274 {strides = array<i32>} : memref<192xi32, #tpu.memory_space<vmem>>, vector<16xi32>, vector<16xi1>
          tpu.vector_store %arg18[%swap3A_380], %add3A_379 masked %le3A_274 {strides = array<i32>} : memref<192xi32, #tpu.memory_space<vmem>>, vector<16xi32>, vector<16xi1>
          %swap3A_382 = arith.index_cast %add3A_375 : i32 to index
          %swap3A_383 = tpu.vector_load %arg19[%swap3A_382] masked %le3A_274 {strides = array<i32>} : memref<192xf32, #tpu.memory_space<vmem>>, vector<16xf32>, vector<16xi1>
          tpu.vector_store %arg19[%swap3A_382], %add3A_272 masked %le3A_274 {strides = array<i32>} : memref<192xf32, #tpu.memory_space<vmem>>, vector<16xf32>, vector<16xi1>
          %slice3A_384 = vector.extract_strided_slice %all_reduce_population_count3A_275 {offsets = [0], sizes = [1], strides = [1]} : vector<16xi32> to vector<1xi32>
          %squeeze3A_385 = vector.extract %slice3A_384[0] : i32 from vector<1xi32>
          %add3A_386 = arith.addi %add3A_375, %squeeze3A_385 : i32
          %add3A_387 = arith.constant 112 : i32
          %add3A_388 = arith.addi %mul3A_124, %add3A_387 : i32
          %add3A_389 = vector.broadcast %add3A_388 : i32 to vector<16xi32>
          %add3A_390 = arith.addi %add3A_389, %iota3A : vector<16xi32>
          %swap3A_391 = arith.index_cast %add3A_386 : i32 to index
          %swap3A_392 = tpu.vector_load %arg18[%swap3A_391] masked %le3A_296 {strides = array<i32>} : memref<192xi32, #tpu.memory_space<vmem>>, vector<16xi32>, vector<16xi1>
          tpu.vector_store %arg18[%swap3A_391], %add3A_390 masked %le3A_296 {strides = array<i32>} : memref<192xi32, #tpu.memory_space<vmem>>, vector<16xi32>, vector<16xi1>
          %swap3A_393 = arith.index_cast %add3A_386 : i32 to index
          %swap3A_394 = tpu.vector_load %arg19[%swap3A_393] masked %le3A_296 {strides = array<i32>} : memref<192xf32, #tpu.memory_space<vmem>>, vector<16xf32>, vector<16xi1>
          tpu.vector_store %arg19[%swap3A_393], %add3A_294 masked %le3A_296 {strides = array<i32>} : memref<192xf32, #tpu.memory_space<vmem>>, vector<16xf32>, vector<16xi1>
          %slice3A_395 = vector.extract_strided_slice %all_reduce_population_count3A_297 {offsets = [0], sizes = [1], strides = [1]} : vector<16xi32> to vector<1xi32>
          %squeeze3A_396 = vector.extract %slice3A_395[0] : i32 from vector<1xi32>
          %add3A_397 = arith.addi %add3A_386, %squeeze3A_396 : i32
          %add3A_398 = arith.addi %scan3A_122, %squeeze3A : i32
          scf.yield %add3A_398 : i32
        } else {
          scf.yield %scan3A_122 : i32
        }
        scf.yield %cond3A_309 : i32
      }
      %scan3A_74 = arith.constant 16 : i32
      %add3A_75 = arith.addi %mul3A_9, %scan3A_26 : i32
      %get3A_76 = arith.constant 0 : index
      %get3A_77 = tpu.vector_load %arg18[%get3A_76] {strides = array<i32>} : memref<192xi32, #tpu.memory_space<vmem>>, vector<16xi32>,
      %swap3A_78 = arith.constant 0 : index
      %swap3A_79 = tpu.vector_load %arg20[%swap3A_78] {strides = array<i32>} : memref<64xi32, #tpu.memory_space<vmem>>, vector<16xi32>,
      tpu.vector_store %arg20[%swap3A_78], %get3A_77 {strides = array<i32>} : memref<64xi32, #tpu.memory_space<vmem>>, vector<16xi32>,
      %get3A_80 = arith.constant 16 : index
      %get3A_81 = tpu.vector_load %arg18[%get3A_80] {strides = array<i32>} : memref<192xi32, #tpu.memory_space<vmem>>, vector<16xi32>,
      %swap3A_82 = arith.constant 16 : index
      %swap3A_83 = tpu.vector_load %arg20[%swap3A_82] {strides = array<i32>} : memref<64xi32, #tpu.memory_space<vmem>>, vector<16xi32>,
      tpu.vector_store %arg20[%swap3A_82], %get3A_81 {strides = array<i32>} : memref<64xi32, #tpu.memory_space<vmem>>, vector<16xi32>,
      %get3A_84 = arith.constant 32 : index
      %get3A_85 = tpu.vector_load %arg18[%get3A_84] {strides = array<i32>} : memref<192xi32, #tpu.memory_space<vmem>>, vector<16xi32>,
      %swap3A_86 = arith.constant 32 : index
      %swap3A_87 = tpu.vector_load %arg20[%swap3A_86] {strides = array<i32>} : memref<64xi32, #tpu.memory_space<vmem>>, vector<16xi32>,
      tpu.vector_store %arg20[%swap3A_86], %get3A_85 {strides = array<i32>} : memref<64xi32, #tpu.memory_space<vmem>>, vector<16xi32>,
      %get3A_88 = arith.constant 48 : index
      %get3A_89 = tpu.vector_load %arg18[%get3A_88] {strides = array<i32>} : memref<192xi32, #tpu.memory_space<vmem>>, vector<16xi32>,
      %swap3A_90 = arith.constant 48 : index
      %swap3A_91 = tpu.vector_load %arg20[%swap3A_90] {strides = array<i32>} : memref<64xi32, #tpu.memory_space<vmem>>, vector<16xi32>,
      tpu.vector_store %arg20[%swap3A_90], %get3A_89 {strides = array<i32>} : memref<64xi32, #tpu.memory_space<vmem>>, vector<16xi32>,
      %dma_start3A = arith.constant 0 : i32
      %dma_start3A_92 = arith.constant 0 : i32
      %dma_start3A_93 = tpu.memref_slice %arg9[%dma_start3A, %dma_start3A_92] : memref<2048x144xf32, #tpu.memory_space<hbm>> -> memref<2048x144xf32, #tpu.memory_space<hbm>>
      tpu.enqueue_indirect_dma source(%dma_start3A_93 : memref<2048x144xf32, #tpu.memory_space<hbm>>) target(%arg21 : memref<64x144xf32, #tpu.memory_space<vmem>>) offsets(%arg20 : memref<64xi32, #tpu.memory_space<vmem>>) semaphore(%arg22 : memref<!tpu.dma_semaphore, #tpu.memory_space<semaphore_mem>>)
      %dma_wait3A = arith.constant 0 : i32
      %dma_wait3A_94 = arith.constant 0 : i32
      %dma_wait3A_95 = tpu.memref_slice %arg9[%dma_wait3A, %dma_wait3A_94] : memref<2048x144xf32, #tpu.memory_space<hbm>> -> memref<2048x144xf32, #tpu.memory_space<hbm>>
      tpu.wait_indirect_dma semaphore(%arg22 : memref<!tpu.dma_semaphore, #tpu.memory_space<semaphore_mem>>) src(%dma_wait3A_95 : memref<2048x144xf32, #tpu.memory_space<hbm>>) dst(%arg21 : memref<64x144xf32, #tpu.memory_space<vmem>>)
      %broadcast_in_dim3A_96 = arith.constant 131 : i32
      %broadcast_in_dim3A_97 = vector.broadcast %broadcast_in_dim3A_96 : i32 to vector<16xi32>
      %add3A_98 = arith.constant 0 : i32
      %add3A_99 = vector.broadcast %add3A_98 : i32 to vector<16xi32>
      %add3A_100 = arith.addi %add3A_99, %iota3A : vector<16xi32>
      %get3A_101 = arith.constant 0 : index
      %get3A_102 = tpu.vector_load %arg19[%get3A_101] {strides = array<i32>} : memref<192xf32, #tpu.memory_space<vmem>>, vector<16xf32>,
      tpu.vector_store_idx %arg21[%add3A_100, %broadcast_in_dim3A_97], %get3A_102 : memref<64x144xf32, #tpu.memory_space<vmem>>[vector<16xi32>, vector<16xi32>], vector<16xf32>,
      %add3A_103 = arith.constant 16 : i32
      %add3A_104 = vector.broadcast %add3A_103 : i32 to vector<16xi32>
      %add3A_105 = arith.addi %add3A_104, %iota3A : vector<16xi32>
      %get3A_106 = arith.constant 16 : index
      %get3A_107 = tpu.vector_load %arg19[%get3A_106] {strides = array<i32>} : memref<192xf32, #tpu.memory_space<vmem>>, vector<16xf32>,
      tpu.vector_store_idx %arg21[%add3A_105, %broadcast_in_dim3A_97], %get3A_107 : memref<64x144xf32, #tpu.memory_space<vmem>>[vector<16xi32>, vector<16xi32>], vector<16xf32>,
      %add3A_108 = arith.constant 32 : i32
      %add3A_109 = vector.broadcast %add3A_108 : i32 to vector<16xi32>
      %add3A_110 = arith.addi %add3A_109, %iota3A : vector<16xi32>
      %get3A_111 = arith.constant 32 : index
      %get3A_112 = tpu.vector_load %arg19[%get3A_111] {strides = array<i32>} : memref<192xf32, #tpu.memory_space<vmem>>, vector<16xf32>,
      tpu.vector_store_idx %arg21[%add3A_110, %broadcast_in_dim3A_97], %get3A_112 : memref<64x144xf32, #tpu.memory_space<vmem>>[vector<16xi32>, vector<16xi32>], vector<16xf32>,
      %add3A_113 = arith.constant 48 : i32
      %add3A_114 = vector.broadcast %add3A_113 : i32 to vector<16xi32>
      %add3A_115 = arith.addi %add3A_114, %iota3A : vector<16xi32>
      %get3A_116 = arith.constant 48 : index
      %get3A_117 = tpu.vector_load %arg19[%get3A_116] {strides = array<i32>} : memref<192xf32, #tpu.memory_space<vmem>>, vector<16xf32>,
      tpu.vector_store_idx %arg21[%add3A_115, %broadcast_in_dim3A_97], %get3A_117 : memref<64x144xf32, #tpu.memory_space<vmem>>[vector<16xi32>, vector<16xi32>], vector<16xf32>,
      %mul3A_118 = arith.constant 64 : i32
      %mul3A_119 = arith.muli %add3A_75, %mul3A_118 : i32
      "tpu.region"() ({
        %run_scoped3A = tpu.sem_alloc : memref<!tpu.dma_semaphore, #tpu.memory_space<semaphore_mem>>
        %dma_start3A_121 = arith.constant 0 : i32
        %dma_start3A_122 = tpu.memref_slice %arg10[%mul3A_119, %dma_start3A_121] : memref<32768x144xf32, #tpu.memory_space<hbm>> -> memref<64x144xf32, #tpu.memory_space<hbm>>
        %dma_start3A_123 = arith.constant 0 : i32
        %dma_start3A_124 = tpu.memref_slice %arg10[%mul3A_119, %dma_start3A_123] : memref<32768x144xf32, #tpu.memory_space<hbm>> -> memref<64x144xf32, #tpu.memory_space<hbm>>
        tpu.enqueue_dma source(%arg21 : memref<64x144xf32, #tpu.memory_space<vmem>>) target(%dma_start3A_124 : memref<64x144xf32, #tpu.memory_space<hbm>>) target_semaphore(%run_scoped3A : memref<!tpu.dma_semaphore, #tpu.memory_space<semaphore_mem>>)
        %dma_wait3A_125 = arith.constant 0 : i32
        %dma_wait3A_126 = tpu.memref_slice %arg10[%mul3A_119, %dma_wait3A_125] : memref<32768x144xf32, #tpu.memory_space<hbm>> -> memref<64x144xf32, #tpu.memory_space<hbm>>
        %dma_wait3A_127 = arith.constant 0 : i32
        %dma_wait3A_128 = tpu.memref_slice %arg10[%mul3A_119, %dma_wait3A_127] : memref<32768x144xf32, #tpu.memory_space<hbm>> -> memref<64x144xf32, #tpu.memory_space<hbm>>
        tpu.wait_dma2 semaphore(%run_scoped3A : memref<!tpu.dma_semaphore, #tpu.memory_space<semaphore_mem>>) src(%arg21 : memref<64x144xf32, #tpu.memory_space<vmem>>) dst(%dma_wait3A_128 : memref<64x144xf32, #tpu.memory_space<hbm>>)
        tpu.yield
      }) : () -> ()
      %scan3A_120 = arith.constant 0 : i32
      scf.yield %scan3A_120 : i32
    }
    %scan3A_23 = arith.constant 16 : i32
    %scan3A_24 = arith.constant 0 : i32
    %scan3A_25 = arith.constant 1 : i32
    return
  }
}

module attributes {stable_mosaic.version = 14 : i64} {
  func.func @_fps_body(%arg0: memref<80x128xf32, #tpu.memory_space<vmem>>, %arg1: memref<80x128xf32, #tpu.memory_space<vmem>>, %arg2: memref<80x128xf32, #tpu.memory_space<vmem>>, %arg3: memref<10240xf32, #tpu.memory_space<smem>>, %arg4: memref<10240xf32, #tpu.memory_space<smem>>, %arg5: memref<10240xf32, #tpu.memory_space<smem>>, %arg6: memref<2000xi32, #tpu.memory_space<smem>>, %arg7: memref<2000xf32, #tpu.memory_space<smem>>, %arg8: memref<2000xf32, #tpu.memory_space<smem>>, %arg9: memref<2000xf32, #tpu.memory_space<smem>>, %arg10: memref<80x128xf32, #tpu.memory_space<vmem>>) attributes {dimension_semantics = [], scalar_prefetch = 0 : i64, scratch_operands = 1 : i64, tpu.core_type = #tpu.core_type<tc>} {
    %iota3A = tpu.iota {dimensions = array<i32: 0>} : vector<80x128xi32>
    %mul3A = arith.constant 128 : i32
    %mul3A_0 = vector.broadcast %mul3A : i32 to vector<80x128xi32>
    %mul3A_1 = arith.muli %iota3A, %mul3A_0 : vector<80x128xi32>
    %iota3A_2 = tpu.iota {dimensions = array<i32: 1>} : vector<80x128xi32>
    %add3A = arith.addi %mul3A_1, %iota3A_2 : vector<80x128xi32>
    %lt3A = arith.constant 10000 : i32
    %lt3A_3 = vector.broadcast %lt3A : i32 to vector<80x128xi32>
    %lt3A_4 = arith.cmpi slt, %add3A, %lt3A_3 : vector<80x128xi32>
    %get3A = arith.constant 0 : index
    %get3A_5 = arith.constant 0 : index
    %get3A_6 = vector.load %arg0[%get3A, %get3A_5] : memref<80x128xf32, #tpu.memory_space<vmem>>, vector<80x128xf32>
    %get3A_7 = arith.constant 0 : index
    %get3A_8 = arith.constant 0 : index
    %get3A_9 = vector.load %arg1[%get3A_7, %get3A_8] : memref<80x128xf32, #tpu.memory_space<vmem>>, vector<80x128xf32>
    %get3A_10 = arith.constant 0 : index
    %get3A_11 = arith.constant 0 : index
    %get3A_12 = vector.load %arg2[%get3A_10, %get3A_11] : memref<80x128xf32, #tpu.memory_space<vmem>>, vector<80x128xf32>
    %swap3A = arith.constant 0 : i32
    %swap3A_13 = arith.constant 0 : index
    %swap3A_14 = memref.load %arg6[%swap3A_13] : memref<2000xi32, #tpu.memory_space<smem>>
    memref.store %swap3A, %arg6[%swap3A_13] : memref<2000xi32, #tpu.memory_space<smem>>
    %get3A_15 = arith.constant 0 : index
    %get3A_16 = memref.load %arg3[%get3A_15] : memref<10240xf32, #tpu.memory_space<smem>>
    %get3A_17 = arith.constant 0 : index
    %get3A_18 = memref.load %arg4[%get3A_17] : memref<10240xf32, #tpu.memory_space<smem>>
    %get3A_19 = arith.constant 0 : index
    %get3A_20 = memref.load %arg5[%get3A_19] : memref<10240xf32, #tpu.memory_space<smem>>
    %swap3A_21 = arith.constant 0 : index
    %swap3A_22 = memref.load %arg7[%swap3A_21] : memref<2000xf32, #tpu.memory_space<smem>>
    memref.store %get3A_16, %arg7[%swap3A_21] : memref<2000xf32, #tpu.memory_space<smem>>
    %swap3A_23 = arith.constant 0 : index
    %swap3A_24 = memref.load %arg8[%swap3A_23] : memref<2000xf32, #tpu.memory_space<smem>>
    memref.store %get3A_18, %arg8[%swap3A_23] : memref<2000xf32, #tpu.memory_space<smem>>
    %swap3A_25 = arith.constant 0 : index
    %swap3A_26 = memref.load %arg9[%swap3A_25] : memref<2000xf32, #tpu.memory_space<smem>>
    memref.store %get3A_20, %arg9[%swap3A_25] : memref<2000xf32, #tpu.memory_space<smem>>
    %jit3A = arith.constant 0x7F800000 : f32
    %jit3A_27 = arith.constant 0xFF800000 : f32
    %broadcast_in_dim3A = vector.broadcast %jit3A : f32 to vector<80x128xf32>
    %broadcast_in_dim3A_28 = vector.broadcast %jit3A_27 : f32 to vector<80x128xf32>
    %select_n3A = arith.select %lt3A_4, %broadcast_in_dim3A, %broadcast_in_dim3A_28 : vector<80x128xi1>, vector<80x128xf32>
    %swap3A_29 = arith.constant 0 : index
    %swap3A_30 = arith.constant 0 : index
    %swap3A_31 = vector.load %arg10[%swap3A_29, %swap3A_30] : memref<80x128xf32, #tpu.memory_space<vmem>>, vector<80x128xf32>
    tpu.vector_store %arg10[%swap3A_29, %swap3A_30], %select_n3A {strides = array<i32>} : memref<80x128xf32, #tpu.memory_space<vmem>>, vector<80x128xf32>,
    %scan3A = arith.constant 1 : i32
    %scan3A_32 = arith.constant 1999 : i32
    %scan3A_33 = arith.addi %scan3A, %scan3A_32 : i32
    %scan3A_34 = arith.constant 1 : i32
    %scan3A_35:3 = scf.for %scan3A_37 = %scan3A to %scan3A_33 step %scan3A_34 iter_args(%scan3A_38 = %get3A_16, %scan3A_39 = %get3A_18, %scan3A_40 = %get3A_20) -> (f32, f32, f32)  : i32 {
      %sub3A = vector.broadcast %scan3A_38 : f32 to vector<80x128xf32>
      %sub3A_41 = arith.subf %get3A_6, %sub3A : vector<80x128xf32>
      %integer_pow3A = arith.mulf %sub3A_41, %sub3A_41 : vector<80x128xf32>
      %sub3A_42 = vector.broadcast %scan3A_39 : f32 to vector<80x128xf32>
      %sub3A_43 = arith.subf %get3A_9, %sub3A_42 : vector<80x128xf32>
      %integer_pow3A_44 = arith.mulf %sub3A_43, %sub3A_43 : vector<80x128xf32>
      %add3A_45 = arith.addf %integer_pow3A, %integer_pow3A_44 : vector<80x128xf32>
      %sub3A_46 = vector.broadcast %scan3A_40 : f32 to vector<80x128xf32>
      %sub3A_47 = arith.subf %get3A_12, %sub3A_46 : vector<80x128xf32>
      %integer_pow3A_48 = arith.mulf %sub3A_47, %sub3A_47 : vector<80x128xf32>
      %add3A_49 = arith.addf %add3A_45, %integer_pow3A_48 : vector<80x128xf32>
      %get3A_50 = arith.constant 0 : index
      %get3A_51 = arith.constant 0 : index
      %get3A_52 = vector.load %arg10[%get3A_50, %get3A_51] : memref<80x128xf32, #tpu.memory_space<vmem>>, vector<80x128xf32>
      %min3A = arith.minimumf %get3A_52, %add3A_49 : vector<80x128xf32>
      %swap3A_53 = arith.constant 0 : index
      %swap3A_54 = arith.constant 0 : index
      %swap3A_55 = vector.load %arg10[%swap3A_53, %swap3A_54] : memref<80x128xf32, #tpu.memory_space<vmem>>, vector<80x128xf32>
      tpu.vector_store %arg10[%swap3A_53, %swap3A_54], %min3A {strides = array<i32>} : memref<80x128xf32, #tpu.memory_space<vmem>>, vector<80x128xf32>,
      %reduce_max3A = vector.shape_cast %min3A : vector<80x128xf32> to vector<1x80x128xf32>
      %reduce_max3A_56 = arith.constant dense<0xFF800000> : vector<1xf32>
      %reduce_max3A_57 = vector.multi_reduction <maximumf>, %reduce_max3A, %reduce_max3A_56 [1, 2] : vector<1x80x128xf32> to vector<1xf32>
      %reduce_max3A_58 = vector.shape_cast %reduce_max3A_57 : vector<1xf32> to vector<1x1x1xf32>
      %reduce_max3A_59 = vector.extract %reduce_max3A_58[0, 0, 0] : f32 from vector<1x1x1xf32>
      %eq3A = vector.broadcast %reduce_max3A_59 : f32 to vector<80x128xf32>
      %eq3A_60 = arith.cmpf oeq, %min3A, %eq3A : vector<80x128xf32>
      %jit3A_61 = arith.constant 1073741824 : i32
      %broadcast_in_dim3A_62 = vector.broadcast %jit3A_61 : i32 to vector<80x128xi32>
      %select_n3A_63 = arith.select %eq3A_60, %add3A, %broadcast_in_dim3A_62 : vector<80x128xi1>, vector<80x128xi32>
      %reduce_min3A = vector.shape_cast %select_n3A_63 : vector<80x128xi32> to vector<1x80x128xi32>
      %reduce_min3A_64 = arith.constant dense<2147483647> : vector<1xi32>
      %reduce_min3A_65 = vector.multi_reduction <minsi>, %reduce_min3A, %reduce_min3A_64 [1, 2] : vector<1x80x128xi32> to vector<1xi32>
      %reduce_min3A_66 = vector.shape_cast %reduce_min3A_65 : vector<1xi32> to vector<1x1x1xi32>
      %reduce_min3A_67 = vector.extract %reduce_min3A_66[0, 0, 0] : i32 from vector<1x1x1xi32>
      %swap3A_68 = arith.index_cast %scan3A_37 : i32 to index
      %swap3A_69 = memref.load %arg6[%swap3A_68] : memref<2000xi32, #tpu.memory_space<smem>>
      memref.store %reduce_min3A_67, %arg6[%swap3A_68] : memref<2000xi32, #tpu.memory_space<smem>>
      %get3A_70 = arith.index_cast %reduce_min3A_67 : i32 to index
      %get3A_71 = memref.load %arg3[%get3A_70] : memref<10240xf32, #tpu.memory_space<smem>>
      %get3A_72 = arith.index_cast %reduce_min3A_67 : i32 to index
      %get3A_73 = memref.load %arg4[%get3A_72] : memref<10240xf32, #tpu.memory_space<smem>>
      %get3A_74 = arith.index_cast %reduce_min3A_67 : i32 to index
      %get3A_75 = memref.load %arg5[%get3A_74] : memref<10240xf32, #tpu.memory_space<smem>>
      %swap3A_76 = arith.index_cast %scan3A_37 : i32 to index
      %swap3A_77 = memref.load %arg7[%swap3A_76] : memref<2000xf32, #tpu.memory_space<smem>>
      memref.store %get3A_71, %arg7[%swap3A_76] : memref<2000xf32, #tpu.memory_space<smem>>
      %swap3A_78 = arith.index_cast %scan3A_37 : i32 to index
      %swap3A_79 = memref.load %arg8[%swap3A_78] : memref<2000xf32, #tpu.memory_space<smem>>
      memref.store %get3A_73, %arg8[%swap3A_78] : memref<2000xf32, #tpu.memory_space<smem>>
      %swap3A_80 = arith.index_cast %scan3A_37 : i32 to index
      %swap3A_81 = memref.load %arg9[%swap3A_80] : memref<2000xf32, #tpu.memory_space<smem>>
      memref.store %get3A_75, %arg9[%swap3A_80] : memref<2000xf32, #tpu.memory_space<smem>>
      scf.yield %get3A_71, %get3A_73, %get3A_75 : f32, f32, f32
    }
    %scan3A_36 = arith.constant 1999 : i32
    return
  }
}

module attributes {stable_mosaic.version = 14 : i64} {
  func.func @_thresh_body(%arg0: i32, %arg1: memref<128x3xf32, #tpu.memory_space<vmem>>, %arg2: memref<1x10240xf32, #tpu.memory_space<vmem>>, %arg3: memref<1x10240xf32, #tpu.memory_space<vmem>>, %arg4: memref<1x10240xf32, #tpu.memory_space<vmem>>, %arg5: memref<128x128xf32, #tpu.memory_space<vmem>>) attributes {dimension_semantics = [#tpu.dimension_semantics<arbitrary>], iteration_bounds = array<i64: 16>, scalar_prefetch = 0 : i64, scratch_operands = 0 : i64, tpu.core_type = #tpu.core_type<tc>, window_params = [{transform_indices = @transform_0, window_bounds = array<i64: 128, 3>}, {pipeline_mode = #tpu.pipeline_mode<synchronous>, transform_indices = @transform_1, window_bounds = array<i64: 1, 10240>}, {pipeline_mode = #tpu.pipeline_mode<synchronous>, transform_indices = @transform_2, window_bounds = array<i64: 1, 10240>}, {pipeline_mode = #tpu.pipeline_mode<synchronous>, transform_indices = @transform_3, window_bounds = array<i64: 1, 10240>}, {transform_indices = @transform_4, window_bounds = array<i64: 128, 128>}]} {
    %get3A = arith.constant 0 : index
    %get3A_0 = arith.constant 0 : index
    %get3A_1 = vector.load %arg1[%get3A, %get3A_0] : memref<128x3xf32, #tpu.memory_space<vmem>>, vector<128x1xf32>
    %get3A_2 = arith.constant 0 : index
    %get3A_3 = arith.constant 1 : index
    %get3A_4 = vector.load %arg1[%get3A_2, %get3A_3] : memref<128x3xf32, #tpu.memory_space<vmem>>, vector<128x1xf32>
    %get3A_5 = arith.constant 0 : index
    %get3A_6 = arith.constant 2 : index
    %get3A_7 = vector.load %arg1[%get3A_5, %get3A_6] : memref<128x3xf32, #tpu.memory_space<vmem>>, vector<128x1xf32>
    %get3A_8 = arith.constant 0 : index
    %get3A_9 = arith.constant 0 : index
    %get3A_10 = vector.load %arg2[%get3A_8, %get3A_9] : memref<1x10240xf32, #tpu.memory_space<vmem>>, vector<1x10240xf32>
    %sub3A = vector.broadcast %get3A_1 : vector<128x1xf32> to vector<128x10240xf32>
    %sub3A_11 = vector.broadcast %get3A_10 : vector<1x10240xf32> to vector<128x10240xf32>
    %sub3A_12 = arith.subf %sub3A, %sub3A_11 : vector<128x10240xf32>
    %get3A_13 = arith.constant 0 : index
    %get3A_14 = arith.constant 0 : index
    %get3A_15 = vector.load %arg3[%get3A_13, %get3A_14] : memref<1x10240xf32, #tpu.memory_space<vmem>>, vector<1x10240xf32>
    %sub3A_16 = vector.broadcast %get3A_4 : vector<128x1xf32> to vector<128x10240xf32>
    %sub3A_17 = vector.broadcast %get3A_15 : vector<1x10240xf32> to vector<128x10240xf32>
    %sub3A_18 = arith.subf %sub3A_16, %sub3A_17 : vector<128x10240xf32>
    %get3A_19 = arith.constant 0 : index
    %get3A_20 = arith.constant 0 : index
    %get3A_21 = vector.load %arg4[%get3A_19, %get3A_20] : memref<1x10240xf32, #tpu.memory_space<vmem>>, vector<1x10240xf32>
    %sub3A_22 = vector.broadcast %get3A_7 : vector<128x1xf32> to vector<128x10240xf32>
    %sub3A_23 = vector.broadcast %get3A_21 : vector<1x10240xf32> to vector<128x10240xf32>
    %sub3A_24 = arith.subf %sub3A_22, %sub3A_23 : vector<128x10240xf32>
    %mul3A = arith.mulf %sub3A_12, %sub3A_12 : vector<128x10240xf32>
    %mul3A_25 = arith.mulf %sub3A_18, %sub3A_18 : vector<128x10240xf32>
    %add3A = arith.addf %mul3A, %mul3A_25 : vector<128x10240xf32>
    %mul3A_26 = arith.mulf %sub3A_24, %sub3A_24 : vector<128x10240xf32>
    %add3A_27 = arith.addf %add3A, %mul3A_26 : vector<128x10240xf32>
    %bitcast_convert_type3A = tpu.bitcast %add3A_27 : vector<128x10240xf32> -> vector<128x10240xi32>
    %broadcast_in_dim3A = arith.constant 0 : i32
    %broadcast_in_dim3A_28 = vector.broadcast %broadcast_in_dim3A : i32 to vector<128x1xi32>
    %or3A = arith.constant 1073741823 : i32
    %or3A_29 = vector.broadcast %or3A : i32 to vector<128x1xi32>
    %or3A_30 = arith.ori %broadcast_in_dim3A_28, %or3A_29 : vector<128x1xi32>
    %le3A = vector.broadcast %or3A_30 : vector<128x1xi32> to vector<128x10240xi32>
    %le3A_31 = arith.cmpi sle, %bitcast_convert_type3A, %le3A : vector<128x10240xi32>
    %convert_element_type3A = arith.extui %le3A_31 : vector<128x10240xi1> to vector<128x10240xi32>
    %reduce_sum3A = arith.constant dense<0> : vector<128xi32>
    %reduce_sum3A_32 = vector.multi_reduction <add>, %convert_element_type3A, %reduce_sum3A [1] : vector<128x10240xi32> to vector<128xi32>
    %broadcast_in_dim3A_33 = vector.shape_cast %reduce_sum3A_32 : vector<128xi32> to vector<128x1xi32>
    %ge3A = arith.constant 64 : i32
    %ge3A_34 = vector.broadcast %ge3A : i32 to vector<128x1xi32>
    %ge3A_35 = arith.cmpi sge, %broadcast_in_dim3A_33, %ge3A_34 : vector<128x1xi32>
    %or3A_36 = arith.constant 1073741824 : i32
    %or3A_37 = vector.broadcast %or3A_36 : i32 to vector<128x1xi32>
    %or3A_38 = arith.ori %broadcast_in_dim3A_28, %or3A_37 : vector<128x1xi32>
    %select_n3A = arith.select %ge3A_35, %broadcast_in_dim3A_28, %or3A_38 : vector<128x1xi1>, vector<128x1xi32>
    %or3A_39 = arith.constant 536870911 : i32
    %or3A_40 = vector.broadcast %or3A_39 : i32 to vector<128x1xi32>
    %or3A_41 = arith.ori %select_n3A, %or3A_40 : vector<128x1xi32>
    %le3A_42 = vector.broadcast %or3A_41 : vector<128x1xi32> to vector<128x10240xi32>
    %le3A_43 = arith.cmpi sle, %bitcast_convert_type3A, %le3A_42 : vector<128x10240xi32>
    %convert_element_type3A_44 = arith.extui %le3A_43 : vector<128x10240xi1> to vector<128x10240xi32>
    %reduce_sum3A_45 = arith.constant dense<0> : vector<128xi32>
    %reduce_sum3A_46 = vector.multi_reduction <add>, %convert_element_type3A_44, %reduce_sum3A_45 [1] : vector<128x10240xi32> to vector<128xi32>
    %broadcast_in_dim3A_47 = vector.shape_cast %reduce_sum3A_46 : vector<128xi32> to vector<128x1xi32>
    %ge3A_48 = arith.constant 64 : i32
    %ge3A_49 = vector.broadcast %ge3A_48 : i32 to vector<128x1xi32>
    %ge3A_50 = arith.cmpi sge, %broadcast_in_dim3A_47, %ge3A_49 : vector<128x1xi32>
    %or3A_51 = arith.constant 536870912 : i32
    %or3A_52 = vector.broadcast %or3A_51 : i32 to vector<128x1xi32>
    %or3A_53 = arith.ori %select_n3A, %or3A_52 : vector<128x1xi32>
    %select_n3A_54 = arith.select %ge3A_50, %select_n3A, %or3A_53 : vector<128x1xi1>, vector<128x1xi32>
    %or3A_55 = arith.constant 268435455 : i32
    %or3A_56 = vector.broadcast %or3A_55 : i32 to vector<128x1xi32>
    %or3A_57 = arith.ori %select_n3A_54, %or3A_56 : vector<128x1xi32>
    %le3A_58 = vector.broadcast %or3A_57 : vector<128x1xi32> to vector<128x10240xi32>
    %le3A_59 = arith.cmpi sle, %bitcast_convert_type3A, %le3A_58 : vector<128x10240xi32>
    %convert_element_type3A_60 = arith.extui %le3A_59 : vector<128x10240xi1> to vector<128x10240xi32>
    %reduce_sum3A_61 = arith.constant dense<0> : vector<128xi32>
    %reduce_sum3A_62 = vector.multi_reduction <add>, %convert_element_type3A_60, %reduce_sum3A_61 [1] : vector<128x10240xi32> to vector<128xi32>
    %broadcast_in_dim3A_63 = vector.shape_cast %reduce_sum3A_62 : vector<128xi32> to vector<128x1xi32>
    %ge3A_64 = arith.constant 64 : i32
    %ge3A_65 = vector.broadcast %ge3A_64 : i32 to vector<128x1xi32>
    %ge3A_66 = arith.cmpi sge, %broadcast_in_dim3A_63, %ge3A_65 : vector<128x1xi32>
    %or3A_67 = arith.constant 268435456 : i32
    %or3A_68 = vector.broadcast %or3A_67 : i32 to vector<128x1xi32>
    %or3A_69 = arith.ori %select_n3A_54, %or3A_68 : vector<128x1xi32>
    %select_n3A_70 = arith.select %ge3A_66, %select_n3A_54, %or3A_69 : vector<128x1xi1>, vector<128x1xi32>
    %or3A_71 = arith.constant 134217727 : i32
    %or3A_72 = vector.broadcast %or3A_71 : i32 to vector<128x1xi32>
    %or3A_73 = arith.ori %select_n3A_70, %or3A_72 : vector<128x1xi32>
    %le3A_74 = vector.broadcast %or3A_73 : vector<128x1xi32> to vector<128x10240xi32>
    %le3A_75 = arith.cmpi sle, %bitcast_convert_type3A, %le3A_74 : vector<128x10240xi32>
    %convert_element_type3A_76 = arith.extui %le3A_75 : vector<128x10240xi1> to vector<128x10240xi32>
    %reduce_sum3A_77 = arith.constant dense<0> : vector<128xi32>
    %reduce_sum3A_78 = vector.multi_reduction <add>, %convert_element_type3A_76, %reduce_sum3A_77 [1] : vector<128x10240xi32> to vector<128xi32>
    %broadcast_in_dim3A_79 = vector.shape_cast %reduce_sum3A_78 : vector<128xi32> to vector<128x1xi32>
    %ge3A_80 = arith.constant 64 : i32
    %ge3A_81 = vector.broadcast %ge3A_80 : i32 to vector<128x1xi32>
    %ge3A_82 = arith.cmpi sge, %broadcast_in_dim3A_79, %ge3A_81 : vector<128x1xi32>
    %or3A_83 = arith.constant 134217728 : i32
    %or3A_84 = vector.broadcast %or3A_83 : i32 to vector<128x1xi32>
    %or3A_85 = arith.ori %select_n3A_70, %or3A_84 : vector<128x1xi32>
    %select_n3A_86 = arith.select %ge3A_82, %select_n3A_70, %or3A_85 : vector<128x1xi1>, vector<128x1xi32>
    %or3A_87 = arith.constant 67108863 : i32
    %or3A_88 = vector.broadcast %or3A_87 : i32 to vector<128x1xi32>
    %or3A_89 = arith.ori %select_n3A_86, %or3A_88 : vector<128x1xi32>
    %le3A_90 = vector.broadcast %or3A_89 : vector<128x1xi32> to vector<128x10240xi32>
    %le3A_91 = arith.cmpi sle, %bitcast_convert_type3A, %le3A_90 : vector<128x10240xi32>
    %convert_element_type3A_92 = arith.extui %le3A_91 : vector<128x10240xi1> to vector<128x10240xi32>
    %reduce_sum3A_93 = arith.constant dense<0> : vector<128xi32>
    %reduce_sum3A_94 = vector.multi_reduction <add>, %convert_element_type3A_92, %reduce_sum3A_93 [1] : vector<128x10240xi32> to vector<128xi32>
    %broadcast_in_dim3A_95 = vector.shape_cast %reduce_sum3A_94 : vector<128xi32> to vector<128x1xi32>
    %ge3A_96 = arith.constant 64 : i32
    %ge3A_97 = vector.broadcast %ge3A_96 : i32 to vector<128x1xi32>
    %ge3A_98 = arith.cmpi sge, %broadcast_in_dim3A_95, %ge3A_97 : vector<128x1xi32>
    %or3A_99 = arith.constant 67108864 : i32
    %or3A_100 = vector.broadcast %or3A_99 : i32 to vector<128x1xi32>
    %or3A_101 = arith.ori %select_n3A_86, %or3A_100 : vector<128x1xi32>
    %select_n3A_102 = arith.select %ge3A_98, %select_n3A_86, %or3A_101 : vector<128x1xi1>, vector<128x1xi32>
    %or3A_103 = arith.constant 33554431 : i32
    %or3A_104 = vector.broadcast %or3A_103 : i32 to vector<128x1xi32>
    %or3A_105 = arith.ori %select_n3A_102, %or3A_104 : vector<128x1xi32>
    %le3A_106 = vector.broadcast %or3A_105 : vector<128x1xi32> to vector<128x10240xi32>
    %le3A_107 = arith.cmpi sle, %bitcast_convert_type3A, %le3A_106 : vector<128x10240xi32>
    %convert_element_type3A_108 = arith.extui %le3A_107 : vector<128x10240xi1> to vector<128x10240xi32>
    %reduce_sum3A_109 = arith.constant dense<0> : vector<128xi32>
    %reduce_sum3A_110 = vector.multi_reduction <add>, %convert_element_type3A_108, %reduce_sum3A_109 [1] : vector<128x10240xi32> to vector<128xi32>
    %broadcast_in_dim3A_111 = vector.shape_cast %reduce_sum3A_110 : vector<128xi32> to vector<128x1xi32>
    %ge3A_112 = arith.constant 64 : i32
    %ge3A_113 = vector.broadcast %ge3A_112 : i32 to vector<128x1xi32>
    %ge3A_114 = arith.cmpi sge, %broadcast_in_dim3A_111, %ge3A_113 : vector<128x1xi32>
    %or3A_115 = arith.constant 33554432 : i32
    %or3A_116 = vector.broadcast %or3A_115 : i32 to vector<128x1xi32>
    %or3A_117 = arith.ori %select_n3A_102, %or3A_116 : vector<128x1xi32>
    %select_n3A_118 = arith.select %ge3A_114, %select_n3A_102, %or3A_117 : vector<128x1xi1>, vector<128x1xi32>
    %or3A_119 = arith.constant 16777215 : i32
    %or3A_120 = vector.broadcast %or3A_119 : i32 to vector<128x1xi32>
    %or3A_121 = arith.ori %select_n3A_118, %or3A_120 : vector<128x1xi32>
    %le3A_122 = vector.broadcast %or3A_121 : vector<128x1xi32> to vector<128x10240xi32>
    %le3A_123 = arith.cmpi sle, %bitcast_convert_type3A, %le3A_122 : vector<128x10240xi32>
    %convert_element_type3A_124 = arith.extui %le3A_123 : vector<128x10240xi1> to vector<128x10240xi32>
    %reduce_sum3A_125 = arith.constant dense<0> : vector<128xi32>
    %reduce_sum3A_126 = vector.multi_reduction <add>, %convert_element_type3A_124, %reduce_sum3A_125 [1] : vector<128x10240xi32> to vector<128xi32>
    %broadcast_in_dim3A_127 = vector.shape_cast %reduce_sum3A_126 : vector<128xi32> to vector<128x1xi32>
    %ge3A_128 = arith.constant 64 : i32
    %ge3A_129 = vector.broadcast %ge3A_128 : i32 to vector<128x1xi32>
    %ge3A_130 = arith.cmpi sge, %broadcast_in_dim3A_127, %ge3A_129 : vector<128x1xi32>
    %or3A_131 = arith.constant 16777216 : i32
    %or3A_132 = vector.broadcast %or3A_131 : i32 to vector<128x1xi32>
    %or3A_133 = arith.ori %select_n3A_118, %or3A_132 : vector<128x1xi32>
    %select_n3A_134 = arith.select %ge3A_130, %select_n3A_118, %or3A_133 : vector<128x1xi1>, vector<128x1xi32>
    %or3A_135 = arith.constant 8388607 : i32
    %or3A_136 = vector.broadcast %or3A_135 : i32 to vector<128x1xi32>
    %or3A_137 = arith.ori %select_n3A_134, %or3A_136 : vector<128x1xi32>
    %le3A_138 = vector.broadcast %or3A_137 : vector<128x1xi32> to vector<128x10240xi32>
    %le3A_139 = arith.cmpi sle, %bitcast_convert_type3A, %le3A_138 : vector<128x10240xi32>
    %convert_element_type3A_140 = arith.extui %le3A_139 : vector<128x10240xi1> to vector<128x10240xi32>
    %reduce_sum3A_141 = arith.constant dense<0> : vector<128xi32>
    %reduce_sum3A_142 = vector.multi_reduction <add>, %convert_element_type3A_140, %reduce_sum3A_141 [1] : vector<128x10240xi32> to vector<128xi32>
    %broadcast_in_dim3A_143 = vector.shape_cast %reduce_sum3A_142 : vector<128xi32> to vector<128x1xi32>
    %ge3A_144 = arith.constant 64 : i32
    %ge3A_145 = vector.broadcast %ge3A_144 : i32 to vector<128x1xi32>
    %ge3A_146 = arith.cmpi sge, %broadcast_in_dim3A_143, %ge3A_145 : vector<128x1xi32>
    %or3A_147 = arith.constant 8388608 : i32
    %or3A_148 = vector.broadcast %or3A_147 : i32 to vector<128x1xi32>
    %or3A_149 = arith.ori %select_n3A_134, %or3A_148 : vector<128x1xi32>
    %select_n3A_150 = arith.select %ge3A_146, %select_n3A_134, %or3A_149 : vector<128x1xi1>, vector<128x1xi32>
    %or3A_151 = arith.constant 4194303 : i32
    %or3A_152 = vector.broadcast %or3A_151 : i32 to vector<128x1xi32>
    %or3A_153 = arith.ori %select_n3A_150, %or3A_152 : vector<128x1xi32>
    %le3A_154 = vector.broadcast %or3A_153 : vector<128x1xi32> to vector<128x10240xi32>
    %le3A_155 = arith.cmpi sle, %bitcast_convert_type3A, %le3A_154 : vector<128x10240xi32>
    %convert_element_type3A_156 = arith.extui %le3A_155 : vector<128x10240xi1> to vector<128x10240xi32>
    %reduce_sum3A_157 = arith.constant dense<0> : vector<128xi32>
    %reduce_sum3A_158 = vector.multi_reduction <add>, %convert_element_type3A_156, %reduce_sum3A_157 [1] : vector<128x10240xi32> to vector<128xi32>
    %broadcast_in_dim3A_159 = vector.shape_cast %reduce_sum3A_158 : vector<128xi32> to vector<128x1xi32>
    %ge3A_160 = arith.constant 64 : i32
    %ge3A_161 = vector.broadcast %ge3A_160 : i32 to vector<128x1xi32>
    %ge3A_162 = arith.cmpi sge, %broadcast_in_dim3A_159, %ge3A_161 : vector<128x1xi32>
    %or3A_163 = arith.constant 4194304 : i32
    %or3A_164 = vector.broadcast %or3A_163 : i32 to vector<128x1xi32>
    %or3A_165 = arith.ori %select_n3A_150, %or3A_164 : vector<128x1xi32>
    %select_n3A_166 = arith.select %ge3A_162, %select_n3A_150, %or3A_165 : vector<128x1xi1>, vector<128x1xi32>
    %or3A_167 = arith.constant 2097151 : i32
    %or3A_168 = vector.broadcast %or3A_167 : i32 to vector<128x1xi32>
    %or3A_169 = arith.ori %select_n3A_166, %or3A_168 : vector<128x1xi32>
    %le3A_170 = vector.broadcast %or3A_169 : vector<128x1xi32> to vector<128x10240xi32>
    %le3A_171 = arith.cmpi sle, %bitcast_convert_type3A, %le3A_170 : vector<128x10240xi32>
    %convert_element_type3A_172 = arith.extui %le3A_171 : vector<128x10240xi1> to vector<128x10240xi32>
    %reduce_sum3A_173 = arith.constant dense<0> : vector<128xi32>
    %reduce_sum3A_174 = vector.multi_reduction <add>, %convert_element_type3A_172, %reduce_sum3A_173 [1] : vector<128x10240xi32> to vector<128xi32>
    %broadcast_in_dim3A_175 = vector.shape_cast %reduce_sum3A_174 : vector<128xi32> to vector<128x1xi32>
    %ge3A_176 = arith.constant 64 : i32
    %ge3A_177 = vector.broadcast %ge3A_176 : i32 to vector<128x1xi32>
    %ge3A_178 = arith.cmpi sge, %broadcast_in_dim3A_175, %ge3A_177 : vector<128x1xi32>
    %or3A_179 = arith.constant 2097152 : i32
    %or3A_180 = vector.broadcast %or3A_179 : i32 to vector<128x1xi32>
    %or3A_181 = arith.ori %select_n3A_166, %or3A_180 : vector<128x1xi32>
    %select_n3A_182 = arith.select %ge3A_178, %select_n3A_166, %or3A_181 : vector<128x1xi1>, vector<128x1xi32>
    %or3A_183 = arith.constant 1048575 : i32
    %or3A_184 = vector.broadcast %or3A_183 : i32 to vector<128x1xi32>
    %or3A_185 = arith.ori %select_n3A_182, %or3A_184 : vector<128x1xi32>
    %le3A_186 = vector.broadcast %or3A_185 : vector<128x1xi32> to vector<128x10240xi32>
    %le3A_187 = arith.cmpi sle, %bitcast_convert_type3A, %le3A_186 : vector<128x10240xi32>
    %convert_element_type3A_188 = arith.extui %le3A_187 : vector<128x10240xi1> to vector<128x10240xi32>
    %reduce_sum3A_189 = arith.constant dense<0> : vector<128xi32>
    %reduce_sum3A_190 = vector.multi_reduction <add>, %convert_element_type3A_188, %reduce_sum3A_189 [1] : vector<128x10240xi32> to vector<128xi32>
    %broadcast_in_dim3A_191 = vector.shape_cast %reduce_sum3A_190 : vector<128xi32> to vector<128x1xi32>
    %ge3A_192 = arith.constant 64 : i32
    %ge3A_193 = vector.broadcast %ge3A_192 : i32 to vector<128x1xi32>
    %ge3A_194 = arith.cmpi sge, %broadcast_in_dim3A_191, %ge3A_193 : vector<128x1xi32>
    %or3A_195 = arith.constant 1048576 : i32
    %or3A_196 = vector.broadcast %or3A_195 : i32 to vector<128x1xi32>
    %or3A_197 = arith.ori %select_n3A_182, %or3A_196 : vector<128x1xi32>
    %select_n3A_198 = arith.select %ge3A_194, %select_n3A_182, %or3A_197 : vector<128x1xi1>, vector<128x1xi32>
    %or3A_199 = arith.constant 524287 : i32
    %or3A_200 = vector.broadcast %or3A_199 : i32 to vector<128x1xi32>
    %or3A_201 = arith.ori %select_n3A_198, %or3A_200 : vector<128x1xi32>
    %le3A_202 = vector.broadcast %or3A_201 : vector<128x1xi32> to vector<128x10240xi32>
    %le3A_203 = arith.cmpi sle, %bitcast_convert_type3A, %le3A_202 : vector<128x10240xi32>
    %convert_element_type3A_204 = arith.extui %le3A_203 : vector<128x10240xi1> to vector<128x10240xi32>
    %reduce_sum3A_205 = arith.constant dense<0> : vector<128xi32>
    %reduce_sum3A_206 = vector.multi_reduction <add>, %convert_element_type3A_204, %reduce_sum3A_205 [1] : vector<128x10240xi32> to vector<128xi32>
    %broadcast_in_dim3A_207 = vector.shape_cast %reduce_sum3A_206 : vector<128xi32> to vector<128x1xi32>
    %ge3A_208 = arith.constant 64 : i32
    %ge3A_209 = vector.broadcast %ge3A_208 : i32 to vector<128x1xi32>
    %ge3A_210 = arith.cmpi sge, %broadcast_in_dim3A_207, %ge3A_209 : vector<128x1xi32>
    %or3A_211 = arith.constant 524288 : i32
    %or3A_212 = vector.broadcast %or3A_211 : i32 to vector<128x1xi32>
    %or3A_213 = arith.ori %select_n3A_198, %or3A_212 : vector<128x1xi32>
    %select_n3A_214 = arith.select %ge3A_210, %select_n3A_198, %or3A_213 : vector<128x1xi1>, vector<128x1xi32>
    %or3A_215 = arith.constant 262143 : i32
    %or3A_216 = vector.broadcast %or3A_215 : i32 to vector<128x1xi32>
    %or3A_217 = arith.ori %select_n3A_214, %or3A_216 : vector<128x1xi32>
    %le3A_218 = vector.broadcast %or3A_217 : vector<128x1xi32> to vector<128x10240xi32>
    %le3A_219 = arith.cmpi sle, %bitcast_convert_type3A, %le3A_218 : vector<128x10240xi32>
    %convert_element_type3A_220 = arith.extui %le3A_219 : vector<128x10240xi1> to vector<128x10240xi32>
    %reduce_sum3A_221 = arith.constant dense<0> : vector<128xi32>
    %reduce_sum3A_222 = vector.multi_reduction <add>, %convert_element_type3A_220, %reduce_sum3A_221 [1] : vector<128x10240xi32> to vector<128xi32>
    %broadcast_in_dim3A_223 = vector.shape_cast %reduce_sum3A_222 : vector<128xi32> to vector<128x1xi32>
    %ge3A_224 = arith.constant 64 : i32
    %ge3A_225 = vector.broadcast %ge3A_224 : i32 to vector<128x1xi32>
    %ge3A_226 = arith.cmpi sge, %broadcast_in_dim3A_223, %ge3A_225 : vector<128x1xi32>
    %or3A_227 = arith.constant 262144 : i32
    %or3A_228 = vector.broadcast %or3A_227 : i32 to vector<128x1xi32>
    %or3A_229 = arith.ori %select_n3A_214, %or3A_228 : vector<128x1xi32>
    %select_n3A_230 = arith.select %ge3A_226, %select_n3A_214, %or3A_229 : vector<128x1xi1>, vector<128x1xi32>
    %or3A_231 = arith.constant 131071 : i32
    %or3A_232 = vector.broadcast %or3A_231 : i32 to vector<128x1xi32>
    %or3A_233 = arith.ori %select_n3A_230, %or3A_232 : vector<128x1xi32>
    %le3A_234 = vector.broadcast %or3A_233 : vector<128x1xi32> to vector<128x10240xi32>
    %le3A_235 = arith.cmpi sle, %bitcast_convert_type3A, %le3A_234 : vector<128x10240xi32>
    %convert_element_type3A_236 = arith.extui %le3A_235 : vector<128x10240xi1> to vector<128x10240xi32>
    %reduce_sum3A_237 = arith.constant dense<0> : vector<128xi32>
    %reduce_sum3A_238 = vector.multi_reduction <add>, %convert_element_type3A_236, %reduce_sum3A_237 [1] : vector<128x10240xi32> to vector<128xi32>
    %broadcast_in_dim3A_239 = vector.shape_cast %reduce_sum3A_238 : vector<128xi32> to vector<128x1xi32>
    %ge3A_240 = arith.constant 64 : i32
    %ge3A_241 = vector.broadcast %ge3A_240 : i32 to vector<128x1xi32>
    %ge3A_242 = arith.cmpi sge, %broadcast_in_dim3A_239, %ge3A_241 : vector<128x1xi32>
    %or3A_243 = arith.constant 131072 : i32
    %or3A_244 = vector.broadcast %or3A_243 : i32 to vector<128x1xi32>
    %or3A_245 = arith.ori %select_n3A_230, %or3A_244 : vector<128x1xi32>
    %select_n3A_246 = arith.select %ge3A_242, %select_n3A_230, %or3A_245 : vector<128x1xi1>, vector<128x1xi32>
    %or3A_247 = arith.constant 65535 : i32
    %or3A_248 = vector.broadcast %or3A_247 : i32 to vector<128x1xi32>
    %or3A_249 = arith.ori %select_n3A_246, %or3A_248 : vector<128x1xi32>
    %le3A_250 = vector.broadcast %or3A_249 : vector<128x1xi32> to vector<128x10240xi32>
    %le3A_251 = arith.cmpi sle, %bitcast_convert_type3A, %le3A_250 : vector<128x10240xi32>
    %convert_element_type3A_252 = arith.extui %le3A_251 : vector<128x10240xi1> to vector<128x10240xi32>
    %reduce_sum3A_253 = arith.constant dense<0> : vector<128xi32>
    %reduce_sum3A_254 = vector.multi_reduction <add>, %convert_element_type3A_252, %reduce_sum3A_253 [1] : vector<128x10240xi32> to vector<128xi32>
    %broadcast_in_dim3A_255 = vector.shape_cast %reduce_sum3A_254 : vector<128xi32> to vector<128x1xi32>
    %ge3A_256 = arith.constant 64 : i32
    %ge3A_257 = vector.broadcast %ge3A_256 : i32 to vector<128x1xi32>
    %ge3A_258 = arith.cmpi sge, %broadcast_in_dim3A_255, %ge3A_257 : vector<128x1xi32>
    %or3A_259 = arith.constant 65536 : i32
    %or3A_260 = vector.broadcast %or3A_259 : i32 to vector<128x1xi32>
    %or3A_261 = arith.ori %select_n3A_246, %or3A_260 : vector<128x1xi32>
    %select_n3A_262 = arith.select %ge3A_258, %select_n3A_246, %or3A_261 : vector<128x1xi1>, vector<128x1xi32>
    %or3A_263 = arith.constant 32767 : i32
    %or3A_264 = vector.broadcast %or3A_263 : i32 to vector<128x1xi32>
    %or3A_265 = arith.ori %select_n3A_262, %or3A_264 : vector<128x1xi32>
    %le3A_266 = vector.broadcast %or3A_265 : vector<128x1xi32> to vector<128x10240xi32>
    %le3A_267 = arith.cmpi sle, %bitcast_convert_type3A, %le3A_266 : vector<128x10240xi32>
    %convert_element_type3A_268 = arith.extui %le3A_267 : vector<128x10240xi1> to vector<128x10240xi32>
    %reduce_sum3A_269 = arith.constant dense<0> : vector<128xi32>
    %reduce_sum3A_270 = vector.multi_reduction <add>, %convert_element_type3A_268, %reduce_sum3A_269 [1] : vector<128x10240xi32> to vector<128xi32>
    %broadcast_in_dim3A_271 = vector.shape_cast %reduce_sum3A_270 : vector<128xi32> to vector<128x1xi32>
    %ge3A_272 = arith.constant 64 : i32
    %ge3A_273 = vector.broadcast %ge3A_272 : i32 to vector<128x1xi32>
    %ge3A_274 = arith.cmpi sge, %broadcast_in_dim3A_271, %ge3A_273 : vector<128x1xi32>
    %or3A_275 = arith.constant 32768 : i32
    %or3A_276 = vector.broadcast %or3A_275 : i32 to vector<128x1xi32>
    %or3A_277 = arith.ori %select_n3A_262, %or3A_276 : vector<128x1xi32>
    %select_n3A_278 = arith.select %ge3A_274, %select_n3A_262, %or3A_277 : vector<128x1xi1>, vector<128x1xi32>
    %or3A_279 = arith.constant 16383 : i32
    %or3A_280 = vector.broadcast %or3A_279 : i32 to vector<128x1xi32>
    %or3A_281 = arith.ori %select_n3A_278, %or3A_280 : vector<128x1xi32>
    %le3A_282 = vector.broadcast %or3A_281 : vector<128x1xi32> to vector<128x10240xi32>
    %le3A_283 = arith.cmpi sle, %bitcast_convert_type3A, %le3A_282 : vector<128x10240xi32>
    %convert_element_type3A_284 = arith.extui %le3A_283 : vector<128x10240xi1> to vector<128x10240xi32>
    %reduce_sum3A_285 = arith.constant dense<0> : vector<128xi32>
    %reduce_sum3A_286 = vector.multi_reduction <add>, %convert_element_type3A_284, %reduce_sum3A_285 [1] : vector<128x10240xi32> to vector<128xi32>
    %broadcast_in_dim3A_287 = vector.shape_cast %reduce_sum3A_286 : vector<128xi32> to vector<128x1xi32>
    %ge3A_288 = arith.constant 64 : i32
    %ge3A_289 = vector.broadcast %ge3A_288 : i32 to vector<128x1xi32>
    %ge3A_290 = arith.cmpi sge, %broadcast_in_dim3A_287, %ge3A_289 : vector<128x1xi32>
    %or3A_291 = arith.constant 16384 : i32
    %or3A_292 = vector.broadcast %or3A_291 : i32 to vector<128x1xi32>
    %or3A_293 = arith.ori %select_n3A_278, %or3A_292 : vector<128x1xi32>
    %select_n3A_294 = arith.select %ge3A_290, %select_n3A_278, %or3A_293 : vector<128x1xi1>, vector<128x1xi32>
    %or3A_295 = arith.constant 8191 : i32
    %or3A_296 = vector.broadcast %or3A_295 : i32 to vector<128x1xi32>
    %or3A_297 = arith.ori %select_n3A_294, %or3A_296 : vector<128x1xi32>
    %le3A_298 = vector.broadcast %or3A_297 : vector<128x1xi32> to vector<128x10240xi32>
    %le3A_299 = arith.cmpi sle, %bitcast_convert_type3A, %le3A_298 : vector<128x10240xi32>
    %convert_element_type3A_300 = arith.extui %le3A_299 : vector<128x10240xi1> to vector<128x10240xi32>
    %reduce_sum3A_301 = arith.constant dense<0> : vector<128xi32>
    %reduce_sum3A_302 = vector.multi_reduction <add>, %convert_element_type3A_300, %reduce_sum3A_301 [1] : vector<128x10240xi32> to vector<128xi32>
    %broadcast_in_dim3A_303 = vector.shape_cast %reduce_sum3A_302 : vector<128xi32> to vector<128x1xi32>
    %ge3A_304 = arith.constant 64 : i32
    %ge3A_305 = vector.broadcast %ge3A_304 : i32 to vector<128x1xi32>
    %ge3A_306 = arith.cmpi sge, %broadcast_in_dim3A_303, %ge3A_305 : vector<128x1xi32>
    %or3A_307 = arith.constant 8192 : i32
    %or3A_308 = vector.broadcast %or3A_307 : i32 to vector<128x1xi32>
    %or3A_309 = arith.ori %select_n3A_294, %or3A_308 : vector<128x1xi32>
    %select_n3A_310 = arith.select %ge3A_306, %select_n3A_294, %or3A_309 : vector<128x1xi1>, vector<128x1xi32>
    %or3A_311 = arith.constant 4095 : i32
    %or3A_312 = vector.broadcast %or3A_311 : i32 to vector<128x1xi32>
    %or3A_313 = arith.ori %select_n3A_310, %or3A_312 : vector<128x1xi32>
    %le3A_314 = vector.broadcast %or3A_313 : vector<128x1xi32> to vector<128x10240xi32>
    %le3A_315 = arith.cmpi sle, %bitcast_convert_type3A, %le3A_314 : vector<128x10240xi32>
    %convert_element_type3A_316 = arith.extui %le3A_315 : vector<128x10240xi1> to vector<128x10240xi32>
    %reduce_sum3A_317 = arith.constant dense<0> : vector<128xi32>
    %reduce_sum3A_318 = vector.multi_reduction <add>, %convert_element_type3A_316, %reduce_sum3A_317 [1] : vector<128x10240xi32> to vector<128xi32>
    %broadcast_in_dim3A_319 = vector.shape_cast %reduce_sum3A_318 : vector<128xi32> to vector<128x1xi32>
    %ge3A_320 = arith.constant 64 : i32
    %ge3A_321 = vector.broadcast %ge3A_320 : i32 to vector<128x1xi32>
    %ge3A_322 = arith.cmpi sge, %broadcast_in_dim3A_319, %ge3A_321 : vector<128x1xi32>
    %or3A_323 = arith.constant 4096 : i32
    %or3A_324 = vector.broadcast %or3A_323 : i32 to vector<128x1xi32>
    %or3A_325 = arith.ori %select_n3A_310, %or3A_324 : vector<128x1xi32>
    %select_n3A_326 = arith.select %ge3A_322, %select_n3A_310, %or3A_325 : vector<128x1xi1>, vector<128x1xi32>
    %or3A_327 = arith.constant 2047 : i32
    %or3A_328 = vector.broadcast %or3A_327 : i32 to vector<128x1xi32>
    %or3A_329 = arith.ori %select_n3A_326, %or3A_328 : vector<128x1xi32>
    %le3A_330 = vector.broadcast %or3A_329 : vector<128x1xi32> to vector<128x10240xi32>
    %le3A_331 = arith.cmpi sle, %bitcast_convert_type3A, %le3A_330 : vector<128x10240xi32>
    %convert_element_type3A_332 = arith.extui %le3A_331 : vector<128x10240xi1> to vector<128x10240xi32>
    %reduce_sum3A_333 = arith.constant dense<0> : vector<128xi32>
    %reduce_sum3A_334 = vector.multi_reduction <add>, %convert_element_type3A_332, %reduce_sum3A_333 [1] : vector<128x10240xi32> to vector<128xi32>
    %broadcast_in_dim3A_335 = vector.shape_cast %reduce_sum3A_334 : vector<128xi32> to vector<128x1xi32>
    %ge3A_336 = arith.constant 64 : i32
    %ge3A_337 = vector.broadcast %ge3A_336 : i32 to vector<128x1xi32>
    %ge3A_338 = arith.cmpi sge, %broadcast_in_dim3A_335, %ge3A_337 : vector<128x1xi32>
    %or3A_339 = arith.constant 2048 : i32
    %or3A_340 = vector.broadcast %or3A_339 : i32 to vector<128x1xi32>
    %or3A_341 = arith.ori %select_n3A_326, %or3A_340 : vector<128x1xi32>
    %select_n3A_342 = arith.select %ge3A_338, %select_n3A_326, %or3A_341 : vector<128x1xi1>, vector<128x1xi32>
    %or3A_343 = arith.constant 1023 : i32
    %or3A_344 = vector.broadcast %or3A_343 : i32 to vector<128x1xi32>
    %or3A_345 = arith.ori %select_n3A_342, %or3A_344 : vector<128x1xi32>
    %le3A_346 = vector.broadcast %or3A_345 : vector<128x1xi32> to vector<128x10240xi32>
    %le3A_347 = arith.cmpi sle, %bitcast_convert_type3A, %le3A_346 : vector<128x10240xi32>
    %convert_element_type3A_348 = arith.extui %le3A_347 : vector<128x10240xi1> to vector<128x10240xi32>
    %reduce_sum3A_349 = arith.constant dense<0> : vector<128xi32>
    %reduce_sum3A_350 = vector.multi_reduction <add>, %convert_element_type3A_348, %reduce_sum3A_349 [1] : vector<128x10240xi32> to vector<128xi32>
    %broadcast_in_dim3A_351 = vector.shape_cast %reduce_sum3A_350 : vector<128xi32> to vector<128x1xi32>
    %ge3A_352 = arith.constant 64 : i32
    %ge3A_353 = vector.broadcast %ge3A_352 : i32 to vector<128x1xi32>
    %ge3A_354 = arith.cmpi sge, %broadcast_in_dim3A_351, %ge3A_353 : vector<128x1xi32>
    %or3A_355 = arith.constant 1024 : i32
    %or3A_356 = vector.broadcast %or3A_355 : i32 to vector<128x1xi32>
    %or3A_357 = arith.ori %select_n3A_342, %or3A_356 : vector<128x1xi32>
    %select_n3A_358 = arith.select %ge3A_354, %select_n3A_342, %or3A_357 : vector<128x1xi1>, vector<128x1xi32>
    %or3A_359 = arith.constant 511 : i32
    %or3A_360 = vector.broadcast %or3A_359 : i32 to vector<128x1xi32>
    %or3A_361 = arith.ori %select_n3A_358, %or3A_360 : vector<128x1xi32>
    %le3A_362 = vector.broadcast %or3A_361 : vector<128x1xi32> to vector<128x10240xi32>
    %le3A_363 = arith.cmpi sle, %bitcast_convert_type3A, %le3A_362 : vector<128x10240xi32>
    %convert_element_type3A_364 = arith.extui %le3A_363 : vector<128x10240xi1> to vector<128x10240xi32>
    %reduce_sum3A_365 = arith.constant dense<0> : vector<128xi32>
    %reduce_sum3A_366 = vector.multi_reduction <add>, %convert_element_type3A_364, %reduce_sum3A_365 [1] : vector<128x10240xi32> to vector<128xi32>
    %broadcast_in_dim3A_367 = vector.shape_cast %reduce_sum3A_366 : vector<128xi32> to vector<128x1xi32>
    %ge3A_368 = arith.constant 64 : i32
    %ge3A_369 = vector.broadcast %ge3A_368 : i32 to vector<128x1xi32>
    %ge3A_370 = arith.cmpi sge, %broadcast_in_dim3A_367, %ge3A_369 : vector<128x1xi32>
    %or3A_371 = arith.constant 512 : i32
    %or3A_372 = vector.broadcast %or3A_371 : i32 to vector<128x1xi32>
    %or3A_373 = arith.ori %select_n3A_358, %or3A_372 : vector<128x1xi32>
    %select_n3A_374 = arith.select %ge3A_370, %select_n3A_358, %or3A_373 : vector<128x1xi1>, vector<128x1xi32>
    %or3A_375 = arith.constant 255 : i32
    %or3A_376 = vector.broadcast %or3A_375 : i32 to vector<128x1xi32>
    %or3A_377 = arith.ori %select_n3A_374, %or3A_376 : vector<128x1xi32>
    %le3A_378 = vector.broadcast %or3A_377 : vector<128x1xi32> to vector<128x10240xi32>
    %le3A_379 = arith.cmpi sle, %bitcast_convert_type3A, %le3A_378 : vector<128x10240xi32>
    %convert_element_type3A_380 = arith.extui %le3A_379 : vector<128x10240xi1> to vector<128x10240xi32>
    %reduce_sum3A_381 = arith.constant dense<0> : vector<128xi32>
    %reduce_sum3A_382 = vector.multi_reduction <add>, %convert_element_type3A_380, %reduce_sum3A_381 [1] : vector<128x10240xi32> to vector<128xi32>
    %broadcast_in_dim3A_383 = vector.shape_cast %reduce_sum3A_382 : vector<128xi32> to vector<128x1xi32>
    %ge3A_384 = arith.constant 64 : i32
    %ge3A_385 = vector.broadcast %ge3A_384 : i32 to vector<128x1xi32>
    %ge3A_386 = arith.cmpi sge, %broadcast_in_dim3A_383, %ge3A_385 : vector<128x1xi32>
    %or3A_387 = arith.constant 256 : i32
    %or3A_388 = vector.broadcast %or3A_387 : i32 to vector<128x1xi32>
    %or3A_389 = arith.ori %select_n3A_374, %or3A_388 : vector<128x1xi32>
    %select_n3A_390 = arith.select %ge3A_386, %select_n3A_374, %or3A_389 : vector<128x1xi1>, vector<128x1xi32>
    %or3A_391 = arith.constant 127 : i32
    %or3A_392 = vector.broadcast %or3A_391 : i32 to vector<128x1xi32>
    %or3A_393 = arith.ori %select_n3A_390, %or3A_392 : vector<128x1xi32>
    %le3A_394 = vector.broadcast %or3A_393 : vector<128x1xi32> to vector<128x10240xi32>
    %le3A_395 = arith.cmpi sle, %bitcast_convert_type3A, %le3A_394 : vector<128x10240xi32>
    %convert_element_type3A_396 = arith.extui %le3A_395 : vector<128x10240xi1> to vector<128x10240xi32>
    %reduce_sum3A_397 = arith.constant dense<0> : vector<128xi32>
    %reduce_sum3A_398 = vector.multi_reduction <add>, %convert_element_type3A_396, %reduce_sum3A_397 [1] : vector<128x10240xi32> to vector<128xi32>
    %broadcast_in_dim3A_399 = vector.shape_cast %reduce_sum3A_398 : vector<128xi32> to vector<128x1xi32>
    %ge3A_400 = arith.constant 64 : i32
    %ge3A_401 = vector.broadcast %ge3A_400 : i32 to vector<128x1xi32>
    %ge3A_402 = arith.cmpi sge, %broadcast_in_dim3A_399, %ge3A_401 : vector<128x1xi32>
    %or3A_403 = arith.constant 128 : i32
    %or3A_404 = vector.broadcast %or3A_403 : i32 to vector<128x1xi32>
    %or3A_405 = arith.ori %select_n3A_390, %or3A_404 : vector<128x1xi32>
    %select_n3A_406 = arith.select %ge3A_402, %select_n3A_390, %or3A_405 : vector<128x1xi1>, vector<128x1xi32>
    %or3A_407 = arith.constant 63 : i32
    %or3A_408 = vector.broadcast %or3A_407 : i32 to vector<128x1xi32>
    %or3A_409 = arith.ori %select_n3A_406, %or3A_408 : vector<128x1xi32>
    %le3A_410 = vector.broadcast %or3A_409 : vector<128x1xi32> to vector<128x10240xi32>
    %le3A_411 = arith.cmpi sle, %bitcast_convert_type3A, %le3A_410 : vector<128x10240xi32>
    %convert_element_type3A_412 = arith.extui %le3A_411 : vector<128x10240xi1> to vector<128x10240xi32>
    %reduce_sum3A_413 = arith.constant dense<0> : vector<128xi32>
    %reduce_sum3A_414 = vector.multi_reduction <add>, %convert_element_type3A_412, %reduce_sum3A_413 [1] : vector<128x10240xi32> to vector<128xi32>
    %broadcast_in_dim3A_415 = vector.shape_cast %reduce_sum3A_414 : vector<128xi32> to vector<128x1xi32>
    %ge3A_416 = arith.constant 64 : i32
    %ge3A_417 = vector.broadcast %ge3A_416 : i32 to vector<128x1xi32>
    %ge3A_418 = arith.cmpi sge, %broadcast_in_dim3A_415, %ge3A_417 : vector<128x1xi32>
    %or3A_419 = arith.constant 64 : i32
    %or3A_420 = vector.broadcast %or3A_419 : i32 to vector<128x1xi32>
    %or3A_421 = arith.ori %select_n3A_406, %or3A_420 : vector<128x1xi32>
    %select_n3A_422 = arith.select %ge3A_418, %select_n3A_406, %or3A_421 : vector<128x1xi1>, vector<128x1xi32>
    %or3A_423 = arith.constant 31 : i32
    %or3A_424 = vector.broadcast %or3A_423 : i32 to vector<128x1xi32>
    %or3A_425 = arith.ori %select_n3A_422, %or3A_424 : vector<128x1xi32>
    %le3A_426 = vector.broadcast %or3A_425 : vector<128x1xi32> to vector<128x10240xi32>
    %le3A_427 = arith.cmpi sle, %bitcast_convert_type3A, %le3A_426 : vector<128x10240xi32>
    %convert_element_type3A_428 = arith.extui %le3A_427 : vector<128x10240xi1> to vector<128x10240xi32>
    %reduce_sum3A_429 = arith.constant dense<0> : vector<128xi32>
    %reduce_sum3A_430 = vector.multi_reduction <add>, %convert_element_type3A_428, %reduce_sum3A_429 [1] : vector<128x10240xi32> to vector<128xi32>
    %broadcast_in_dim3A_431 = vector.shape_cast %reduce_sum3A_430 : vector<128xi32> to vector<128x1xi32>
    %ge3A_432 = arith.constant 64 : i32
    %ge3A_433 = vector.broadcast %ge3A_432 : i32 to vector<128x1xi32>
    %ge3A_434 = arith.cmpi sge, %broadcast_in_dim3A_431, %ge3A_433 : vector<128x1xi32>
    %or3A_435 = arith.constant 32 : i32
    %or3A_436 = vector.broadcast %or3A_435 : i32 to vector<128x1xi32>
    %or3A_437 = arith.ori %select_n3A_422, %or3A_436 : vector<128x1xi32>
    %select_n3A_438 = arith.select %ge3A_434, %select_n3A_422, %or3A_437 : vector<128x1xi1>, vector<128x1xi32>
    %or3A_439 = arith.constant 15 : i32
    %or3A_440 = vector.broadcast %or3A_439 : i32 to vector<128x1xi32>
    %or3A_441 = arith.ori %select_n3A_438, %or3A_440 : vector<128x1xi32>
    %le3A_442 = vector.broadcast %or3A_441 : vector<128x1xi32> to vector<128x10240xi32>
    %le3A_443 = arith.cmpi sle, %bitcast_convert_type3A, %le3A_442 : vector<128x10240xi32>
    %convert_element_type3A_444 = arith.extui %le3A_443 : vector<128x10240xi1> to vector<128x10240xi32>
    %reduce_sum3A_445 = arith.constant dense<0> : vector<128xi32>
    %reduce_sum3A_446 = vector.multi_reduction <add>, %convert_element_type3A_444, %reduce_sum3A_445 [1] : vector<128x10240xi32> to vector<128xi32>
    %broadcast_in_dim3A_447 = vector.shape_cast %reduce_sum3A_446 : vector<128xi32> to vector<128x1xi32>
    %ge3A_448 = arith.constant 64 : i32
    %ge3A_449 = vector.broadcast %ge3A_448 : i32 to vector<128x1xi32>
    %ge3A_450 = arith.cmpi sge, %broadcast_in_dim3A_447, %ge3A_449 : vector<128x1xi32>
    %or3A_451 = arith.constant 16 : i32
    %or3A_452 = vector.broadcast %or3A_451 : i32 to vector<128x1xi32>
    %or3A_453 = arith.ori %select_n3A_438, %or3A_452 : vector<128x1xi32>
    %select_n3A_454 = arith.select %ge3A_450, %select_n3A_438, %or3A_453 : vector<128x1xi1>, vector<128x1xi32>
    %or3A_455 = arith.constant 7 : i32
    %or3A_456 = vector.broadcast %or3A_455 : i32 to vector<128x1xi32>
    %or3A_457 = arith.ori %select_n3A_454, %or3A_456 : vector<128x1xi32>
    %le3A_458 = vector.broadcast %or3A_457 : vector<128x1xi32> to vector<128x10240xi32>
    %le3A_459 = arith.cmpi sle, %bitcast_convert_type3A, %le3A_458 : vector<128x10240xi32>
    %convert_element_type3A_460 = arith.extui %le3A_459 : vector<128x10240xi1> to vector<128x10240xi32>
    %reduce_sum3A_461 = arith.constant dense<0> : vector<128xi32>
    %reduce_sum3A_462 = vector.multi_reduction <add>, %convert_element_type3A_460, %reduce_sum3A_461 [1] : vector<128x10240xi32> to vector<128xi32>
    %broadcast_in_dim3A_463 = vector.shape_cast %reduce_sum3A_462 : vector<128xi32> to vector<128x1xi32>
    %ge3A_464 = arith.constant 64 : i32
    %ge3A_465 = vector.broadcast %ge3A_464 : i32 to vector<128x1xi32>
    %ge3A_466 = arith.cmpi sge, %broadcast_in_dim3A_463, %ge3A_465 : vector<128x1xi32>
    %or3A_467 = arith.constant 8 : i32
    %or3A_468 = vector.broadcast %or3A_467 : i32 to vector<128x1xi32>
    %or3A_469 = arith.ori %select_n3A_454, %or3A_468 : vector<128x1xi32>
    %select_n3A_470 = arith.select %ge3A_466, %select_n3A_454, %or3A_469 : vector<128x1xi1>, vector<128x1xi32>
    %or3A_471 = arith.constant 3 : i32
    %or3A_472 = vector.broadcast %or3A_471 : i32 to vector<128x1xi32>
    %or3A_473 = arith.ori %select_n3A_470, %or3A_472 : vector<128x1xi32>
    %le3A_474 = vector.broadcast %or3A_473 : vector<128x1xi32> to vector<128x10240xi32>
    %le3A_475 = arith.cmpi sle, %bitcast_convert_type3A, %le3A_474 : vector<128x10240xi32>
    %convert_element_type3A_476 = arith.extui %le3A_475 : vector<128x10240xi1> to vector<128x10240xi32>
    %reduce_sum3A_477 = arith.constant dense<0> : vector<128xi32>
    %reduce_sum3A_478 = vector.multi_reduction <add>, %convert_element_type3A_476, %reduce_sum3A_477 [1] : vector<128x10240xi32> to vector<128xi32>
    %broadcast_in_dim3A_479 = vector.shape_cast %reduce_sum3A_478 : vector<128xi32> to vector<128x1xi32>
    %ge3A_480 = arith.constant 64 : i32
    %ge3A_481 = vector.broadcast %ge3A_480 : i32 to vector<128x1xi32>
    %ge3A_482 = arith.cmpi sge, %broadcast_in_dim3A_479, %ge3A_481 : vector<128x1xi32>
    %or3A_483 = arith.constant 4 : i32
    %or3A_484 = vector.broadcast %or3A_483 : i32 to vector<128x1xi32>
    %or3A_485 = arith.ori %select_n3A_470, %or3A_484 : vector<128x1xi32>
    %select_n3A_486 = arith.select %ge3A_482, %select_n3A_470, %or3A_485 : vector<128x1xi1>, vector<128x1xi32>
    %or3A_487 = arith.constant 1 : i32
    %or3A_488 = vector.broadcast %or3A_487 : i32 to vector<128x1xi32>
    %or3A_489 = arith.ori %select_n3A_486, %or3A_488 : vector<128x1xi32>
    %le3A_490 = vector.broadcast %or3A_489 : vector<128x1xi32> to vector<128x10240xi32>
    %le3A_491 = arith.cmpi sle, %bitcast_convert_type3A, %le3A_490 : vector<128x10240xi32>
    %convert_element_type3A_492 = arith.extui %le3A_491 : vector<128x10240xi1> to vector<128x10240xi32>
    %reduce_sum3A_493 = arith.constant dense<0> : vector<128xi32>
    %reduce_sum3A_494 = vector.multi_reduction <add>, %convert_element_type3A_492, %reduce_sum3A_493 [1] : vector<128x10240xi32> to vector<128xi32>
    %broadcast_in_dim3A_495 = vector.shape_cast %reduce_sum3A_494 : vector<128xi32> to vector<128x1xi32>
    %ge3A_496 = arith.constant 64 : i32
    %ge3A_497 = vector.broadcast %ge3A_496 : i32 to vector<128x1xi32>
    %ge3A_498 = arith.cmpi sge, %broadcast_in_dim3A_495, %ge3A_497 : vector<128x1xi32>
    %or3A_499 = arith.constant 2 : i32
    %or3A_500 = vector.broadcast %or3A_499 : i32 to vector<128x1xi32>
    %or3A_501 = arith.ori %select_n3A_486, %or3A_500 : vector<128x1xi32>
    %select_n3A_502 = arith.select %ge3A_498, %select_n3A_486, %or3A_501 : vector<128x1xi1>, vector<128x1xi32>
    %or3A_503 = arith.constant 0 : i32
    %or3A_504 = vector.broadcast %or3A_503 : i32 to vector<128x1xi32>
    %or3A_505 = arith.ori %select_n3A_502, %or3A_504 : vector<128x1xi32>
    %le3A_506 = vector.broadcast %or3A_505 : vector<128x1xi32> to vector<128x10240xi32>
    %le3A_507 = arith.cmpi sle, %bitcast_convert_type3A, %le3A_506 : vector<128x10240xi32>
    %convert_element_type3A_508 = arith.extui %le3A_507 : vector<128x10240xi1> to vector<128x10240xi32>
    %reduce_sum3A_509 = arith.constant dense<0> : vector<128xi32>
    %reduce_sum3A_510 = vector.multi_reduction <add>, %convert_element_type3A_508, %reduce_sum3A_509 [1] : vector<128x10240xi32> to vector<128xi32>
    %broadcast_in_dim3A_511 = vector.shape_cast %reduce_sum3A_510 : vector<128xi32> to vector<128x1xi32>
    %ge3A_512 = arith.constant 64 : i32
    %ge3A_513 = vector.broadcast %ge3A_512 : i32 to vector<128x1xi32>
    %ge3A_514 = arith.cmpi sge, %broadcast_in_dim3A_511, %ge3A_513 : vector<128x1xi32>
    %or3A_515 = arith.constant 1 : i32
    %or3A_516 = vector.broadcast %or3A_515 : i32 to vector<128x1xi32>
    %or3A_517 = arith.ori %select_n3A_502, %or3A_516 : vector<128x1xi32>
    %select_n3A_518 = arith.select %ge3A_514, %select_n3A_502, %or3A_517 : vector<128x1xi1>, vector<128x1xi32>
    %bitcast_convert_type3A_519 = tpu.bitcast %select_n3A_518 : vector<128x1xi32> -> vector<128x1xf32>
    %broadcast_in_dim3A_520 = vector.shape_cast %bitcast_convert_type3A_519 : vector<128x1xf32> to vector<128x1xf32>
    %broadcast_in_dim3A_521 = vector.broadcast %broadcast_in_dim3A_520 : vector<128x1xf32> to vector<128x128xf32>
    %swap3A = arith.constant 0 : index
    %swap3A_522 = arith.constant 0 : index
    %swap3A_523 = vector.load %arg5[%swap3A, %swap3A_522] : memref<128x128xf32, #tpu.memory_space<vmem>>, vector<128x128xf32>
    tpu.vector_store %arg5[%swap3A, %swap3A_522], %broadcast_in_dim3A_521 {strides = array<i32>} : memref<128x128xf32, #tpu.memory_space<vmem>>, vector<128x128xf32>,
    return
  }
  func.func @transform_0(%arg0: i32) -> (i32, i32) {
    %c0_i32 = arith.constant 0 : i32
    %c0_i32_0 = arith.constant 0 : i32
    return %arg0, %c0_i32 : i32, i32
  }
  func.func @transform_1(%arg0: i32) -> (i32, i32) {
    %c0_i32 = arith.constant 0 : i32
    %c0_i32_0 = arith.constant 0 : i32
    %c0_i32_1 = arith.constant 0 : i32
    return %c0_i32, %c0_i32_0 : i32, i32
  }
  func.func @transform_2(%arg0: i32) -> (i32, i32) {
    %c0_i32 = arith.constant 0 : i32
    %c0_i32_0 = arith.constant 0 : i32
    %c0_i32_1 = arith.constant 0 : i32
    return %c0_i32, %c0_i32_0 : i32, i32
  }
  func.func @transform_3(%arg0: i32) -> (i32, i32) {
    %c0_i32 = arith.constant 0 : i32
    %c0_i32_0 = arith.constant 0 : i32
    %c0_i32_1 = arith.constant 0 : i32
    return %c0_i32, %c0_i32_0 : i32, i32
  }
  func.func @transform_4(%arg0: i32) -> (i32, i32) {
    %c0_i32 = arith.constant 0 : i32
    %c0_i32_0 = arith.constant 0 : i32
    return %arg0, %c0_i32 : i32, i32
  }
}

module attributes {stable_mosaic.version = 14 : i64} {
  func.func @_fps_body(%arg0: memref<16x128xf32, #tpu.memory_space<vmem>>, %arg1: memref<16x128xf32, #tpu.memory_space<vmem>>, %arg2: memref<16x128xf32, #tpu.memory_space<vmem>>, %arg3: memref<2048xf32, #tpu.memory_space<smem>>, %arg4: memref<2048xf32, #tpu.memory_space<smem>>, %arg5: memref<2048xf32, #tpu.memory_space<smem>>, %arg6: memref<500xi32, #tpu.memory_space<smem>>, %arg7: memref<500xf32, #tpu.memory_space<smem>>, %arg8: memref<500xf32, #tpu.memory_space<smem>>, %arg9: memref<500xf32, #tpu.memory_space<smem>>, %arg10: memref<16x128xf32, #tpu.memory_space<vmem>>) attributes {dimension_semantics = [], scalar_prefetch = 0 : i64, scratch_operands = 1 : i64, tpu.core_type = #tpu.core_type<tc>} {
    %iota3A = tpu.iota {dimensions = array<i32: 0>} : vector<16x128xi32>
    %mul3A = arith.constant 128 : i32
    %mul3A_0 = vector.broadcast %mul3A : i32 to vector<16x128xi32>
    %mul3A_1 = arith.muli %iota3A, %mul3A_0 : vector<16x128xi32>
    %iota3A_2 = tpu.iota {dimensions = array<i32: 1>} : vector<16x128xi32>
    %add3A = arith.addi %mul3A_1, %iota3A_2 : vector<16x128xi32>
    %lt3A = arith.constant 2000 : i32
    %lt3A_3 = vector.broadcast %lt3A : i32 to vector<16x128xi32>
    %lt3A_4 = arith.cmpi slt, %add3A, %lt3A_3 : vector<16x128xi32>
    %get3A = arith.constant 0 : index
    %get3A_5 = arith.constant 0 : index
    %get3A_6 = vector.load %arg0[%get3A, %get3A_5] : memref<16x128xf32, #tpu.memory_space<vmem>>, vector<16x128xf32>
    %get3A_7 = arith.constant 0 : index
    %get3A_8 = arith.constant 0 : index
    %get3A_9 = vector.load %arg1[%get3A_7, %get3A_8] : memref<16x128xf32, #tpu.memory_space<vmem>>, vector<16x128xf32>
    %get3A_10 = arith.constant 0 : index
    %get3A_11 = arith.constant 0 : index
    %get3A_12 = vector.load %arg2[%get3A_10, %get3A_11] : memref<16x128xf32, #tpu.memory_space<vmem>>, vector<16x128xf32>
    %swap3A = arith.constant 0 : i32
    %swap3A_13 = arith.constant 0 : index
    %swap3A_14 = memref.load %arg6[%swap3A_13] : memref<500xi32, #tpu.memory_space<smem>>
    memref.store %swap3A, %arg6[%swap3A_13] : memref<500xi32, #tpu.memory_space<smem>>
    %get3A_15 = arith.constant 0 : index
    %get3A_16 = memref.load %arg3[%get3A_15] : memref<2048xf32, #tpu.memory_space<smem>>
    %get3A_17 = arith.constant 0 : index
    %get3A_18 = memref.load %arg4[%get3A_17] : memref<2048xf32, #tpu.memory_space<smem>>
    %get3A_19 = arith.constant 0 : index
    %get3A_20 = memref.load %arg5[%get3A_19] : memref<2048xf32, #tpu.memory_space<smem>>
    %swap3A_21 = arith.constant 0 : index
    %swap3A_22 = memref.load %arg7[%swap3A_21] : memref<500xf32, #tpu.memory_space<smem>>
    memref.store %get3A_16, %arg7[%swap3A_21] : memref<500xf32, #tpu.memory_space<smem>>
    %swap3A_23 = arith.constant 0 : index
    %swap3A_24 = memref.load %arg8[%swap3A_23] : memref<500xf32, #tpu.memory_space<smem>>
    memref.store %get3A_18, %arg8[%swap3A_23] : memref<500xf32, #tpu.memory_space<smem>>
    %swap3A_25 = arith.constant 0 : index
    %swap3A_26 = memref.load %arg9[%swap3A_25] : memref<500xf32, #tpu.memory_space<smem>>
    memref.store %get3A_20, %arg9[%swap3A_25] : memref<500xf32, #tpu.memory_space<smem>>
    %jit3A = arith.constant 0x7F800000 : f32
    %jit3A_27 = arith.constant 0xFF800000 : f32
    %broadcast_in_dim3A = vector.broadcast %jit3A : f32 to vector<16x128xf32>
    %broadcast_in_dim3A_28 = vector.broadcast %jit3A_27 : f32 to vector<16x128xf32>
    %select_n3A = arith.select %lt3A_4, %broadcast_in_dim3A, %broadcast_in_dim3A_28 : vector<16x128xi1>, vector<16x128xf32>
    %swap3A_29 = arith.constant 0 : index
    %swap3A_30 = arith.constant 0 : index
    %swap3A_31 = vector.load %arg10[%swap3A_29, %swap3A_30] : memref<16x128xf32, #tpu.memory_space<vmem>>, vector<16x128xf32>
    tpu.vector_store %arg10[%swap3A_29, %swap3A_30], %select_n3A {strides = array<i32>} : memref<16x128xf32, #tpu.memory_space<vmem>>, vector<16x128xf32>,
    %scan3A = arith.constant 1 : i32
    %scan3A_32 = arith.constant 499 : i32
    %scan3A_33 = arith.addi %scan3A, %scan3A_32 : i32
    %scan3A_34 = arith.constant 1 : i32
    %scan3A_35:3 = scf.for %scan3A_37 = %scan3A to %scan3A_33 step %scan3A_34 iter_args(%scan3A_38 = %get3A_16, %scan3A_39 = %get3A_18, %scan3A_40 = %get3A_20) -> (f32, f32, f32)  : i32 {
      %sub3A = vector.broadcast %scan3A_38 : f32 to vector<16x128xf32>
      %sub3A_41 = arith.subf %get3A_6, %sub3A : vector<16x128xf32>
      %integer_pow3A = arith.mulf %sub3A_41, %sub3A_41 : vector<16x128xf32>
      %sub3A_42 = vector.broadcast %scan3A_39 : f32 to vector<16x128xf32>
      %sub3A_43 = arith.subf %get3A_9, %sub3A_42 : vector<16x128xf32>
      %integer_pow3A_44 = arith.mulf %sub3A_43, %sub3A_43 : vector<16x128xf32>
      %add3A_45 = arith.addf %integer_pow3A, %integer_pow3A_44 : vector<16x128xf32>
      %sub3A_46 = vector.broadcast %scan3A_40 : f32 to vector<16x128xf32>
      %sub3A_47 = arith.subf %get3A_12, %sub3A_46 : vector<16x128xf32>
      %integer_pow3A_48 = arith.mulf %sub3A_47, %sub3A_47 : vector<16x128xf32>
      %add3A_49 = arith.addf %add3A_45, %integer_pow3A_48 : vector<16x128xf32>
      %get3A_50 = arith.constant 0 : index
      %get3A_51 = arith.constant 0 : index
      %get3A_52 = vector.load %arg10[%get3A_50, %get3A_51] : memref<16x128xf32, #tpu.memory_space<vmem>>, vector<16x128xf32>
      %min3A = arith.minimumf %get3A_52, %add3A_49 : vector<16x128xf32>
      %swap3A_53 = arith.constant 0 : index
      %swap3A_54 = arith.constant 0 : index
      %swap3A_55 = vector.load %arg10[%swap3A_53, %swap3A_54] : memref<16x128xf32, #tpu.memory_space<vmem>>, vector<16x128xf32>
      tpu.vector_store %arg10[%swap3A_53, %swap3A_54], %min3A {strides = array<i32>} : memref<16x128xf32, #tpu.memory_space<vmem>>, vector<16x128xf32>,
      %reduce_max3A = vector.shape_cast %min3A : vector<16x128xf32> to vector<1x16x128xf32>
      %reduce_max3A_56 = arith.constant dense<0xFF800000> : vector<1xf32>
      %reduce_max3A_57 = vector.multi_reduction <maximumf>, %reduce_max3A, %reduce_max3A_56 [1, 2] : vector<1x16x128xf32> to vector<1xf32>
      %reduce_max3A_58 = vector.shape_cast %reduce_max3A_57 : vector<1xf32> to vector<1x1x1xf32>
      %reduce_max3A_59 = vector.extract %reduce_max3A_58[0, 0, 0] : f32 from vector<1x1x1xf32>
      %eq3A = vector.broadcast %reduce_max3A_59 : f32 to vector<16x128xf32>
      %eq3A_60 = arith.cmpf oeq, %min3A, %eq3A : vector<16x128xf32>
      %jit3A_61 = arith.constant 1073741824 : i32
      %broadcast_in_dim3A_62 = vector.broadcast %jit3A_61 : i32 to vector<16x128xi32>
      %select_n3A_63 = arith.select %eq3A_60, %add3A, %broadcast_in_dim3A_62 : vector<16x128xi1>, vector<16x128xi32>
      %reduce_min3A = vector.shape_cast %select_n3A_63 : vector<16x128xi32> to vector<1x16x128xi32>
      %reduce_min3A_64 = arith.constant dense<2147483647> : vector<1xi32>
      %reduce_min3A_65 = vector.multi_reduction <minsi>, %reduce_min3A, %reduce_min3A_64 [1, 2] : vector<1x16x128xi32> to vector<1xi32>
      %reduce_min3A_66 = vector.shape_cast %reduce_min3A_65 : vector<1xi32> to vector<1x1x1xi32>
      %reduce_min3A_67 = vector.extract %reduce_min3A_66[0, 0, 0] : i32 from vector<1x1x1xi32>
      %swap3A_68 = arith.index_cast %scan3A_37 : i32 to index
      %swap3A_69 = memref.load %arg6[%swap3A_68] : memref<500xi32, #tpu.memory_space<smem>>
      memref.store %reduce_min3A_67, %arg6[%swap3A_68] : memref<500xi32, #tpu.memory_space<smem>>
      %get3A_70 = arith.index_cast %reduce_min3A_67 : i32 to index
      %get3A_71 = memref.load %arg3[%get3A_70] : memref<2048xf32, #tpu.memory_space<smem>>
      %get3A_72 = arith.index_cast %reduce_min3A_67 : i32 to index
      %get3A_73 = memref.load %arg4[%get3A_72] : memref<2048xf32, #tpu.memory_space<smem>>
      %get3A_74 = arith.index_cast %reduce_min3A_67 : i32 to index
      %get3A_75 = memref.load %arg5[%get3A_74] : memref<2048xf32, #tpu.memory_space<smem>>
      %swap3A_76 = arith.index_cast %scan3A_37 : i32 to index
      %swap3A_77 = memref.load %arg7[%swap3A_76] : memref<500xf32, #tpu.memory_space<smem>>
      memref.store %get3A_71, %arg7[%swap3A_76] : memref<500xf32, #tpu.memory_space<smem>>
      %swap3A_78 = arith.index_cast %scan3A_37 : i32 to index
      %swap3A_79 = memref.load %arg8[%swap3A_78] : memref<500xf32, #tpu.memory_space<smem>>
      memref.store %get3A_73, %arg8[%swap3A_78] : memref<500xf32, #tpu.memory_space<smem>>
      %swap3A_80 = arith.index_cast %scan3A_37 : i32 to index
      %swap3A_81 = memref.load %arg9[%swap3A_80] : memref<500xf32, #tpu.memory_space<smem>>
      memref.store %get3A_75, %arg9[%swap3A_80] : memref<500xf32, #tpu.memory_space<smem>>
      scf.yield %get3A_71, %get3A_73, %get3A_75 : f32, f32, f32
    }
    %scan3A_36 = arith.constant 499 : i32
    return
  }
}

module attributes {stable_mosaic.version = 14 : i64} {
  func.func @_thresh_body(%arg0: i32, %arg1: memref<128x3xf32, #tpu.memory_space<vmem>>, %arg2: memref<1x2048xf32, #tpu.memory_space<vmem>>, %arg3: memref<1x2048xf32, #tpu.memory_space<vmem>>, %arg4: memref<1x2048xf32, #tpu.memory_space<vmem>>, %arg5: memref<128x128xf32, #tpu.memory_space<vmem>>) attributes {dimension_semantics = [#tpu.dimension_semantics<arbitrary>], iteration_bounds = array<i64: 4>, scalar_prefetch = 0 : i64, scratch_operands = 0 : i64, tpu.core_type = #tpu.core_type<tc>, window_params = [{transform_indices = @transform_0, window_bounds = array<i64: 128, 3>}, {pipeline_mode = #tpu.pipeline_mode<synchronous>, transform_indices = @transform_1, window_bounds = array<i64: 1, 2048>}, {pipeline_mode = #tpu.pipeline_mode<synchronous>, transform_indices = @transform_2, window_bounds = array<i64: 1, 2048>}, {pipeline_mode = #tpu.pipeline_mode<synchronous>, transform_indices = @transform_3, window_bounds = array<i64: 1, 2048>}, {transform_indices = @transform_4, window_bounds = array<i64: 128, 128>}]} {
    %get3A = arith.constant 0 : index
    %get3A_0 = arith.constant 0 : index
    %get3A_1 = vector.load %arg1[%get3A, %get3A_0] : memref<128x3xf32, #tpu.memory_space<vmem>>, vector<128x1xf32>
    %get3A_2 = arith.constant 0 : index
    %get3A_3 = arith.constant 1 : index
    %get3A_4 = vector.load %arg1[%get3A_2, %get3A_3] : memref<128x3xf32, #tpu.memory_space<vmem>>, vector<128x1xf32>
    %get3A_5 = arith.constant 0 : index
    %get3A_6 = arith.constant 2 : index
    %get3A_7 = vector.load %arg1[%get3A_5, %get3A_6] : memref<128x3xf32, #tpu.memory_space<vmem>>, vector<128x1xf32>
    %get3A_8 = arith.constant 0 : index
    %get3A_9 = arith.constant 0 : index
    %get3A_10 = vector.load %arg2[%get3A_8, %get3A_9] : memref<1x2048xf32, #tpu.memory_space<vmem>>, vector<1x2048xf32>
    %sub3A = vector.broadcast %get3A_1 : vector<128x1xf32> to vector<128x2048xf32>
    %sub3A_11 = vector.broadcast %get3A_10 : vector<1x2048xf32> to vector<128x2048xf32>
    %sub3A_12 = arith.subf %sub3A, %sub3A_11 : vector<128x2048xf32>
    %get3A_13 = arith.constant 0 : index
    %get3A_14 = arith.constant 0 : index
    %get3A_15 = vector.load %arg3[%get3A_13, %get3A_14] : memref<1x2048xf32, #tpu.memory_space<vmem>>, vector<1x2048xf32>
    %sub3A_16 = vector.broadcast %get3A_4 : vector<128x1xf32> to vector<128x2048xf32>
    %sub3A_17 = vector.broadcast %get3A_15 : vector<1x2048xf32> to vector<128x2048xf32>
    %sub3A_18 = arith.subf %sub3A_16, %sub3A_17 : vector<128x2048xf32>
    %get3A_19 = arith.constant 0 : index
    %get3A_20 = arith.constant 0 : index
    %get3A_21 = vector.load %arg4[%get3A_19, %get3A_20] : memref<1x2048xf32, #tpu.memory_space<vmem>>, vector<1x2048xf32>
    %sub3A_22 = vector.broadcast %get3A_7 : vector<128x1xf32> to vector<128x2048xf32>
    %sub3A_23 = vector.broadcast %get3A_21 : vector<1x2048xf32> to vector<128x2048xf32>
    %sub3A_24 = arith.subf %sub3A_22, %sub3A_23 : vector<128x2048xf32>
    %mul3A = arith.mulf %sub3A_12, %sub3A_12 : vector<128x2048xf32>
    %mul3A_25 = arith.mulf %sub3A_18, %sub3A_18 : vector<128x2048xf32>
    %add3A = arith.addf %mul3A, %mul3A_25 : vector<128x2048xf32>
    %mul3A_26 = arith.mulf %sub3A_24, %sub3A_24 : vector<128x2048xf32>
    %add3A_27 = arith.addf %add3A, %mul3A_26 : vector<128x2048xf32>
    %bitcast_convert_type3A = tpu.bitcast %add3A_27 : vector<128x2048xf32> -> vector<128x2048xi32>
    %broadcast_in_dim3A = arith.constant 0 : i32
    %broadcast_in_dim3A_28 = vector.broadcast %broadcast_in_dim3A : i32 to vector<128x1xi32>
    %or3A = arith.constant 1073741823 : i32
    %or3A_29 = vector.broadcast %or3A : i32 to vector<128x1xi32>
    %or3A_30 = arith.ori %broadcast_in_dim3A_28, %or3A_29 : vector<128x1xi32>
    %le3A = vector.broadcast %or3A_30 : vector<128x1xi32> to vector<128x2048xi32>
    %le3A_31 = arith.cmpi sle, %bitcast_convert_type3A, %le3A : vector<128x2048xi32>
    %convert_element_type3A = arith.extui %le3A_31 : vector<128x2048xi1> to vector<128x2048xi32>
    %reduce_sum3A = arith.constant dense<0> : vector<128xi32>
    %reduce_sum3A_32 = vector.multi_reduction <add>, %convert_element_type3A, %reduce_sum3A [1] : vector<128x2048xi32> to vector<128xi32>
    %broadcast_in_dim3A_33 = vector.shape_cast %reduce_sum3A_32 : vector<128xi32> to vector<128x1xi32>
    %ge3A = arith.constant 64 : i32
    %ge3A_34 = vector.broadcast %ge3A : i32 to vector<128x1xi32>
    %ge3A_35 = arith.cmpi sge, %broadcast_in_dim3A_33, %ge3A_34 : vector<128x1xi32>
    %or3A_36 = arith.constant 1073741824 : i32
    %or3A_37 = vector.broadcast %or3A_36 : i32 to vector<128x1xi32>
    %or3A_38 = arith.ori %broadcast_in_dim3A_28, %or3A_37 : vector<128x1xi32>
    %select_n3A = arith.select %ge3A_35, %broadcast_in_dim3A_28, %or3A_38 : vector<128x1xi1>, vector<128x1xi32>
    %or3A_39 = arith.constant 536870911 : i32
    %or3A_40 = vector.broadcast %or3A_39 : i32 to vector<128x1xi32>
    %or3A_41 = arith.ori %select_n3A, %or3A_40 : vector<128x1xi32>
    %le3A_42 = vector.broadcast %or3A_41 : vector<128x1xi32> to vector<128x2048xi32>
    %le3A_43 = arith.cmpi sle, %bitcast_convert_type3A, %le3A_42 : vector<128x2048xi32>
    %convert_element_type3A_44 = arith.extui %le3A_43 : vector<128x2048xi1> to vector<128x2048xi32>
    %reduce_sum3A_45 = arith.constant dense<0> : vector<128xi32>
    %reduce_sum3A_46 = vector.multi_reduction <add>, %convert_element_type3A_44, %reduce_sum3A_45 [1] : vector<128x2048xi32> to vector<128xi32>
    %broadcast_in_dim3A_47 = vector.shape_cast %reduce_sum3A_46 : vector<128xi32> to vector<128x1xi32>
    %ge3A_48 = arith.constant 64 : i32
    %ge3A_49 = vector.broadcast %ge3A_48 : i32 to vector<128x1xi32>
    %ge3A_50 = arith.cmpi sge, %broadcast_in_dim3A_47, %ge3A_49 : vector<128x1xi32>
    %or3A_51 = arith.constant 536870912 : i32
    %or3A_52 = vector.broadcast %or3A_51 : i32 to vector<128x1xi32>
    %or3A_53 = arith.ori %select_n3A, %or3A_52 : vector<128x1xi32>
    %select_n3A_54 = arith.select %ge3A_50, %select_n3A, %or3A_53 : vector<128x1xi1>, vector<128x1xi32>
    %or3A_55 = arith.constant 268435455 : i32
    %or3A_56 = vector.broadcast %or3A_55 : i32 to vector<128x1xi32>
    %or3A_57 = arith.ori %select_n3A_54, %or3A_56 : vector<128x1xi32>
    %le3A_58 = vector.broadcast %or3A_57 : vector<128x1xi32> to vector<128x2048xi32>
    %le3A_59 = arith.cmpi sle, %bitcast_convert_type3A, %le3A_58 : vector<128x2048xi32>
    %convert_element_type3A_60 = arith.extui %le3A_59 : vector<128x2048xi1> to vector<128x2048xi32>
    %reduce_sum3A_61 = arith.constant dense<0> : vector<128xi32>
    %reduce_sum3A_62 = vector.multi_reduction <add>, %convert_element_type3A_60, %reduce_sum3A_61 [1] : vector<128x2048xi32> to vector<128xi32>
    %broadcast_in_dim3A_63 = vector.shape_cast %reduce_sum3A_62 : vector<128xi32> to vector<128x1xi32>
    %ge3A_64 = arith.constant 64 : i32
    %ge3A_65 = vector.broadcast %ge3A_64 : i32 to vector<128x1xi32>
    %ge3A_66 = arith.cmpi sge, %broadcast_in_dim3A_63, %ge3A_65 : vector<128x1xi32>
    %or3A_67 = arith.constant 268435456 : i32
    %or3A_68 = vector.broadcast %or3A_67 : i32 to vector<128x1xi32>
    %or3A_69 = arith.ori %select_n3A_54, %or3A_68 : vector<128x1xi32>
    %select_n3A_70 = arith.select %ge3A_66, %select_n3A_54, %or3A_69 : vector<128x1xi1>, vector<128x1xi32>
    %or3A_71 = arith.constant 134217727 : i32
    %or3A_72 = vector.broadcast %or3A_71 : i32 to vector<128x1xi32>
    %or3A_73 = arith.ori %select_n3A_70, %or3A_72 : vector<128x1xi32>
    %le3A_74 = vector.broadcast %or3A_73 : vector<128x1xi32> to vector<128x2048xi32>
    %le3A_75 = arith.cmpi sle, %bitcast_convert_type3A, %le3A_74 : vector<128x2048xi32>
    %convert_element_type3A_76 = arith.extui %le3A_75 : vector<128x2048xi1> to vector<128x2048xi32>
    %reduce_sum3A_77 = arith.constant dense<0> : vector<128xi32>
    %reduce_sum3A_78 = vector.multi_reduction <add>, %convert_element_type3A_76, %reduce_sum3A_77 [1] : vector<128x2048xi32> to vector<128xi32>
    %broadcast_in_dim3A_79 = vector.shape_cast %reduce_sum3A_78 : vector<128xi32> to vector<128x1xi32>
    %ge3A_80 = arith.constant 64 : i32
    %ge3A_81 = vector.broadcast %ge3A_80 : i32 to vector<128x1xi32>
    %ge3A_82 = arith.cmpi sge, %broadcast_in_dim3A_79, %ge3A_81 : vector<128x1xi32>
    %or3A_83 = arith.constant 134217728 : i32
    %or3A_84 = vector.broadcast %or3A_83 : i32 to vector<128x1xi32>
    %or3A_85 = arith.ori %select_n3A_70, %or3A_84 : vector<128x1xi32>
    %select_n3A_86 = arith.select %ge3A_82, %select_n3A_70, %or3A_85 : vector<128x1xi1>, vector<128x1xi32>
    %or3A_87 = arith.constant 67108863 : i32
    %or3A_88 = vector.broadcast %or3A_87 : i32 to vector<128x1xi32>
    %or3A_89 = arith.ori %select_n3A_86, %or3A_88 : vector<128x1xi32>
    %le3A_90 = vector.broadcast %or3A_89 : vector<128x1xi32> to vector<128x2048xi32>
    %le3A_91 = arith.cmpi sle, %bitcast_convert_type3A, %le3A_90 : vector<128x2048xi32>
    %convert_element_type3A_92 = arith.extui %le3A_91 : vector<128x2048xi1> to vector<128x2048xi32>
    %reduce_sum3A_93 = arith.constant dense<0> : vector<128xi32>
    %reduce_sum3A_94 = vector.multi_reduction <add>, %convert_element_type3A_92, %reduce_sum3A_93 [1] : vector<128x2048xi32> to vector<128xi32>
    %broadcast_in_dim3A_95 = vector.shape_cast %reduce_sum3A_94 : vector<128xi32> to vector<128x1xi32>
    %ge3A_96 = arith.constant 64 : i32
    %ge3A_97 = vector.broadcast %ge3A_96 : i32 to vector<128x1xi32>
    %ge3A_98 = arith.cmpi sge, %broadcast_in_dim3A_95, %ge3A_97 : vector<128x1xi32>
    %or3A_99 = arith.constant 67108864 : i32
    %or3A_100 = vector.broadcast %or3A_99 : i32 to vector<128x1xi32>
    %or3A_101 = arith.ori %select_n3A_86, %or3A_100 : vector<128x1xi32>
    %select_n3A_102 = arith.select %ge3A_98, %select_n3A_86, %or3A_101 : vector<128x1xi1>, vector<128x1xi32>
    %or3A_103 = arith.constant 33554431 : i32
    %or3A_104 = vector.broadcast %or3A_103 : i32 to vector<128x1xi32>
    %or3A_105 = arith.ori %select_n3A_102, %or3A_104 : vector<128x1xi32>
    %le3A_106 = vector.broadcast %or3A_105 : vector<128x1xi32> to vector<128x2048xi32>
    %le3A_107 = arith.cmpi sle, %bitcast_convert_type3A, %le3A_106 : vector<128x2048xi32>
    %convert_element_type3A_108 = arith.extui %le3A_107 : vector<128x2048xi1> to vector<128x2048xi32>
    %reduce_sum3A_109 = arith.constant dense<0> : vector<128xi32>
    %reduce_sum3A_110 = vector.multi_reduction <add>, %convert_element_type3A_108, %reduce_sum3A_109 [1] : vector<128x2048xi32> to vector<128xi32>
    %broadcast_in_dim3A_111 = vector.shape_cast %reduce_sum3A_110 : vector<128xi32> to vector<128x1xi32>
    %ge3A_112 = arith.constant 64 : i32
    %ge3A_113 = vector.broadcast %ge3A_112 : i32 to vector<128x1xi32>
    %ge3A_114 = arith.cmpi sge, %broadcast_in_dim3A_111, %ge3A_113 : vector<128x1xi32>
    %or3A_115 = arith.constant 33554432 : i32
    %or3A_116 = vector.broadcast %or3A_115 : i32 to vector<128x1xi32>
    %or3A_117 = arith.ori %select_n3A_102, %or3A_116 : vector<128x1xi32>
    %select_n3A_118 = arith.select %ge3A_114, %select_n3A_102, %or3A_117 : vector<128x1xi1>, vector<128x1xi32>
    %or3A_119 = arith.constant 16777215 : i32
    %or3A_120 = vector.broadcast %or3A_119 : i32 to vector<128x1xi32>
    %or3A_121 = arith.ori %select_n3A_118, %or3A_120 : vector<128x1xi32>
    %le3A_122 = vector.broadcast %or3A_121 : vector<128x1xi32> to vector<128x2048xi32>
    %le3A_123 = arith.cmpi sle, %bitcast_convert_type3A, %le3A_122 : vector<128x2048xi32>
    %convert_element_type3A_124 = arith.extui %le3A_123 : vector<128x2048xi1> to vector<128x2048xi32>
    %reduce_sum3A_125 = arith.constant dense<0> : vector<128xi32>
    %reduce_sum3A_126 = vector.multi_reduction <add>, %convert_element_type3A_124, %reduce_sum3A_125 [1] : vector<128x2048xi32> to vector<128xi32>
    %broadcast_in_dim3A_127 = vector.shape_cast %reduce_sum3A_126 : vector<128xi32> to vector<128x1xi32>
    %ge3A_128 = arith.constant 64 : i32
    %ge3A_129 = vector.broadcast %ge3A_128 : i32 to vector<128x1xi32>
    %ge3A_130 = arith.cmpi sge, %broadcast_in_dim3A_127, %ge3A_129 : vector<128x1xi32>
    %or3A_131 = arith.constant 16777216 : i32
    %or3A_132 = vector.broadcast %or3A_131 : i32 to vector<128x1xi32>
    %or3A_133 = arith.ori %select_n3A_118, %or3A_132 : vector<128x1xi32>
    %select_n3A_134 = arith.select %ge3A_130, %select_n3A_118, %or3A_133 : vector<128x1xi1>, vector<128x1xi32>
    %or3A_135 = arith.constant 8388607 : i32
    %or3A_136 = vector.broadcast %or3A_135 : i32 to vector<128x1xi32>
    %or3A_137 = arith.ori %select_n3A_134, %or3A_136 : vector<128x1xi32>
    %le3A_138 = vector.broadcast %or3A_137 : vector<128x1xi32> to vector<128x2048xi32>
    %le3A_139 = arith.cmpi sle, %bitcast_convert_type3A, %le3A_138 : vector<128x2048xi32>
    %convert_element_type3A_140 = arith.extui %le3A_139 : vector<128x2048xi1> to vector<128x2048xi32>
    %reduce_sum3A_141 = arith.constant dense<0> : vector<128xi32>
    %reduce_sum3A_142 = vector.multi_reduction <add>, %convert_element_type3A_140, %reduce_sum3A_141 [1] : vector<128x2048xi32> to vector<128xi32>
    %broadcast_in_dim3A_143 = vector.shape_cast %reduce_sum3A_142 : vector<128xi32> to vector<128x1xi32>
    %ge3A_144 = arith.constant 64 : i32
    %ge3A_145 = vector.broadcast %ge3A_144 : i32 to vector<128x1xi32>
    %ge3A_146 = arith.cmpi sge, %broadcast_in_dim3A_143, %ge3A_145 : vector<128x1xi32>
    %or3A_147 = arith.constant 8388608 : i32
    %or3A_148 = vector.broadcast %or3A_147 : i32 to vector<128x1xi32>
    %or3A_149 = arith.ori %select_n3A_134, %or3A_148 : vector<128x1xi32>
    %select_n3A_150 = arith.select %ge3A_146, %select_n3A_134, %or3A_149 : vector<128x1xi1>, vector<128x1xi32>
    %or3A_151 = arith.constant 4194303 : i32
    %or3A_152 = vector.broadcast %or3A_151 : i32 to vector<128x1xi32>
    %or3A_153 = arith.ori %select_n3A_150, %or3A_152 : vector<128x1xi32>
    %le3A_154 = vector.broadcast %or3A_153 : vector<128x1xi32> to vector<128x2048xi32>
    %le3A_155 = arith.cmpi sle, %bitcast_convert_type3A, %le3A_154 : vector<128x2048xi32>
    %convert_element_type3A_156 = arith.extui %le3A_155 : vector<128x2048xi1> to vector<128x2048xi32>
    %reduce_sum3A_157 = arith.constant dense<0> : vector<128xi32>
    %reduce_sum3A_158 = vector.multi_reduction <add>, %convert_element_type3A_156, %reduce_sum3A_157 [1] : vector<128x2048xi32> to vector<128xi32>
    %broadcast_in_dim3A_159 = vector.shape_cast %reduce_sum3A_158 : vector<128xi32> to vector<128x1xi32>
    %ge3A_160 = arith.constant 64 : i32
    %ge3A_161 = vector.broadcast %ge3A_160 : i32 to vector<128x1xi32>
    %ge3A_162 = arith.cmpi sge, %broadcast_in_dim3A_159, %ge3A_161 : vector<128x1xi32>
    %or3A_163 = arith.constant 4194304 : i32
    %or3A_164 = vector.broadcast %or3A_163 : i32 to vector<128x1xi32>
    %or3A_165 = arith.ori %select_n3A_150, %or3A_164 : vector<128x1xi32>
    %select_n3A_166 = arith.select %ge3A_162, %select_n3A_150, %or3A_165 : vector<128x1xi1>, vector<128x1xi32>
    %or3A_167 = arith.constant 2097151 : i32
    %or3A_168 = vector.broadcast %or3A_167 : i32 to vector<128x1xi32>
    %or3A_169 = arith.ori %select_n3A_166, %or3A_168 : vector<128x1xi32>
    %le3A_170 = vector.broadcast %or3A_169 : vector<128x1xi32> to vector<128x2048xi32>
    %le3A_171 = arith.cmpi sle, %bitcast_convert_type3A, %le3A_170 : vector<128x2048xi32>
    %convert_element_type3A_172 = arith.extui %le3A_171 : vector<128x2048xi1> to vector<128x2048xi32>
    %reduce_sum3A_173 = arith.constant dense<0> : vector<128xi32>
    %reduce_sum3A_174 = vector.multi_reduction <add>, %convert_element_type3A_172, %reduce_sum3A_173 [1] : vector<128x2048xi32> to vector<128xi32>
    %broadcast_in_dim3A_175 = vector.shape_cast %reduce_sum3A_174 : vector<128xi32> to vector<128x1xi32>
    %ge3A_176 = arith.constant 64 : i32
    %ge3A_177 = vector.broadcast %ge3A_176 : i32 to vector<128x1xi32>
    %ge3A_178 = arith.cmpi sge, %broadcast_in_dim3A_175, %ge3A_177 : vector<128x1xi32>
    %or3A_179 = arith.constant 2097152 : i32
    %or3A_180 = vector.broadcast %or3A_179 : i32 to vector<128x1xi32>
    %or3A_181 = arith.ori %select_n3A_166, %or3A_180 : vector<128x1xi32>
    %select_n3A_182 = arith.select %ge3A_178, %select_n3A_166, %or3A_181 : vector<128x1xi1>, vector<128x1xi32>
    %or3A_183 = arith.constant 1048575 : i32
    %or3A_184 = vector.broadcast %or3A_183 : i32 to vector<128x1xi32>
    %or3A_185 = arith.ori %select_n3A_182, %or3A_184 : vector<128x1xi32>
    %le3A_186 = vector.broadcast %or3A_185 : vector<128x1xi32> to vector<128x2048xi32>
    %le3A_187 = arith.cmpi sle, %bitcast_convert_type3A, %le3A_186 : vector<128x2048xi32>
    %convert_element_type3A_188 = arith.extui %le3A_187 : vector<128x2048xi1> to vector<128x2048xi32>
    %reduce_sum3A_189 = arith.constant dense<0> : vector<128xi32>
    %reduce_sum3A_190 = vector.multi_reduction <add>, %convert_element_type3A_188, %reduce_sum3A_189 [1] : vector<128x2048xi32> to vector<128xi32>
    %broadcast_in_dim3A_191 = vector.shape_cast %reduce_sum3A_190 : vector<128xi32> to vector<128x1xi32>
    %ge3A_192 = arith.constant 64 : i32
    %ge3A_193 = vector.broadcast %ge3A_192 : i32 to vector<128x1xi32>
    %ge3A_194 = arith.cmpi sge, %broadcast_in_dim3A_191, %ge3A_193 : vector<128x1xi32>
    %or3A_195 = arith.constant 1048576 : i32
    %or3A_196 = vector.broadcast %or3A_195 : i32 to vector<128x1xi32>
    %or3A_197 = arith.ori %select_n3A_182, %or3A_196 : vector<128x1xi32>
    %select_n3A_198 = arith.select %ge3A_194, %select_n3A_182, %or3A_197 : vector<128x1xi1>, vector<128x1xi32>
    %or3A_199 = arith.constant 524287 : i32
    %or3A_200 = vector.broadcast %or3A_199 : i32 to vector<128x1xi32>
    %or3A_201 = arith.ori %select_n3A_198, %or3A_200 : vector<128x1xi32>
    %le3A_202 = vector.broadcast %or3A_201 : vector<128x1xi32> to vector<128x2048xi32>
    %le3A_203 = arith.cmpi sle, %bitcast_convert_type3A, %le3A_202 : vector<128x2048xi32>
    %convert_element_type3A_204 = arith.extui %le3A_203 : vector<128x2048xi1> to vector<128x2048xi32>
    %reduce_sum3A_205 = arith.constant dense<0> : vector<128xi32>
    %reduce_sum3A_206 = vector.multi_reduction <add>, %convert_element_type3A_204, %reduce_sum3A_205 [1] : vector<128x2048xi32> to vector<128xi32>
    %broadcast_in_dim3A_207 = vector.shape_cast %reduce_sum3A_206 : vector<128xi32> to vector<128x1xi32>
    %ge3A_208 = arith.constant 64 : i32
    %ge3A_209 = vector.broadcast %ge3A_208 : i32 to vector<128x1xi32>
    %ge3A_210 = arith.cmpi sge, %broadcast_in_dim3A_207, %ge3A_209 : vector<128x1xi32>
    %or3A_211 = arith.constant 524288 : i32
    %or3A_212 = vector.broadcast %or3A_211 : i32 to vector<128x1xi32>
    %or3A_213 = arith.ori %select_n3A_198, %or3A_212 : vector<128x1xi32>
    %select_n3A_214 = arith.select %ge3A_210, %select_n3A_198, %or3A_213 : vector<128x1xi1>, vector<128x1xi32>
    %or3A_215 = arith.constant 262143 : i32
    %or3A_216 = vector.broadcast %or3A_215 : i32 to vector<128x1xi32>
    %or3A_217 = arith.ori %select_n3A_214, %or3A_216 : vector<128x1xi32>
    %le3A_218 = vector.broadcast %or3A_217 : vector<128x1xi32> to vector<128x2048xi32>
    %le3A_219 = arith.cmpi sle, %bitcast_convert_type3A, %le3A_218 : vector<128x2048xi32>
    %convert_element_type3A_220 = arith.extui %le3A_219 : vector<128x2048xi1> to vector<128x2048xi32>
    %reduce_sum3A_221 = arith.constant dense<0> : vector<128xi32>
    %reduce_sum3A_222 = vector.multi_reduction <add>, %convert_element_type3A_220, %reduce_sum3A_221 [1] : vector<128x2048xi32> to vector<128xi32>
    %broadcast_in_dim3A_223 = vector.shape_cast %reduce_sum3A_222 : vector<128xi32> to vector<128x1xi32>
    %ge3A_224 = arith.constant 64 : i32
    %ge3A_225 = vector.broadcast %ge3A_224 : i32 to vector<128x1xi32>
    %ge3A_226 = arith.cmpi sge, %broadcast_in_dim3A_223, %ge3A_225 : vector<128x1xi32>
    %or3A_227 = arith.constant 262144 : i32
    %or3A_228 = vector.broadcast %or3A_227 : i32 to vector<128x1xi32>
    %or3A_229 = arith.ori %select_n3A_214, %or3A_228 : vector<128x1xi32>
    %select_n3A_230 = arith.select %ge3A_226, %select_n3A_214, %or3A_229 : vector<128x1xi1>, vector<128x1xi32>
    %or3A_231 = arith.constant 131071 : i32
    %or3A_232 = vector.broadcast %or3A_231 : i32 to vector<128x1xi32>
    %or3A_233 = arith.ori %select_n3A_230, %or3A_232 : vector<128x1xi32>
    %le3A_234 = vector.broadcast %or3A_233 : vector<128x1xi32> to vector<128x2048xi32>
    %le3A_235 = arith.cmpi sle, %bitcast_convert_type3A, %le3A_234 : vector<128x2048xi32>
    %convert_element_type3A_236 = arith.extui %le3A_235 : vector<128x2048xi1> to vector<128x2048xi32>
    %reduce_sum3A_237 = arith.constant dense<0> : vector<128xi32>
    %reduce_sum3A_238 = vector.multi_reduction <add>, %convert_element_type3A_236, %reduce_sum3A_237 [1] : vector<128x2048xi32> to vector<128xi32>
    %broadcast_in_dim3A_239 = vector.shape_cast %reduce_sum3A_238 : vector<128xi32> to vector<128x1xi32>
    %ge3A_240 = arith.constant 64 : i32
    %ge3A_241 = vector.broadcast %ge3A_240 : i32 to vector<128x1xi32>
    %ge3A_242 = arith.cmpi sge, %broadcast_in_dim3A_239, %ge3A_241 : vector<128x1xi32>
    %or3A_243 = arith.constant 131072 : i32
    %or3A_244 = vector.broadcast %or3A_243 : i32 to vector<128x1xi32>
    %or3A_245 = arith.ori %select_n3A_230, %or3A_244 : vector<128x1xi32>
    %select_n3A_246 = arith.select %ge3A_242, %select_n3A_230, %or3A_245 : vector<128x1xi1>, vector<128x1xi32>
    %or3A_247 = arith.constant 65535 : i32
    %or3A_248 = vector.broadcast %or3A_247 : i32 to vector<128x1xi32>
    %or3A_249 = arith.ori %select_n3A_246, %or3A_248 : vector<128x1xi32>
    %le3A_250 = vector.broadcast %or3A_249 : vector<128x1xi32> to vector<128x2048xi32>
    %le3A_251 = arith.cmpi sle, %bitcast_convert_type3A, %le3A_250 : vector<128x2048xi32>
    %convert_element_type3A_252 = arith.extui %le3A_251 : vector<128x2048xi1> to vector<128x2048xi32>
    %reduce_sum3A_253 = arith.constant dense<0> : vector<128xi32>
    %reduce_sum3A_254 = vector.multi_reduction <add>, %convert_element_type3A_252, %reduce_sum3A_253 [1] : vector<128x2048xi32> to vector<128xi32>
    %broadcast_in_dim3A_255 = vector.shape_cast %reduce_sum3A_254 : vector<128xi32> to vector<128x1xi32>
    %ge3A_256 = arith.constant 64 : i32
    %ge3A_257 = vector.broadcast %ge3A_256 : i32 to vector<128x1xi32>
    %ge3A_258 = arith.cmpi sge, %broadcast_in_dim3A_255, %ge3A_257 : vector<128x1xi32>
    %or3A_259 = arith.constant 65536 : i32
    %or3A_260 = vector.broadcast %or3A_259 : i32 to vector<128x1xi32>
    %or3A_261 = arith.ori %select_n3A_246, %or3A_260 : vector<128x1xi32>
    %select_n3A_262 = arith.select %ge3A_258, %select_n3A_246, %or3A_261 : vector<128x1xi1>, vector<128x1xi32>
    %or3A_263 = arith.constant 32767 : i32
    %or3A_264 = vector.broadcast %or3A_263 : i32 to vector<128x1xi32>
    %or3A_265 = arith.ori %select_n3A_262, %or3A_264 : vector<128x1xi32>
    %le3A_266 = vector.broadcast %or3A_265 : vector<128x1xi32> to vector<128x2048xi32>
    %le3A_267 = arith.cmpi sle, %bitcast_convert_type3A, %le3A_266 : vector<128x2048xi32>
    %convert_element_type3A_268 = arith.extui %le3A_267 : vector<128x2048xi1> to vector<128x2048xi32>
    %reduce_sum3A_269 = arith.constant dense<0> : vector<128xi32>
    %reduce_sum3A_270 = vector.multi_reduction <add>, %convert_element_type3A_268, %reduce_sum3A_269 [1] : vector<128x2048xi32> to vector<128xi32>
    %broadcast_in_dim3A_271 = vector.shape_cast %reduce_sum3A_270 : vector<128xi32> to vector<128x1xi32>
    %ge3A_272 = arith.constant 64 : i32
    %ge3A_273 = vector.broadcast %ge3A_272 : i32 to vector<128x1xi32>
    %ge3A_274 = arith.cmpi sge, %broadcast_in_dim3A_271, %ge3A_273 : vector<128x1xi32>
    %or3A_275 = arith.constant 32768 : i32
    %or3A_276 = vector.broadcast %or3A_275 : i32 to vector<128x1xi32>
    %or3A_277 = arith.ori %select_n3A_262, %or3A_276 : vector<128x1xi32>
    %select_n3A_278 = arith.select %ge3A_274, %select_n3A_262, %or3A_277 : vector<128x1xi1>, vector<128x1xi32>
    %or3A_279 = arith.constant 16383 : i32
    %or3A_280 = vector.broadcast %or3A_279 : i32 to vector<128x1xi32>
    %or3A_281 = arith.ori %select_n3A_278, %or3A_280 : vector<128x1xi32>
    %le3A_282 = vector.broadcast %or3A_281 : vector<128x1xi32> to vector<128x2048xi32>
    %le3A_283 = arith.cmpi sle, %bitcast_convert_type3A, %le3A_282 : vector<128x2048xi32>
    %convert_element_type3A_284 = arith.extui %le3A_283 : vector<128x2048xi1> to vector<128x2048xi32>
    %reduce_sum3A_285 = arith.constant dense<0> : vector<128xi32>
    %reduce_sum3A_286 = vector.multi_reduction <add>, %convert_element_type3A_284, %reduce_sum3A_285 [1] : vector<128x2048xi32> to vector<128xi32>
    %broadcast_in_dim3A_287 = vector.shape_cast %reduce_sum3A_286 : vector<128xi32> to vector<128x1xi32>
    %ge3A_288 = arith.constant 64 : i32
    %ge3A_289 = vector.broadcast %ge3A_288 : i32 to vector<128x1xi32>
    %ge3A_290 = arith.cmpi sge, %broadcast_in_dim3A_287, %ge3A_289 : vector<128x1xi32>
    %or3A_291 = arith.constant 16384 : i32
    %or3A_292 = vector.broadcast %or3A_291 : i32 to vector<128x1xi32>
    %or3A_293 = arith.ori %select_n3A_278, %or3A_292 : vector<128x1xi32>
    %select_n3A_294 = arith.select %ge3A_290, %select_n3A_278, %or3A_293 : vector<128x1xi1>, vector<128x1xi32>
    %or3A_295 = arith.constant 8191 : i32
    %or3A_296 = vector.broadcast %or3A_295 : i32 to vector<128x1xi32>
    %or3A_297 = arith.ori %select_n3A_294, %or3A_296 : vector<128x1xi32>
    %le3A_298 = vector.broadcast %or3A_297 : vector<128x1xi32> to vector<128x2048xi32>
    %le3A_299 = arith.cmpi sle, %bitcast_convert_type3A, %le3A_298 : vector<128x2048xi32>
    %convert_element_type3A_300 = arith.extui %le3A_299 : vector<128x2048xi1> to vector<128x2048xi32>
    %reduce_sum3A_301 = arith.constant dense<0> : vector<128xi32>
    %reduce_sum3A_302 = vector.multi_reduction <add>, %convert_element_type3A_300, %reduce_sum3A_301 [1] : vector<128x2048xi32> to vector<128xi32>
    %broadcast_in_dim3A_303 = vector.shape_cast %reduce_sum3A_302 : vector<128xi32> to vector<128x1xi32>
    %ge3A_304 = arith.constant 64 : i32
    %ge3A_305 = vector.broadcast %ge3A_304 : i32 to vector<128x1xi32>
    %ge3A_306 = arith.cmpi sge, %broadcast_in_dim3A_303, %ge3A_305 : vector<128x1xi32>
    %or3A_307 = arith.constant 8192 : i32
    %or3A_308 = vector.broadcast %or3A_307 : i32 to vector<128x1xi32>
    %or3A_309 = arith.ori %select_n3A_294, %or3A_308 : vector<128x1xi32>
    %select_n3A_310 = arith.select %ge3A_306, %select_n3A_294, %or3A_309 : vector<128x1xi1>, vector<128x1xi32>
    %or3A_311 = arith.constant 4095 : i32
    %or3A_312 = vector.broadcast %or3A_311 : i32 to vector<128x1xi32>
    %or3A_313 = arith.ori %select_n3A_310, %or3A_312 : vector<128x1xi32>
    %le3A_314 = vector.broadcast %or3A_313 : vector<128x1xi32> to vector<128x2048xi32>
    %le3A_315 = arith.cmpi sle, %bitcast_convert_type3A, %le3A_314 : vector<128x2048xi32>
    %convert_element_type3A_316 = arith.extui %le3A_315 : vector<128x2048xi1> to vector<128x2048xi32>
    %reduce_sum3A_317 = arith.constant dense<0> : vector<128xi32>
    %reduce_sum3A_318 = vector.multi_reduction <add>, %convert_element_type3A_316, %reduce_sum3A_317 [1] : vector<128x2048xi32> to vector<128xi32>
    %broadcast_in_dim3A_319 = vector.shape_cast %reduce_sum3A_318 : vector<128xi32> to vector<128x1xi32>
    %ge3A_320 = arith.constant 64 : i32
    %ge3A_321 = vector.broadcast %ge3A_320 : i32 to vector<128x1xi32>
    %ge3A_322 = arith.cmpi sge, %broadcast_in_dim3A_319, %ge3A_321 : vector<128x1xi32>
    %or3A_323 = arith.constant 4096 : i32
    %or3A_324 = vector.broadcast %or3A_323 : i32 to vector<128x1xi32>
    %or3A_325 = arith.ori %select_n3A_310, %or3A_324 : vector<128x1xi32>
    %select_n3A_326 = arith.select %ge3A_322, %select_n3A_310, %or3A_325 : vector<128x1xi1>, vector<128x1xi32>
    %or3A_327 = arith.constant 2047 : i32
    %or3A_328 = vector.broadcast %or3A_327 : i32 to vector<128x1xi32>
    %or3A_329 = arith.ori %select_n3A_326, %or3A_328 : vector<128x1xi32>
    %le3A_330 = vector.broadcast %or3A_329 : vector<128x1xi32> to vector<128x2048xi32>
    %le3A_331 = arith.cmpi sle, %bitcast_convert_type3A, %le3A_330 : vector<128x2048xi32>
    %convert_element_type3A_332 = arith.extui %le3A_331 : vector<128x2048xi1> to vector<128x2048xi32>
    %reduce_sum3A_333 = arith.constant dense<0> : vector<128xi32>
    %reduce_sum3A_334 = vector.multi_reduction <add>, %convert_element_type3A_332, %reduce_sum3A_333 [1] : vector<128x2048xi32> to vector<128xi32>
    %broadcast_in_dim3A_335 = vector.shape_cast %reduce_sum3A_334 : vector<128xi32> to vector<128x1xi32>
    %ge3A_336 = arith.constant 64 : i32
    %ge3A_337 = vector.broadcast %ge3A_336 : i32 to vector<128x1xi32>
    %ge3A_338 = arith.cmpi sge, %broadcast_in_dim3A_335, %ge3A_337 : vector<128x1xi32>
    %or3A_339 = arith.constant 2048 : i32
    %or3A_340 = vector.broadcast %or3A_339 : i32 to vector<128x1xi32>
    %or3A_341 = arith.ori %select_n3A_326, %or3A_340 : vector<128x1xi32>
    %select_n3A_342 = arith.select %ge3A_338, %select_n3A_326, %or3A_341 : vector<128x1xi1>, vector<128x1xi32>
    %or3A_343 = arith.constant 1023 : i32
    %or3A_344 = vector.broadcast %or3A_343 : i32 to vector<128x1xi32>
    %or3A_345 = arith.ori %select_n3A_342, %or3A_344 : vector<128x1xi32>
    %le3A_346 = vector.broadcast %or3A_345 : vector<128x1xi32> to vector<128x2048xi32>
    %le3A_347 = arith.cmpi sle, %bitcast_convert_type3A, %le3A_346 : vector<128x2048xi32>
    %convert_element_type3A_348 = arith.extui %le3A_347 : vector<128x2048xi1> to vector<128x2048xi32>
    %reduce_sum3A_349 = arith.constant dense<0> : vector<128xi32>
    %reduce_sum3A_350 = vector.multi_reduction <add>, %convert_element_type3A_348, %reduce_sum3A_349 [1] : vector<128x2048xi32> to vector<128xi32>
    %broadcast_in_dim3A_351 = vector.shape_cast %reduce_sum3A_350 : vector<128xi32> to vector<128x1xi32>
    %ge3A_352 = arith.constant 64 : i32
    %ge3A_353 = vector.broadcast %ge3A_352 : i32 to vector<128x1xi32>
    %ge3A_354 = arith.cmpi sge, %broadcast_in_dim3A_351, %ge3A_353 : vector<128x1xi32>
    %or3A_355 = arith.constant 1024 : i32
    %or3A_356 = vector.broadcast %or3A_355 : i32 to vector<128x1xi32>
    %or3A_357 = arith.ori %select_n3A_342, %or3A_356 : vector<128x1xi32>
    %select_n3A_358 = arith.select %ge3A_354, %select_n3A_342, %or3A_357 : vector<128x1xi1>, vector<128x1xi32>
    %or3A_359 = arith.constant 511 : i32
    %or3A_360 = vector.broadcast %or3A_359 : i32 to vector<128x1xi32>
    %or3A_361 = arith.ori %select_n3A_358, %or3A_360 : vector<128x1xi32>
    %le3A_362 = vector.broadcast %or3A_361 : vector<128x1xi32> to vector<128x2048xi32>
    %le3A_363 = arith.cmpi sle, %bitcast_convert_type3A, %le3A_362 : vector<128x2048xi32>
    %convert_element_type3A_364 = arith.extui %le3A_363 : vector<128x2048xi1> to vector<128x2048xi32>
    %reduce_sum3A_365 = arith.constant dense<0> : vector<128xi32>
    %reduce_sum3A_366 = vector.multi_reduction <add>, %convert_element_type3A_364, %reduce_sum3A_365 [1] : vector<128x2048xi32> to vector<128xi32>
    %broadcast_in_dim3A_367 = vector.shape_cast %reduce_sum3A_366 : vector<128xi32> to vector<128x1xi32>
    %ge3A_368 = arith.constant 64 : i32
    %ge3A_369 = vector.broadcast %ge3A_368 : i32 to vector<128x1xi32>
    %ge3A_370 = arith.cmpi sge, %broadcast_in_dim3A_367, %ge3A_369 : vector<128x1xi32>
    %or3A_371 = arith.constant 512 : i32
    %or3A_372 = vector.broadcast %or3A_371 : i32 to vector<128x1xi32>
    %or3A_373 = arith.ori %select_n3A_358, %or3A_372 : vector<128x1xi32>
    %select_n3A_374 = arith.select %ge3A_370, %select_n3A_358, %or3A_373 : vector<128x1xi1>, vector<128x1xi32>
    %or3A_375 = arith.constant 255 : i32
    %or3A_376 = vector.broadcast %or3A_375 : i32 to vector<128x1xi32>
    %or3A_377 = arith.ori %select_n3A_374, %or3A_376 : vector<128x1xi32>
    %le3A_378 = vector.broadcast %or3A_377 : vector<128x1xi32> to vector<128x2048xi32>
    %le3A_379 = arith.cmpi sle, %bitcast_convert_type3A, %le3A_378 : vector<128x2048xi32>
    %convert_element_type3A_380 = arith.extui %le3A_379 : vector<128x2048xi1> to vector<128x2048xi32>
    %reduce_sum3A_381 = arith.constant dense<0> : vector<128xi32>
    %reduce_sum3A_382 = vector.multi_reduction <add>, %convert_element_type3A_380, %reduce_sum3A_381 [1] : vector<128x2048xi32> to vector<128xi32>
    %broadcast_in_dim3A_383 = vector.shape_cast %reduce_sum3A_382 : vector<128xi32> to vector<128x1xi32>
    %ge3A_384 = arith.constant 64 : i32
    %ge3A_385 = vector.broadcast %ge3A_384 : i32 to vector<128x1xi32>
    %ge3A_386 = arith.cmpi sge, %broadcast_in_dim3A_383, %ge3A_385 : vector<128x1xi32>
    %or3A_387 = arith.constant 256 : i32
    %or3A_388 = vector.broadcast %or3A_387 : i32 to vector<128x1xi32>
    %or3A_389 = arith.ori %select_n3A_374, %or3A_388 : vector<128x1xi32>
    %select_n3A_390 = arith.select %ge3A_386, %select_n3A_374, %or3A_389 : vector<128x1xi1>, vector<128x1xi32>
    %or3A_391 = arith.constant 127 : i32
    %or3A_392 = vector.broadcast %or3A_391 : i32 to vector<128x1xi32>
    %or3A_393 = arith.ori %select_n3A_390, %or3A_392 : vector<128x1xi32>
    %le3A_394 = vector.broadcast %or3A_393 : vector<128x1xi32> to vector<128x2048xi32>
    %le3A_395 = arith.cmpi sle, %bitcast_convert_type3A, %le3A_394 : vector<128x2048xi32>
    %convert_element_type3A_396 = arith.extui %le3A_395 : vector<128x2048xi1> to vector<128x2048xi32>
    %reduce_sum3A_397 = arith.constant dense<0> : vector<128xi32>
    %reduce_sum3A_398 = vector.multi_reduction <add>, %convert_element_type3A_396, %reduce_sum3A_397 [1] : vector<128x2048xi32> to vector<128xi32>
    %broadcast_in_dim3A_399 = vector.shape_cast %reduce_sum3A_398 : vector<128xi32> to vector<128x1xi32>
    %ge3A_400 = arith.constant 64 : i32
    %ge3A_401 = vector.broadcast %ge3A_400 : i32 to vector<128x1xi32>
    %ge3A_402 = arith.cmpi sge, %broadcast_in_dim3A_399, %ge3A_401 : vector<128x1xi32>
    %or3A_403 = arith.constant 128 : i32
    %or3A_404 = vector.broadcast %or3A_403 : i32 to vector<128x1xi32>
    %or3A_405 = arith.ori %select_n3A_390, %or3A_404 : vector<128x1xi32>
    %select_n3A_406 = arith.select %ge3A_402, %select_n3A_390, %or3A_405 : vector<128x1xi1>, vector<128x1xi32>
    %or3A_407 = arith.constant 63 : i32
    %or3A_408 = vector.broadcast %or3A_407 : i32 to vector<128x1xi32>
    %or3A_409 = arith.ori %select_n3A_406, %or3A_408 : vector<128x1xi32>
    %le3A_410 = vector.broadcast %or3A_409 : vector<128x1xi32> to vector<128x2048xi32>
    %le3A_411 = arith.cmpi sle, %bitcast_convert_type3A, %le3A_410 : vector<128x2048xi32>
    %convert_element_type3A_412 = arith.extui %le3A_411 : vector<128x2048xi1> to vector<128x2048xi32>
    %reduce_sum3A_413 = arith.constant dense<0> : vector<128xi32>
    %reduce_sum3A_414 = vector.multi_reduction <add>, %convert_element_type3A_412, %reduce_sum3A_413 [1] : vector<128x2048xi32> to vector<128xi32>
    %broadcast_in_dim3A_415 = vector.shape_cast %reduce_sum3A_414 : vector<128xi32> to vector<128x1xi32>
    %ge3A_416 = arith.constant 64 : i32
    %ge3A_417 = vector.broadcast %ge3A_416 : i32 to vector<128x1xi32>
    %ge3A_418 = arith.cmpi sge, %broadcast_in_dim3A_415, %ge3A_417 : vector<128x1xi32>
    %or3A_419 = arith.constant 64 : i32
    %or3A_420 = vector.broadcast %or3A_419 : i32 to vector<128x1xi32>
    %or3A_421 = arith.ori %select_n3A_406, %or3A_420 : vector<128x1xi32>
    %select_n3A_422 = arith.select %ge3A_418, %select_n3A_406, %or3A_421 : vector<128x1xi1>, vector<128x1xi32>
    %or3A_423 = arith.constant 31 : i32
    %or3A_424 = vector.broadcast %or3A_423 : i32 to vector<128x1xi32>
    %or3A_425 = arith.ori %select_n3A_422, %or3A_424 : vector<128x1xi32>
    %le3A_426 = vector.broadcast %or3A_425 : vector<128x1xi32> to vector<128x2048xi32>
    %le3A_427 = arith.cmpi sle, %bitcast_convert_type3A, %le3A_426 : vector<128x2048xi32>
    %convert_element_type3A_428 = arith.extui %le3A_427 : vector<128x2048xi1> to vector<128x2048xi32>
    %reduce_sum3A_429 = arith.constant dense<0> : vector<128xi32>
    %reduce_sum3A_430 = vector.multi_reduction <add>, %convert_element_type3A_428, %reduce_sum3A_429 [1] : vector<128x2048xi32> to vector<128xi32>
    %broadcast_in_dim3A_431 = vector.shape_cast %reduce_sum3A_430 : vector<128xi32> to vector<128x1xi32>
    %ge3A_432 = arith.constant 64 : i32
    %ge3A_433 = vector.broadcast %ge3A_432 : i32 to vector<128x1xi32>
    %ge3A_434 = arith.cmpi sge, %broadcast_in_dim3A_431, %ge3A_433 : vector<128x1xi32>
    %or3A_435 = arith.constant 32 : i32
    %or3A_436 = vector.broadcast %or3A_435 : i32 to vector<128x1xi32>
    %or3A_437 = arith.ori %select_n3A_422, %or3A_436 : vector<128x1xi32>
    %select_n3A_438 = arith.select %ge3A_434, %select_n3A_422, %or3A_437 : vector<128x1xi1>, vector<128x1xi32>
    %or3A_439 = arith.constant 15 : i32
    %or3A_440 = vector.broadcast %or3A_439 : i32 to vector<128x1xi32>
    %or3A_441 = arith.ori %select_n3A_438, %or3A_440 : vector<128x1xi32>
    %le3A_442 = vector.broadcast %or3A_441 : vector<128x1xi32> to vector<128x2048xi32>
    %le3A_443 = arith.cmpi sle, %bitcast_convert_type3A, %le3A_442 : vector<128x2048xi32>
    %convert_element_type3A_444 = arith.extui %le3A_443 : vector<128x2048xi1> to vector<128x2048xi32>
    %reduce_sum3A_445 = arith.constant dense<0> : vector<128xi32>
    %reduce_sum3A_446 = vector.multi_reduction <add>, %convert_element_type3A_444, %reduce_sum3A_445 [1] : vector<128x2048xi32> to vector<128xi32>
    %broadcast_in_dim3A_447 = vector.shape_cast %reduce_sum3A_446 : vector<128xi32> to vector<128x1xi32>
    %ge3A_448 = arith.constant 64 : i32
    %ge3A_449 = vector.broadcast %ge3A_448 : i32 to vector<128x1xi32>
    %ge3A_450 = arith.cmpi sge, %broadcast_in_dim3A_447, %ge3A_449 : vector<128x1xi32>
    %or3A_451 = arith.constant 16 : i32
    %or3A_452 = vector.broadcast %or3A_451 : i32 to vector<128x1xi32>
    %or3A_453 = arith.ori %select_n3A_438, %or3A_452 : vector<128x1xi32>
    %select_n3A_454 = arith.select %ge3A_450, %select_n3A_438, %or3A_453 : vector<128x1xi1>, vector<128x1xi32>
    %or3A_455 = arith.constant 7 : i32
    %or3A_456 = vector.broadcast %or3A_455 : i32 to vector<128x1xi32>
    %or3A_457 = arith.ori %select_n3A_454, %or3A_456 : vector<128x1xi32>
    %le3A_458 = vector.broadcast %or3A_457 : vector<128x1xi32> to vector<128x2048xi32>
    %le3A_459 = arith.cmpi sle, %bitcast_convert_type3A, %le3A_458 : vector<128x2048xi32>
    %convert_element_type3A_460 = arith.extui %le3A_459 : vector<128x2048xi1> to vector<128x2048xi32>
    %reduce_sum3A_461 = arith.constant dense<0> : vector<128xi32>
    %reduce_sum3A_462 = vector.multi_reduction <add>, %convert_element_type3A_460, %reduce_sum3A_461 [1] : vector<128x2048xi32> to vector<128xi32>
    %broadcast_in_dim3A_463 = vector.shape_cast %reduce_sum3A_462 : vector<128xi32> to vector<128x1xi32>
    %ge3A_464 = arith.constant 64 : i32
    %ge3A_465 = vector.broadcast %ge3A_464 : i32 to vector<128x1xi32>
    %ge3A_466 = arith.cmpi sge, %broadcast_in_dim3A_463, %ge3A_465 : vector<128x1xi32>
    %or3A_467 = arith.constant 8 : i32
    %or3A_468 = vector.broadcast %or3A_467 : i32 to vector<128x1xi32>
    %or3A_469 = arith.ori %select_n3A_454, %or3A_468 : vector<128x1xi32>
    %select_n3A_470 = arith.select %ge3A_466, %select_n3A_454, %or3A_469 : vector<128x1xi1>, vector<128x1xi32>
    %or3A_471 = arith.constant 3 : i32
    %or3A_472 = vector.broadcast %or3A_471 : i32 to vector<128x1xi32>
    %or3A_473 = arith.ori %select_n3A_470, %or3A_472 : vector<128x1xi32>
    %le3A_474 = vector.broadcast %or3A_473 : vector<128x1xi32> to vector<128x2048xi32>
    %le3A_475 = arith.cmpi sle, %bitcast_convert_type3A, %le3A_474 : vector<128x2048xi32>
    %convert_element_type3A_476 = arith.extui %le3A_475 : vector<128x2048xi1> to vector<128x2048xi32>
    %reduce_sum3A_477 = arith.constant dense<0> : vector<128xi32>
    %reduce_sum3A_478 = vector.multi_reduction <add>, %convert_element_type3A_476, %reduce_sum3A_477 [1] : vector<128x2048xi32> to vector<128xi32>
    %broadcast_in_dim3A_479 = vector.shape_cast %reduce_sum3A_478 : vector<128xi32> to vector<128x1xi32>
    %ge3A_480 = arith.constant 64 : i32
    %ge3A_481 = vector.broadcast %ge3A_480 : i32 to vector<128x1xi32>
    %ge3A_482 = arith.cmpi sge, %broadcast_in_dim3A_479, %ge3A_481 : vector<128x1xi32>
    %or3A_483 = arith.constant 4 : i32
    %or3A_484 = vector.broadcast %or3A_483 : i32 to vector<128x1xi32>
    %or3A_485 = arith.ori %select_n3A_470, %or3A_484 : vector<128x1xi32>
    %select_n3A_486 = arith.select %ge3A_482, %select_n3A_470, %or3A_485 : vector<128x1xi1>, vector<128x1xi32>
    %or3A_487 = arith.constant 1 : i32
    %or3A_488 = vector.broadcast %or3A_487 : i32 to vector<128x1xi32>
    %or3A_489 = arith.ori %select_n3A_486, %or3A_488 : vector<128x1xi32>
    %le3A_490 = vector.broadcast %or3A_489 : vector<128x1xi32> to vector<128x2048xi32>
    %le3A_491 = arith.cmpi sle, %bitcast_convert_type3A, %le3A_490 : vector<128x2048xi32>
    %convert_element_type3A_492 = arith.extui %le3A_491 : vector<128x2048xi1> to vector<128x2048xi32>
    %reduce_sum3A_493 = arith.constant dense<0> : vector<128xi32>
    %reduce_sum3A_494 = vector.multi_reduction <add>, %convert_element_type3A_492, %reduce_sum3A_493 [1] : vector<128x2048xi32> to vector<128xi32>
    %broadcast_in_dim3A_495 = vector.shape_cast %reduce_sum3A_494 : vector<128xi32> to vector<128x1xi32>
    %ge3A_496 = arith.constant 64 : i32
    %ge3A_497 = vector.broadcast %ge3A_496 : i32 to vector<128x1xi32>
    %ge3A_498 = arith.cmpi sge, %broadcast_in_dim3A_495, %ge3A_497 : vector<128x1xi32>
    %or3A_499 = arith.constant 2 : i32
    %or3A_500 = vector.broadcast %or3A_499 : i32 to vector<128x1xi32>
    %or3A_501 = arith.ori %select_n3A_486, %or3A_500 : vector<128x1xi32>
    %select_n3A_502 = arith.select %ge3A_498, %select_n3A_486, %or3A_501 : vector<128x1xi1>, vector<128x1xi32>
    %or3A_503 = arith.constant 0 : i32
    %or3A_504 = vector.broadcast %or3A_503 : i32 to vector<128x1xi32>
    %or3A_505 = arith.ori %select_n3A_502, %or3A_504 : vector<128x1xi32>
    %le3A_506 = vector.broadcast %or3A_505 : vector<128x1xi32> to vector<128x2048xi32>
    %le3A_507 = arith.cmpi sle, %bitcast_convert_type3A, %le3A_506 : vector<128x2048xi32>
    %convert_element_type3A_508 = arith.extui %le3A_507 : vector<128x2048xi1> to vector<128x2048xi32>
    %reduce_sum3A_509 = arith.constant dense<0> : vector<128xi32>
    %reduce_sum3A_510 = vector.multi_reduction <add>, %convert_element_type3A_508, %reduce_sum3A_509 [1] : vector<128x2048xi32> to vector<128xi32>
    %broadcast_in_dim3A_511 = vector.shape_cast %reduce_sum3A_510 : vector<128xi32> to vector<128x1xi32>
    %ge3A_512 = arith.constant 64 : i32
    %ge3A_513 = vector.broadcast %ge3A_512 : i32 to vector<128x1xi32>
    %ge3A_514 = arith.cmpi sge, %broadcast_in_dim3A_511, %ge3A_513 : vector<128x1xi32>
    %or3A_515 = arith.constant 1 : i32
    %or3A_516 = vector.broadcast %or3A_515 : i32 to vector<128x1xi32>
    %or3A_517 = arith.ori %select_n3A_502, %or3A_516 : vector<128x1xi32>
    %select_n3A_518 = arith.select %ge3A_514, %select_n3A_502, %or3A_517 : vector<128x1xi1>, vector<128x1xi32>
    %bitcast_convert_type3A_519 = tpu.bitcast %select_n3A_518 : vector<128x1xi32> -> vector<128x1xf32>
    %broadcast_in_dim3A_520 = vector.shape_cast %bitcast_convert_type3A_519 : vector<128x1xf32> to vector<128x1xf32>
    %broadcast_in_dim3A_521 = vector.broadcast %broadcast_in_dim3A_520 : vector<128x1xf32> to vector<128x128xf32>
    %swap3A = arith.constant 0 : index
    %swap3A_522 = arith.constant 0 : index
    %swap3A_523 = vector.load %arg5[%swap3A, %swap3A_522] : memref<128x128xf32, #tpu.memory_space<vmem>>, vector<128x128xf32>
    tpu.vector_store %arg5[%swap3A, %swap3A_522], %broadcast_in_dim3A_521 {strides = array<i32>} : memref<128x128xf32, #tpu.memory_space<vmem>>, vector<128x128xf32>,
    return
  }
  func.func @transform_0(%arg0: i32) -> (i32, i32) {
    %c0_i32 = arith.constant 0 : i32
    %c0_i32_0 = arith.constant 0 : i32
    return %arg0, %c0_i32 : i32, i32
  }
  func.func @transform_1(%arg0: i32) -> (i32, i32) {
    %c0_i32 = arith.constant 0 : i32
    %c0_i32_0 = arith.constant 0 : i32
    %c0_i32_1 = arith.constant 0 : i32
    return %c0_i32, %c0_i32_0 : i32, i32
  }
  func.func @transform_2(%arg0: i32) -> (i32, i32) {
    %c0_i32 = arith.constant 0 : i32
    %c0_i32_0 = arith.constant 0 : i32
    %c0_i32_1 = arith.constant 0 : i32
    return %c0_i32, %c0_i32_0 : i32, i32
  }
  func.func @transform_3(%arg0: i32) -> (i32, i32) {
    %c0_i32 = arith.constant 0 : i32
    %c0_i32_0 = arith.constant 0 : i32
    %c0_i32_1 = arith.constant 0 : i32
    return %c0_i32, %c0_i32_0 : i32, i32
  }
  func.func @transform_4(%arg0: i32) -> (i32, i32) {
    %c0_i32 = arith.constant 0 : i32
    %c0_i32_0 = arith.constant 0 : i32
    return %arg0, %c0_i32 : i32, i32
  }
}

module attributes {stable_mosaic.version = 14 : i64} {
  func.func @_sa_mlp_body(%arg0: i32, %arg1: memref<8192x16xf32, #tpu.memory_space<vmem>>, %arg2: memref<128x3xf32, #tpu.memory_space<vmem>>, %arg3: memref<6x64xf32, #tpu.memory_space<vmem>>, %arg4: memref<1x64xf32, #tpu.memory_space<vmem>>, %arg5: memref<1x64xf32, #tpu.memory_space<vmem>>, %arg6: memref<1x64xf32, #tpu.memory_space<vmem>>, %arg7: memref<64x64xf32, #tpu.memory_space<vmem>>, %arg8: memref<1x64xf32, #tpu.memory_space<vmem>>, %arg9: memref<1x64xf32, #tpu.memory_space<vmem>>, %arg10: memref<1x64xf32, #tpu.memory_space<vmem>>, %arg11: memref<64x128xf32, #tpu.memory_space<vmem>>, %arg12: memref<1x128xf32, #tpu.memory_space<vmem>>, %arg13: memref<1x128xf32, #tpu.memory_space<vmem>>, %arg14: memref<1x128xf32, #tpu.memory_space<vmem>>, %arg15: memref<128x128xf32, #tpu.memory_space<vmem>>) attributes {dimension_semantics = [#tpu.dimension_semantics<arbitrary>], iteration_bounds = array<i64: 16>, scalar_prefetch = 0 : i64, scratch_operands = 0 : i64, tpu.core_type = #tpu.core_type<tc>, window_params = [{transform_indices = @transform_0, window_bounds = array<i64: 8192, 16>}, {transform_indices = @transform_1, window_bounds = array<i64: 128, 3>}, {pipeline_mode = #tpu.pipeline_mode<synchronous>, transform_indices = @transform_2, window_bounds = array<i64: 6, 64>}, {pipeline_mode = #tpu.pipeline_mode<synchronous>, transform_indices = @transform_3, window_bounds = array<i64: 1, 64>}, {pipeline_mode = #tpu.pipeline_mode<synchronous>, transform_indices = @transform_4, window_bounds = array<i64: 1, 64>}, {pipeline_mode = #tpu.pipeline_mode<synchronous>, transform_indices = @transform_5, window_bounds = array<i64: 1, 64>}, {pipeline_mode = #tpu.pipeline_mode<synchronous>, transform_indices = @transform_6, window_bounds = array<i64: 64, 64>}, {pipeline_mode = #tpu.pipeline_mode<synchronous>, transform_indices = @transform_7, window_bounds = array<i64: 1, 64>}, {pipeline_mode = #tpu.pipeline_mode<synchronous>, transform_indices = @transform_8, window_bounds = array<i64: 1, 64>}, {pipeline_mode = #tpu.pipeline_mode<synchronous>, transform_indices = @transform_9, window_bounds = array<i64: 1, 64>}, {pipeline_mode = #tpu.pipeline_mode<synchronous>, transform_indices = @transform_10, window_bounds = array<i64: 64, 128>}, {pipeline_mode = #tpu.pipeline_mode<synchronous>, transform_indices = @transform_11, window_bounds = array<i64: 1, 128>}, {pipeline_mode = #tpu.pipeline_mode<synchronous>, transform_indices = @transform_12, window_bounds = array<i64: 1, 128>}, {pipeline_mode = #tpu.pipeline_mode<synchronous>, transform_indices = @transform_13, window_bounds = array<i64: 1, 128>}, {transform_indices = @transform_14, window_bounds = array<i64: 128, 128>}]} {
    %get3A = arith.constant 0 : index
    %get3A_0 = arith.constant 0 : index
    %get3A_1 = vector.load %arg1[%get3A, %get3A_0] : memref<8192x16xf32, #tpu.memory_space<vmem>>, vector<8192x3xf32>
    %get3A_2 = arith.constant 0 : index
    %get3A_3 = arith.constant 3 : index
    %get3A_4 = vector.load %arg1[%get3A_2, %get3A_3] : memref<8192x16xf32, #tpu.memory_space<vmem>>, vector<8192x3xf32>
    %get3A_5 = arith.constant 0 : index
    %get3A_6 = arith.constant 6 : index
    %get3A_7 = vector.load %arg1[%get3A_5, %get3A_6] : memref<8192x16xf32, #tpu.memory_space<vmem>>, vector<8192x1xf32>
    %reshape3A = vector.shape_cast %get3A_4 : vector<8192x3xf32> to vector<128x64x3xf32>
    %get3A_8 = arith.constant 0 : index
    %get3A_9 = arith.constant 0 : index
    %get3A_10 = vector.load %arg2[%get3A_8, %get3A_9] : memref<128x3xf32, #tpu.memory_space<vmem>>, vector<128x3xf32>
    %broadcast_in_dim3A = vector.shape_cast %get3A_10 : vector<128x3xf32> to vector<128x1x3xf32>
    %sub3A = vector.broadcast %broadcast_in_dim3A : vector<128x1x3xf32> to vector<128x64x3xf32>
    %sub3A_11 = arith.subf %reshape3A, %sub3A : vector<128x64x3xf32>
    %reshape3A_12 = vector.shape_cast %sub3A_11 : vector<128x64x3xf32> to vector<8192x3xf32>
    %concatenate3A = tpu.concatenate %get3A_1, %reshape3A_12 in 1 : vector<8192x3xf32>, vector<8192x3xf32> -> vector<8192x6xf32>
    %get3A_13 = arith.constant 0 : index
    %get3A_14 = arith.constant 0 : index
    %get3A_15 = vector.load %arg3[%get3A_13, %get3A_14] : memref<6x64xf32, #tpu.memory_space<vmem>>, vector<6x64xf32>
    %dot_general3A = arith.constant dense<0.000000e+00> : vector<8192x64xf32>
    %dot_general3A_16 = tpu.matmul %concatenate3A, %get3A_15, %dot_general3A {dimension_numbers = #tpu.dot_dimension_numbers<[1], [0], [0], [1], [0, 0, 1, 1], [], []>, transpose_lhs_hint = false} : vector<8192x6xf32>, vector<6x64xf32>, vector<8192x64xf32> -> vector<8192x64xf32>
    %get3A_17 = arith.constant 0 : index
    %get3A_18 = arith.constant 0 : index
    %get3A_19 = vector.load %arg4[%get3A_17, %get3A_18] : memref<1x64xf32, #tpu.memory_space<vmem>>, vector<1x64xf32>
    %add3A = vector.broadcast %get3A_19 : vector<1x64xf32> to vector<8192x64xf32>
    %add3A_20 = arith.addf %dot_general3A_16, %add3A : vector<8192x64xf32>
    %max3A = arith.constant 0.000000e+00 : f32
    %max3A_21 = vector.broadcast %max3A : f32 to vector<8192x64xf32>
    %max3A_22 = arith.maximumf %add3A_20, %max3A_21 : vector<8192x64xf32>
    %get3A_23 = arith.constant 0 : index
    %get3A_24 = arith.constant 0 : index
    %get3A_25 = vector.load %arg5[%get3A_23, %get3A_24] : memref<1x64xf32, #tpu.memory_space<vmem>>, vector<1x64xf32>
    %mul3A = arith.constant 0.999994993 : f32
    %mul3A_26 = vector.broadcast %mul3A : f32 to vector<8192x64xf32>
    %mul3A_27 = arith.mulf %max3A_22, %mul3A_26 : vector<8192x64xf32>
    %mul3A_28 = vector.broadcast %get3A_25 : vector<1x64xf32> to vector<8192x64xf32>
    %mul3A_29 = arith.mulf %mul3A_28, %mul3A_27 : vector<8192x64xf32>
    %get3A_30 = arith.constant 0 : index
    %get3A_31 = arith.constant 0 : index
    %get3A_32 = vector.load %arg6[%get3A_30, %get3A_31] : memref<1x64xf32, #tpu.memory_space<vmem>>, vector<1x64xf32>
    %add3A_33 = vector.broadcast %get3A_32 : vector<1x64xf32> to vector<8192x64xf32>
    %add3A_34 = arith.addf %mul3A_29, %add3A_33 : vector<8192x64xf32>
    %get3A_35 = arith.constant 0 : index
    %get3A_36 = arith.constant 0 : index
    %get3A_37 = vector.load %arg7[%get3A_35, %get3A_36] : memref<64x64xf32, #tpu.memory_space<vmem>>, vector<64x64xf32>
    %dot_general3A_38 = arith.constant dense<0.000000e+00> : vector<8192x64xf32>
    %dot_general3A_39 = tpu.matmul %add3A_34, %get3A_37, %dot_general3A_38 {dimension_numbers = #tpu.dot_dimension_numbers<[1], [0], [0], [1], [0, 0, 1, 1], [], []>, transpose_lhs_hint = false} : vector<8192x64xf32>, vector<64x64xf32>, vector<8192x64xf32> -> vector<8192x64xf32>
    %get3A_40 = arith.constant 0 : index
    %get3A_41 = arith.constant 0 : index
    %get3A_42 = vector.load %arg8[%get3A_40, %get3A_41] : memref<1x64xf32, #tpu.memory_space<vmem>>, vector<1x64xf32>
    %add3A_43 = vector.broadcast %get3A_42 : vector<1x64xf32> to vector<8192x64xf32>
    %add3A_44 = arith.addf %dot_general3A_39, %add3A_43 : vector<8192x64xf32>
    %max3A_45 = arith.constant 0.000000e+00 : f32
    %max3A_46 = vector.broadcast %max3A_45 : f32 to vector<8192x64xf32>
    %max3A_47 = arith.maximumf %add3A_44, %max3A_46 : vector<8192x64xf32>
    %get3A_48 = arith.constant 0 : index
    %get3A_49 = arith.constant 0 : index
    %get3A_50 = vector.load %arg9[%get3A_48, %get3A_49] : memref<1x64xf32, #tpu.memory_space<vmem>>, vector<1x64xf32>
    %mul3A_51 = arith.constant 0.999994993 : f32
    %mul3A_52 = vector.broadcast %mul3A_51 : f32 to vector<8192x64xf32>
    %mul3A_53 = arith.mulf %max3A_47, %mul3A_52 : vector<8192x64xf32>
    %mul3A_54 = vector.broadcast %get3A_50 : vector<1x64xf32> to vector<8192x64xf32>
    %mul3A_55 = arith.mulf %mul3A_54, %mul3A_53 : vector<8192x64xf32>
    %get3A_56 = arith.constant 0 : index
    %get3A_57 = arith.constant 0 : index
    %get3A_58 = vector.load %arg10[%get3A_56, %get3A_57] : memref<1x64xf32, #tpu.memory_space<vmem>>, vector<1x64xf32>
    %add3A_59 = vector.broadcast %get3A_58 : vector<1x64xf32> to vector<8192x64xf32>
    %add3A_60 = arith.addf %mul3A_55, %add3A_59 : vector<8192x64xf32>
    %get3A_61 = arith.constant 0 : index
    %get3A_62 = arith.constant 0 : index
    %get3A_63 = vector.load %arg11[%get3A_61, %get3A_62] : memref<64x128xf32, #tpu.memory_space<vmem>>, vector<64x128xf32>
    %dot_general3A_64 = arith.constant dense<0.000000e+00> : vector<8192x128xf32>
    %dot_general3A_65 = tpu.matmul %add3A_60, %get3A_63, %dot_general3A_64 {dimension_numbers = #tpu.dot_dimension_numbers<[1], [0], [0], [1], [0, 0, 1, 1], [], []>, transpose_lhs_hint = false} : vector<8192x64xf32>, vector<64x128xf32>, vector<8192x128xf32> -> vector<8192x128xf32>
    %get3A_66 = arith.constant 0 : index
    %get3A_67 = arith.constant 0 : index
    %get3A_68 = vector.load %arg12[%get3A_66, %get3A_67] : memref<1x128xf32, #tpu.memory_space<vmem>>, vector<1x128xf32>
    %add3A_69 = vector.broadcast %get3A_68 : vector<1x128xf32> to vector<8192x128xf32>
    %add3A_70 = arith.addf %dot_general3A_65, %add3A_69 : vector<8192x128xf32>
    %max3A_71 = arith.constant 0.000000e+00 : f32
    %max3A_72 = vector.broadcast %max3A_71 : f32 to vector<8192x128xf32>
    %max3A_73 = arith.maximumf %add3A_70, %max3A_72 : vector<8192x128xf32>
    %get3A_74 = arith.constant 0 : index
    %get3A_75 = arith.constant 0 : index
    %get3A_76 = vector.load %arg13[%get3A_74, %get3A_75] : memref<1x128xf32, #tpu.memory_space<vmem>>, vector<1x128xf32>
    %mul3A_77 = arith.constant 0.999994993 : f32
    %mul3A_78 = vector.broadcast %mul3A_77 : f32 to vector<8192x128xf32>
    %mul3A_79 = arith.mulf %max3A_73, %mul3A_78 : vector<8192x128xf32>
    %mul3A_80 = vector.broadcast %get3A_76 : vector<1x128xf32> to vector<8192x128xf32>
    %mul3A_81 = arith.mulf %mul3A_80, %mul3A_79 : vector<8192x128xf32>
    %get3A_82 = arith.constant 0 : index
    %get3A_83 = arith.constant 0 : index
    %get3A_84 = vector.load %arg14[%get3A_82, %get3A_83] : memref<1x128xf32, #tpu.memory_space<vmem>>, vector<1x128xf32>
    %add3A_85 = vector.broadcast %get3A_84 : vector<1x128xf32> to vector<8192x128xf32>
    %add3A_86 = arith.addf %mul3A_81, %add3A_85 : vector<8192x128xf32>
    %le3A = arith.constant 4.000000e-02 : f32
    %le3A_87 = vector.broadcast %le3A : f32 to vector<8192x1xf32>
    %le3A_88 = arith.cmpf ole, %get3A_7, %le3A_87 : vector<8192x1xf32>
    %jit3A = arith.constant -1.000000e+10 : f32
    %broadcast_in_dim3A_89 = vector.shape_cast %le3A_88 : vector<8192x1xi1> to vector<8192x1xi1>
    %broadcast_in_dim3A_90 = vector.broadcast %broadcast_in_dim3A_89 : vector<8192x1xi1> to vector<8192x128xi1>
    %broadcast_in_dim3A_91 = vector.broadcast %jit3A : f32 to vector<8192x128xf32>
    %select_n3A = arith.select %broadcast_in_dim3A_90, %add3A_86, %broadcast_in_dim3A_91 : vector<8192x128xi1>, vector<8192x128xf32>
    %reshape3A_92 = vector.shape_cast %select_n3A : vector<8192x128xf32> to vector<128x64x128xf32>
    %reduce_max3A = arith.constant dense<0xFF800000> : vector<128x128xf32>
    %reduce_max3A_93 = vector.multi_reduction <maximumf>, %reshape3A_92, %reduce_max3A [1] : vector<128x64x128xf32> to vector<128x128xf32>
    %swap3A = arith.constant 0 : index
    %swap3A_94 = arith.constant 0 : index
    %swap3A_95 = vector.load %arg15[%swap3A, %swap3A_94] : memref<128x128xf32, #tpu.memory_space<vmem>>, vector<128x128xf32>
    tpu.vector_store %arg15[%swap3A, %swap3A_94], %reduce_max3A_93 {strides = array<i32>} : memref<128x128xf32, #tpu.memory_space<vmem>>, vector<128x128xf32>,
    return
  }
  func.func @transform_0(%arg0: i32) -> (i32, i32) {
    %c0_i32 = arith.constant 0 : i32
    %c0_i32_0 = arith.constant 0 : i32
    return %arg0, %c0_i32 : i32, i32
  }
  func.func @transform_1(%arg0: i32) -> (i32, i32) {
    %c0_i32 = arith.constant 0 : i32
    %c0_i32_0 = arith.constant 0 : i32
    return %arg0, %c0_i32 : i32, i32
  }
  func.func @transform_2(%arg0: i32) -> (i32, i32) {
    %c0_i32 = arith.constant 0 : i32
    %c0_i32_0 = arith.constant 0 : i32
    %c0_i32_1 = arith.constant 0 : i32
    return %c0_i32, %c0_i32_0 : i32, i32
  }
  func.func @transform_3(%arg0: i32) -> (i32, i32) {
    %c0_i32 = arith.constant 0 : i32
    %c0_i32_0 = arith.constant 0 : i32
    %c0_i32_1 = arith.constant 0 : i32
    return %c0_i32, %c0_i32_0 : i32, i32
  }
  func.func @transform_4(%arg0: i32) -> (i32, i32) {
    %c0_i32 = arith.constant 0 : i32
    %c0_i32_0 = arith.constant 0 : i32
    %c0_i32_1 = arith.constant 0 : i32
    return %c0_i32, %c0_i32_0 : i32, i32
  }
  func.func @transform_5(%arg0: i32) -> (i32, i32) {
    %c0_i32 = arith.constant 0 : i32
    %c0_i32_0 = arith.constant 0 : i32
    %c0_i32_1 = arith.constant 0 : i32
    return %c0_i32, %c0_i32_0 : i32, i32
  }
  func.func @transform_6(%arg0: i32) -> (i32, i32) {
    %c0_i32 = arith.constant 0 : i32
    %c0_i32_0 = arith.constant 0 : i32
    %c0_i32_1 = arith.constant 0 : i32
    return %c0_i32, %c0_i32_0 : i32, i32
  }
  func.func @transform_7(%arg0: i32) -> (i32, i32) {
    %c0_i32 = arith.constant 0 : i32
    %c0_i32_0 = arith.constant 0 : i32
    %c0_i32_1 = arith.constant 0 : i32
    return %c0_i32, %c0_i32_0 : i32, i32
  }
  func.func @transform_8(%arg0: i32) -> (i32, i32) {
    %c0_i32 = arith.constant 0 : i32
    %c0_i32_0 = arith.constant 0 : i32
    %c0_i32_1 = arith.constant 0 : i32
    return %c0_i32, %c0_i32_0 : i32, i32
  }
  func.func @transform_9(%arg0: i32) -> (i32, i32) {
    %c0_i32 = arith.constant 0 : i32
    %c0_i32_0 = arith.constant 0 : i32
    %c0_i32_1 = arith.constant 0 : i32
    return %c0_i32, %c0_i32_0 : i32, i32
  }
  func.func @transform_10(%arg0: i32) -> (i32, i32) {
    %c0_i32 = arith.constant 0 : i32
    %c0_i32_0 = arith.constant 0 : i32
    %c0_i32_1 = arith.constant 0 : i32
    return %c0_i32, %c0_i32_0 : i32, i32
  }
  func.func @transform_11(%arg0: i32) -> (i32, i32) {
    %c0_i32 = arith.constant 0 : i32
    %c0_i32_0 = arith.constant 0 : i32
    %c0_i32_1 = arith.constant 0 : i32
    return %c0_i32, %c0_i32_0 : i32, i32
  }
  func.func @transform_12(%arg0: i32) -> (i32, i32) {
    %c0_i32 = arith.constant 0 : i32
    %c0_i32_0 = arith.constant 0 : i32
    %c0_i32_1 = arith.constant 0 : i32
    return %c0_i32, %c0_i32_0 : i32, i32
  }
  func.func @transform_13(%arg0: i32) -> (i32, i32) {
    %c0_i32 = arith.constant 0 : i32
    %c0_i32_0 = arith.constant 0 : i32
    %c0_i32_1 = arith.constant 0 : i32
    return %c0_i32, %c0_i32_0 : i32, i32
  }
  func.func @transform_14(%arg0: i32) -> (i32, i32) {
    %c0_i32 = arith.constant 0 : i32
    %c0_i32_0 = arith.constant 0 : i32
    return %arg0, %c0_i32 : i32, i32
  }
}

module attributes {stable_mosaic.version = 14 : i64} {
  func.func @_sa_mlp_body(%arg0: i32, %arg1: memref<4096x144xf32, #tpu.memory_space<vmem>>, %arg2: memref<64x3xf32, #tpu.memory_space<vmem>>, %arg3: memref<131x128xf32, #tpu.memory_space<vmem>>, %arg4: memref<1x128xf32, #tpu.memory_space<vmem>>, %arg5: memref<1x128xf32, #tpu.memory_space<vmem>>, %arg6: memref<1x128xf32, #tpu.memory_space<vmem>>, %arg7: memref<128x128xf32, #tpu.memory_space<vmem>>, %arg8: memref<1x128xf32, #tpu.memory_space<vmem>>, %arg9: memref<1x128xf32, #tpu.memory_space<vmem>>, %arg10: memref<1x128xf32, #tpu.memory_space<vmem>>, %arg11: memref<128x256xf32, #tpu.memory_space<vmem>>, %arg12: memref<1x256xf32, #tpu.memory_space<vmem>>, %arg13: memref<1x256xf32, #tpu.memory_space<vmem>>, %arg14: memref<1x256xf32, #tpu.memory_space<vmem>>, %arg15: memref<64x256xf32, #tpu.memory_space<vmem>>) attributes {dimension_semantics = [#tpu.dimension_semantics<arbitrary>], iteration_bounds = array<i64: 8>, scalar_prefetch = 0 : i64, scratch_operands = 0 : i64, tpu.core_type = #tpu.core_type<tc>, window_params = [{transform_indices = @transform_0, window_bounds = array<i64: 4096, 144>}, {transform_indices = @transform_1, window_bounds = array<i64: 64, 3>}, {pipeline_mode = #tpu.pipeline_mode<synchronous>, transform_indices = @transform_2, window_bounds = array<i64: 131, 128>}, {pipeline_mode = #tpu.pipeline_mode<synchronous>, transform_indices = @transform_3, window_bounds = array<i64: 1, 128>}, {pipeline_mode = #tpu.pipeline_mode<synchronous>, transform_indices = @transform_4, window_bounds = array<i64: 1, 128>}, {pipeline_mode = #tpu.pipeline_mode<synchronous>, transform_indices = @transform_5, window_bounds = array<i64: 1, 128>}, {pipeline_mode = #tpu.pipeline_mode<synchronous>, transform_indices = @transform_6, window_bounds = array<i64: 128, 128>}, {pipeline_mode = #tpu.pipeline_mode<synchronous>, transform_indices = @transform_7, window_bounds = array<i64: 1, 128>}, {pipeline_mode = #tpu.pipeline_mode<synchronous>, transform_indices = @transform_8, window_bounds = array<i64: 1, 128>}, {pipeline_mode = #tpu.pipeline_mode<synchronous>, transform_indices = @transform_9, window_bounds = array<i64: 1, 128>}, {pipeline_mode = #tpu.pipeline_mode<synchronous>, transform_indices = @transform_10, window_bounds = array<i64: 128, 256>}, {pipeline_mode = #tpu.pipeline_mode<synchronous>, transform_indices = @transform_11, window_bounds = array<i64: 1, 256>}, {pipeline_mode = #tpu.pipeline_mode<synchronous>, transform_indices = @transform_12, window_bounds = array<i64: 1, 256>}, {pipeline_mode = #tpu.pipeline_mode<synchronous>, transform_indices = @transform_13, window_bounds = array<i64: 1, 256>}, {transform_indices = @transform_14, window_bounds = array<i64: 64, 256>}]} {
    %get3A = arith.constant 0 : index
    %get3A_0 = arith.constant 0 : index
    %get3A_1 = vector.load %arg1[%get3A, %get3A_0] : memref<4096x144xf32, #tpu.memory_space<vmem>>, vector<4096x128xf32>
    %get3A_2 = arith.constant 0 : index
    %get3A_3 = arith.constant 128 : index
    %get3A_4 = vector.load %arg1[%get3A_2, %get3A_3] : memref<4096x144xf32, #tpu.memory_space<vmem>>, vector<4096x3xf32>
    %get3A_5 = arith.constant 0 : index
    %get3A_6 = arith.constant 131 : index
    %get3A_7 = vector.load %arg1[%get3A_5, %get3A_6] : memref<4096x144xf32, #tpu.memory_space<vmem>>, vector<4096x1xf32>
    %reshape3A = vector.shape_cast %get3A_4 : vector<4096x3xf32> to vector<64x64x3xf32>
    %get3A_8 = arith.constant 0 : index
    %get3A_9 = arith.constant 0 : index
    %get3A_10 = vector.load %arg2[%get3A_8, %get3A_9] : memref<64x3xf32, #tpu.memory_space<vmem>>, vector<64x3xf32>
    %broadcast_in_dim3A = vector.shape_cast %get3A_10 : vector<64x3xf32> to vector<64x1x3xf32>
    %sub3A = vector.broadcast %broadcast_in_dim3A : vector<64x1x3xf32> to vector<64x64x3xf32>
    %sub3A_11 = arith.subf %reshape3A, %sub3A : vector<64x64x3xf32>
    %reshape3A_12 = vector.shape_cast %sub3A_11 : vector<64x64x3xf32> to vector<4096x3xf32>
    %concatenate3A = tpu.concatenate %get3A_1, %reshape3A_12 in 1 : vector<4096x128xf32>, vector<4096x3xf32> -> vector<4096x131xf32>
    %get3A_13 = arith.constant 0 : index
    %get3A_14 = arith.constant 0 : index
    %get3A_15 = vector.load %arg3[%get3A_13, %get3A_14] : memref<131x128xf32, #tpu.memory_space<vmem>>, vector<131x128xf32>
    %dot_general3A = arith.constant dense<0.000000e+00> : vector<4096x128xf32>
    %dot_general3A_16 = tpu.matmul %concatenate3A, %get3A_15, %dot_general3A {dimension_numbers = #tpu.dot_dimension_numbers<[1], [0], [0], [1], [0, 0, 1, 1], [], []>, transpose_lhs_hint = false} : vector<4096x131xf32>, vector<131x128xf32>, vector<4096x128xf32> -> vector<4096x128xf32>
    %get3A_17 = arith.constant 0 : index
    %get3A_18 = arith.constant 0 : index
    %get3A_19 = vector.load %arg4[%get3A_17, %get3A_18] : memref<1x128xf32, #tpu.memory_space<vmem>>, vector<1x128xf32>
    %add3A = vector.broadcast %get3A_19 : vector<1x128xf32> to vector<4096x128xf32>
    %add3A_20 = arith.addf %dot_general3A_16, %add3A : vector<4096x128xf32>
    %max3A = arith.constant 0.000000e+00 : f32
    %max3A_21 = vector.broadcast %max3A : f32 to vector<4096x128xf32>
    %max3A_22 = arith.maximumf %add3A_20, %max3A_21 : vector<4096x128xf32>
    %get3A_23 = arith.constant 0 : index
    %get3A_24 = arith.constant 0 : index
    %get3A_25 = vector.load %arg5[%get3A_23, %get3A_24] : memref<1x128xf32, #tpu.memory_space<vmem>>, vector<1x128xf32>
    %mul3A = arith.constant 0.999994993 : f32
    %mul3A_26 = vector.broadcast %mul3A : f32 to vector<4096x128xf32>
    %mul3A_27 = arith.mulf %max3A_22, %mul3A_26 : vector<4096x128xf32>
    %mul3A_28 = vector.broadcast %get3A_25 : vector<1x128xf32> to vector<4096x128xf32>
    %mul3A_29 = arith.mulf %mul3A_28, %mul3A_27 : vector<4096x128xf32>
    %get3A_30 = arith.constant 0 : index
    %get3A_31 = arith.constant 0 : index
    %get3A_32 = vector.load %arg6[%get3A_30, %get3A_31] : memref<1x128xf32, #tpu.memory_space<vmem>>, vector<1x128xf32>
    %add3A_33 = vector.broadcast %get3A_32 : vector<1x128xf32> to vector<4096x128xf32>
    %add3A_34 = arith.addf %mul3A_29, %add3A_33 : vector<4096x128xf32>
    %get3A_35 = arith.constant 0 : index
    %get3A_36 = arith.constant 0 : index
    %get3A_37 = vector.load %arg7[%get3A_35, %get3A_36] : memref<128x128xf32, #tpu.memory_space<vmem>>, vector<128x128xf32>
    %dot_general3A_38 = arith.constant dense<0.000000e+00> : vector<4096x128xf32>
    %dot_general3A_39 = tpu.matmul %add3A_34, %get3A_37, %dot_general3A_38 {dimension_numbers = #tpu.dot_dimension_numbers<[1], [0], [0], [1], [0, 0, 1, 1], [], []>, transpose_lhs_hint = false} : vector<4096x128xf32>, vector<128x128xf32>, vector<4096x128xf32> -> vector<4096x128xf32>
    %get3A_40 = arith.constant 0 : index
    %get3A_41 = arith.constant 0 : index
    %get3A_42 = vector.load %arg8[%get3A_40, %get3A_41] : memref<1x128xf32, #tpu.memory_space<vmem>>, vector<1x128xf32>
    %add3A_43 = vector.broadcast %get3A_42 : vector<1x128xf32> to vector<4096x128xf32>
    %add3A_44 = arith.addf %dot_general3A_39, %add3A_43 : vector<4096x128xf32>
    %max3A_45 = arith.constant 0.000000e+00 : f32
    %max3A_46 = vector.broadcast %max3A_45 : f32 to vector<4096x128xf32>
    %max3A_47 = arith.maximumf %add3A_44, %max3A_46 : vector<4096x128xf32>
    %get3A_48 = arith.constant 0 : index
    %get3A_49 = arith.constant 0 : index
    %get3A_50 = vector.load %arg9[%get3A_48, %get3A_49] : memref<1x128xf32, #tpu.memory_space<vmem>>, vector<1x128xf32>
    %mul3A_51 = arith.constant 0.999994993 : f32
    %mul3A_52 = vector.broadcast %mul3A_51 : f32 to vector<4096x128xf32>
    %mul3A_53 = arith.mulf %max3A_47, %mul3A_52 : vector<4096x128xf32>
    %mul3A_54 = vector.broadcast %get3A_50 : vector<1x128xf32> to vector<4096x128xf32>
    %mul3A_55 = arith.mulf %mul3A_54, %mul3A_53 : vector<4096x128xf32>
    %get3A_56 = arith.constant 0 : index
    %get3A_57 = arith.constant 0 : index
    %get3A_58 = vector.load %arg10[%get3A_56, %get3A_57] : memref<1x128xf32, #tpu.memory_space<vmem>>, vector<1x128xf32>
    %add3A_59 = vector.broadcast %get3A_58 : vector<1x128xf32> to vector<4096x128xf32>
    %add3A_60 = arith.addf %mul3A_55, %add3A_59 : vector<4096x128xf32>
    %get3A_61 = arith.constant 0 : index
    %get3A_62 = arith.constant 0 : index
    %get3A_63 = vector.load %arg11[%get3A_61, %get3A_62] : memref<128x256xf32, #tpu.memory_space<vmem>>, vector<128x256xf32>
    %dot_general3A_64 = arith.constant dense<0.000000e+00> : vector<4096x256xf32>
    %dot_general3A_65 = tpu.matmul %add3A_60, %get3A_63, %dot_general3A_64 {dimension_numbers = #tpu.dot_dimension_numbers<[1], [0], [0], [1], [0, 0, 1, 1], [], []>, transpose_lhs_hint = false} : vector<4096x128xf32>, vector<128x256xf32>, vector<4096x256xf32> -> vector<4096x256xf32>
    %get3A_66 = arith.constant 0 : index
    %get3A_67 = arith.constant 0 : index
    %get3A_68 = vector.load %arg12[%get3A_66, %get3A_67] : memref<1x256xf32, #tpu.memory_space<vmem>>, vector<1x256xf32>
    %add3A_69 = vector.broadcast %get3A_68 : vector<1x256xf32> to vector<4096x256xf32>
    %add3A_70 = arith.addf %dot_general3A_65, %add3A_69 : vector<4096x256xf32>
    %max3A_71 = arith.constant 0.000000e+00 : f32
    %max3A_72 = vector.broadcast %max3A_71 : f32 to vector<4096x256xf32>
    %max3A_73 = arith.maximumf %add3A_70, %max3A_72 : vector<4096x256xf32>
    %get3A_74 = arith.constant 0 : index
    %get3A_75 = arith.constant 0 : index
    %get3A_76 = vector.load %arg13[%get3A_74, %get3A_75] : memref<1x256xf32, #tpu.memory_space<vmem>>, vector<1x256xf32>
    %mul3A_77 = arith.constant 0.999994993 : f32
    %mul3A_78 = vector.broadcast %mul3A_77 : f32 to vector<4096x256xf32>
    %mul3A_79 = arith.mulf %max3A_73, %mul3A_78 : vector<4096x256xf32>
    %mul3A_80 = vector.broadcast %get3A_76 : vector<1x256xf32> to vector<4096x256xf32>
    %mul3A_81 = arith.mulf %mul3A_80, %mul3A_79 : vector<4096x256xf32>
    %get3A_82 = arith.constant 0 : index
    %get3A_83 = arith.constant 0 : index
    %get3A_84 = vector.load %arg14[%get3A_82, %get3A_83] : memref<1x256xf32, #tpu.memory_space<vmem>>, vector<1x256xf32>
    %add3A_85 = vector.broadcast %get3A_84 : vector<1x256xf32> to vector<4096x256xf32>
    %add3A_86 = arith.addf %mul3A_81, %add3A_85 : vector<4096x256xf32>
    %le3A = arith.constant 1.600000e-01 : f32
    %le3A_87 = vector.broadcast %le3A : f32 to vector<4096x1xf32>
    %le3A_88 = arith.cmpf ole, %get3A_7, %le3A_87 : vector<4096x1xf32>
    %jit3A = arith.constant -1.000000e+10 : f32
    %broadcast_in_dim3A_89 = vector.shape_cast %le3A_88 : vector<4096x1xi1> to vector<4096x1xi1>
    %broadcast_in_dim3A_90 = vector.broadcast %broadcast_in_dim3A_89 : vector<4096x1xi1> to vector<4096x256xi1>
    %broadcast_in_dim3A_91 = vector.broadcast %jit3A : f32 to vector<4096x256xf32>
    %select_n3A = arith.select %broadcast_in_dim3A_90, %add3A_86, %broadcast_in_dim3A_91 : vector<4096x256xi1>, vector<4096x256xf32>
    %reshape3A_92 = vector.shape_cast %select_n3A : vector<4096x256xf32> to vector<64x64x256xf32>
    %reduce_max3A = arith.constant dense<0xFF800000> : vector<64x256xf32>
    %reduce_max3A_93 = vector.multi_reduction <maximumf>, %reshape3A_92, %reduce_max3A [1] : vector<64x64x256xf32> to vector<64x256xf32>
    %swap3A = arith.constant 0 : index
    %swap3A_94 = arith.constant 0 : index
    %swap3A_95 = vector.load %arg15[%swap3A, %swap3A_94] : memref<64x256xf32, #tpu.memory_space<vmem>>, vector<64x256xf32>
    tpu.vector_store %arg15[%swap3A, %swap3A_94], %reduce_max3A_93 {strides = array<i32>} : memref<64x256xf32, #tpu.memory_space<vmem>>, vector<64x256xf32>,
    return
  }
  func.func @transform_0(%arg0: i32) -> (i32, i32) {
    %c0_i32 = arith.constant 0 : i32
    %c0_i32_0 = arith.constant 0 : i32
    return %arg0, %c0_i32 : i32, i32
  }
  func.func @transform_1(%arg0: i32) -> (i32, i32) {
    %c0_i32 = arith.constant 0 : i32
    %c0_i32_0 = arith.constant 0 : i32
    return %arg0, %c0_i32 : i32, i32
  }
  func.func @transform_2(%arg0: i32) -> (i32, i32) {
    %c0_i32 = arith.constant 0 : i32
    %c0_i32_0 = arith.constant 0 : i32
    %c0_i32_1 = arith.constant 0 : i32
    return %c0_i32, %c0_i32_0 : i32, i32
  }
  func.func @transform_3(%arg0: i32) -> (i32, i32) {
    %c0_i32 = arith.constant 0 : i32
    %c0_i32_0 = arith.constant 0 : i32
    %c0_i32_1 = arith.constant 0 : i32
    return %c0_i32, %c0_i32_0 : i32, i32
  }
  func.func @transform_4(%arg0: i32) -> (i32, i32) {
    %c0_i32 = arith.constant 0 : i32
    %c0_i32_0 = arith.constant 0 : i32
    %c0_i32_1 = arith.constant 0 : i32
    return %c0_i32, %c0_i32_0 : i32, i32
  }
  func.func @transform_5(%arg0: i32) -> (i32, i32) {
    %c0_i32 = arith.constant 0 : i32
    %c0_i32_0 = arith.constant 0 : i32
    %c0_i32_1 = arith.constant 0 : i32
    return %c0_i32, %c0_i32_0 : i32, i32
  }
  func.func @transform_6(%arg0: i32) -> (i32, i32) {
    %c0_i32 = arith.constant 0 : i32
    %c0_i32_0 = arith.constant 0 : i32
    %c0_i32_1 = arith.constant 0 : i32
    return %c0_i32, %c0_i32_0 : i32, i32
  }
  func.func @transform_7(%arg0: i32) -> (i32, i32) {
    %c0_i32 = arith.constant 0 : i32
    %c0_i32_0 = arith.constant 0 : i32
    %c0_i32_1 = arith.constant 0 : i32
    return %c0_i32, %c0_i32_0 : i32, i32
  }
  func.func @transform_8(%arg0: i32) -> (i32, i32) {
    %c0_i32 = arith.constant 0 : i32
    %c0_i32_0 = arith.constant 0 : i32
    %c0_i32_1 = arith.constant 0 : i32
    return %c0_i32, %c0_i32_0 : i32, i32
  }
  func.func @transform_9(%arg0: i32) -> (i32, i32) {
    %c0_i32 = arith.constant 0 : i32
    %c0_i32_0 = arith.constant 0 : i32
    %c0_i32_1 = arith.constant 0 : i32
    return %c0_i32, %c0_i32_0 : i32, i32
  }
  func.func @transform_10(%arg0: i32) -> (i32, i32) {
    %c0_i32 = arith.constant 0 : i32
    %c0_i32_0 = arith.constant 0 : i32
    %c0_i32_1 = arith.constant 0 : i32
    return %c0_i32, %c0_i32_0 : i32, i32
  }
  func.func @transform_11(%arg0: i32) -> (i32, i32) {
    %c0_i32 = arith.constant 0 : i32
    %c0_i32_0 = arith.constant 0 : i32
    %c0_i32_1 = arith.constant 0 : i32
    return %c0_i32, %c0_i32_0 : i32, i32
  }
  func.func @transform_12(%arg0: i32) -> (i32, i32) {
    %c0_i32 = arith.constant 0 : i32
    %c0_i32_0 = arith.constant 0 : i32
    %c0_i32_1 = arith.constant 0 : i32
    return %c0_i32, %c0_i32_0 : i32, i32
  }
  func.func @transform_13(%arg0: i32) -> (i32, i32) {
    %c0_i32 = arith.constant 0 : i32
    %c0_i32_0 = arith.constant 0 : i32
    %c0_i32_1 = arith.constant 0 : i32
    return %c0_i32, %c0_i32_0 : i32, i32
  }
  func.func @transform_14(%arg0: i32) -> (i32, i32) {
    %c0_i32 = arith.constant 0 : i32
    %c0_i32_0 = arith.constant 0 : i32
    return %arg0, %c0_i32 : i32, i32
  }
}

module attributes {stable_mosaic.version = 14 : i64} {
  func.func @_mlp_body(%arg0: memref<512x259xf32, #tpu.memory_space<vmem>>, %arg1: memref<259x256xf32, #tpu.memory_space<vmem>>, %arg2: memref<1x256xf32, #tpu.memory_space<vmem>>, %arg3: memref<1x256xf32, #tpu.memory_space<vmem>>, %arg4: memref<1x256xf32, #tpu.memory_space<vmem>>, %arg5: memref<256x512xf32, #tpu.memory_space<vmem>>, %arg6: memref<1x512xf32, #tpu.memory_space<vmem>>, %arg7: memref<1x512xf32, #tpu.memory_space<vmem>>, %arg8: memref<1x512xf32, #tpu.memory_space<vmem>>, %arg9: memref<512x1024xf32, #tpu.memory_space<vmem>>, %arg10: memref<1x1024xf32, #tpu.memory_space<vmem>>, %arg11: memref<1x1024xf32, #tpu.memory_space<vmem>>, %arg12: memref<1x1024xf32, #tpu.memory_space<vmem>>, %arg13: memref<8x1024xf32, #tpu.memory_space<vmem>>) attributes {dimension_semantics = [], scalar_prefetch = 0 : i64, scratch_operands = 0 : i64, tpu.core_type = #tpu.core_type<tc>} {
    %get3A = arith.constant 0 : index
    %get3A_0 = arith.constant 0 : index
    %get3A_1 = vector.load %arg0[%get3A, %get3A_0] : memref<512x259xf32, #tpu.memory_space<vmem>>, vector<512x259xf32>
    %get3A_2 = arith.constant 0 : index
    %get3A_3 = arith.constant 0 : index
    %get3A_4 = vector.load %arg1[%get3A_2, %get3A_3] : memref<259x256xf32, #tpu.memory_space<vmem>>, vector<259x256xf32>
    %dot_general3A = arith.constant dense<0.000000e+00> : vector<512x256xf32>
    %dot_general3A_5 = tpu.matmul %get3A_1, %get3A_4, %dot_general3A {dimension_numbers = #tpu.dot_dimension_numbers<[1], [0], [0], [1], [0, 0, 1, 1], [], []>, transpose_lhs_hint = false} : vector<512x259xf32>, vector<259x256xf32>, vector<512x256xf32> -> vector<512x256xf32>
    %get3A_6 = arith.constant 0 : index
    %get3A_7 = arith.constant 0 : index
    %get3A_8 = vector.load %arg2[%get3A_6, %get3A_7] : memref<1x256xf32, #tpu.memory_space<vmem>>, vector<1x256xf32>
    %add3A = vector.broadcast %get3A_8 : vector<1x256xf32> to vector<512x256xf32>
    %add3A_9 = arith.addf %dot_general3A_5, %add3A : vector<512x256xf32>
    %max3A = arith.constant 0.000000e+00 : f32
    %max3A_10 = vector.broadcast %max3A : f32 to vector<512x256xf32>
    %max3A_11 = arith.maximumf %add3A_9, %max3A_10 : vector<512x256xf32>
    %get3A_12 = arith.constant 0 : index
    %get3A_13 = arith.constant 0 : index
    %get3A_14 = vector.load %arg3[%get3A_12, %get3A_13] : memref<1x256xf32, #tpu.memory_space<vmem>>, vector<1x256xf32>
    %mul3A = arith.constant 0.999994993 : f32
    %mul3A_15 = vector.broadcast %mul3A : f32 to vector<512x256xf32>
    %mul3A_16 = arith.mulf %max3A_11, %mul3A_15 : vector<512x256xf32>
    %mul3A_17 = vector.broadcast %get3A_14 : vector<1x256xf32> to vector<512x256xf32>
    %mul3A_18 = arith.mulf %mul3A_17, %mul3A_16 : vector<512x256xf32>
    %get3A_19 = arith.constant 0 : index
    %get3A_20 = arith.constant 0 : index
    %get3A_21 = vector.load %arg4[%get3A_19, %get3A_20] : memref<1x256xf32, #tpu.memory_space<vmem>>, vector<1x256xf32>
    %add3A_22 = vector.broadcast %get3A_21 : vector<1x256xf32> to vector<512x256xf32>
    %add3A_23 = arith.addf %mul3A_18, %add3A_22 : vector<512x256xf32>
    %get3A_24 = arith.constant 0 : index
    %get3A_25 = arith.constant 0 : index
    %get3A_26 = vector.load %arg5[%get3A_24, %get3A_25] : memref<256x512xf32, #tpu.memory_space<vmem>>, vector<256x512xf32>
    %dot_general3A_27 = arith.constant dense<0.000000e+00> : vector<512x512xf32>
    %dot_general3A_28 = tpu.matmul %add3A_23, %get3A_26, %dot_general3A_27 {dimension_numbers = #tpu.dot_dimension_numbers<[1], [0], [0], [1], [0, 0, 1, 1], [], []>, transpose_lhs_hint = false} : vector<512x256xf32>, vector<256x512xf32>, vector<512x512xf32> -> vector<512x512xf32>
    %get3A_29 = arith.constant 0 : index
    %get3A_30 = arith.constant 0 : index
    %get3A_31 = vector.load %arg6[%get3A_29, %get3A_30] : memref<1x512xf32, #tpu.memory_space<vmem>>, vector<1x512xf32>
    %add3A_32 = vector.broadcast %get3A_31 : vector<1x512xf32> to vector<512x512xf32>
    %add3A_33 = arith.addf %dot_general3A_28, %add3A_32 : vector<512x512xf32>
    %max3A_34 = arith.constant 0.000000e+00 : f32
    %max3A_35 = vector.broadcast %max3A_34 : f32 to vector<512x512xf32>
    %max3A_36 = arith.maximumf %add3A_33, %max3A_35 : vector<512x512xf32>
    %get3A_37 = arith.constant 0 : index
    %get3A_38 = arith.constant 0 : index
    %get3A_39 = vector.load %arg7[%get3A_37, %get3A_38] : memref<1x512xf32, #tpu.memory_space<vmem>>, vector<1x512xf32>
    %mul3A_40 = arith.constant 0.999994993 : f32
    %mul3A_41 = vector.broadcast %mul3A_40 : f32 to vector<512x512xf32>
    %mul3A_42 = arith.mulf %max3A_36, %mul3A_41 : vector<512x512xf32>
    %mul3A_43 = vector.broadcast %get3A_39 : vector<1x512xf32> to vector<512x512xf32>
    %mul3A_44 = arith.mulf %mul3A_43, %mul3A_42 : vector<512x512xf32>
    %get3A_45 = arith.constant 0 : index
    %get3A_46 = arith.constant 0 : index
    %get3A_47 = vector.load %arg8[%get3A_45, %get3A_46] : memref<1x512xf32, #tpu.memory_space<vmem>>, vector<1x512xf32>
    %add3A_48 = vector.broadcast %get3A_47 : vector<1x512xf32> to vector<512x512xf32>
    %add3A_49 = arith.addf %mul3A_44, %add3A_48 : vector<512x512xf32>
    %get3A_50 = arith.constant 0 : index
    %get3A_51 = arith.constant 0 : index
    %get3A_52 = vector.load %arg9[%get3A_50, %get3A_51] : memref<512x1024xf32, #tpu.memory_space<vmem>>, vector<512x1024xf32>
    %dot_general3A_53 = arith.constant dense<0.000000e+00> : vector<512x1024xf32>
    %dot_general3A_54 = tpu.matmul %add3A_49, %get3A_52, %dot_general3A_53 {dimension_numbers = #tpu.dot_dimension_numbers<[1], [0], [0], [1], [0, 0, 1, 1], [], []>, transpose_lhs_hint = false} : vector<512x512xf32>, vector<512x1024xf32>, vector<512x1024xf32> -> vector<512x1024xf32>
    %get3A_55 = arith.constant 0 : index
    %get3A_56 = arith.constant 0 : index
    %get3A_57 = vector.load %arg10[%get3A_55, %get3A_56] : memref<1x1024xf32, #tpu.memory_space<vmem>>, vector<1x1024xf32>
    %add3A_58 = vector.broadcast %get3A_57 : vector<1x1024xf32> to vector<512x1024xf32>
    %add3A_59 = arith.addf %dot_general3A_54, %add3A_58 : vector<512x1024xf32>
    %max3A_60 = arith.constant 0.000000e+00 : f32
    %max3A_61 = vector.broadcast %max3A_60 : f32 to vector<512x1024xf32>
    %max3A_62 = arith.maximumf %add3A_59, %max3A_61 : vector<512x1024xf32>
    %get3A_63 = arith.constant 0 : index
    %get3A_64 = arith.constant 0 : index
    %get3A_65 = vector.load %arg11[%get3A_63, %get3A_64] : memref<1x1024xf32, #tpu.memory_space<vmem>>, vector<1x1024xf32>
    %mul3A_66 = arith.constant 0.999994993 : f32
    %mul3A_67 = vector.broadcast %mul3A_66 : f32 to vector<512x1024xf32>
    %mul3A_68 = arith.mulf %max3A_62, %mul3A_67 : vector<512x1024xf32>
    %mul3A_69 = vector.broadcast %get3A_65 : vector<1x1024xf32> to vector<512x1024xf32>
    %mul3A_70 = arith.mulf %mul3A_69, %mul3A_68 : vector<512x1024xf32>
    %get3A_71 = arith.constant 0 : index
    %get3A_72 = arith.constant 0 : index
    %get3A_73 = vector.load %arg12[%get3A_71, %get3A_72] : memref<1x1024xf32, #tpu.memory_space<vmem>>, vector<1x1024xf32>
    %add3A_74 = vector.broadcast %get3A_73 : vector<1x1024xf32> to vector<512x1024xf32>
    %add3A_75 = arith.addf %mul3A_70, %add3A_74 : vector<512x1024xf32>
    %iota3A = tpu.iota {dimensions = array<i32: 0>} : vector<512x1xi32>
    %lt3A = arith.constant 500 : i32
    %lt3A_76 = vector.broadcast %lt3A : i32 to vector<512x1xi32>
    %lt3A_77 = arith.cmpi slt, %iota3A, %lt3A_76 : vector<512x1xi32>
    %jit3A = arith.constant -1.000000e+10 : f32
    %broadcast_in_dim3A = vector.shape_cast %lt3A_77 : vector<512x1xi1> to vector<512x1xi1>
    %broadcast_in_dim3A_78 = vector.broadcast %broadcast_in_dim3A : vector<512x1xi1> to vector<512x1024xi1>
    %broadcast_in_dim3A_79 = vector.broadcast %jit3A : f32 to vector<512x1024xf32>
    %select_n3A = arith.select %broadcast_in_dim3A_78, %add3A_75, %broadcast_in_dim3A_79 : vector<512x1024xi1>, vector<512x1024xf32>
    %reduce_max3A = arith.constant dense<0xFF800000> : vector<1024xf32>
    %reduce_max3A_80 = vector.multi_reduction <maximumf>, %select_n3A, %reduce_max3A [0] : vector<512x1024xf32> to vector<1024xf32>
    %broadcast_in_dim3A_81 = vector.shape_cast %reduce_max3A_80 : vector<1024xf32> to vector<1x1024xf32>
    %broadcast_in_dim3A_82 = vector.shape_cast %broadcast_in_dim3A_81 : vector<1x1024xf32> to vector<1x1024xf32>
    %broadcast_in_dim3A_83 = vector.broadcast %broadcast_in_dim3A_82 : vector<1x1024xf32> to vector<8x1024xf32>
    %swap3A = arith.constant 0 : index
    %swap3A_84 = arith.constant 0 : index
    %swap3A_85 = vector.load %arg13[%swap3A, %swap3A_84] : memref<8x1024xf32, #tpu.memory_space<vmem>>, vector<8x1024xf32>
    tpu.vector_store %arg13[%swap3A, %swap3A_84], %broadcast_in_dim3A_83 {strides = array<i32>} : memref<8x1024xf32, #tpu.memory_space<vmem>>, vector<8x1024xf32>,
    return
  }
}

</mosaic_0001>

<sc_bundles>
// kernel: gather_offload_async_start
scs
__scs_entry_jumppad:
0x0: {  	(pc) =	sbr.rel $0x88, $3  }
0x1: {  	(tag) =	ssettag $0x0;
	lr =	simm.s32 $0x1  }
0x2: {  	[smem:$0x3F7A] =	sst lr;
	_ =	strace $0xD0000000  }
0x3: {  	_ = 	snop  }
0x4: {  	_ = 	snop  }
0x5: {  	_ = 	snop  }
0x6: {  	_ = 	snop  }
0x7: {  	_ = 	snop  }
__scs_overlays_trampoline_lowered:
0x8: {  	[smem:$0x3F89] =	sst s0  }
0x9: {  	[smem:$0x3F8A] =	sst s1  }
0xa: {  	[smem:$0x3F8B] =	sst s2  }
0xb: {  	[smem:$0x3F8C] =	sst s3  }
0xc: {  	[smem:$0x3F8D] =	sst s4  }
0xd: {  	[smem:$0x3F8E] =	sst s5  }
0xe: {  	[smem:$0x3F8F] =	sst s6  }
0xf: {  	[smem:$0x3F90] =	sst s7  }
0x10: {  	[smem:$0x3F91] =	sst s8  }
0x11: {  	[smem:$0x3F92] =	sst s9;
	s0 =	simm.s32 @!p0 $0x0  }
0x12: {  	s1 =	sld [smem:$0x3F78];
	s0 =	simm.s32 @p0 $0x1  }
0x13: {  	[smem:$0x3F93] =	sst s0;
	s0 =	simm.s32 @!p1 $0x0  }
0x14: {  	s2 =	sld [smem:$0x3F77];
	s0 =	simm.s32 @p1 $0x1  }
0x15: {  	[smem:$0x3F94] =	sst s0;
	s0 =	simm.s32 @!p2 $0x0  }
0x16: {  	s3 =	sld [smem:$0x3FDB];
	s0 =	simm.s32 @p2 $0x1  }
0x17: {  	s4 =	simm.s32 $0x1BF5;
	[smem:$0x3F96] =	sst s0  }
0x18: {  	s0 =	sld [smem:$0x3F79];
	_ =	swait.ge [sflag:s4], $0x0  }
0x19: {  	s7 =	sld [smem:$0x3F7A]  }
0x1a: {  	s8 =	sadd.s32 $0xFFFFE003, lr  }
0x1b: {  	s9 =	sadd.s32 $0xFFFFFEF7, lr;
	s5 =	simm.s32 $0xFFFFFFFF;
	p2 =	slt.u32 s8, $0xFFFFF086  }
0x1c: {  	p1 =	slt.u32 s9, $0xF7A;
	s5 =	simm.s32 @!p2 $0x0  }
0x1d: {  	s5 =	simm.s32 @p1 $0x1;
	p0 =	seq.s32 s7, s2  }
0x1e: {  	s7 =	smul.u32 @!p0 $0xF7A, s2;
	p2 =	seq.s32 @!p0 s5, $0x0  }
0x1f: {  	s9 =	smul.u32 $0xF7A, s1;
	s8 =	simm.s32 @!p0 $0x1BF5;
	p2 =	por !p2, p0  }
0x20: {  	[sflag:s8] =	ssyncset.s32 @!p0 $0xFFFFF086;
	s6 =	sadd.s32 @!p0 s3, s7;
	s7 =	simm.s32 @!p0 $0x108  }
0x21: {  	s3 =	sadd.s32 s3, s9;
	s6 =	sadd.s32 @!p0 $0x88, s6;
	s7 =	simm.s32 @p2 $0x1082  }
0x22: {  	[simem:s7], [sflag:s8] =	dma.local @!p0 [hbm:s6], $0xF7A  }
0x23: {  	s9 =	sor.u32 $0xD0000000, s2;
	s6 =	simm.s32 $0x108;
	_ =	swait.ge @!p0 [sflag:s8], $0x0  }
0x24: {  	s3 =	sadd.s32 $0x88, s3;
	s6 =	simm.s32 @!p1 $0x1082;
	[sflag:s4] =	ssyncset.s32 $0xFFFFF086  }
0x25: {  	[simem:s6], [sflag:s4] =	dma.local [hbm:s3], $0xF7A  }
0x26: {  	[smem:$0x3F7A] =	sst s1;
	(tag) =	ssettag s2;
	_ =	strace s9  }
0x27: {  	s1 =	sld [smem:$0x3F8A]  }
0x28: {  	s2 =	sld [smem:$0x3F8B]  }
0x29: {  	s4 =	sld [smem:$0x3F8D]  }
0x2a: {  	p0 =	seq.s32 s5, $0x0;
	s5 =	sld [smem:$0x3F8E]  }
0x2b: {  	s6 =	sld [smem:$0x3F8F]  }
0x2c: {  	s7 =	sld [smem:$0x3F90]  }
0x2d: {  	s3 =	simm.s32 $0x108;
	s8 =	sld [smem:$0x3F91]  }
0x2e: {  	s3 =	simm.s32 @!p0 $0x1082;
	s9 =	sld [smem:$0x3F92]  }
0x2f: {  	lr =	sadd.s32 s0, s3;
	s0 =	sld [smem:$0x3F89]  }
0x30: {  	s3 =	sld [smem:$0x3F8C]  }
0x31: {  	[smem:$0x3F95] =	sst s10  }
0x32: {  	s10 =	sld [smem:$0x3F93];
	_ =	sdelay $0x3  }
0x33: {  	p0 =	seq.s32 s10, $0x1;
	s10 =	sld [smem:$0x3F95];
	_ =	sdelay $0x3  }
0x34: {  	[smem:$0x3F95] =	sst s10  }
0x35: {  	s10 =	sld [smem:$0x3F94];
	_ =	sdelay $0x3  }
0x36: {  	p1 =	seq.s32 s10, $0x1;
	s10 =	sld [smem:$0x3F95];
	_ =	sdelay $0x3  }
0x37: {  	[smem:$0x3F95] =	sst s10  }
0x38: {  	s10 =	sld [smem:$0x3F96]  }
0x39: {  	_ = 	snop;
	(pc) =	sbr.ind lr, $3  }
0x3a: {  	_ = 	snop  }
0x3b: {  	_ = 	snop  }
0x3c: {  	p2 =	seq.s32 s10, $0x1;
	s10 =	sld [smem:$0x3F95]  }
0x3d: {  	_ =	shalt  }
0x3e: {  	_ =	shalt  }
0x3f: {  	_ =	shalt  }
0x40: {  	_ =	shalt  }
0x41: {  	_ =	shalt  }
0x42: {  	_ =	shalt  }
0x43: {  	_ =	shalt  }
0x44: {  	_ =	shalt  }
0x45: {  	_ =	shalt  }
0x46: {  	_ =	shalt  }
0x47: {  	_ =	shalt  }
0x48: {  	_ =	shalt  }
0x49: {  	_ =	shalt  }
0x4a: {  	_ =	shalt  }
0x4b: {  	_ =	shalt  }
0x4c: {  	_ =	shalt  }
0x4d: {  	_ =	shalt  }
0x4e: {  	_ =	shalt  }
0x4f: {  	_ =	shalt  }
0x50: {  	_ =	shalt  }
0x51: {  	_ =	shalt  }
0x52: {  	_ =	shalt  }
0x53: {  	_ =	shalt  }
0x54: {  	_ =	shalt  }
0x55: {  	_ =	shalt  }
0x56: {  	_ =	shalt  }
0x57: {  	_ =	shalt  }
0x58: {  	_ =	shalt  }
0x59: {  	_ =	shalt  }
0x5a: {  	_ =	shalt  }
0x5b: {  	_ =	shalt  }
0x5c: {  	_ =	shalt  }
0x5d: {  	_ =	shalt  }
0x5e: {  	_ =	shalt  }
0x5f: {  	_ =	shalt  }
0x60: {  	_ =	shalt  }
0x61: {  	_ =	shalt  }
0x62: {  	_ =	shalt  }
0x63: {  	_ =	shalt  }
0x64: {  	_ =	shalt  }
0x65: {  	_ =	shalt  }
0x66: {  	_ =	shalt  }
0x67: {  	_ =	shalt  }
0x68: {  	_ =	shalt  }
0x69: {  	_ =	shalt  }
0x6a: {  	_ =	shalt  }
0x6b: {  	_ =	shalt  }
0x6c: {  	_ =	shalt  }
0x6d: {  	_ =	shalt  }
0x6e: {  	_ =	shalt  }
0x6f: {  	_ =	shalt  }
0x70: {  	_ =	shalt  }
0x71: {  	_ =	shalt  }
0x72: {  	_ =	shalt  }
0x73: {  	_ =	shalt  }
0x74: {  	_ =	shalt  }
0x75: {  	_ =	shalt  }
0x76: {  	_ =	shalt  }
0x77: {  	_ =	shalt  }
0x78: {  	_ =	shalt  }
0x79: {  	_ =	shalt  }
0x7a: {  	_ =	shalt  }
0x7b: {  	_ =	shalt  }
0x7c: {  	_ =	shalt  }
0x7d: {  	_ =	shalt  }
0x7e: {  	_ =	shalt  }
0x7f: {  	_ =	shalt  }
0x80: {  	_ =	shalt  }
0x81: {  	_ =	shalt  }
0x82: {  	_ =	shalt  }
0x83: {  	_ =	shalt  }
0x84: {  	_ =	shalt  }
0x85: {  	_ =	shalt  }
0x86: {  	_ =	shalt  }
0x87: {  	_ =	shalt  }
.Lfunc_end0:
.L_simem_size_0:
called_computation_lowered:
.L_overlay_start_0:
0x88: {  	s0 =	sld [smem:$0x3FD9]  }
0x89: {  	s1 =	sld [smem:$0x3FFE];
	_ =	sdelay $0x3  }
0x8a: {  	s0 =	sadd.s32 s1, s0  }
0x8b: {  	[smem:$0x3FA1] =	sst s0  }
0x8c: {  	_ = 	snop  }
0x8d: {  	s0 =	sld [smem:$0x3FD0];
	_ =	sdelay $0x2  }
0x8e: {  	s2 =	simm.s32 $0xB;
	s3 =	simm.s32 $0x10;
	s13 =	sld [smem:$0x3FC7]  }
0x8f: {  	[smem:s3], [sflag:s2] =	dma.local [hbm:s0], $0x1  }
0x90: {  	_ =	swait.eq [sflag:s2], $0x1  }
0x91: {  	[sflag:s2] =	ssyncset.done $0x0  }
0x92: {  	[sflag:s2] =	ssyncadd.s32 $0xFFFFFFFF  }
0x93: {  	s14 =	sld [smem:$0x15];
	(tm) =	ssettm $0x1  }
0x94: {  	s15 =	sld [smem:$0x3FFB];
	_ =	sdelay $0x3  }
0x95: {  	_ =	strace s15  }
0x96: {  	s2 =	sld [smem:$0x3FFC];
	_ =	sdelay $0x3  }
0x97: {  	_ =	strace s2  }
0x98: {  	s2 =	sld [smem:$0x3FFD];
	_ =	sdelay $0x3  }
0x99: {  	_ =	strace s2  }
0x9a: {  	_ =	strace $0x8FFFFFFF  }
0x9b: {  	s16 =	sld [smem:$0x3FDB];
	_ =	sdelay $0x1  }
0x9c: {  	s17 =	simm.s32 $_scs_section_size  }
0x9d: {  	s4 =	simm.s32 $_size__tile_overlayer_lowered;
	s5 =	simm.s32 $_tile_overlayer_lowered  }
0x9e: {  	s20 =	simm.s32 $0x1BFF;
	s19 =	sshll.u32 s5, $0x1;
	s2 =	sadd.s32 s17, s16  }
0x9f: {  	s6 =	simm.s32 $0x0;
	s18 =	sshll.u32 s4, $0x1;
	s4 =	sadd.s32 s19, s2  }
0xa0: {  	[timem:s6], [sflag:s20] =	dma.local [hbm:s4], s18  }
0xa1: {  	_ =	swait.ge [sflag:s20], s18  }
0xa2: {  	s3 =	ssub.s32 $0x0, s18;
	[sflag:s20] =	ssyncset.done $0x0  }
0xa3: {  	[sflag:s20] =	ssyncadd.s32 s3;
	_ =	sdelay $0x1  }
0xa4: {  	s21 =	simm.s32 $0x1B8B  }
0xa5: {  	_ =	swait.ge [sflag:s21], $0x1  }
0xa6: {  	[sflag:s21] =	ssyncset.done $0x0  }
0xa7: {  	s23 =	simm.s32 $0x1B8E;
	s22 =	sld [smem:$0x3FFE];
	[sflag:s21] =	ssyncadd.s32 $0xFFFFFFFF  }
0xa8: {  	s24 =	simm.s32 $execute0_lowered;
	[smem:$0x3FD2] =	sst s23  }
0xa9: {  	s4 =	sshll.u32 s24, $0x1;
	_ =	strace $0x80000049;
	[dreg:$0x1] =	wrdreg $0xFFFFFFFF  }
0xaa: {  	s25 =	simm.s32 $_size_execute0_lowered;
	s2 =	sadd.s32 s2, s4;
	[dreg:$0x0] =	wrdreg $0x0  }
0xab: {  	s4 =	sshll.u32 s25, $0x1;
	[dreg:$0x2] =	wrdreg s2  }
0xac: {  	[dreg:$0x3] =	wrdreg s4  }
0xad: {  	[dreg:$0x4] =	wrdreg $0xC0  }
0xae: {  	_ =	task [dreg:s6], $0x5FFFF  }
0xaf: {  	[dreg:$0x1] =	wrdreg $0xFFFFFFFF  }
0xb0: {  	[dreg:$0x0] =	wrdreg $0x60  }
0xb1: {  	[dreg:$0x2] =	wrdreg s13  }
0xb2: {  	[dreg:$0x3] =	wrdreg s22  }
0xb3: {  	[dreg:$0x4] =	wrdreg s14  }
0xb4: {  	[dreg:$0x5] =	wrdreg $0x9  }
0xb5: {  	_ =	task.clear_ibuf [dreg:s6], $0x6FFFF;
	_ =	strace $0x90000049  }
0xb6: {  	s26 =	simm.s32 $0x9;
	_ =	strace $0x8000004B  }
0xb7: {  	_ =	swait.ge [sflag:s26], $0x1  }
0xb8: {  	[sflag:s26] =	ssyncadd.s32 $0xFFFFFFFF  }
0xb9: {  	_ =	strace $0x9000004B  }
0xba: {  	_ =	sfence  }
0xbb: {  	s28 =	sld [smem:$0x0];
	_ =	sdelay $0x1  }
0xbc: {  	s29 =	srdreg.scid  }
0xbd: {  	s30 =	sshll.u32 s29, $0xD;
	s31 =	sshrl.u32 s29, $0x2  }
0xbe: {  	s1 =	sand.u32 $0x1, s29;
	s2 =	sand.u32 $0x4000, s30;
	s0 =	sadd.s32 s31, s28  }
0xbf: {  	s1 =	sor.u32 s2, s1;
	s0 =	sshll.u32 s0, $0x11  }
0xc0: {  	s0 =	sor.u32 s0, s1  }
0xc1: {  	s0 =	sadd.s32 $0x8F2B, s0  }
0xc2: {  	[sflag:s0] =	ssyncadd.remote.s32 $0x1  }
0xc3: {  	_ =	sfence.sel $0xFFFF  }
0xc4: {  	[dreg:$0x0] =	wrdreg $0xFFFFFFFF;
	(pc) =	sbr.abs _section_cstart, $3  }
0xc5: {  	[dreg:$0x1] =	wrdreg $0xFFFFFFFF  }
0xc6: {  	_ =	task.clear_ibuf [dreg:s6], $0x2FFFF;
	_ =	strace $0x9FFFFFFF  }
0xc7: {  	(tm) =	ssettm $0x7FFFFFFF  }
tec
execute0_lowered:
.L_overlay_start_1:
0x0: {  	(tag) =	ssettag $0x1  }
0x1: {  	s2 =	rddreg [dreg:$0x0]  }
0x2: {  	s8 =	rddreg [dreg:$0x1]  }
0x3: {  	s3 =	rddreg [dreg:$0x2]  }
0x4: {  	s0 =	rddreg [dreg:$0x3];
	s1 =	stileid.u32;
	_ =	strace $0x8000004A  }
0x5: {  	s5 =	simm.s32 $0x1;
	s6 =	simm.s32 $0x500;
	s9 =	simm.s32 $0x1  }
0x6: {  	s10 =	simm.s32 $0x3;
	s13 =	simm.s32 $0x0;
	s4 =	smul.u32 $0x50, s1  }
0x7: {  	s12 =	simm.s32 $0x0;
	p0 =	slt.u32 s1, $0xA;
	[sflag:s5] =	ssyncpa.u1 $0x0  }
.Ltmp0:
0x8: {  	s6 =	simm.s32 @!p0 $0x0;
	s7 =	ssub.s32 $0x7D0, s4;
	(pc) =	sbr.rel .LBB2_1-.Ltmp0, $4  }
0x9: {  	s9 =	simm.s32 @!p0 $0x0;
	p0 =	sne.s32 s7, s6;
	s7 =	simm.s32 $0x1  }
0xa: {  	s8 =	sadd.s32 $0x45A00, s8;
	s6 =	simm.s32 $0x2;
	s7 =	simm.s32 @!p0 $0x0  }
0xb: {  	s11 =	smov.u32 s4;
	[sflag:s6] =	ssyncpa.u1 $0x0;
	s7 =	sadd.s32 s9, s7  }
0xc: {  	vm0 =	vmmov $0xffff;
	[sflag:s10] =	ssyncpa.u1 $0x0;
	s10 =	simm.s32 $0x0;
	s9 =	sadd.s32 $0x1, s7  }
.LBB2_4:
0xd: {  	v2 =	vnsel vm1, $0x0, v2  }
0xe: {  	vm1 =	vgt.s32 v0, $0x0;
	v2 =	vmin.u32 v2, $0x270F  }
0xf: {  	v0 =	vnsel vm1, $0x0, v0  }
0x10: {  	v0 =	vmin.u32 v0, $0x270F  }
0x11: {  	[tilespmem:s18], [sflag:$0x1] =	stream.indirect_vreg.gather [hbm4b:s2+s10], $0x1, v1, vm0, $0x4038;
	[tilespmem:$0x140] =	vst v63  }
0x12: {  	(ifvalue) =	ssetifvalue $0x7FFFFFFF  }
0x13: {  	[tilespmem:s15], [sflag:$0x1] =	stream.indirect_vreg.gather [hbm4b:s2+s10], $0x1, v2, vm0, $0x4038;
	[tilespmem:$0x140] =	vst v63  }
0x14: {  	s29 =	sadd.s32 $0x10, s15;
	(ifvalue) =	ssetifvalue $0x7FFFFFFF  }
0x15: {  	[tilespmem:s29], [sflag:$0x1] =	stream.indirect_vreg.gather [hbm4b:s2+s10], $0x1, v0, vm0, $0x4038;
	[tilespmem:$0x140] =	vst v63  }
0x16: {  	_ =	swait.ge [sflag:s5], $0x50  }
0x17: {  	s30 =	sshrl.u32 s13, $0x3;
	[sflag:s5] =	ssyncset.done $0x0  }
0x18: {  	s31 =	sand.u32 $0x7, s13;
	s15 =	sadd.s32 s3, s30;
	[sflag:s5] =	ssyncadd.s32 $0xFFFFFFB0  }
0x19: {  	[hbm4b:s15+s31] =	stream.linear.scatter [tilespmem:s14], [sflag:$0x3], $0x50, $0x38;
	[tilespmem:$0x140] =	vst v63  }
.LBB2_5:
0x1a: {  	s15 =	sadd.s32 $0x500, s11  }
0x1b: {  	p1 =	sgt.s32 s15, $0x7CF  }
0x1c: {  	s15 =	smov.u32 @p1 s4;
	p1 =	sne.s32 s12, s9  }
.Ltmp1:
0x1d: {  	p0 =	slt.u32 s12, $0x2;
	(pc) =	sbr.rel @!p1 .LBB2_6-.Ltmp1, $4  }
0x1e: {  	s14 =	simm.s32 @!p0 $0x3  }
0x1f: {  	_ =	swait.ge @!p0 [sflag:s14], $0x50  }
0x20: {  	s16 =	sadd.s32 $0x1, s12;
	s13 =	smov.u32 s11;
	[sflag:s14] =	ssyncset.done @!p0 $0x0  }
0x21: {  	s12 =	smov.u32 s16;
	s11 =	smov.u32 s15;
	[sflag:s14] =	ssyncadd.s32 @!p0 $0xFFFFFFB0  }
.LBB2_1:
0x22: {  	p0 =	sge.u32 s12, s7  }
0x23: {  	s14 =	sxor.u32 @!p0 $0x1, s12  }
0x24: {  	s14 =	smul.u32 @!p0 $0x140, s14  }
0x25: {  	s31 =	sadd.s32 $0xFFFFFFFF, s12;
	s15 =	sshrl.u32 @!p0 s11, $0x3  }
0x26: {  	s16 =	sand.u32 @!p0 $0x7, s11;
	s15 =	sadd.s32 @!p0 s8, s15;
	s14 =	sshra.s32 @!p0 s14, $0x2  }
0x27: {  	[tilespmem:s14], [sflag:$0x2] =	stream.linear.gather @!p0 [hbm4b:s15+s16], $0x50, $0x38;
	[tilespmem:$0x140] =	vst v63  }
0x28: {  	p0 =	sge.u32 s31, s7  }
.Ltmp2:
0x29: {  	_ = 	snop;
	(pc) =	sbr.rel @p0 .LBB2_5-.Ltmp2, $1  }
0x2a: {  	_ =	sdelay $0x3  }
0x2b: {  	s14 =	sand.u32 $0x1, s12  }
0x2c: {  	_ =	swait.ge [sflag:s6], $0x50;
	p0 =	seq.s32 s14, $0x1;
	s14 =	simm.s32 $0x50  }
0x2d: {  	[sflag:s6] =	ssyncset.done $0x0;
	s14 =	simm.s32 @!p0 $0x0  }
0x2e: {  	[sflag:s6] =	ssyncadd.s32 $0xFFFFFFB0;
	(ifvalue) =	ssetifvalue $0x7FFFFFFF;
	v0 =	vld.msk [tilespmem:s14+$0x0 ss:$0x1], $0xffff;
	_ =	sdelay $0x4  }
0x2f: {  	s15 =	sadd.s32 $0x10, s14;
	vm1 =	vgt.s32 v0, $0x0  }
0x30: {  	v2 =	vld.msk [tilespmem:s15+$0x0 ss:$0x1], $0xffff;
	v1 =	vnsel vm1, $0x0, v0  }
0x31: {  	v1 =	vmin.u32 v1, $0x270F;
	_ =	sdelay $0x2  }
0x32: {  	s17 =	simm.s32 $0x20;
	s14 =	sor.u32 $0xA0, s14;
	s16 =	sadd.s32 $0x10, s15  }
0x33: {  	s15 =	sadd.s32 $0x10, s14;
	s18 =	smov.u32 s14;
	v0 =	vld.msk [tilespmem:s16+$0x0 ss:$0x1], $0xffff;
	vm1 =	vgt.s32 v2, $0x0;
	(ifvalue) =	ssetifvalue $0x7FFFFFFF  }
.LBB2_3:
0x34: {  	[tilespmem:s18], [sflag:$0x1] =	stream.indirect_vreg.gather [hbm4b:s2+s10], $0x1, v1, vm0, $0x4038;
	[tilespmem:$0x140] =	vst v63  }
0x35: {  	s17 =	sadd.s32 $0x10, s17  }
0x36: {  	v2 =	vnsel vm1, $0x0, v2;
	p0 =	slt.u32 s17, $0x40  }
.Ltmp3:
0x37: {  	s18 =	smov.u32 s15;
	v1 =	vmin.u32 v2, $0x270F;
	(pc) =	sbr.rel @p0 .LBB2_3-.Ltmp3, $3  }
0x38: {  	_ =	sdelay $0x1  }
0x39: {  	s16 =	sadd.s32 $0x10, s16  }
0x3a: {  	vm1 =	vgt.s32 v0, $0x0;
	s15 =	sadd.s32 $0x10, s15;
	v2 =	vmov v0;
	(ifvalue) =	ssetifvalue $0x7FFFFFFF;
	v0 =	vld.msk [tilespmem:s16+$0x0 ss:$0x1], $0xffff  }
.Ltmp4:
0x3b: {  	_ = 	snop;
	(pc) =	sbr.rel .LBB2_4-.Ltmp4, $1  }
0x3c: {  	_ =	sdelay $0x3  }
.LBB2_6:
0x3d: {  	_ =	sfence.sel $0x180000  }
0x3e: {  	s2 =	simm.s32 $0x2;
	[bflag:$0x0] =	sbarrier.arrive $0xFFFF  }
0x3f: {  	s30 =	simm.s32 $0x3;
	[sflag:s2] =	ssyncpa.u1 $0x1  }
0x40: {  	s31 =	simm.s32 $0x1;
	[sflag:s30] =	ssyncpa.u1 $0x1  }
0x41: {  	[sflag:s31] =	ssyncpa.u1 $0x1  }
0x42: {  	p0 =	sne.s32 s1, $0x0;
	_ =	strace $0x9000004A  }
0x43: {  	s0 =	sadd.s32 @!p0 $0x100000, s0;
	[bflag:$0x2] =	sbarrier.arrive $0xFFFF  }
0x44: {  	[sflag:s0] =	ssyncadd.tile.s32 @!p0 $0x1;
	_ =	shalt  }
.Lfunc_end2:
_tile_overlayer_lowered:
.L_overlay_start_2:
0x45: {  	(tag) =	ssettag $0x2  }
0x46: {  	s0 =	rddreg [dreg:$0x0];
	s2 =	stileid.u32  }
0x47: {  	s1 =	rddreg [dreg:$0x1];
	p0 =	sne.s32 s2, $0x0  }
0x48: {  	s3 =	rddreg [dreg:$0x2];
	[bflag:$0x3] =	sbarrier.arrive $0xFFFF;
	s2 =	simm.s32 @!p0 $0x1C01  }
0x49: {  	[timem:s3], [sflag:s2] =	dma.local @!p0 [hbm:s0], s1  }
0x4a: {  	s0 =	simm.s32 @!p0 $0x1  }
0x4b: {  	_ =	swait.ge @!p0 [sflag:s0], s1  }
0x4c: {  	s1 =	ssub.s32 @!p0 $0x0, s1;
	[sflag:s0] =	ssyncset.done @!p0 $0x0  }
0x4d: {  	[sflag:s0] =	ssyncadd.s32 @!p0 s1  }
0x4e: {  	[bflag:$0x3] =	sbarrier.arrive $0xFFFF  }
0x4f: {  	_ =	shalt  }

// kernel: kernel.11.cloned.1.call-start
scs
__scs_entry_jumppad:
0x0: {  	(pc) =	sbr.rel $0x88, $3  }
0x1: {  	(tag) =	ssettag $0x0;
	lr =	simm.s32 $0x1  }
0x2: {  	[smem:$0x3F7A] =	sst lr;
	_ =	strace $0xD0000000  }
0x3: {  	_ = 	snop  }
0x4: {  	_ = 	snop  }
0x5: {  	_ = 	snop  }
0x6: {  	_ = 	snop  }
0x7: {  	_ = 	snop  }
__scs_overlays_trampoline_lowered:
0x8: {  	[smem:$0x3F89] =	sst s0  }
0x9: {  	[smem:$0x3F8A] =	sst s1  }
0xa: {  	[smem:$0x3F8B] =	sst s2  }
0xb: {  	[smem:$0x3F8C] =	sst s3  }
0xc: {  	[smem:$0x3F8D] =	sst s4  }
0xd: {  	[smem:$0x3F8E] =	sst s5  }
0xe: {  	[smem:$0x3F8F] =	sst s6  }
0xf: {  	[smem:$0x3F90] =	sst s7  }
0x10: {  	[smem:$0x3F91] =	sst s8  }
0x11: {  	[smem:$0x3F92] =	sst s9;
	s0 =	simm.s32 @!p0 $0x0  }
0x12: {  	s1 =	sld [smem:$0x3F78];
	s0 =	simm.s32 @p0 $0x1  }
0x13: {  	[smem:$0x3F93] =	sst s0;
	s0 =	simm.s32 @!p1 $0x0  }
0x14: {  	s2 =	sld [smem:$0x3F77];
	s0 =	simm.s32 @p1 $0x1  }
0x15: {  	[smem:$0x3F94] =	sst s0;
	s0 =	simm.s32 @!p2 $0x0  }
0x16: {  	s3 =	sld [smem:$0x3FDB];
	s0 =	simm.s32 @p2 $0x1  }
0x17: {  	s4 =	simm.s32 $0x1BF5;
	[smem:$0x3F96] =	sst s0  }
0x18: {  	s0 =	sld [smem:$0x3F79];
	_ =	swait.ge [sflag:s4], $0x0  }
0x19: {  	s7 =	sld [smem:$0x3F7A]  }
0x1a: {  	s8 =	sadd.s32 $0xFFFFE003, lr  }
0x1b: {  	s9 =	sadd.s32 $0xFFFFFEF7, lr;
	s5 =	simm.s32 $0xFFFFFFFF;
	p2 =	slt.u32 s8, $0xFFFFF086  }
0x1c: {  	p1 =	slt.u32 s9, $0xF7A;
	s5 =	simm.s32 @!p2 $0x0  }
0x1d: {  	s5 =	simm.s32 @p1 $0x1;
	p0 =	seq.s32 s7, s2  }
0x1e: {  	s7 =	smul.u32 @!p0 $0xF7A, s2;
	p2 =	seq.s32 @!p0 s5, $0x0  }
0x1f: {  	s9 =	smul.u32 $0xF7A, s1;
	s8 =	simm.s32 @!p0 $0x1BF5;
	p2 =	por !p2, p0  }
0x20: {  	[sflag:s8] =	ssyncset.s32 @!p0 $0xFFFFF086;
	s6 =	sadd.s32 @!p0 s3, s7;
	s7 =	simm.s32 @!p0 $0x108  }
0x21: {  	s3 =	sadd.s32 s3, s9;
	s6 =	sadd.s32 @!p0 $0x88, s6;
	s7 =	simm.s32 @p2 $0x1082  }
0x22: {  	[simem:s7], [sflag:s8] =	dma.local @!p0 [hbm:s6], $0xF7A  }
0x23: {  	s9 =	sor.u32 $0xD0000000, s2;
	s6 =	simm.s32 $0x108;
	_ =	swait.ge @!p0 [sflag:s8], $0x0  }
0x24: {  	s3 =	sadd.s32 $0x88, s3;
	s6 =	simm.s32 @!p1 $0x1082;
	[sflag:s4] =	ssyncset.s32 $0xFFFFF086  }
0x25: {  	[simem:s6], [sflag:s4] =	dma.local [hbm:s3], $0xF7A  }
0x26: {  	[smem:$0x3F7A] =	sst s1;
	(tag) =	ssettag s2;
	_ =	strace s9  }
0x27: {  	s1 =	sld [smem:$0x3F8A]  }
0x28: {  	s2 =	sld [smem:$0x3F8B]  }
0x29: {  	s4 =	sld [smem:$0x3F8D]  }
0x2a: {  	p0 =	seq.s32 s5, $0x0;
	s5 =	sld [smem:$0x3F8E]  }
0x2b: {  	s6 =	sld [smem:$0x3F8F]  }
0x2c: {  	s7 =	sld [smem:$0x3F90]  }
0x2d: {  	s3 =	simm.s32 $0x108;
	s8 =	sld [smem:$0x3F91]  }
0x2e: {  	s3 =	simm.s32 @!p0 $0x1082;
	s9 =	sld [smem:$0x3F92]  }
0x2f: {  	lr =	sadd.s32 s0, s3;
	s0 =	sld [smem:$0x3F89]  }
0x30: {  	s3 =	sld [smem:$0x3F8C]  }
0x31: {  	[smem:$0x3F95] =	sst s10  }
0x32: {  	s10 =	sld [smem:$0x3F93];
	_ =	sdelay $0x3  }
0x33: {  	p0 =	seq.s32 s10, $0x1;
	s10 =	sld [smem:$0x3F95];
	_ =	sdelay $0x3  }
0x34: {  	[smem:$0x3F95] =	sst s10  }
0x35: {  	s10 =	sld [smem:$0x3F94];
	_ =	sdelay $0x3  }
0x36: {  	p1 =	seq.s32 s10, $0x1;
	s10 =	sld [smem:$0x3F95];
	_ =	sdelay $0x3  }
0x37: {  	[smem:$0x3F95] =	sst s10  }
0x38: {  	s10 =	sld [smem:$0x3F96]  }
0x39: {  	_ = 	snop;
	(pc) =	sbr.ind lr, $3  }
0x3a: {  	_ = 	snop  }
0x3b: {  	_ = 	snop  }
0x3c: {  	p2 =	seq.s32 s10, $0x1;
	s10 =	sld [smem:$0x3F95]  }
0x3d: {  	_ =	shalt  }
0x3e: {  	_ =	shalt  }
0x3f: {  	_ =	shalt  }
0x40: {  	_ =	shalt  }
0x41: {  	_ =	shalt  }
0x42: {  	_ =	shalt  }
0x43: {  	_ =	shalt  }
0x44: {  	_ =	shalt  }
0x45: {  	_ =	shalt  }
0x46: {  	_ =	shalt  }
0x47: {  	_ =	shalt  }
0x48: {  	_ =	shalt  }
0x49: {  	_ =	shalt  }
0x4a: {  	_ =	shalt  }
0x4b: {  	_ =	shalt  }
0x4c: {  	_ =	shalt  }
0x4d: {  	_ =	shalt  }
0x4e: {  	_ =	shalt  }
0x4f: {  	_ =	shalt  }
0x50: {  	_ =	shalt  }
0x51: {  	_ =	shalt  }
0x52: {  	_ =	shalt  }
0x53: {  	_ =	shalt  }
0x54: {  	_ =	shalt  }
0x55: {  	_ =	shalt  }
0x56: {  	_ =	shalt  }
0x57: {  	_ =	shalt  }
0x58: {  	_ =	shalt  }
0x59: {  	_ =	shalt  }
0x5a: {  	_ =	shalt  }
0x5b: {  	_ =	shalt  }
0x5c: {  	_ =	shalt  }
0x5d: {  	_ =	shalt  }
0x5e: {  	_ =	shalt  }
0x5f: {  	_ =	shalt  }
0x60: {  	_ =	shalt  }
0x61: {  	_ =	shalt  }
0x62: {  	_ =	shalt  }
0x63: {  	_ =	shalt  }
0x64: {  	_ =	shalt  }
0x65: {  	_ =	shalt  }
0x66: {  	_ =	shalt  }
0x67: {  	_ =	shalt  }
0x68: {  	_ =	shalt  }
0x69: {  	_ =	shalt  }
0x6a: {  	_ =	shalt  }
0x6b: {  	_ =	shalt  }
0x6c: {  	_ =	shalt  }
0x6d: {  	_ =	shalt  }
0x6e: {  	_ =	shalt  }
0x6f: {  	_ =	shalt  }
0x70: {  	_ =	shalt  }
0x71: {  	_ =	shalt  }
0x72: {  	_ =	shalt  }
0x73: {  	_ =	shalt  }
0x74: {  	_ =	shalt  }
0x75: {  	_ =	shalt  }
0x76: {  	_ =	shalt  }
0x77: {  	_ =	shalt  }
0x78: {  	_ =	shalt  }
0x79: {  	_ =	shalt  }
0x7a: {  	_ =	shalt  }
0x7b: {  	_ =	shalt  }
0x7c: {  	_ =	shalt  }
0x7d: {  	_ =	shalt  }
0x7e: {  	_ =	shalt  }
0x7f: {  	_ =	shalt  }
0x80: {  	_ =	shalt  }
0x81: {  	_ =	shalt  }
0x82: {  	_ =	shalt  }
0x83: {  	_ =	shalt  }
0x84: {  	_ =	shalt  }
0x85: {  	_ =	shalt  }
0x86: {  	_ =	shalt  }
0x87: {  	_ =	shalt  }
.Lfunc_end0:
.L_simem_size_0:
called_computation.1_lowered:
.L_overlay_start_0:
0x88: {  	s2 =	sld [smem:$0x3FD9]  }
0x89: {  	s3 =	sld [smem:$0x3FFE];
	_ =	sdelay $0x1  }
0x8a: {  	s1 =	srdreg.scid  }
0x8b: {  	s0 =	sand.u32 $0x1, s1  }
0x8c: {  	s14 =	sshll.u32 s0, $0xA;
	s2 =	sadd.s32 s3, s2  }
0x8d: {  	s2 =	sadd.s32 s2, s14  }
0x8e: {  	[smem:$0x3FA1] =	sst s2  }
0x8f: {  	_ = 	snop  }
0x90: {  	s2 =	sld [smem:$0x3FD0];
	_ =	sdelay $0x2  }
0x91: {  	s15 =	simm.s32 $0xB;
	s4 =	simm.s32 $0x10  }
0x92: {  	[smem:s4], [sflag:s15] =	dma.local [hbm:s2], $0x1  }
0x93: {  	_ =	swait.eq [sflag:s15], $0x1  }
0x94: {  	s16 =	sld [smem:$0x10]  }
0x95: {  	s17 =	sld [smem:$0x11]  }
0x96: {  	s5 =	sld [smem:$0x12]  }
0x97: {  	s6 =	sld [smem:$0x13];
	[sflag:s15] =	ssyncset.done $0x0  }
0x98: {  	s7 =	sld [smem:$0x15];
	[sflag:s15] =	ssyncadd.s32 $0xFFFFFFFF  }
0x99: {  	s18 =	sld [smem:$0x16];
	(tm) =	ssettm $0x1  }
0x9a: {  	s8 =	sld [smem:$0x3FFB];
	_ =	sdelay $0x3  }
0x9b: {  	_ =	strace s8  }
0x9c: {  	s8 =	sld [smem:$0x3FFC];
	_ =	sdelay $0x3  }
0x9d: {  	_ =	strace s8  }
0x9e: {  	s8 =	sld [smem:$0x3FFD];
	_ =	sdelay $0x3  }
0x9f: {  	_ =	strace s8  }
0xa0: {  	_ =	strace $0x8FFFFFFF  }
0xa1: {  	s19 =	sld [smem:$0x3FDB];
	_ =	sdelay $0x1  }
0xa2: {  	s9 =	simm.s32 $_scs_section_size  }
0xa3: {  	s10 =	simm.s32 $_size__tile_overlayer_lowered;
	s11 =	simm.s32 $_tile_overlayer_lowered  }
0xa4: {  	s22 =	simm.s32 $0x1BFF;
	s21 =	sshll.u32 s11, $0x1;
	s8 =	sadd.s32 s9, s19  }
0xa5: {  	s12 =	simm.s32 $0x0;
	s20 =	sshll.u32 s10, $0x1;
	s10 =	sadd.s32 s21, s8  }
0xa6: {  	[timem:s12], [sflag:s22] =	dma.local [hbm:s10], s20  }
0xa7: {  	_ =	swait.ge [sflag:s22], s20  }
0xa8: {  	s9 =	ssub.s32 $0x0, s20;
	[sflag:s22] =	ssyncset.done $0x0  }
0xa9: {  	[sflag:s22] =	ssyncadd.s32 s9;
	_ =	sdelay $0x1  }
0xaa: {  	s23 =	simm.s32 $0x1B8B  }
0xab: {  	_ =	swait.ge [sflag:s23], $0x1  }
0xac: {  	[sflag:s23] =	ssyncset.done $0x0  }
0xad: {  	s25 =	simm.s32 $0x1B8E;
	s24 =	sld [smem:$0x3FFE];
	[sflag:s23] =	ssyncadd.s32 $0xFFFFFFFF  }
0xae: {  	s26 =	simm.s32 $execute0_lowered;
	[smem:$0x3FD2] =	sst s25  }
0xaf: {  	s10 =	sshll.u32 s26, $0x1;
	_ =	strace $0x80000046;
	[dreg:$0x1] =	wrdreg $0xFFFFFFFF  }
0xb0: {  	s28 =	simm.s32 $_size_execute0_lowered;
	s8 =	sadd.s32 s8, s10;
	[dreg:$0x0] =	wrdreg $0x0  }
0xb1: {  	s10 =	sshll.u32 s28, $0x1;
	[dreg:$0x2] =	wrdreg s8  }
0xb2: {  	[dreg:$0x3] =	wrdreg s10  }
0xb3: {  	[dreg:$0x4] =	wrdreg $0xC0  }
0xb4: {  	_ =	task [dreg:s12], $0x5FFFF  }
0xb5: {  	[dreg:$0x1] =	wrdreg $0xFFFFFFFF  }
0xb6: {  	[dreg:$0x0] =	wrdreg $0x60  }
0xb7: {  	[dreg:$0x2] =	wrdreg s5  }
0xb8: {  	[dreg:$0x3] =	wrdreg s17  }
0xb9: {  	[dreg:$0x4] =	wrdreg s16  }
0xba: {  	[dreg:$0x5] =	wrdreg s18  }
0xbb: {  	[dreg:$0x6] =	wrdreg s24  }
0xbc: {  	[dreg:$0x7] =	wrdreg s7  }
0xbd: {  	[dreg:$0x8] =	wrdreg s6  }
0xbe: {  	[dreg:$0x9] =	wrdreg $0x9  }
0xbf: {  	_ =	task.clear_ibuf [dreg:s12], $0xAFFFF;
	_ =	strace $0x90000046  }
0xc0: {  	s29 =	simm.s32 $0x9;
	_ =	strace $0x80000048  }
0xc1: {  	_ =	swait.ge [sflag:s29], $0x1  }
0xc2: {  	[sflag:s29] =	ssyncadd.s32 $0xFFFFFFFF  }
0xc3: {  	_ =	strace $0x90000048  }
0xc4: {  	_ =	sfence  }
0xc5: {  	s30 =	sld [smem:$0x0];
	_ =	sdelay $0x2  }
0xc6: {  	s31 =	sshll.u32 s1, $0xD;
	s1 =	sshrl.u32 s1, $0x2  }
0xc7: {  	s3 =	sand.u32 $0x4000, s31;
	s1 =	sadd.s32 s1, s30  }
0xc8: {  	s0 =	sor.u32 s3, s0;
	s1 =	sshll.u32 s1, $0x11  }
0xc9: {  	s0 =	sor.u32 s1, s0  }
0xca: {  	s0 =	sadd.s32 $0x8F2B, s0  }
0xcb: {  	[sflag:s0] =	ssyncadd.remote.s32 $0x1  }
0xcc: {  	_ =	sfence.sel $0xFFFF  }
0xcd: {  	[dreg:$0x0] =	wrdreg $0xFFFFFFFF;
	(pc) =	sbr.abs _section_cstart, $3  }
0xce: {  	[dreg:$0x1] =	wrdreg $0xFFFFFFFF  }
0xcf: {  	_ =	task.clear_ibuf [dreg:s12], $0x2FFFF;
	_ =	strace $0x9FFFFFFF  }
0xd0: {  	(tm) =	ssettm $0x7FFFFFFF  }
0xd1: {  	_ =	shalt  }
tec
execute0_lowered:
.L_overlay_start_1:
0x0: {  	(tag) =	ssettag $0x1  }
0x1: {  	s0 =	rddreg [dreg:$0x4]  }
0x2: {  	s6 =	rddreg [dreg:$0x6]  }
0x3: {  	s7 =	simm.s32 $0x0;
	s1 =	srdreg.scid;
	s4 =	stileid.u32  }
0x4: {  	s14 =	simm.s32 $0x2;
	s18 =	simm.s32 $0x7810;
	s19 =	simm.s32 $0x7820  }
0x5: {  	s20 =	simm.s32 $0x7830;
	s21 =	simm.s32 $0x40;
	s22 =	simm.s32 $0x79C0  }
0x6: {  	s23 =	simm.s32 $0x7A00;
	s24 =	simm.s32 $0x1;
	s1 =	sand.u32 $0x1, s1  }
0x7: {  	v0 =	vlaneseq.u32;
	s28 =	simm.s32 $0x0;
	[smem:$0x7FF] =	sst s7;
	s2 =	ssub.s32 $0x2, s1  }
0x8: {  	s9 =	sadd.s32 $0x4C00, s0;
	s10 =	sadd.s32 $0x4E00, s0;
	v6 =	vmul.u32 $0x10, v0;
	s3 =	sshrl.u32 s2, $0x1  }
0x9: {  	s30 =	sshll.u32 s4, $0x3;
	s11 =	sadd.s32 $0x5000, s0;
	s2 =	ssub.s32 s2, s3  }
0xa: {  	v1 =	vimm.s32 $0x0;
	v2 =	vimm.f32 $+Inf;
	_ =	strace $0x80000047;
	s1 =	sshll.u32 s1, $0x2;
	v3 =	vor.u32 $0x6, v6;
	s31 =	smax.u32 s2, $0x1  }
0xb: {  	s12 =	sor.u32 s1, s30;
	v4 =	vor.u32 $0x106, v6;
	v5 =	vor.u32 $0x206, v6;
	v6 =	vor.u32 $0x306, v6;
	s1 =	simm.s32 $0x0;
	[dreg:$0x8] =	wrdreg s31  }
.LBB2_1:
0xc: {  	[dreg:$0x9] =	wrdreg s1  }
0xd: {  	s0 =	rddreg [dreg:$0x0]  }
0xe: {  	[tilespmem:s7], [sflag:$0x2] =	stream.linear.gather [hbm4b:s0+s7], $0x2800, $0x38;
	[tilespmem:$0x7E00] =	vst v63  }
0xf: {  	_ =	swait.ge [sflag:s14], $0x2800  }
0x10: {  	[sflag:s14] =	ssyncset.done $0x0  }
0x11: {  	[sflag:s14] =	ssyncadd.s32 $0xFFFFD800  }
0x12: {  	s29 =	simm.s32 $0x2800;
	s26 =	rddreg [dreg:$0x1]  }
0x13: {  	[tilespmem:s29], [sflag:$0x2] =	stream.linear.gather [hbm4b:s26+s7], $0x2800, $0x38;
	[tilespmem:$0x7E00] =	vst v63  }
0x14: {  	_ =	swait.ge [sflag:s14], $0x2800  }
0x15: {  	[sflag:s14] =	ssyncset.done $0x0  }
0x16: {  	[sflag:s14] =	ssyncadd.s32 $0xFFFFD800  }
0x17: {  	s31 =	simm.s32 $0x5000;
	s30 =	rddreg [dreg:$0x2]  }
0x18: {  	[tilespmem:s31], [sflag:$0x2] =	stream.linear.gather [hbm4b:s30+s7], $0x2800, $0x38;
	[tilespmem:$0x7E00] =	vst v63  }
0x19: {  	_ =	swait.ge [sflag:s14], $0x2800  }
0x1a: {  	[sflag:s14] =	ssyncset.done $0x0  }
0x1b: {  	s26 =	simm.s32 $0x0;
	[sflag:s14] =	ssyncadd.s32 $0xFFFFD800  }
.LBB2_2:
0x1c: {  	s0 =	sadd.s32 s12, s26  }
0x1d: {  	s2 =	rddreg [dreg:$0x3];
	s1 =	sshll.u32 s0, $0x1  }
0x1e: {  	s3 =	simm.s32 $0x7800;
	s2 =	sadd.s32 s2, s1  }
0x1f: {  	[tilespmem:s3], [sflag:$0x2] =	stream.linear.gather [hbm4b:s2+s28], $0x10, $0x38;
	[tilespmem:$0x7E00] =	vst v63  }
0x20: {  	_ =	swait.ge [sflag:s14], $0x10  }
0x21: {  	[sflag:s14] =	ssyncset.done $0x0  }
0x22: {  	s25 =	sadd.s32 s9, s1;
	[sflag:s14] =	ssyncadd.s32 $0xFFFFFFF0  }
0x23: {  	[tilespmem:s18], [sflag:$0x2] =	stream.linear.gather [hbm4b:s25+s28], $0x10, $0x38;
	[tilespmem:$0x7E00] =	vst v63  }
0x24: {  	_ =	swait.ge [sflag:s14], $0x10  }
0x25: {  	[sflag:s14] =	ssyncset.done $0x0  }
0x26: {  	[sflag:s14] =	ssyncadd.s32 $0xFFFFFFF0  }
0x27: {  	s31 =	rddreg [dreg:$0x5]  }
0x28: {  	s2 =	sadd.s32 s31, s1  }
0x29: {  	[tilespmem:s19], [sflag:$0x2] =	stream.linear.gather [hbm4b:s2+s28], $0x10, $0x38;
	[tilespmem:$0x7E00] =	vst v63  }
0x2a: {  	_ =	swait.ge [sflag:s14], $0x10  }
0x2b: {  	[sflag:s14] =	ssyncset.done $0x0  }
0x2c: {  	s1 =	sadd.s32 s10, s1;
	[sflag:s14] =	ssyncadd.s32 $0xFFFFFFF0  }
0x2d: {  	[tilespmem:s20], [sflag:$0x2] =	stream.linear.gather [hbm4b:s1+s28], $0x10, $0x38;
	[tilespmem:$0x7E00] =	vst v63  }
0x2e: {  	_ =	swait.ge [sflag:s14], $0x10  }
0x2f: {  	[sflag:s14] =	ssyncset.done $0x0  }
0x30: {  	[sflag:s14] =	ssyncadd.s32 $0xFFFFFFF0  }
0x31: {  	v7 =	vld [tilespmem:$0x7800]  }
0x32: {  	v8 =	vld [tilespmem:$0x7810]  }
0x33: {  	s0 =	sshll.u32 s0, $0xB;
	v9 =	vld [tilespmem:$0x7820]  }
0x34: {  	s30 =	simm.s32 $0x0;
	s29 =	sadd.s32 s11, s0;
	v10 =	vld [tilespmem:$0x7830]  }
.LBB2_3:
0x35: {  	v11 =	vmov s30;
	[tilespmem:$0x7840] =	vst v1  }
0x36: {  	[tilespmem:$0x7900] =	vst v2;
	vm0 =	veq.s32 v11, v0  }
0x37: {  	[tilespmem:$0x7850] =	vst v1;
	v11 =	vsel vm0, $0x3F800000, v1  }
0x38: {  	[tilespmem:$0x7910] =	vst v2;
	v12 =	vmul.f32 v11, v7  }
0x39: {  	[tilespmem:$0x7860] =	vst v1  }
0x3a: {  	[tilespmem:$0x7920] =	vst v2;
	v13 =	vmul.f32 v11, v8;
	(xrf2) =	vadd.scan.msk.f32 $0xffff, v12  }
0x3b: {  	[tilespmem:$0x7870] =	vst v1  }
0x3c: {  	[tilespmem:$0x7930] =	vst v2;
	(xrf2) =	vadd.scan.msk.f32 $0xffff, v13  }
0x3d: {  	[tilespmem:$0x7880] =	vst v1;
	v12 =	vmul.f32 v11, v9  }
0x3e: {  	[tilespmem:$0x7940] =	vst v2;
	s1 =	simm.s32 $0x40  }
0x3f: {  	s0 =	simm.s32 $0x2840;
	v14 =	vld [tilespmem:s1+$0xFFFFFFF0];
	(xrf2) =	vadd.scan.msk.f32 $0xffff, v12  }
0x40: {  	v15 =	vld [tilespmem:s0+$0xFFFFFFF0]  }
0x41: {  	v16 =	vld [tilespmem:s1+$0x0]  }
0x42: {  	v21 =	vld [tilespmem:s1+$0xFFFFFFD0]  }
0x43: {  	v24 =	vld [tilespmem:s1+$0xFFFFFFC0]  }
0x44: {  	v13 =	vld [tilespmem:s0+$0x0];
	v12, _, _ =	vpop (xrf2)  }
0x45: {  	v18 =	vld [tilespmem:s0+$0xFFFFFFC0];
	v12 =	vbroadcast v12, $0xF  }
0x46: {  	s31 =	simm.s32 $0x5040;
	v17 =	vld [tilespmem:s0+$0xFFFFFFD0];
	v20 =	vmul.f32 v11, v10;
	v19, _, _ =	vpop (xrf2)  }
0x47: {  	v25 =	vld [tilespmem:s31+$0xFFFFFFC0];
	v11 =	vbroadcast v19, $0xF;
	v16 =	vsub.f32 v16, v12  }
0x48: {  	(xrf2) =	vadd.scan.msk.f32 $0xffff, v20;
	v20 =	vld [tilespmem:s0+$0xFFFFFFE0];
	v14 =	vsub.f32 v14, v12;
	v21 =	vsub.f32 v21, v12  }
0x49: {  	v19 =	vld [tilespmem:s31+$0xFFFFFFD0];
	v22, _, _ =	vpop (xrf2);
	v24 =	vsub.f32 v24, v12;
	v23 =	vsub.f32 v13, v11  }
0x4a: {  	v26 =	vld [tilespmem:s31+$0xFFFFFFE0];
	v13 =	vbroadcast v22, $0xF;
	v18 =	vsub.f32 v18, v11;
	v16 =	vmul.f32 v16, v16  }
0x4b: {  	v22 =	vld [tilespmem:s1+$0xFFFFFFE0];
	v15 =	vsub.f32 v15, v11;
	v14 =	vmul.f32 v14, v14;
	v24 =	vmul.f32 v24, v24  }
0x4c: {  	v27 =	vld [tilespmem:s31+$0xFFFFFFF0];
	v17 =	vsub.f32 v17, v11;
	v21 =	vmul.f32 v21, v21;
	v23 =	vmul.f32 v23, v23  }
0x4d: {  	v28 =	vld [tilespmem:s1+$0x20];
	v20 =	vsub.f32 v20, v11;
	v18 =	vmul.f32 v18, v18;
	v15 =	vmul.f32 v15, v15  }
0x4e: {  	v29 =	vld [tilespmem:s31+$0x0];
	v17 =	vmul.f32 v17, v17;
	v25 =	vsub.f32 v25, v13;
	v19 =	vsub.f32 v19, v13  }
0x4f: {  	v30 =	vld [tilespmem:s0+$0x30];
	v20 =	vmul.f32 v20, v20;
	v23 =	vadd.f32 v23, v16;
	v15 =	vadd.f32 v15, v14  }
0x50: {  	v62 =	vld [tilespmem:s0+$0x20];
	v18 =	vadd.f32 v18, v24;
	v24 =	vmul.f32 v25, v25;
	v16 =	vsub.f32 v22, v12  }
0x51: {  	v25 =	vsub.f32 v26, v13;
	v17 =	vadd.f32 v17, v21;
	v22 =	vld [tilespmem:s1+$0x30];
	v19 =	vmul.f32 v19, v19  }
0x52: {  	v26 =	vld [tilespmem:s1+$0x10];
	v21 =	vadd.f32 v24, v18;
	v18 =	vsub.f32 v27, v13;
	v16 =	vmul.f32 v16, v16  }
0x53: {  	v14, _, _ =	vpop (xrf2);
	v24 =	vld [tilespmem:s31+$0x20];
	v27 =	vsub.f32 v29, v13;
	v29 =	vadd.f32 v19, v17  }
0x54: {  	v14 =	vbroadcast v14, $0xF;
	v19 =	vsub.f32 v30, v11;
	v16 =	vadd.f32 v20, v16;
	v20 =	vld [tilespmem:s0+$0x10]  }
0x55: {  	v25 =	vmul.f32 v25, v25;
	v30 =	vsub.f32 v62, v11;
	v17 =	vmul.f32 v18, v18  }
0x56: {  	v19 =	vmul.f32 v19, v19;
	vm0 =	vle.f32 v21, v14;
	v22 =	vsub.f32 v22, v12  }
0x57: {  	v18 =	vld [tilespmem:s31+$0x10];
	v30 =	vmul.f32 v30, v30;
	v15 =	vadd.f32 v17, v15;
	v17 =	vsub.f32 v26, v12  }
0x58: {  	v16 =	vadd.f32 v25, v16;
	v25 =	vmul.f32 v27, v27;
	v27 =	vsub.f32 v28, v12  }
0x59: {  	v63 =	vld [tilespmem:s31+$0x30];
	v26 =	vmpcnt.ones.xlane vm0;
	v24 =	vsub.f32 v24, v13;
	v20 =	vsub.f32 v20, v11  }
0x5a: {  	vm0 =	vle.f32 v15, v14;
	v17 =	vmul.f32 v17, v17;
	v22 =	vmul.f32 v22, v22  }
0x5b: {  	v27 =	vmul.f32 v27, v27;
	vm1 =	vle.f32 v16, v14;
	v20 =	vmul.f32 v20, v20  }
0x5c: {  	v18 =	vsub.f32 v18, v13;
	v31 =	vmpcnt.ones.xlane vm0;
	vm0 =	vle.f32 v29, v14  }
0x5d: {  	v24 =	vmul.f32 v24, v24;
	v32 =	vmpcnt.ones.xlane vm1;
	v20 =	vadd.f32 v20, v17  }
0x5e: {  	v18 =	vmul.f32 v18, v18;
	v17 =	vadd.f32 v25, v23;
	v23 =	vsub.f32 v63, v13  }
0x5f: {  	v19 =	vadd.f32 v19, v22;
	v27 =	vadd.f32 v30, v27;
	v25 =	vmpcnt.ones.xlane vm0  }
0x60: {  	vm0 =	vle.f32 v17, v14;
	v20 =	vadd.f32 v18, v20;
	v22 =	vmul.f32 v23, v23  }
0x61: {  	v18 =	vadd.f32 v24, v27;
	v24 =	vadd.s32 v26, v25;
	v23 =	vmpcnt.ones.xlane vm0  }
0x62: {  	vm0 =	vle.f32 v20, v14;
	v19 =	vadd.f32 v22, v19;
	v22 =	vadd.s32 v32, v24  }
0x63: {  	v27 =	vmpcnt.ones.xlane vm0;
	vm0 =	vle.f32 v18, v14;
	v22 =	vadd.s32 v31, v22  }
0x64: {  	v28 =	vmpcnt.ones.xlane vm0;
	vm0 =	vle.f32 v19, v14;
	v22 =	vadd.s32 v23, v22  }
0x65: {  	v24 =	vmpcnt.ones.xlane vm0;
	v22 =	vadd.s32 v27, v22  }
0x66: {  	v22 =	vadd.s32 v28, v22  }
0x67: {  	v22 =	vadd.s32 v24, v22  }
0x68: {  	(v2sf) =	vpush v22, $0x0;
	_ =	sdelay $0xe  }
0x69: {  	p0 =	por $0x0, $0x0;
	s0 =	spop (v2sf)  }
0x6a: {  	p2 =	slt.s32 @!p0 s0, $0x1  }
0x6b: {  	p1 =	por p2, p0  }
0x6c: {  	(v2sf) =	vpush @!p1 v26, $0x0  }
0x6d: {  	(v2sf) =	vpush @!p1 v25, $0x0;
	_ =	sdelay $0xb  }
0x6e: {  	(v2sf) =	vpush @!p1 v32, $0x0  }
0x6f: {  	(v2sf) =	vpush @!p1 v31, $0x0  }
0x70: {  	s8 =	simm.s32 $0x20;
	v22 =	vlaneseq.u32 @!p1;
	(v2sf) =	vpush @!p1 v23, $0x0;
	s15 =	spop @!p1 (v2sf)  }
0x71: {  	v30 =	vor.u32 @!p1 s8, v22;
	s8 =	sadd.s32 @!p1 $0x0, s15;
	s15 =	spop @!p1 (v2sf);
	(v2sf) =	vpush @!p1 v27, $0x0;
	_ =	sdelay $0x1  }
0x72: {  	(v2sf) =	vpush @!p1 v28, $0x0;
	_ =	sdelay $0x5  }
0x73: {  	s2 =	simm.s32 $0x70;
	s3 =	simm.s32 $0x0;
	s4 =	simm.s32 $0x10  }
0x74: {  	s13 =	simm.s32 $0x30;
	s1 =	simm.s32 $0xF0;
	p2 =	por !p2, p0;
	vm0 =	vle.f32 @!p1 v21, v14;
	v23 =	vor.u32 @!p1 s3, v22  }
0x75: {  	s0 =	sadd.s32 @!p1 $0x0, s0;
	v26 =	vor.u32 @!p1 s13, v22;
	s13 =	simm.s32 $0x60;
	s3 =	simm.s32 $0x0;
	[tilespmem:s28+$0x7840] =	vst.msk @!p1 vm0, v23  }
0x76: {  	s3 =	smov.u32 @p2 s0;
	s0 =	simm.s32 $0x40;
	v23 =	vor.u32 @!p1 s4, v22;
	s4 =	simm.s32 $0x50;
	[tilespmem:s28+$0x7900] =	vst.msk @!p1 vm0, v21;
	vm0 =	vle.f32 @!p1 v29, v14  }
0x77: {  	vm1 =	vle.f32 @!p1 v16, v14;
	s3 =	smov.u32 @p0 s28;
	v25 =	vor.u32 @!p1 s0, v22;
	[tilespmem:s8+$0x7840] =	vst.msk @!p1 vm0, v23;
	s0 =	spop @!p1 (v2sf);
	s15 =	sadd.s32 @!p1 s8, s15  }
0x78: {  	v24 =	vor.u32 @!p1 s4, v22;
	v23 =	vor.u32 @!p1 s13, v22;
	v22 =	vor.u32 @!p1 s2, v22;
	s2 =	smov.u32 s3;
	[tilespmem:s8+$0x7900] =	vst.msk @!p1 vm0, v29;
	s8 =	simm.s32 $0xC0;
	s13 =	spop @!p1 (v2sf)  }
0x79: {  	vm0 =	vle.f32 @!p1 v15, v14;
	s4 =	sadd.s32 @!p1 s15, s0;
	s0 =	simm.s32 $0x28C0;
	[tilespmem:s15+$0x7840] =	vst.msk @!p1 vm1, v30;
	s25 =	spop @!p1 (v2sf)  }
.LBB2_4:
0x7a: {  	s31 =	sadd.s32 $0x80, s31;
	s5 =	spop @!p1 (v2sf)  }
0x7b: {  	[tilespmem:s15+$0x7900] =	vst.msk @!p1 vm1, v16;
	s16 =	smov.u32 s1;
	s1 =	sadd.s32 $0x80, s1;
	s15 =	smov.u32 s3  }
0x7c: {  	vm1 =	vle.f32 @!p1 v17, v14;
	s13 =	sadd.s32 @!p1 s4, s13;
	p0 =	sne.s32 s1, $0x2870;
	[tilespmem:s4+$0x7840] =	vst.msk @!p1 vm0, v26;
	s17 =	spop @!p1 (v2sf)  }
0x7d: {  	[tilespmem:s4+$0x7900] =	vst.msk @!p1 vm0, v15  }
0x7e: {  	vm0 =	vle.f32 @!p1 v20, v14;
	s4 =	sadd.s32 @!p1 s13, s25;
	[tilespmem:s13+$0x7840] =	vst.msk @!p1 vm1, v25  }
0x7f: {  	[tilespmem:s13+$0x7900] =	vst.msk @!p1 vm1, v17  }
0x80: {  	s5 =	sadd.s32 @!p1 s4, s5;
	vm1 =	vle.f32 @!p1 v18, v14;
	[tilespmem:s4+$0x7840] =	vst.msk @!p1 vm0, v24  }
0x81: {  	[tilespmem:s4+$0x7900] =	vst.msk @!p1 vm0, v20  }
0x82: {  	vm0 =	vle.f32 @!p1 v19, v14;
	s4 =	sadd.s32 @!p1 s5, s17;
	[tilespmem:s5+$0x7840] =	vst.msk @!p1 vm1, v23  }
0x83: {  	[tilespmem:s5+$0x7900] =	vst.msk @!p1 vm1, v18  }
0x84: {  	[tilespmem:s4+$0x7840] =	vst.msk @!p1 vm0, v22  }
0x85: {  	[tilespmem:s4+$0x7900] =	vst.msk @!p1 vm0, v19  }
0x86: {  	v15 =	vld [tilespmem:s8+$0xFFFFFFF0]  }
0x87: {  	v16 =	vld [tilespmem:s0+$0xFFFFFFF0]  }
0x88: {  	v17 =	vld [tilespmem:s8+$0x0]  }
0x89: {  	v18 =	vld [tilespmem:s0+$0x0]  }
0x8a: {  	v19 =	vld [tilespmem:s0+$0xFFFFFFD0]  }
0x8b: {  	v20 =	vld [tilespmem:s0+$0xFFFFFFC0]  }
0x8c: {  	v21 =	vld [tilespmem:s8+$0xFFFFFFD0]  }
0x8d: {  	v22 =	vld [tilespmem:s31+$0xFFFFFFD0]  }
0x8e: {  	v23 =	vld [tilespmem:s0+$0xFFFFFFE0];
	v18 =	vsub.f32 v18, v11  }
0x8f: {  	v17 =	vsub.f32 v17, v12;
	v24 =	vld [tilespmem:s8+$0xFFFFFFC0]  }
0x90: {  	v16 =	vsub.f32 v16, v11;
	v20 =	vsub.f32 v20, v11;
	v25 =	vld [tilespmem:s8+$0xFFFFFFE0];
	v18 =	vmul.f32 v18, v18  }
0x91: {  	v15 =	vsub.f32 v15, v12;
	v19 =	vsub.f32 v19, v11;
	v17 =	vmul.f32 v17, v17;
	v26 =	vld [tilespmem:s31+$0xFFFFFFC0]  }
0x92: {  	v21 =	vsub.f32 v21, v12;
	v20 =	vmul.f32 v20, v20;
	v22 =	vsub.f32 v22, v13;
	v27 =	vld [tilespmem:s31+$0xFFFFFFE0]  }
0x93: {  	v15 =	vmul.f32 v15, v15;
	v16 =	vmul.f32 v16, v16;
	v23 =	vsub.f32 v23, v11;
	v28 =	vld [tilespmem:s31+$0xFFFFFFF0]  }
0x94: {  	v19 =	vmul.f32 v19, v19;
	v17 =	vadd.f32 v18, v17;
	v24 =	vsub.f32 v24, v12;
	v18 =	vld [tilespmem:s8+$0x20]  }
0x95: {  	v15 =	vadd.f32 v16, v15;
	v29 =	vmul.f32 v22, v22;
	v22 =	vsub.f32 v25, v12;
	v16 =	vld [tilespmem:s8+$0x30]  }
0x96: {  	v21 =	vmul.f32 v21, v21;
	v25 =	vsub.f32 v26, v13;
	v24 =	vmul.f32 v24, v24;
	v26 =	vld [tilespmem:s31+$0x0]  }
0x97: {  	v23 =	vmul.f32 v23, v23;
	v22 =	vmul.f32 v22, v22;
	v30 =	vld [tilespmem:s0+$0x30]  }
0x98: {  	v20 =	vadd.f32 v20, v24;
	v24 =	vmul.f32 v25, v25;
	v25 =	vsub.f32 v27, v13;
	v27 =	vld [tilespmem:s8+$0x10]  }
0x99: {  	v19 =	vadd.f32 v19, v21;
	v23 =	vadd.f32 v23, v22;
	v31 =	vld [tilespmem:s0+$0x10]  }
0x9a: {  	v22 =	vadd.f32 v24, v20;
	v20 =	vsub.f32 v28, v13;
	v24 =	vld [tilespmem:s31+$0x20]  }
0x9b: {  	v25 =	vmul.f32 v25, v25;
	v32 =	vsub.f32 v16, v12;
	v26 =	vsub.f32 v26, v13;
	v28 =	vld [tilespmem:s0+$0x20]  }
0x9c: {  	v21 =	vadd.f32 v29, v19;
	v19 =	vmul.f32 v20, v20;
	v20 =	vld [tilespmem:s31+$0x10];
	v29 =	vsub.f32 v30, v11  }
0x9d: {  	v18 =	vsub.f32 v18, v12;
	v16 =	vadd.f32 v25, v23;
	v23 =	vmul.f32 v26, v26  }
0x9e: {  	v15 =	vadd.f32 v19, v15;
	v19 =	vsub.f32 v27, v12;
	v25 =	vmul.f32 v29, v29  }
0x9f: {  	vm0 =	vle.f32 v22, v14;
	v26 =	vsub.f32 v31, v11;
	v24 =	vsub.f32 v24, v13  }
0xa0: {  	v18 =	vmul.f32 v18, v18;
	v27 =	vmpcnt.ones.xlane vm0;
	vm0 =	vle.f32 v15, v14;
	v29 =	vld [tilespmem:s31+$0x30]  }
0xa1: {  	vm1 =	vle.f32 v16, v14;
	v19 =	vmul.f32 v19, v19;
	v20 =	vsub.f32 v20, v13  }
0xa2: {  	v26 =	vmul.f32 v26, v26;
	v28 =	vsub.f32 v28, v11;
	v30 =	vmpcnt.ones.xlane vm0  }
0xa3: {  	v32 =	vmul.f32 v32, v32;
	v31 =	vmpcnt.ones.xlane vm1;
	vm0 =	vle.f32 v21, v14  }
0xa4: {  	v24 =	vmul.f32 v24, v24;
	v19 =	vadd.f32 v26, v19;
	v26 =	vmul.f32 v28, v28  }
0xa5: {  	v17 =	vadd.f32 v23, v17;
	v20 =	vmul.f32 v20, v20;
	v23 =	vsub.f32 v29, v13  }
0xa6: {  	v25 =	vadd.f32 v25, v32;
	v28 =	vmpcnt.ones.xlane vm0;
	v18 =	vadd.f32 v26, v18  }
0xa7: {  	vm0 =	vle.f32 v17, v14;
	v20 =	vadd.f32 v20, v19;
	v19 =	vmul.f32 v23, v23  }
0xa8: {  	v29 =	vmpcnt.ones.xlane vm0;
	v18 =	vadd.f32 v24, v18  }
0xa9: {  	vm0 =	vle.f32 v20, v14;
	v23 =	vadd.s32 v27, v28;
	v19 =	vadd.f32 v19, v25  }
0xaa: {  	v32 =	vmpcnt.ones.xlane vm0;
	vm0 =	vle.f32 v18, v14;
	v23 =	vadd.s32 v31, v23  }
0xab: {  	v33 =	vmpcnt.ones.xlane vm0;
	v23 =	vadd.s32 v30, v23;
	vm0 =	vle.f32 v19, v14  }
0xac: {  	v23 =	vadd.s32 v29, v23;
	v24 =	vmpcnt.ones.xlane vm0  }
0xad: {  	v23 =	vadd.s32 v32, v23  }
0xae: {  	v23 =	vadd.s32 v33, v23  }
0xaf: {  	v23 =	vadd.s32 v24, v23  }
0xb0: {  	(v2sf) =	vpush v23, $0x0;
	_ =	sdelay $0xd  }
0xb1: {  	p2 =	sgt.s32 s3, $0x3F  }
0xb2: {  	s4 =	spop (v2sf)  }
0xb3: {  	p3 =	slt.s32 @!p2 s4, $0x1  }
0xb4: {  	s5 =	sadd.s32 $0xFFFFFF90, s16;
	p1 =	por p3, p2  }
0xb5: {  	s13 =	sadd.s32 $0xFFFFFFA0, s16;
	p3 =	por !p3, p2;
	vm0 =	vle.f32 @!p1 v22, v14;
	v34 =	vlaneseq.u32 @!p1;
	s4 =	sadd.s32 @!p1 s3, s4;
	(v2sf) =	vpush @!p1 v27, $0x0  }
0xb6: {  	s25 =	sadd.s32 $0xFFFFFFC0, s16;
	s17 =	sadd.s32 $0xFFFFFFB0, s16;
	v23 =	vor.u32 @!p1 s5, v34;
	v27 =	vor.u32 @!p1 s13, v34;
	s2 =	smov.u32 @p3 s4;
	(v2sf) =	vpush @!p1 v28, $0x0  }
0xb7: {  	s4 =	sadd.s32 $0xFFFFFFD0, s16;
	s5 =	sadd.s32 $0xFFFFFFE0, s16;
	v28 =	vor.u32 @!p1 s17, v34;
	v26 =	vor.u32 @!p1 s25, v34;
	[tilespmem:s15+$0x7840] =	vst.msk @!p1 vm0, v23;
	s2 =	smov.u32 @p2 s3;
	(v2sf) =	vpush @!p1 v31, $0x0  }
0xb8: {  	s3 =	sadd.s32 $0xFFFFFFF0, s16;
	v25 =	vor.u32 @!p1 s4, v34;
	v24 =	vor.u32 @!p1 s5, v34;
	[tilespmem:s15+$0x7900] =	vst.msk @!p1 vm0, v22;
	(v2sf) =	vpush @!p1 v30, $0x0  }
0xb9: {  	v23 =	vor.u32 @!p1 s3, v34;
	v22 =	vor.u32 @!p1 s16, v34;
	(v2sf) =	vpush @!p1 v29, $0x0  }
0xba: {  	(v2sf) =	vpush @!p1 v32, $0x0  }
0xbb: {  	(v2sf) =	vpush @!p1 v33, $0x0;
	_ =	sdelay $0x8  }
.Ltmp0:
0xbc: {  	vm0 =	vle.f32 @!p1 v21, v14;
	s3 =	spop @!p1 (v2sf);
	(pc) =	sbr.rel @p0 .LBB2_4-.Ltmp0, $4  }
0xbd: {  	s3 =	sadd.s32 @!p1 s15, s3;
	s4 =	spop @!p1 (v2sf)  }
0xbe: {  	vm1 =	vle.f32 @!p1 v16, v14;
	[tilespmem:s3+$0x7840] =	vst.msk @!p1 vm0, v27;
	s15 =	sadd.s32 @!p1 s3, s4;
	s4 =	spop @!p1 (v2sf)  }
0xbf: {  	s8 =	sadd.s32 $0x80, s8;
	s0 =	sadd.s32 $0x80, s0;
	[tilespmem:s3+$0x7900] =	vst.msk @!p1 vm0, v21;
	s13 =	spop @!p1 (v2sf)  }
0xc0: {  	vm0 =	vle.f32 @!p1 v15, v14;
	s4 =	sadd.s32 @!p1 s15, s4;
	s3 =	smov.u32 s2;
	[tilespmem:s15+$0x7840] =	vst.msk @!p1 vm1, v28;
	s25 =	spop @!p1 (v2sf)  }
0xc1: {  	[tilespmem:s15+$0x7900] =	vst.msk @!p1 vm1, v16  }
0xc2: {  	[tilespmem:s4+$0x7840] =	vst.msk @!p1 vm0, v26  }
0xc3: {  	vm1 =	vle.f32 @!p1 v17, v14;
	s0 =	sadd.s32 @!p1 s4, s13;
	[tilespmem:s4+$0x7900] =	vst.msk @!p1 vm0, v15  }
0xc4: {  	[tilespmem:s0+$0x7840] =	vst.msk @!p1 vm1, v25  }
0xc5: {  	s1 =	sadd.s32 @!p1 s0, s25;
	vm0 =	vle.f32 @!p1 v20, v14;
	[tilespmem:s0+$0x7900] =	vst.msk @!p1 vm1, v17  }
0xc6: {  	s0 =	spop @!p1 (v2sf);
	[tilespmem:s1+$0x7840] =	vst.msk @!p1 vm0, v24  }
0xc7: {  	vm1 =	vle.f32 @!p1 v18, v14;
	s0 =	sadd.s32 @!p1 s1, s0;
	[tilespmem:s1+$0x7900] =	vst.msk @!p1 vm0, v20  }
0xc8: {  	s1 =	spop @!p1 (v2sf);
	[tilespmem:s0+$0x7840] =	vst.msk @!p1 vm1, v23  }
0xc9: {  	vm0 =	vle.f32 @!p1 v19, v14;
	s1 =	sadd.s32 @!p1 s0, s1;
	[tilespmem:s0+$0x7900] =	vst.msk @!p1 vm1, v18  }
0xca: {  	[tilespmem:s1+$0x7840] =	vst.msk @!p1 vm0, v22  }
0xcb: {  	[tilespmem:s1+$0x7900] =	vst.msk @!p1 vm0, v19  }
0xcc: {  	v11 =	vld [tilespmem:$0x7840]  }
0xcd: {  	v12 =	vld [tilespmem:$0x7850]  }
0xce: {  	v13 =	vld [tilespmem:$0x7860]  }
0xcf: {  	v63 =	vld [tilespmem:$0x7870];
	_ =	sdelay $0x1  }
0xd0: {  	[tilespmem:$0x79C0] =	vst v11  }
0xd1: {  	[tilespmem:$0x79D0] =	vst v12  }
0xd2: {  	[tilespmem:$0x79E0] =	vst v13  }
0xd3: {  	[tilespmem:$0x79F0] =	vst v63  }
0xd4: {  	[tilespmem:s23], [sflag:$0x1] =	stream.indirect.gather [hbm4b:s6+s21], $0x10, s22, s21, $0xb8;
	[tilespmem:$0x7E00] =	vst v63  }
0xd5: {  	_ =	swait.ge [sflag:s24], $0x400  }
0xd6: {  	[sflag:s24] =	ssyncset.done $0x0  }
0xd7: {  	[sflag:s24] =	ssyncadd.s32 $0xFFFFFC00  }
0xd8: {  	v11 =	vld [tilespmem:$0x7900];
	_ =	sdelay $0x4  }
0xd9: {  	[tilespmem:v3+s23+$0x0] =	vst.idx.msk $0xffff, v11  }
0xda: {  	v11 =	vld [tilespmem:$0x7910];
	_ =	sdelay $0x4  }
0xdb: {  	[tilespmem:v4+s23+$0x0] =	vst.idx.msk $0xffff, v11  }
0xdc: {  	v11 =	vld [tilespmem:$0x7920];
	_ =	sdelay $0x4  }
0xdd: {  	[tilespmem:v5+s23+$0x0] =	vst.idx.msk $0xffff, v11  }
0xde: {  	v11 =	vld [tilespmem:$0x7930];
	_ =	sdelay $0x2  }
0xdf: {  	s31 =	sshll.u32 s30, $0x7;
	s30 =	sadd.s32 $0x1, s30  }
0xe0: {  	p0 =	sne.s32 s30, $0x10  }
.Ltmp1:
0xe1: {  	s0 =	sadd.s32 s31, s29;
	[tilespmem:v6+s23+$0x0] =	vst.idx.msk $0xffff, v11;
	(pc) =	sbr.rel @p0 .LBB2_3-.Ltmp1, $4  }
0xe2: {  	[hbm4b:s0+s7] =	stream.linear.scatter [tilespmem:s23], [sflag:$0x2], $0x400, $0x38;
	[tilespmem:$0x7E00] =	vst v63  }
0xe3: {  	_ =	swait.ge [sflag:s14], $0x400  }
0xe4: {  	[sflag:s14] =	ssyncset.done $0x0  }
0xe5: {  	[sflag:s14] =	ssyncadd.s32 $0xFFFFFC00  }
0xe6: {  	s26 =	sadd.s32 $0x1, s26  }
0xe7: {  	p0 =	sne.s32 s26, $0x4  }
.Ltmp2:
0xe8: {  	_ = 	snop;
	(pc) =	sbr.rel @p0 .LBB2_2-.Ltmp2, $1  }
0xe9: {  	_ =	sdelay $0x3  }
0xea: {  	s1 =	rddreg [dreg:$0x9]  }
0xeb: {  	s0 =	rddreg [dreg:$0x8];
	s1 =	sadd.s32 $0x1, s1  }
0xec: {  	p0 =	sne.s32 s1, s0  }
.Ltmp3:
0xed: {  	_ = 	snop;
	(pc) =	sbr.rel @p0 .LBB2_1-.Ltmp3, $1  }
0xee: {  	_ =	sdelay $0x3  }
0xef: {  	_ =	sfence.sel $0x180000  }
0xf0: {  	[bflag:$0x0] =	sbarrier.arrive $0xFFFF  }
0xf1: {  	_ =	strace $0x90000047  }
0xf2: {  	s0 =	stileid.u32;
	[bflag:$0x2] =	sbarrier.arrive $0xFFFF  }
0xf3: {  	p0 =	sne.s32 s0, $0x0;
	s0 =	rddreg [dreg:$0x7]  }
0xf4: {  	s0 =	sadd.s32 @!p0 $0x100000, s0  }
0xf5: {  	[sflag:s0] =	ssyncadd.tile.s32 @!p0 $0x1;
	_ =	shalt  }
.Lfunc_end2:
_tile_overlayer_lowered:
.L_overlay_start_2:
0xf6: {  	(tag) =	ssettag $0x2  }
0xf7: {  	s0 =	rddreg [dreg:$0x0];
	s2 =	stileid.u32  }
0xf8: {  	s1 =	rddreg [dreg:$0x1];
	p0 =	sne.s32 s2, $0x0  }
0xf9: {  	s3 =	rddreg [dreg:$0x2];
	[bflag:$0x3] =	sbarrier.arrive $0xFFFF;
	s2 =	simm.s32 @!p0 $0x1C02  }
0xfa: {  	[timem:s3], [sflag:s2] =	dma.local @!p0 [hbm:s0], s1  }
0xfb: {  	s0 =	simm.s32 @!p0 $0x2  }
0xfc: {  	_ =	swait.ge @!p0 [sflag:s0], s1  }
0xfd: {  	s1 =	ssub.s32 @!p0 $0x0, s1;
	[sflag:s0] =	ssyncset.done @!p0 $0x0  }
0xfe: {  	[sflag:s0] =	ssyncadd.s32 @!p0 s1  }
0xff: {  	[bflag:$0x3] =	sbarrier.arrive $0xFFFF  }
0x100: {  	_ =	shalt  }

// kernel: kernel.14.cloned.1.call-start
scs
__scs_entry_jumppad:
0x0: {  	(pc) =	sbr.rel $0x88, $3  }
0x1: {  	(tag) =	ssettag $0x0;
	lr =	simm.s32 $0x1  }
0x2: {  	[smem:$0x3F7A] =	sst lr;
	_ =	strace $0xD0000000  }
0x3: {  	_ = 	snop  }
0x4: {  	_ = 	snop  }
0x5: {  	_ = 	snop  }
0x6: {  	_ = 	snop  }
0x7: {  	_ = 	snop  }
__scs_overlays_trampoline_lowered:
0x8: {  	[smem:$0x3F89] =	sst s0  }
0x9: {  	[smem:$0x3F8A] =	sst s1  }
0xa: {  	[smem:$0x3F8B] =	sst s2  }
0xb: {  	[smem:$0x3F8C] =	sst s3  }
0xc: {  	[smem:$0x3F8D] =	sst s4  }
0xd: {  	[smem:$0x3F8E] =	sst s5  }
0xe: {  	[smem:$0x3F8F] =	sst s6  }
0xf: {  	[smem:$0x3F90] =	sst s7  }
0x10: {  	[smem:$0x3F91] =	sst s8  }
0x11: {  	[smem:$0x3F92] =	sst s9;
	s0 =	simm.s32 @!p0 $0x0  }
0x12: {  	s1 =	sld [smem:$0x3F78];
	s0 =	simm.s32 @p0 $0x1  }
0x13: {  	[smem:$0x3F93] =	sst s0;
	s0 =	simm.s32 @!p1 $0x0  }
0x14: {  	s2 =	sld [smem:$0x3F77];
	s0 =	simm.s32 @p1 $0x1  }
0x15: {  	[smem:$0x3F94] =	sst s0;
	s0 =	simm.s32 @!p2 $0x0  }
0x16: {  	s3 =	sld [smem:$0x3FDB];
	s0 =	simm.s32 @p2 $0x1  }
0x17: {  	s4 =	simm.s32 $0x1BF5;
	[smem:$0x3F96] =	sst s0  }
0x18: {  	s0 =	sld [smem:$0x3F79];
	_ =	swait.ge [sflag:s4], $0x0  }
0x19: {  	s7 =	sld [smem:$0x3F7A]  }
0x1a: {  	s8 =	sadd.s32 $0xFFFFE003, lr  }
0x1b: {  	s9 =	sadd.s32 $0xFFFFFEF7, lr;
	s5 =	simm.s32 $0xFFFFFFFF;
	p2 =	slt.u32 s8, $0xFFFFF086  }
0x1c: {  	p1 =	slt.u32 s9, $0xF7A;
	s5 =	simm.s32 @!p2 $0x0  }
0x1d: {  	s5 =	simm.s32 @p1 $0x1;
	p0 =	seq.s32 s7, s2  }
0x1e: {  	s7 =	smul.u32 @!p0 $0xF7A, s2;
	p2 =	seq.s32 @!p0 s5, $0x0  }
0x1f: {  	s9 =	smul.u32 $0xF7A, s1;
	s8 =	simm.s32 @!p0 $0x1BF5;
	p2 =	por !p2, p0  }
0x20: {  	[sflag:s8] =	ssyncset.s32 @!p0 $0xFFFFF086;
	s6 =	sadd.s32 @!p0 s3, s7;
	s7 =	simm.s32 @!p0 $0x108  }
0x21: {  	s3 =	sadd.s32 s3, s9;
	s6 =	sadd.s32 @!p0 $0x88, s6;
	s7 =	simm.s32 @p2 $0x1082  }
0x22: {  	[simem:s7], [sflag:s8] =	dma.local @!p0 [hbm:s6], $0xF7A  }
0x23: {  	s9 =	sor.u32 $0xD0000000, s2;
	s6 =	simm.s32 $0x108;
	_ =	swait.ge @!p0 [sflag:s8], $0x0  }
0x24: {  	s3 =	sadd.s32 $0x88, s3;
	s6 =	simm.s32 @!p1 $0x1082;
	[sflag:s4] =	ssyncset.s32 $0xFFFFF086  }
0x25: {  	[simem:s6], [sflag:s4] =	dma.local [hbm:s3], $0xF7A  }
0x26: {  	[smem:$0x3F7A] =	sst s1;
	(tag) =	ssettag s2;
	_ =	strace s9  }
0x27: {  	s1 =	sld [smem:$0x3F8A]  }
0x28: {  	s2 =	sld [smem:$0x3F8B]  }
0x29: {  	s4 =	sld [smem:$0x3F8D]  }
0x2a: {  	p0 =	seq.s32 s5, $0x0;
	s5 =	sld [smem:$0x3F8E]  }
0x2b: {  	s6 =	sld [smem:$0x3F8F]  }
0x2c: {  	s7 =	sld [smem:$0x3F90]  }
0x2d: {  	s3 =	simm.s32 $0x108;
	s8 =	sld [smem:$0x3F91]  }
0x2e: {  	s3 =	simm.s32 @!p0 $0x1082;
	s9 =	sld [smem:$0x3F92]  }
0x2f: {  	lr =	sadd.s32 s0, s3;
	s0 =	sld [smem:$0x3F89]  }
0x30: {  	s3 =	sld [smem:$0x3F8C]  }
0x31: {  	[smem:$0x3F95] =	sst s10  }
0x32: {  	s10 =	sld [smem:$0x3F93];
	_ =	sdelay $0x3  }
0x33: {  	p0 =	seq.s32 s10, $0x1;
	s10 =	sld [smem:$0x3F95];
	_ =	sdelay $0x3  }
0x34: {  	[smem:$0x3F95] =	sst s10  }
0x35: {  	s10 =	sld [smem:$0x3F94];
	_ =	sdelay $0x3  }
0x36: {  	p1 =	seq.s32 s10, $0x1;
	s10 =	sld [smem:$0x3F95];
	_ =	sdelay $0x3  }
0x37: {  	[smem:$0x3F95] =	sst s10  }
0x38: {  	s10 =	sld [smem:$0x3F96]  }
0x39: {  	_ = 	snop;
	(pc) =	sbr.ind lr, $3  }
0x3a: {  	_ = 	snop  }
0x3b: {  	_ = 	snop  }
0x3c: {  	p2 =	seq.s32 s10, $0x1;
	s10 =	sld [smem:$0x3F95]  }
0x3d: {  	_ =	shalt  }
0x3e: {  	_ =	shalt  }
0x3f: {  	_ =	shalt  }
0x40: {  	_ =	shalt  }
0x41: {  	_ =	shalt  }
0x42: {  	_ =	shalt  }
0x43: {  	_ =	shalt  }
0x44: {  	_ =	shalt  }
0x45: {  	_ =	shalt  }
0x46: {  	_ =	shalt  }
0x47: {  	_ =	shalt  }
0x48: {  	_ =	shalt  }
0x49: {  	_ =	shalt  }
0x4a: {  	_ =	shalt  }
0x4b: {  	_ =	shalt  }
0x4c: {  	_ =	shalt  }
0x4d: {  	_ =	shalt  }
0x4e: {  	_ =	shalt  }
0x4f: {  	_ =	shalt  }
0x50: {  	_ =	shalt  }
0x51: {  	_ =	shalt  }
0x52: {  	_ =	shalt  }
0x53: {  	_ =	shalt  }
0x54: {  	_ =	shalt  }
0x55: {  	_ =	shalt  }
0x56: {  	_ =	shalt  }
0x57: {  	_ =	shalt  }
0x58: {  	_ =	shalt  }
0x59: {  	_ =	shalt  }
0x5a: {  	_ =	shalt  }
0x5b: {  	_ =	shalt  }
0x5c: {  	_ =	shalt  }
0x5d: {  	_ =	shalt  }
0x5e: {  	_ =	shalt  }
0x5f: {  	_ =	shalt  }
0x60: {  	_ =	shalt  }
0x61: {  	_ =	shalt  }
0x62: {  	_ =	shalt  }
0x63: {  	_ =	shalt  }
0x64: {  	_ =	shalt  }
0x65: {  	_ =	shalt  }
0x66: {  	_ =	shalt  }
0x67: {  	_ =	shalt  }
0x68: {  	_ =	shalt  }
0x69: {  	_ =	shalt  }
0x6a: {  	_ =	shalt  }
0x6b: {  	_ =	shalt  }
0x6c: {  	_ =	shalt  }
0x6d: {  	_ =	shalt  }
0x6e: {  	_ =	shalt  }
0x6f: {  	_ =	shalt  }
0x70: {  	_ =	shalt  }
0x71: {  	_ =	shalt  }
0x72: {  	_ =	shalt  }
0x73: {  	_ =	shalt  }
0x74: {  	_ =	shalt  }
0x75: {  	_ =	shalt  }
0x76: {  	_ =	shalt  }
0x77: {  	_ =	shalt  }
0x78: {  	_ =	shalt  }
0x79: {  	_ =	shalt  }
0x7a: {  	_ =	shalt  }
0x7b: {  	_ =	shalt  }
0x7c: {  	_ =	shalt  }
0x7d: {  	_ =	shalt  }
0x7e: {  	_ =	shalt  }
0x7f: {  	_ =	shalt  }
0x80: {  	_ =	shalt  }
0x81: {  	_ =	shalt  }
0x82: {  	_ =	shalt  }
0x83: {  	_ =	shalt  }
0x84: {  	_ =	shalt  }
0x85: {  	_ =	shalt  }
0x86: {  	_ =	shalt  }
0x87: {  	_ =	shalt  }
.Lfunc_end0:
.L_simem_size_0:
called_computation.2_lowered:
.L_overlay_start_0:
0x88: {  	s2 =	sld [smem:$0x3FD9]  }
0x89: {  	s3 =	sld [smem:$0x3FFE];
	_ =	sdelay $0x1  }
0x8a: {  	s1 =	srdreg.scid  }
0x8b: {  	s0 =	sand.u32 $0x1, s1  }
0x8c: {  	s15 =	sshll.u32 s0, $0xA;
	s2 =	sadd.s32 s3, s2  }
0x8d: {  	s2 =	sadd.s32 s2, s15  }
0x8e: {  	[smem:$0x3FA1] =	sst s2  }
0x8f: {  	_ = 	snop  }
0x90: {  	s2 =	sld [smem:$0x3FD0];
	_ =	sdelay $0x3  }
0x91: {  	s16 =	simm.s32 $0xB;
	s4 =	simm.s32 $0x10;
	s2 =	sadd.s32 $0x1, s2  }
0x92: {  	[smem:s4], [sflag:s16] =	dma.local [hbm:s2], $0x1  }
0x93: {  	_ =	swait.eq [sflag:s16], $0x1  }
0x94: {  	[sflag:s16] =	ssyncset.done $0x0  }
0x95: {  	[sflag:s16] =	ssyncadd.s32 $0xFFFFFFFF  }
0x96: {  	s17 =	sld [smem:$0x11];
	(tm) =	ssettm $0x1  }
0x97: {  	s18 =	sld [smem:$0x3FFB];
	_ =	sdelay $0x3  }
0x98: {  	_ =	strace s18  }
0x99: {  	s2 =	sld [smem:$0x3FFC];
	_ =	sdelay $0x3  }
0x9a: {  	_ =	strace s2  }
0x9b: {  	s2 =	sld [smem:$0x3FFD];
	_ =	sdelay $0x3  }
0x9c: {  	_ =	strace s2  }
0x9d: {  	_ =	strace $0x8FFFFFFF  }
0x9e: {  	s19 =	sld [smem:$0x3FDB];
	_ =	sdelay $0x1  }
0x9f: {  	s20 =	simm.s32 $_scs_section_size  }
0xa0: {  	s5 =	simm.s32 $_size__tile_overlayer_lowered;
	s6 =	simm.s32 $_tile_overlayer_lowered  }
0xa1: {  	s7 =	simm.s32 $0x1BFF;
	s21 =	sshll.u32 s6, $0x1;
	s4 =	sadd.s32 s20, s19  }
0xa2: {  	s22 =	simm.s32 $0x0;
	s5 =	sshll.u32 s5, $0x1;
	s6 =	sadd.s32 s21, s4  }
0xa3: {  	[timem:s22], [sflag:s7] =	dma.local [hbm:s6], s5  }
0xa4: {  	_ =	swait.ge [sflag:s7], s5  }
0xa5: {  	s5 =	ssub.s32 $0x0, s5;
	[sflag:s7] =	ssyncset.done $0x0  }
0xa6: {  	[sflag:s7] =	ssyncadd.s32 s5;
	_ =	sdelay $0x1  }
0xa7: {  	s23 =	simm.s32 $0x1B8B  }
0xa8: {  	_ =	swait.ge [sflag:s23], $0x1  }
0xa9: {  	[sflag:s23] =	ssyncset.done $0x0  }
0xaa: {  	[sflag:s23] =	ssyncadd.s32 $0xFFFFFFFF  }
0xab: {  	s5 =	sld [smem:$0x0]  }
0xac: {  	s6 =	sand.u32 $0xFFFFFFFE, s1  }
0xad: {  	p0 =	sne.s32 s1, s6  }
0xae: {  	s6 =	sshll.u32 @p0 s6, $0xE  }
0xaf: {  	s6 =	sadd.s32 @p0 $0x11B8D, s6;
	s7 =	sshll.u32 @p0 s5, $0x11  }
0xb0: {  	s6 =	sor.u32 @p0 s7, s6  }
0xb1: {  	[sflag:s6] =	ssyncadd.remote.s32 @p0 $0x1;
	_ =	sdelay $0x1  }
0xb2: {  	s6 =	simm.s32 @p0 $0x1B8D  }
0xb3: {  	_ =	swait.eq @p0 [sflag:s6], $0x1  }
0xb4: {  	[sflag:s6] =	ssyncadd.s32 @p0 $0xFFFFFFFF  }
0xb5: {  	s7 =	sshll.u32 @!p0 s1, $0xE  }
0xb6: {  	s7 =	sor.u32 @!p0 $0x4000, s7;
	s6 =	simm.s32 @!p0 $0x1B8D  }
0xb7: {  	s5 =	sshll.u32 @!p0 s5, $0x11;
	s7 =	sadd.s32 @!p0 $0x11B8D, s7;
	_ =	swait.eq @!p0 [sflag:s6], $0x1  }
0xb8: {  	s5 =	sor.u32 @!p0 s5, s7;
	[sflag:s6] =	ssyncadd.s32 @!p0 $0xFFFFFFFF  }
0xb9: {  	s25 =	simm.s32 $0x1B8E;
	s24 =	sld [smem:$0x3FFE];
	[sflag:s5] =	ssyncadd.remote.s32 @!p0 $0x1  }
0xba: {  	s26 =	simm.s32 $execute0_lowered;
	[smem:$0x3FD2] =	sst s25  }
0xbb: {  	s6 =	sshll.u32 s26, $0x1;
	_ =	strace $0x8000004C;
	[dreg:$0x1] =	wrdreg $0xFFFFFFFF  }
0xbc: {  	s28 =	simm.s32 $_size_execute0_lowered;
	s4 =	sadd.s32 s4, s6;
	[dreg:$0x0] =	wrdreg $0x0  }
0xbd: {  	s6 =	sshll.u32 s28, $0x1;
	[dreg:$0x2] =	wrdreg s4  }
0xbe: {  	[dreg:$0x3] =	wrdreg s6  }
0xbf: {  	[dreg:$0x4] =	wrdreg $0xC0  }
0xc0: {  	_ =	task [dreg:s22], $0x5FFFF  }
0xc1: {  	[dreg:$0x1] =	wrdreg $0xFFFFFFFF  }
0xc2: {  	[dreg:$0x0] =	wrdreg $0x60  }
0xc3: {  	[dreg:$0x2] =	wrdreg s24  }
0xc4: {  	[dreg:$0x3] =	wrdreg s17  }
0xc5: {  	[dreg:$0x4] =	wrdreg $0xA  }
0xc6: {  	_ =	task.clear_ibuf [dreg:s22], $0x5FFFF;
	_ =	strace $0x9000004C  }
0xc7: {  	s29 =	simm.s32 $0xA;
	_ =	strace $0x8000004E  }
0xc8: {  	_ =	swait.ge [sflag:s29], $0x1  }
0xc9: {  	[sflag:s29] =	ssyncadd.s32 $0xFFFFFFFF  }
0xca: {  	_ =	strace $0x9000004E  }
0xcb: {  	_ =	sfence  }
0xcc: {  	s30 =	sld [smem:$0x0];
	_ =	sdelay $0x2  }
0xcd: {  	s31 =	sshll.u32 s1, $0xD;
	s1 =	sshrl.u32 s1, $0x2  }
0xce: {  	s4 =	sand.u32 $0x4000, s31;
	s1 =	sadd.s32 s1, s30  }
0xcf: {  	s0 =	sor.u32 s4, s0;
	s1 =	sshll.u32 s1, $0x11  }
0xd0: {  	s0 =	sor.u32 s1, s0  }
0xd1: {  	s0 =	sadd.s32 $0x8F2B, s0  }
0xd2: {  	[sflag:s0] =	ssyncadd.remote.s32 $0x1  }
0xd3: {  	_ =	sfence.sel $0xFFFF  }
0xd4: {  	[dreg:$0x0] =	wrdreg $0xFFFFFFFF;
	(pc) =	sbr.abs _section_cstart, $3  }
0xd5: {  	[dreg:$0x1] =	wrdreg $0xFFFFFFFF  }
0xd6: {  	_ =	task.clear_ibuf [dreg:s22], $0x2FFFF;
	_ =	strace $0x9FFFFFFF  }
0xd7: {  	(tm) =	ssettm $0x7FFFFFFF  }
tec
execute0_lowered:
.L_overlay_start_1:
0x0: {  	(tag) =	ssettag $0x1  }
0x1: {  	s0 =	rddreg [dreg:$0x0]  }
0x2: {  	s1 =	rddreg [dreg:$0x1];
	s3 =	srdreg.scid  }
0x3: {  	s2 =	simm.s32 $0x0;
	s4 =	stileid.u32;
	s14 =	simm.s32 $0x2  }
0x4: {  	s21 =	simm.s32 $0x40;
	s22 =	simm.s32 $0x19C0;
	s23 =	simm.s32 $0x1A00  }
0x5: {  	s24 =	simm.s32 $0x1;
	s25 =	simm.s32 $0x0;
	s7 =	sand.u32 $0x1, s3  }
0x6: {  	[smem:$0x7FF] =	sst s2;
	s28 =	sshll.u32 s4, $0x5;
	s30 =	sadd.s32 $0x45000, s0  }
0x7: {  	s5 =	sadd.s32 $0x45200, s0;
	s6 =	sadd.s32 $0x45400, s0;
	s29 =	sshll.u32 s7, $0x4  }
0x8: {  	v0 =	vlaneseq.u32;
	s8 =	sadd.s32 $0x45E00, s0;
	_ =	strace $0x8000004D;
	s3 =	sor.u32 s29, s28  }
0x9: {  	v6 =	vmul.u32 $0x90, v0;
	[dreg:$0x3] =	wrdreg s30;
	s9 =	ssub.s32 $0x2, s7;
	s11 =	sshrl.u32 s3, $0x3  }
0xa: {  	s7 =	sadd.s32 $0x4C00, s0;
	s31 =	sshrl.u32 s9, $0x1;
	s12 =	sadd.s32 s11, s0  }
0xb: {  	v1 =	vimm.s32 $0x0;
	v2 =	vimm.f32 $+Inf;
	v3 =	vadd.s32 $0x83, v6;
	s0 =	ssub.s32 s9, s31;
	s11 =	sadd.s32 s1, s11;
	s9 =	sadd.s32 $0x45600, s12  }
0xc: {  	v4 =	vadd.s32 $0x983, v6;
	v5 =	vadd.s32 $0x1283, v6;
	v6 =	vadd.s32 $0x1B83, v6;
	s10 =	sadd.s32 $0x45800, s12;
	s12 =	sadd.s32 $0x45C00, s12;
	s13 =	smax.u32 s0, $0x1  }
.LBB2_1:
0xd: {  	s0 =	rddreg [dreg:$0x3]  }
0xe: {  	[tilespmem:s2], [sflag:$0x2] =	stream.linear.gather [hbm4b:s0+s2], $0x800, $0x38;
	[tilespmem:$0x3E00] =	vst v63  }
0xf: {  	_ =	swait.ge [sflag:s14], $0x800  }
0x10: {  	[sflag:s14] =	ssyncset.done $0x0  }
0x11: {  	s20 =	simm.s32 $0x800;
	[sflag:s14] =	ssyncadd.s32 $0xFFFFF800  }
0x12: {  	[tilespmem:s20], [sflag:$0x2] =	stream.linear.gather [hbm4b:s5+s2], $0x800, $0x38;
	[tilespmem:$0x3E00] =	vst v63  }
0x13: {  	_ =	swait.ge [sflag:s14], $0x800  }
0x14: {  	[sflag:s14] =	ssyncset.done $0x0  }
0x15: {  	s26 =	simm.s32 $0x1000;
	[sflag:s14] =	ssyncadd.s32 $0xFFFFF800  }
0x16: {  	[tilespmem:s26], [sflag:$0x2] =	stream.linear.gather [hbm4b:s6+s2], $0x800, $0x38;
	[tilespmem:$0x3E00] =	vst v63  }
0x17: {  	_ =	swait.ge [sflag:s14], $0x800  }
0x18: {  	[sflag:s14] =	ssyncset.done $0x0  }
0x19: {  	s28 =	simm.s32 $0x1800;
	[sflag:s14] =	ssyncadd.s32 $0xFFFFF800  }
0x1a: {  	[tilespmem:s28], [sflag:$0x2] =	stream.linear.gather [hbm4b:s9+s2], $0x10, $0x38;
	[tilespmem:$0x3E00] =	vst v63  }
0x1b: {  	_ =	swait.ge [sflag:s14], $0x10  }
0x1c: {  	[sflag:s14] =	ssyncset.done $0x0  }
0x1d: {  	s29 =	simm.s32 $0x1810;
	[sflag:s14] =	ssyncadd.s32 $0xFFFFFFF0  }
0x1e: {  	[tilespmem:s29], [sflag:$0x2] =	stream.linear.gather [hbm4b:s10+s2], $0x10, $0x38;
	[tilespmem:$0x3E00] =	vst v63  }
0x1f: {  	_ =	swait.ge [sflag:s14], $0x10  }
0x20: {  	[sflag:s14] =	ssyncset.done $0x0  }
0x21: {  	s30 =	simm.s32 $0x1820;
	[sflag:s14] =	ssyncadd.s32 $0xFFFFFFF0  }
0x22: {  	[tilespmem:s30], [sflag:$0x2] =	stream.linear.gather [hbm4b:s11+s2], $0x10, $0x38;
	[tilespmem:$0x3E00] =	vst v63  }
0x23: {  	_ =	swait.ge [sflag:s14], $0x10  }
0x24: {  	[sflag:s14] =	ssyncset.done $0x0  }
0x25: {  	s31 =	simm.s32 $0x1830;
	[sflag:s14] =	ssyncadd.s32 $0xFFFFFFF0  }
0x26: {  	[tilespmem:s31], [sflag:$0x2] =	stream.linear.gather [hbm4b:s12+s2], $0x10, $0x38;
	[tilespmem:$0x3E00] =	vst v63  }
0x27: {  	_ =	swait.ge [sflag:s14], $0x10  }
0x28: {  	[sflag:s14] =	ssyncset.done $0x0  }
0x29: {  	[sflag:s14] =	ssyncadd.s32 $0xFFFFFFF0  }
0x2a: {  	v7 =	vld [tilespmem:$0x1800]  }
0x2b: {  	v8 =	vld [tilespmem:$0x1810]  }
0x2c: {  	v9 =	vld [tilespmem:$0x1820]  }
0x2d: {  	s26 =	simm.s32 $0x0;
	v10 =	vld [tilespmem:$0x1830]  }
.LBB2_2:
0x2e: {  	v11 =	vmov s26;
	[tilespmem:$0x1840] =	vst v1  }
0x2f: {  	[tilespmem:$0x1900] =	vst v2;
	vm0 =	veq.s32 v11, v0  }
0x30: {  	[tilespmem:$0x1850] =	vst v1;
	v11 =	vsel vm0, $0x3F800000, v1  }
0x31: {  	[tilespmem:$0x1910] =	vst v2;
	v12 =	vmul.f32 v11, v7  }
0x32: {  	[tilespmem:$0x1860] =	vst v1  }
0x33: {  	[tilespmem:$0x1920] =	vst v2;
	v13 =	vmul.f32 v11, v8;
	(xrf2) =	vadd.scan.msk.f32 $0xffff, v12  }
0x34: {  	[tilespmem:$0x1870] =	vst v1  }
0x35: {  	[tilespmem:$0x1930] =	vst v2;
	(xrf2) =	vadd.scan.msk.f32 $0xffff, v13  }
0x36: {  	[tilespmem:$0x1880] =	vst v1;
	v12 =	vmul.f32 v11, v9  }
0x37: {  	[tilespmem:$0x1940] =	vst v2;
	s1 =	simm.s32 $0x40  }
0x38: {  	s0 =	simm.s32 $0x840;
	v14 =	vld [tilespmem:s1+$0xFFFFFFF0];
	(xrf2) =	vadd.scan.msk.f32 $0xffff, v12  }
0x39: {  	v15 =	vld [tilespmem:s0+$0xFFFFFFF0]  }
0x3a: {  	v16 =	vld [tilespmem:s1+$0x0]  }
0x3b: {  	v21 =	vld [tilespmem:s1+$0xFFFFFFD0]  }
0x3c: {  	v24 =	vld [tilespmem:s1+$0xFFFFFFC0]  }
0x3d: {  	v13 =	vld [tilespmem:s0+$0x0];
	v12, _, _ =	vpop (xrf2)  }
0x3e: {  	v18 =	vld [tilespmem:s0+$0xFFFFFFC0];
	v12 =	vbroadcast v12, $0xF  }
0x3f: {  	s28 =	simm.s32 $0x1040;
	v17 =	vld [tilespmem:s0+$0xFFFFFFD0];
	v20 =	vmul.f32 v11, v10;
	v19, _, _ =	vpop (xrf2)  }
0x40: {  	v25 =	vld [tilespmem:s28+$0xFFFFFFC0];
	v11 =	vbroadcast v19, $0xF;
	v16 =	vsub.f32 v16, v12  }
0x41: {  	(xrf2) =	vadd.scan.msk.f32 $0xffff, v20;
	v20 =	vld [tilespmem:s0+$0xFFFFFFE0];
	v14 =	vsub.f32 v14, v12;
	v21 =	vsub.f32 v21, v12  }
0x42: {  	v19 =	vld [tilespmem:s28+$0xFFFFFFD0];
	v22, _, _ =	vpop (xrf2);
	v24 =	vsub.f32 v24, v12;
	v23 =	vsub.f32 v13, v11  }
0x43: {  	v26 =	vld [tilespmem:s28+$0xFFFFFFE0];
	v13 =	vbroadcast v22, $0xF;
	v18 =	vsub.f32 v18, v11;
	v16 =	vmul.f32 v16, v16  }
0x44: {  	v22 =	vld [tilespmem:s1+$0xFFFFFFE0];
	v15 =	vsub.f32 v15, v11;
	v14 =	vmul.f32 v14, v14;
	v24 =	vmul.f32 v24, v24  }
0x45: {  	v27 =	vld [tilespmem:s28+$0xFFFFFFF0];
	v17 =	vsub.f32 v17, v11;
	v21 =	vmul.f32 v21, v21;
	v23 =	vmul.f32 v23, v23  }
0x46: {  	v28 =	vld [tilespmem:s1+$0x20];
	v20 =	vsub.f32 v20, v11;
	v18 =	vmul.f32 v18, v18;
	v15 =	vmul.f32 v15, v15  }
0x47: {  	v29 =	vld [tilespmem:s28+$0x0];
	v17 =	vmul.f32 v17, v17;
	v25 =	vsub.f32 v25, v13;
	v19 =	vsub.f32 v19, v13  }
0x48: {  	v30 =	vld [tilespmem:s0+$0x30];
	v20 =	vmul.f32 v20, v20;
	v23 =	vadd.f32 v23, v16;
	v15 =	vadd.f32 v15, v14  }
0x49: {  	v62 =	vld [tilespmem:s0+$0x20];
	v18 =	vadd.f32 v18, v24;
	v24 =	vmul.f32 v25, v25;
	v16 =	vsub.f32 v22, v12  }
0x4a: {  	v25 =	vsub.f32 v26, v13;
	v17 =	vadd.f32 v17, v21;
	v22 =	vld [tilespmem:s1+$0x30];
	v19 =	vmul.f32 v19, v19  }
0x4b: {  	v26 =	vld [tilespmem:s1+$0x10];
	v21 =	vadd.f32 v24, v18;
	v18 =	vsub.f32 v27, v13;
	v16 =	vmul.f32 v16, v16  }
0x4c: {  	v14, _, _ =	vpop (xrf2);
	v24 =	vld [tilespmem:s28+$0x20];
	v27 =	vsub.f32 v29, v13;
	v29 =	vadd.f32 v19, v17  }
0x4d: {  	v14 =	vbroadcast v14, $0xF;
	v19 =	vsub.f32 v30, v11;
	v16 =	vadd.f32 v20, v16;
	v20 =	vld [tilespmem:s0+$0x10]  }
0x4e: {  	v25 =	vmul.f32 v25, v25;
	v30 =	vsub.f32 v62, v11;
	v17 =	vmul.f32 v18, v18  }
0x4f: {  	v19 =	vmul.f32 v19, v19;
	vm0 =	vle.f32 v21, v14;
	v22 =	vsub.f32 v22, v12  }
0x50: {  	v18 =	vld [tilespmem:s28+$0x10];
	v30 =	vmul.f32 v30, v30;
	v15 =	vadd.f32 v17, v15;
	v17 =	vsub.f32 v26, v12  }
0x51: {  	v16 =	vadd.f32 v25, v16;
	v25 =	vmul.f32 v27, v27;
	v27 =	vsub.f32 v28, v12  }
0x52: {  	v63 =	vld [tilespmem:s28+$0x30];
	v26 =	vmpcnt.ones.xlane vm0;
	v24 =	vsub.f32 v24, v13;
	v20 =	vsub.f32 v20, v11  }
0x53: {  	vm0 =	vle.f32 v15, v14;
	v17 =	vmul.f32 v17, v17;
	v22 =	vmul.f32 v22, v22  }
0x54: {  	v27 =	vmul.f32 v27, v27;
	vm1 =	vle.f32 v16, v14;
	v20 =	vmul.f32 v20, v20  }
0x55: {  	v18 =	vsub.f32 v18, v13;
	v31 =	vmpcnt.ones.xlane vm0;
	vm0 =	vle.f32 v29, v14  }
0x56: {  	v24 =	vmul.f32 v24, v24;
	v32 =	vmpcnt.ones.xlane vm1;
	v20 =	vadd.f32 v20, v17  }
0x57: {  	v18 =	vmul.f32 v18, v18;
	v17 =	vadd.f32 v25, v23;
	v23 =	vsub.f32 v63, v13  }
0x58: {  	v19 =	vadd.f32 v19, v22;
	v27 =	vadd.f32 v30, v27;
	v25 =	vmpcnt.ones.xlane vm0  }
0x59: {  	vm0 =	vle.f32 v17, v14;
	v20 =	vadd.f32 v18, v20;
	v22 =	vmul.f32 v23, v23  }
0x5a: {  	v18 =	vadd.f32 v24, v27;
	v24 =	vadd.s32 v26, v25;
	v23 =	vmpcnt.ones.xlane vm0  }
0x5b: {  	vm0 =	vle.f32 v20, v14;
	v19 =	vadd.f32 v22, v19;
	v22 =	vadd.s32 v32, v24  }
0x5c: {  	v27 =	vmpcnt.ones.xlane vm0;
	vm0 =	vle.f32 v18, v14;
	v22 =	vadd.s32 v31, v22  }
0x5d: {  	v28 =	vmpcnt.ones.xlane vm0;
	vm0 =	vle.f32 v19, v14;
	v22 =	vadd.s32 v23, v22  }
0x5e: {  	v24 =	vmpcnt.ones.xlane vm0;
	v22 =	vadd.s32 v27, v22  }
0x5f: {  	v22 =	vadd.s32 v28, v22  }
0x60: {  	v22 =	vadd.s32 v24, v22  }
0x61: {  	(v2sf) =	vpush v22, $0x0;
	_ =	sdelay $0xe  }
0x62: {  	p0 =	por $0x0, $0x0;
	s0 =	spop (v2sf)  }
0x63: {  	p2 =	slt.s32 @!p0 s0, $0x1  }
0x64: {  	p1 =	por p2, p0  }
0x65: {  	(v2sf) =	vpush @!p1 v26, $0x0  }
0x66: {  	(v2sf) =	vpush @!p1 v25, $0x0;
	_ =	sdelay $0xb  }
0x67: {  	(v2sf) =	vpush @!p1 v32, $0x0  }
0x68: {  	(v2sf) =	vpush @!p1 v31, $0x0  }
0x69: {  	s18 =	simm.s32 $0x20;
	v22 =	vlaneseq.u32 @!p1;
	(v2sf) =	vpush @!p1 v23, $0x0;
	s30 =	spop @!p1 (v2sf)  }
0x6a: {  	v30 =	vor.u32 @!p1 s18, v22;
	s18 =	sadd.s32 @!p1 $0x0, s30;
	s30 =	spop @!p1 (v2sf);
	(v2sf) =	vpush @!p1 v27, $0x0;
	_ =	sdelay $0x1  }
0x6b: {  	(v2sf) =	vpush @!p1 v28, $0x0;
	_ =	sdelay $0x4  }
0x6c: {  	s15 =	simm.s32 $0x0  }
0x6d: {  	s16 =	simm.s32 $0x70;
	s29 =	simm.s32 $0xF0;
	s1 =	simm.s32 $0x0  }
0x6e: {  	s17 =	simm.s32 $0x10;
	s19 =	simm.s32 $0x30;
	s31 =	simm.s32 $0x8C0;
	vm0 =	vle.f32 @!p1 v21, v14;
	v23 =	vor.u32 @!p1 s1, v22  }
0x6f: {  	p2 =	por !p2, p0;
	s0 =	sadd.s32 @!p1 $0x0, s0;
	s1 =	simm.s32 $0x0;
	[tilespmem:s15+$0x1840] =	vst.msk @!p1 vm0, v23  }
0x70: {  	s1 =	smov.u32 @p2 s0;
	s0 =	simm.s32 $0x40;
	v23 =	vor.u32 @!p1 s17, v22;
	s17 =	simm.s32 $0x50;
	[tilespmem:s15+$0x1900] =	vst.msk @!p1 vm0, v21;
	vm0 =	vle.f32 @!p1 v29, v14  }
0x71: {  	s1 =	smov.u32 @p0 s15;
	s15 =	simm.s32 $0x60;
	v25 =	vor.u32 @!p1 s0, v22;
	[tilespmem:s18+$0x1840] =	vst.msk @!p1 vm0, v23;
	s0 =	spop @!p1 (v2sf)  }
0x72: {  	vm1 =	vle.f32 @!p1 v16, v14;
	v24 =	vor.u32 @!p1 s17, v22;
	v23 =	vor.u32 @!p1 s15, v22;
	s15 =	sadd.s32 @!p1 s18, s30;
	s30 =	simm.s32 $0xC0;
	[tilespmem:s18+$0x1900] =	vst.msk @!p1 vm0, v29;
	s17 =	spop @!p1 (v2sf)  }
0x73: {  	v26 =	vor.u32 @!p1 s19, v22;
	v22 =	vor.u32 @!p1 s16, v22;
	vm0 =	vle.f32 @!p1 v15, v14;
	s19 =	sadd.s32 @!p1 s15, s0;
	s0 =	smov.u32 s1;
	[tilespmem:s15+$0x1840] =	vst.msk @!p1 vm1, v30;
	s18 =	spop @!p1 (v2sf)  }
.LBB2_3:
0x74: {  	s28 =	sadd.s32 $0x80, s28;
	s20 =	spop @!p1 (v2sf)  }
0x75: {  	[tilespmem:s15+$0x1900] =	vst.msk @!p1 vm1, v16;
	s16 =	smov.u32 s29;
	s29 =	sadd.s32 $0x80, s29;
	s15 =	smov.u32 s1  }
0x76: {  	vm1 =	vle.f32 @!p1 v17, v14;
	s17 =	sadd.s32 @!p1 s19, s17;
	p0 =	sne.s32 s29, $0x870;
	[tilespmem:s19+$0x1840] =	vst.msk @!p1 vm0, v26;
	s4 =	spop @!p1 (v2sf)  }
0x77: {  	[tilespmem:s19+$0x1900] =	vst.msk @!p1 vm0, v15  }
0x78: {  	s18 =	sadd.s32 @!p1 s17, s18;
	vm0 =	vle.f32 @!p1 v20, v14;
	[tilespmem:s17+$0x1840] =	vst.msk @!p1 vm1, v25  }
0x79: {  	[tilespmem:s17+$0x1900] =	vst.msk @!p1 vm1, v17  }
0x7a: {  	vm1 =	vle.f32 @!p1 v18, v14;
	s17 =	sadd.s32 @!p1 s18, s20;
	[tilespmem:s18+$0x1840] =	vst.msk @!p1 vm0, v24  }
0x7b: {  	[tilespmem:s18+$0x1900] =	vst.msk @!p1 vm0, v20  }
0x7c: {  	s4 =	sadd.s32 @!p1 s17, s4;
	vm0 =	vle.f32 @!p1 v19, v14;
	[tilespmem:s17+$0x1840] =	vst.msk @!p1 vm1, v23  }
0x7d: {  	[tilespmem:s17+$0x1900] =	vst.msk @!p1 vm1, v18  }
0x7e: {  	[tilespmem:s4+$0x1840] =	vst.msk @!p1 vm0, v22  }
0x7f: {  	[tilespmem:s4+$0x1900] =	vst.msk @!p1 vm0, v19  }
0x80: {  	v15 =	vld [tilespmem:s30+$0xFFFFFFF0]  }
0x81: {  	v16 =	vld [tilespmem:s31+$0xFFFFFFF0]  }
0x82: {  	v17 =	vld [tilespmem:s30+$0x0]  }
0x83: {  	v18 =	vld [tilespmem:s31+$0x0]  }
0x84: {  	v19 =	vld [tilespmem:s31+$0xFFFFFFD0]  }
0x85: {  	v20 =	vld [tilespmem:s31+$0xFFFFFFC0]  }
0x86: {  	v21 =	vld [tilespmem:s30+$0xFFFFFFD0]  }
0x87: {  	v22 =	vld [tilespmem:s28+$0xFFFFFFD0]  }
0x88: {  	v23 =	vld [tilespmem:s31+$0xFFFFFFE0];
	v18 =	vsub.f32 v18, v11  }
0x89: {  	v17 =	vsub.f32 v17, v12;
	v24 =	vld [tilespmem:s30+$0xFFFFFFC0]  }
0x8a: {  	v16 =	vsub.f32 v16, v11;
	v20 =	vsub.f32 v20, v11;
	v25 =	vld [tilespmem:s30+$0xFFFFFFE0];
	v18 =	vmul.f32 v18, v18  }
0x8b: {  	v15 =	vsub.f32 v15, v12;
	v19 =	vsub.f32 v19, v11;
	v17 =	vmul.f32 v17, v17;
	v26 =	vld [tilespmem:s28+$0xFFFFFFC0]  }
0x8c: {  	v21 =	vsub.f32 v21, v12;
	v20 =	vmul.f32 v20, v20;
	v22 =	vsub.f32 v22, v13;
	v27 =	vld [tilespmem:s28+$0xFFFFFFE0]  }
0x8d: {  	v15 =	vmul.f32 v15, v15;
	v16 =	vmul.f32 v16, v16;
	v23 =	vsub.f32 v23, v11;
	v28 =	vld [tilespmem:s28+$0xFFFFFFF0]  }
0x8e: {  	v19 =	vmul.f32 v19, v19;
	v17 =	vadd.f32 v18, v17;
	v24 =	vsub.f32 v24, v12;
	v18 =	vld [tilespmem:s30+$0x20]  }
0x8f: {  	v15 =	vadd.f32 v16, v15;
	v29 =	vmul.f32 v22, v22;
	v22 =	vsub.f32 v25, v12;
	v16 =	vld [tilespmem:s30+$0x30]  }
0x90: {  	v21 =	vmul.f32 v21, v21;
	v25 =	vsub.f32 v26, v13;
	v24 =	vmul.f32 v24, v24;
	v26 =	vld [tilespmem:s28+$0x0]  }
0x91: {  	v23 =	vmul.f32 v23, v23;
	v22 =	vmul.f32 v22, v22;
	v30 =	vld [tilespmem:s31+$0x30]  }
0x92: {  	v20 =	vadd.f32 v20, v24;
	v24 =	vmul.f32 v25, v25;
	v25 =	vsub.f32 v27, v13;
	v27 =	vld [tilespmem:s30+$0x10]  }
0x93: {  	v19 =	vadd.f32 v19, v21;
	v23 =	vadd.f32 v23, v22;
	v31 =	vld [tilespmem:s31+$0x10]  }
0x94: {  	v22 =	vadd.f32 v24, v20;
	v20 =	vsub.f32 v28, v13;
	v24 =	vld [tilespmem:s28+$0x20]  }
0x95: {  	v25 =	vmul.f32 v25, v25;
	v32 =	vsub.f32 v16, v12;
	v26 =	vsub.f32 v26, v13;
	v28 =	vld [tilespmem:s31+$0x20]  }
0x96: {  	v21 =	vadd.f32 v29, v19;
	v19 =	vmul.f32 v20, v20;
	v20 =	vld [tilespmem:s28+$0x10];
	v29 =	vsub.f32 v30, v11  }
0x97: {  	v18 =	vsub.f32 v18, v12;
	v16 =	vadd.f32 v25, v23;
	v23 =	vmul.f32 v26, v26  }
0x98: {  	v15 =	vadd.f32 v19, v15;
	v19 =	vsub.f32 v27, v12;
	v25 =	vmul.f32 v29, v29  }
0x99: {  	vm0 =	vle.f32 v22, v14;
	v26 =	vsub.f32 v31, v11;
	v24 =	vsub.f32 v24, v13  }
0x9a: {  	v18 =	vmul.f32 v18, v18;
	v27 =	vmpcnt.ones.xlane vm0;
	vm0 =	vle.f32 v15, v14;
	v29 =	vld [tilespmem:s28+$0x30]  }
0x9b: {  	vm1 =	vle.f32 v16, v14;
	v19 =	vmul.f32 v19, v19;
	v20 =	vsub.f32 v20, v13  }
0x9c: {  	v26 =	vmul.f32 v26, v26;
	v28 =	vsub.f32 v28, v11;
	v30 =	vmpcnt.ones.xlane vm0  }
0x9d: {  	v32 =	vmul.f32 v32, v32;
	v31 =	vmpcnt.ones.xlane vm1;
	vm0 =	vle.f32 v21, v14  }
0x9e: {  	v24 =	vmul.f32 v24, v24;
	v19 =	vadd.f32 v26, v19;
	v26 =	vmul.f32 v28, v28  }
0x9f: {  	v17 =	vadd.f32 v23, v17;
	v20 =	vmul.f32 v20, v20;
	v23 =	vsub.f32 v29, v13  }
0xa0: {  	v25 =	vadd.f32 v25, v32;
	v28 =	vmpcnt.ones.xlane vm0;
	v18 =	vadd.f32 v26, v18  }
0xa1: {  	vm0 =	vle.f32 v17, v14;
	v20 =	vadd.f32 v20, v19;
	v19 =	vmul.f32 v23, v23  }
0xa2: {  	v29 =	vmpcnt.ones.xlane vm0;
	v18 =	vadd.f32 v24, v18  }
0xa3: {  	vm0 =	vle.f32 v20, v14;
	v23 =	vadd.s32 v27, v28;
	v19 =	vadd.f32 v19, v25  }
0xa4: {  	v32 =	vmpcnt.ones.xlane vm0;
	vm0 =	vle.f32 v18, v14;
	v23 =	vadd.s32 v31, v23  }
0xa5: {  	v33 =	vmpcnt.ones.xlane vm0;
	v23 =	vadd.s32 v30, v23;
	vm0 =	vle.f32 v19, v14  }
0xa6: {  	v23 =	vadd.s32 v29, v23;
	v24 =	vmpcnt.ones.xlane vm0  }
0xa7: {  	v23 =	vadd.s32 v32, v23  }
0xa8: {  	v23 =	vadd.s32 v33, v23  }
0xa9: {  	v23 =	vadd.s32 v24, v23  }
0xaa: {  	(v2sf) =	vpush v23, $0x0;
	_ =	sdelay $0xd  }
0xab: {  	p2 =	sgt.s32 s1, $0x3F  }
0xac: {  	s4 =	spop (v2sf)  }
0xad: {  	p3 =	slt.s32 @!p2 s4, $0x1  }
0xae: {  	s17 =	sadd.s32 $0xFFFFFF90, s16;
	p1 =	por p3, p2  }
0xaf: {  	s18 =	sadd.s32 $0xFFFFFFA0, s16;
	p3 =	por !p3, p2;
	vm0 =	vle.f32 @!p1 v22, v14;
	v34 =	vlaneseq.u32 @!p1;
	s4 =	sadd.s32 @!p1 s1, s4;
	(v2sf) =	vpush @!p1 v27, $0x0  }
0xb0: {  	s19 =	sadd.s32 $0xFFFFFFB0, s16;
	s20 =	sadd.s32 $0xFFFFFFC0, s16;
	v23 =	vor.u32 @!p1 s17, v34;
	v27 =	vor.u32 @!p1 s18, v34;
	s0 =	smov.u32 @p3 s4;
	(v2sf) =	vpush @!p1 v28, $0x0  }
0xb1: {  	s4 =	sadd.s32 $0xFFFFFFD0, s16;
	s17 =	sadd.s32 $0xFFFFFFE0, s16;
	v28 =	vor.u32 @!p1 s19, v34;
	v26 =	vor.u32 @!p1 s20, v34;
	[tilespmem:s15+$0x1840] =	vst.msk @!p1 vm0, v23;
	s0 =	smov.u32 @p2 s1;
	(v2sf) =	vpush @!p1 v31, $0x0  }
0xb2: {  	s1 =	sadd.s32 $0xFFFFFFF0, s16;
	v25 =	vor.u32 @!p1 s4, v34;
	v24 =	vor.u32 @!p1 s17, v34;
	[tilespmem:s15+$0x1900] =	vst.msk @!p1 vm0, v22;
	(v2sf) =	vpush @!p1 v30, $0x0  }
0xb3: {  	v23 =	vor.u32 @!p1 s1, v34;
	v22 =	vor.u32 @!p1 s16, v34;
	(v2sf) =	vpush @!p1 v29, $0x0  }
0xb4: {  	(v2sf) =	vpush @!p1 v32, $0x0  }
0xb5: {  	(v2sf) =	vpush @!p1 v33, $0x0;
	_ =	sdelay $0x8  }
.Ltmp0:
0xb6: {  	vm0 =	vle.f32 @!p1 v21, v14;
	s1 =	spop @!p1 (v2sf);
	(pc) =	sbr.rel @p0 .LBB2_3-.Ltmp0, $4  }
0xb7: {  	s1 =	sadd.s32 @!p1 s15, s1;
	s4 =	spop @!p1 (v2sf)  }
0xb8: {  	vm1 =	vle.f32 @!p1 v16, v14;
	[tilespmem:s1+$0x1840] =	vst.msk @!p1 vm0, v27;
	s15 =	sadd.s32 @!p1 s1, s4;
	s4 =	spop @!p1 (v2sf)  }
0xb9: {  	s30 =	sadd.s32 $0x80, s30;
	s31 =	sadd.s32 $0x80, s31;
	[tilespmem:s1+$0x1900] =	vst.msk @!p1 vm0, v21;
	s17 =	spop @!p1 (v2sf)  }
0xba: {  	vm0 =	vle.f32 @!p1 v15, v14;
	s19 =	sadd.s32 @!p1 s15, s4;
	s1 =	smov.u32 s0;
	[tilespmem:s15+$0x1840] =	vst.msk @!p1 vm1, v28;
	s18 =	spop @!p1 (v2sf)  }
0xbb: {  	[tilespmem:s15+$0x1900] =	vst.msk @!p1 vm1, v16  }
0xbc: {  	[tilespmem:s19+$0x1840] =	vst.msk @!p1 vm0, v26  }
0xbd: {  	vm1 =	vle.f32 @!p1 v17, v14;
	s0 =	sadd.s32 @!p1 s19, s17;
	[tilespmem:s19+$0x1900] =	vst.msk @!p1 vm0, v15  }
0xbe: {  	[tilespmem:s0+$0x1840] =	vst.msk @!p1 vm1, v25  }
0xbf: {  	s1 =	sadd.s32 @!p1 s0, s18;
	vm0 =	vle.f32 @!p1 v20, v14;
	[tilespmem:s0+$0x1900] =	vst.msk @!p1 vm1, v17  }
0xc0: {  	s0 =	spop @!p1 (v2sf);
	[tilespmem:s1+$0x1840] =	vst.msk @!p1 vm0, v24  }
0xc1: {  	vm1 =	vle.f32 @!p1 v18, v14;
	s0 =	sadd.s32 @!p1 s1, s0;
	[tilespmem:s1+$0x1900] =	vst.msk @!p1 vm0, v20  }
0xc2: {  	s1 =	spop @!p1 (v2sf);
	[tilespmem:s0+$0x1840] =	vst.msk @!p1 vm1, v23  }
0xc3: {  	vm0 =	vle.f32 @!p1 v19, v14;
	s1 =	sadd.s32 @!p1 s0, s1;
	[tilespmem:s0+$0x1900] =	vst.msk @!p1 vm1, v18  }
0xc4: {  	[tilespmem:s1+$0x1840] =	vst.msk @!p1 vm0, v22  }
0xc5: {  	[tilespmem:s1+$0x1900] =	vst.msk @!p1 vm0, v19  }
0xc6: {  	v11 =	vld [tilespmem:$0x1840]  }
0xc7: {  	v12 =	vld [tilespmem:$0x1850]  }
0xc8: {  	v13 =	vld [tilespmem:$0x1860]  }
0xc9: {  	v63 =	vld [tilespmem:$0x1870];
	_ =	sdelay $0x1  }
0xca: {  	[tilespmem:$0x19C0] =	vst v11  }
0xcb: {  	[tilespmem:$0x19D0] =	vst v12  }
0xcc: {  	[tilespmem:$0x19E0] =	vst v13  }
0xcd: {  	[tilespmem:$0x19F0] =	vst v63  }
0xce: {  	[tilespmem:s23], [sflag:$0x1] =	stream.indirect.gather [hbm4b:s7+s21], $0x90, s22, s21, $0xb8;
	[tilespmem:$0x3E00] =	vst v63  }
0xcf: {  	_ =	swait.ge [sflag:s24], $0x2400  }
0xd0: {  	[sflag:s24] =	ssyncset.done $0x0  }
0xd1: {  	[sflag:s24] =	ssyncadd.s32 $0xFFFFDC00  }
0xd2: {  	v11 =	vld [tilespmem:$0x1900];
	_ =	sdelay $0x4  }
0xd3: {  	[tilespmem:v3+s23+$0x0] =	vst.idx.msk $0xffff, v11  }
0xd4: {  	v11 =	vld [tilespmem:$0x1910];
	_ =	sdelay $0x4  }
0xd5: {  	[tilespmem:v4+s23+$0x0] =	vst.idx.msk $0xffff, v11  }
0xd6: {  	v11 =	vld [tilespmem:$0x1920];
	_ =	sdelay $0x4  }
0xd7: {  	[tilespmem:v5+s23+$0x0] =	vst.idx.msk $0xffff, v11  }
0xd8: {  	v11 =	vld [tilespmem:$0x1930];
	_ =	sdelay $0x1  }
0xd9: {  	s31 =	sadd.s32 s3, s26  }
0xda: {  	s26 =	sadd.s32 $0x1, s26;
	s0 =	smul.u32 $0x480, s31  }
0xdb: {  	p0 =	sne.s32 s26, $0x10  }
.Ltmp1:
0xdc: {  	s0 =	sadd.s32 s8, s0;
	[tilespmem:v6+s23+$0x0] =	vst.idx.msk $0xffff, v11;
	(pc) =	sbr.rel @p0 .LBB2_2-.Ltmp1, $4  }
0xdd: {  	[hbm4b:s0+s2] =	stream.linear.scatter [tilespmem:s23], [sflag:$0x2], $0x2400, $0x38;
	[tilespmem:$0x3E00] =	vst v63  }
0xde: {  	_ =	swait.ge [sflag:s14], $0x2400  }
0xdf: {  	[sflag:s14] =	ssyncset.done $0x0  }
0xe0: {  	[sflag:s14] =	ssyncadd.s32 $0xFFFFDC00  }
0xe1: {  	s25 =	sadd.s32 $0x1, s25  }
0xe2: {  	p0 =	sne.s32 s25, s13  }
.Ltmp2:
0xe3: {  	_ = 	snop;
	(pc) =	sbr.rel @p0 .LBB2_1-.Ltmp2, $1  }
0xe4: {  	_ =	sdelay $0x3  }
0xe5: {  	_ =	sfence.sel $0x180000  }
0xe6: {  	[bflag:$0x0] =	sbarrier.arrive $0xFFFF  }
0xe7: {  	_ =	strace $0x9000004D  }
0xe8: {  	s0 =	stileid.u32;
	[bflag:$0x2] =	sbarrier.arrive $0xFFFF  }
0xe9: {  	p0 =	sne.s32 s0, $0x0;
	s0 =	rddreg [dreg:$0x2]  }
0xea: {  	s0 =	sadd.s32 @!p0 $0x100000, s0  }
0xeb: {  	[sflag:s0] =	ssyncadd.tile.s32 @!p0 $0x1;
	_ =	shalt  }
.Lfunc_end2:
_tile_overlayer_lowered:
.L_overlay_start_2:
0xec: {  	(tag) =	ssettag $0x2  }
0xed: {  	s0 =	rddreg [dreg:$0x0];
	s2 =	stileid.u32  }
0xee: {  	s1 =	rddreg [dreg:$0x1];
	p0 =	sne.s32 s2, $0x0  }
0xef: {  	s3 =	rddreg [dreg:$0x2];
	[bflag:$0x3] =	sbarrier.arrive $0xFFFF;
	s2 =	simm.s32 @!p0 $0x1C02  }
0xf0: {  	[timem:s3], [sflag:s2] =	dma.local @!p0 [hbm:s0], s1  }
0xf1: {  	s0 =	simm.s32 @!p0 $0x2  }
0xf2: {  	_ =	swait.ge @!p0 [sflag:s0], s1  }
0xf3: {  	s1 =	ssub.s32 @!p0 $0x0, s1;
	[sflag:s0] =	ssyncset.done @!p0 $0x0  }
0xf4: {  	[sflag:s0] =	ssyncadd.s32 @!p0 s1  }
0xf5: {  	[bflag:$0x3] =	sbarrier.arrive $0xFFFF  }
0xf6: {  	_ =	shalt  }

</sc_bundles>
